<compile_context>
chip_gen: v7x
topology: tpu7x:2x2x1
jax: 0.10.2.dev20260603
libtpu: 0.0.44.dev20260713+nightly
codegen_flags: <defaults>
</compile_context>

<pallas_src>
import jax
import jax.numpy as jnp
import numpy as np
from jax import lax
from jax.experimental import pallas as pl
from jax.experimental.pallas import tpu as pltpu
from jax.experimental.pallas import tpu_sc as plsc

EMBED_DIM = 64
NUM_HEADS = 4
GRID = 10
DH = EMBED_DIM // NUM_HEADS
B_, N_ = 4, 100000
V_ = GRID * GRID * GRID
M_ = B_ * V_
R_ = 4096

NC, NS = 2, 16
NW = NC * NS
PB = 128
NBLK = 98
CHUNK = PB * NBLK
NP = NW * CHUNK
AW = 16
FW = 80
ROWS_PER_TILE = R_ // NS


def _voxel_id(xs, ys, zs, gid):
    g = np.float32(GRID)
    ix = lax.convert_element_type(xs * g, jnp.int32)
    iy = lax.convert_element_type(ys * g, jnp.int32)
    iz = lax.convert_element_type(zs * g, jnp.int32)
    zero = jnp.zeros((16,), jnp.int32)
    nine = zero + jnp.int32(GRID - 1)
    ix = jnp.minimum(jnp.maximum(ix, zero), nine)
    iy = jnp.minimum(jnp.maximum(iy, zero), nine)
    iz = jnp.minimum(jnp.maximum(iz, zero), nine)
    v = ix * jnp.int32(GRID * GRID) + iy * jnp.int32(GRID) + iz
    b = lax.convert_element_type(
        lax.convert_element_type(gid, jnp.float32) * np.float32(1.0 / N_),
        jnp.int32)
    return v + b * jnp.int32(V_)


def _ka_body(xt_hbm, z_hbm, out_hbm, xtv, rows0, rows1, idxv0, idxv1,
             stab, sem0, sem1):
    cid = lax.axis_index("c")
    sid = lax.axis_index("s")
    wid = cid * NS + sid
    r0 = sid * ROWS_PER_TILE
    pltpu.sync_copy(z_hbm.at[pl.ds(r0, ROWS_PER_TILE)],
                    stab.at[pl.ds(r0, ROWS_PER_TILE)])
    pltpu.sync_copy(xt_hbm.at[:, pl.ds(wid * CHUNK, CHUNK)], xtv)
    zv = jnp.zeros((16,), jnp.float32)

    def zr(r, c):
        rows0[r] = zv
        rows1[r] = zv
        return c
    lax.fori_loop(0, PB, zr, 0)
    plsc.subcore_barrier()
    base_gid = wid * CHUNK
    lanes = jnp.arange(16, dtype=jnp.int32)
    ones = jnp.ones((16,), jnp.float32)
    bufs = ((rows0, idxv0, sem0), (rows1, idxv1, sem1))

    def blk(i2, c0):
        for b in range(2):
            rows, idxv, sem = bufs[b]
            i = i2 * 2 + b

            @pl.when(i2 > 0)
            def _():
                pltpu.make_async_copy(rows, stab.at[idxv], sem).wait()

            def sub(j, c1):
                p0 = i * PB + j * 16
                xs = xtv[0, pl.ds(p0, 16)]
                ys = xtv[1, pl.ds(p0, 16)]
                zs = xtv[2, pl.ds(p0, 16)]
                idxv[pl.ds(j * 16, 16)] = _voxel_id(xs, ys, zs,
                                                    base_gid + p0 + lanes)
                q = j * 16 + lanes
                plsc.store_scatter(rows, [q, lanes * 0], ones)
                plsc.store_scatter(rows, [q, lanes * 0 + 1], xs)
                plsc.store_scatter(rows, [q, lanes * 0 + 2], ys)
                plsc.store_scatter(rows, [q, lanes * 0 + 3], zs)
                return c1
            lax.fori_loop(0, PB // 16, sub, 0)
            pltpu.async_copy(rows, stab.at[idxv], sem, add=True)
        return c0
    lax.fori_loop(0, NBLK // 2, blk, 0)
    for b in range(2):
        rows, idxv, sem = bufs[b]
        pltpu.make_async_copy(rows, stab.at[idxv], sem).wait()
    plsc.subcore_barrier()
    pltpu.sync_copy(stab.at[pl.ds(r0, ROWS_PER_TILE)],
                    out_hbm.at[cid, pl.ds(r0, ROWS_PER_TILE)])


def _kb_body(xt_hbm, a_hbm, z_hbm, w1_hbm, b1_hbm, out_hbm,
             xtv, rows0, rows1, idxv0, idxv1, a0v, a1v, ltab, ctab, w1v, b1v,
             ftab, ctab_sh, sem0, sem1):
    cid = lax.axis_index("c")
    sid = lax.axis_index("s")
    wid = cid * NS + sid
    r0 = sid * ROWS_PER_TILE
    pltpu.sync_copy(z_hbm.at[pl.ds(r0, ROWS_PER_TILE)],
                    ftab.at[pl.ds(r0, ROWS_PER_TILE)])
    pltpu.sync_copy(xt_hbm.at[:, pl.ds(wid * CHUNK, CHUNK)], xtv)
    pltpu.sync_copy(w1_hbm, w1v)
    pltpu.sync_copy(b1_hbm, b1v)
    pltpu.sync_copy(a_hbm.at[0, pl.ds(r0 * AW, ROWS_PER_TILE * AW)], a0v)
    pltpu.sync_copy(a_hbm.at[1, pl.ds(r0 * AW, ROWS_PER_TILE * AW)], a1v)
    lanes = jnp.arange(16, dtype=jnp.int32)

    def cg(g, c):
        rl = g * 16 + lanes
        fa = rl * AW
        cnt = plsc.load_gather(a0v, [fa]) + plsc.load_gather(a1v, [fa])
        inv = jnp.ones((16,), jnp.float32) / jnp.maximum(
            cnt, jnp.ones((16,), jnp.float32))
        fl = rl * 4
        for col in range(3):
            s = (plsc.load_gather(a0v, [fa + (col + 1)])
                 + plsc.load_gather(a1v, [fa + (col + 1)]))
            plsc.store_scatter(ltab, [fl + col], s * inv)
        plsc.store_scatter(ltab, [fl + 3], cnt)
        return c
    lax.fori_loop(0, ROWS_PER_TILE // 16, cg, 0)
    pltpu.sync_copy(ltab, ctab_sh.at[pl.ds(r0 * 4, ROWS_PER_TILE * 4)])
    plsc.subcore_barrier()
    pltpu.sync_copy(ctab_sh, ctab)
    w1r = [[w1v[pl.ds(j * 64 + k * 16, 16)] for k in range(4)]
           for j in range(3)]
    b1r = [b1v[pl.ds(k * 16, 16)] for k in range(4)]
    zv = jnp.zeros((16,), jnp.float32)

    def zr(r, c):
        for k in range(FW // 16):
            rows0[r, pl.ds(k * 16, 16)] = zv
            rows1[r, pl.ds(k * 16, 16)] = zv
        return c
    lax.fori_loop(0, PB, zr, 0)
    base_gid = wid * CHUNK
    bufs = ((rows0, idxv0, sem0), (rows1, idxv1, sem1))

    def blk(i2, c0):
        for b in range(2):
            rows, idxv, sem = bufs[b]
            i = i2 * 2 + b

            @pl.when(i2 > 0)
            def _():
                pltpu.make_async_copy(rows, ftab.at[idxv], sem).wait()

            def sub(j, c1):
                p0 = i * PB + j * 16
                xs = xtv[0, pl.ds(p0, 16)]
                ys = xtv[1, pl.ds(p0, 16)]
                zs = xtv[2, pl.ds(p0, 16)]
                vox = _voxel_id(xs, ys, zs, base_gid + p0 + lanes)
                idxv[pl.ds(j * 16, 16)] = vox
                fv = vox * 4
                nx = xs - plsc.load_gather(ctab, [fv])
                ny = ys - plsc.load_gather(ctab, [fv + 1])
                nz = zs - plsc.load_gather(ctab, [fv + 2])
                q = j * 16 + lanes
                plsc.store_scatter(rows, [q, lanes * 0 + 64], lax.abs(nx))
                plsc.store_scatter(rows, [q, lanes * 0 + 65], lax.abs(ny))
                plsc.store_scatter(rows, [q, lanes * 0 + 66], lax.abs(nz))
                for t in range(16):
                    nxt = nx[t]
                    nyt = ny[t]
                    nzt = nz[t]
                    for k in range(4):
                        acc = (b1r[k] + nxt * w1r[0][k] + nyt * w1r[1][k]
                               + nzt * w1r[2][k])
                        rows[j * 16 + t, pl.ds(k * 16, 16)] = jnp.maximum(
                            acc, jnp.float32(0.0))
                return c1
            lax.fori_loop(0, PB // 16, sub, 0)
            pltpu.async_copy(rows, ftab.at[idxv], sem, add=True)
        return c0
    lax.fori_loop(0, NBLK // 2, blk, 0)
    for b in range(2):
        rows, idxv, sem = bufs[b]
        pltpu.make_async_copy(rows, ftab.at[idxv], sem).wait()
    plsc.subcore_barrier()
    pltpu.sync_copy(ftab.at[pl.ds(r0, ROWS_PER_TILE)],
                    out_hbm.at[cid, pl.ds(r0, ROWS_PER_TILE)])


def _scatter_stages(xp, W1, b1):
    f32 = jnp.float32
    mesh = plsc.VectorSubcoreMesh(core_axis_name="c", subcore_axis_name="s")
    ka = pl.kernel(
        _ka_body,
        out_type=jax.ShapeDtypeStruct((NC, R_, AW), f32),
        mesh=mesh,
        compiler_params=pltpu.CompilerParams(
            needs_layout_passes=False, use_tc_tiling_on_sc=False),
        scratch_types=[
            pltpu.VMEM((3, CHUNK), f32),
            pltpu.VMEM((PB, AW), f32),
            pltpu.VMEM((PB, AW), f32),
            pltpu.VMEM((PB,), jnp.int32),
            pltpu.VMEM((PB,), jnp.int32),
            pltpu.VMEM_SHARED((R_, AW), f32),
            pltpu.SemaphoreType.DMA,
            pltpu.SemaphoreType.DMA,
        ],
    )
    A = ka(xp, jnp.zeros((R_, AW), f32))
    kb = pl.kernel(
        _kb_body,
        out_type=jax.ShapeDtypeStruct((NC, R_, FW), f32),
        mesh=mesh,
        compiler_params=pltpu.CompilerParams(
            needs_layout_passes=False, use_tc_tiling_on_sc=False),
        scratch_types=[
            pltpu.VMEM((3, CHUNK), f32),
            pltpu.VMEM((PB, FW), f32),
            pltpu.VMEM((PB, FW), f32),
            pltpu.VMEM((PB,), jnp.int32),
            pltpu.VMEM((PB,), jnp.int32),
            pltpu.VMEM((ROWS_PER_TILE * AW,), f32),
            pltpu.VMEM((ROWS_PER_TILE * AW,), f32),
            pltpu.VMEM((ROWS_PER_TILE * 4,), f32),
            pltpu.VMEM((R_ * 4,), f32),
            pltpu.VMEM((3 * 64,), f32),
            pltpu.VMEM((64,), f32),
            pltpu.VMEM_SHARED((R_, FW), f32),
            pltpu.VMEM_SHARED((R_ * 4,), f32),
            pltpu.SemaphoreType.DMA,
            pltpu.SemaphoreType.DMA,
        ],
    )
    F = kb(xp, A.reshape(NC, R_ * AW), jnp.zeros((R_, FW), f32),
           W1.reshape(3 * 64), b1)
    return A, F


def _attn_body(a0_ref, a1_ref, f0h_ref, f1h_ref, f0a_ref, f1a_ref,
               w2_ref, b2_ref, wp_ref, wq_ref, bq_ref, wk_ref, bk_ref,
               wv_ref, bv_ref, wo_ref, bo_ref, out_ref, wei_ref,
               h_scr, agg_scr):
    bidx = pl.program_id(0)
    head = pl.program_id(1)

    @pl.when(jnp.logical_and(bidx == 0, head == 0))
    def _():
        cnt = a0_ref[:, 0:1] + a1_ref[:, 0:1]
        denom = jnp.maximum(cnt, 1.0)
        occ = cnt / denom
        h1m = (f0h_ref[...] + f1h_ref[...]) / denom
        am = (f0a_ref[...] + f1a_ref[...]) / denom
        agg = jnp.dot(h1m, w2_ref[...], preferred_element_type=jnp.float32)
        agg = agg + occ * b2_ref[...]
        agg_scr[...] = agg
        h_scr[...] = agg + jnp.dot(am, wp_ref[...],
                                   preferred_element_type=jnp.float32)

    hb = h_scr[pl.ds(bidx * V_, V_), :]
    qh = hb @ wq_ref[0] + bq_ref[0]
    kh = hb @ wk_ref[0] + bk_ref[0]
    vh = hb @ wv_ref[0] + bv_ref[0]
    scores = jax.lax.dot_general(qh, kh, (((1,), (1,)), ((), ()))) * (
        1.0 / np.sqrt(DH).astype(np.float32))
    m = jnp.max(scores, axis=-1, keepdims=True)
    e = jnp.exp(scores - m)
    s = jnp.sum(e, axis=-1, keepdims=True)
    wei = e / s
    wei_ref[0, 0] = wei
    ctx = wei @ vh
    contrib = ctx @ wo_ref[0]

    @pl.when(head == 0)
    def _():
        out_ref[0] = agg_scr[pl.ds(bidx * V_, V_), :] + bo_ref[:] + contrib

    @pl.when(head > 0)
    def _():
        out_ref[0] = out_ref[0] + contrib


def _attention(A, F, W2, b2, Wp, Wq, bq, Wk, bk, Wv, bv, Wo, bo):
    B, V, D = B_, V_, EMBED_DIM
    H = NUM_HEADS
    f32 = jnp.float32
    f0h, f1h = F[0, :, :64], F[1, :, :64]
    f0a, f1a = F[0, :, 64:80], F[1, :, 64:80]
    wp16 = jnp.concatenate([Wp, jnp.zeros((13, D), f32)], axis=0)
    grid = (B, H)
    full = lambda r, c: pl.BlockSpec((r, c), lambda b, h_: (0, 0))
    hsel = lambda r, c: pl.BlockSpec((1, r, c), lambda b, h_: (h_, 0, 0))
    out, wei = pl.pallas_call(
        _attn_body,
        grid=grid,
        in_specs=[
            full(R_, AW), full(R_, AW), full(R_, 64), full(R_, 64),
            full(R_, 16), full(R_, 16), full(D, D), full(1, D), full(16, D),
            hsel(D, DH), hsel(1, DH), hsel(D, DH), hsel(1, DH),
            hsel(D, DH), hsel(1, DH), hsel(DH, D),
            pl.BlockSpec((1, D), lambda b, h_: (0, 0)),
        ],
        out_specs=[
            pl.BlockSpec((1, V, D), lambda b, h_: (b, 0, 0)),
            pl.BlockSpec((1, 1, V, V), lambda b, h_: (b, h_, 0, 0)),
        ],
        out_shape=[
            jax.ShapeDtypeStruct((B, V, D), jnp.float32),
            jax.ShapeDtypeStruct((B, H, V, V), jnp.float32),
        ],
        scratch_shapes=[
            pltpu.VMEM((R_, D), f32),
            pltpu.VMEM((R_, D), f32),
        ],
    )(A[0], A[1], f0h, f1h, f0a, f1a, W2, b2.reshape(1, D), wp16,
      Wq.reshape(D, H, DH).transpose(1, 0, 2), bq.reshape(H, 1, DH),
      Wk.reshape(D, H, DH).transpose(1, 0, 2), bk.reshape(H, 1, DH),
      Wv.reshape(D, H, DH).transpose(1, 0, 2), bv.reshape(H, 1, DH),
      Wo.reshape(H, DH, D), bo.reshape(1, D))
    return out, wei


def kernel(x, W1, b1, W2, b2, Wp, Wq, bq, Wk, bk, Wv, bv, Wo, bo):
    D = EMBED_DIM
    Bb, Nn, _ = x.shape
    pts = x.reshape(-1, 3)
    xp = jnp.pad(pts, ((0, NP - Bb * Nn), (0, 0))).T
    A, F = _scatter_stages(xp, W1, b1)
    out, wei = _attention(A, F, W2, b2, Wp, Wq, bq, Wk, bk, Wv, bv, Wo, bo)
    return out.reshape(M_, D), wei

# --- scband reference (transcript-rebuilt; emitter-appended) ---
"""Pipeline reference for scband-point-cloud-attention-model-28217935134738 (READ-ONLY COPY).

The authoritative reference and input builder live on the scoring server;
editing this copy changes nothing except your own understanding.
"""

import jax, jax.numpy as jnp
import numpy as np

EMBED_DIM = 64
NUM_HEADS = 4
KERNEL_SIZE = 3
GRID = 10
B, N = 4, 100000


def setup_inputs(seed: int = 0):
    key = jax.random.key(seed)
    ks = jax.random.split(key, 16)
    D = EMBED_DIM
    s = 0.05
    x = jax.random.uniform(ks[0], (B, N, 3), dtype=jnp.float32)
    W1 = jax.random.normal(ks[1], (3, D), dtype=jnp.float32) * s
    b1 = jnp.zeros((D,), dtype=jnp.float32)
    W2 = jax.random.normal(ks[2], (D, D), dtype=jnp.float32) * s
    b2 = jnp.zeros((D,), dtype=jnp.float32)
    Wp = jax.random.normal(ks[3], (3, D), dtype=jnp.float32) * s
    Wq = jax.random.normal(ks[4], (D, D), dtype=jnp.float32) * s
    bq = jnp.zeros((D,), dtype=jnp.float32)
    Wk = jax.random.normal(ks[5], (D, D), dtype=jnp.float32) * s
    bk = jnp.zeros((D,), dtype=jnp.float32)
    Wv = jax.random.normal(ks[6], (D, D), dtype=jnp.float32) * s
    bv = jnp.zeros((D,), dtype=jnp.float32)
    Wo = jax.random.normal(ks[7], (D, D), dtype=jnp.float32) * s
    bo = jnp.zeros((D,), dtype=jnp.float32)
    return {"x": x, "W1": W1, "b1": b1, "W2": W2, "b2": b2, "Wp": Wp,
            "Wq": Wq, "bq": bq, "Wk": Wk, "bk": bk, "Wv": Wv, "bv": bv,
            "Wo": Wo, "bo": bo}


def reference(x, W1, b1, W2, b2, Wp, Wq, bq, Wk, bk, Wv, bv, Wo, bo):
    D = EMBED_DIM
    H = NUM_HEADS
    G = GRID
    Bb, Nn, _ = x.shape
    V = G * G * G
    M = Bb * V
    # --- CentroidAwareVoxelization ---
    ids = jnp.clip(jnp.floor(x * G).astype(jnp.int32), 0, G - 1)
    flat = ids[..., 0] * G * G + ids[..., 1] * G + ids[..., 2]
    boff = jnp.arange(Bb, dtype=jnp.int32)[:, None] * V
    vox = (flat + boff).reshape(-1)
    pts = x.reshape(-1, 3)
    ones = jnp.ones((Bb * Nn,), dtype=jnp.float32)
    voxel_counts = jax.ops.segment_sum(ones, vox, num_segments=M)
    denom = jnp.maximum(voxel_counts, 1.0)[:, None]
    voxel_centroids = jax.ops.segment_sum(pts, vox, num_segments=M) / denom
    norm_points = pts - voxel_centroids[vox]
    h1 = jax.nn.relu(norm_points @ W1 + b1)
    pos_embs = h1 @ W2 + b2
    aggregated_features = jax.ops.segment_sum(pos_embs, vox, num_segments=M) / denom
    batch_ids = jnp.arange(M, dtype=jnp.int32) // V
    # --- LightweightSelfAttentionLayer ---
    absm = jax.ops.segment_sum(jnp.abs(norm_points), vox, num_segments=M) / denom
    h = aggregated_features + absm @ Wp
    dh = D // H
    def heads(t):
        return t.reshape(Bb, V, H, dh).transpose(0, 2, 1, 3)
    q = heads(h @ Wq + bq)
    k = heads(h @ Wk + bk)
    v = heads(h @ Wv + bv)
    scores = jnp.einsum('bhid,bhjd->bhij', q, k) / np.float32(np.sqrt(dh))
    wei = jax.nn.softmax(scores, axis=-1)
    ctx = jnp.einsum('bhij,bhjd->bhid', wei, v).transpose(0, 2, 1, 3).reshape(M, D)
    out = ctx @ Wo + bo + aggregated_features
    return (out, wei)

if __name__ == "__main__":
    import jax
    _d = setup_inputs()
    print(jax.jit(kernel)(*tuple(_d.values())))

</pallas_src>

<mosaic_0001>
#map = affine_map<(d0, d1) -> (0, 0)>
#map1 = affine_map<(d0, d1) -> (0, 0, 0)>
module attributes {stable_mosaic.version = 14 : i64} {
  func.func @_ka_body(%arg0: i32, %arg1: i32, %arg2: memref<3x401408xf32, #tpu.memory_space<hbm>>, %arg3: memref<4096x16xf32, #tpu.memory_space<hbm>>, %arg4: memref<2x4096x16xf32, #tpu.memory_space<hbm>>, %arg5: memref<3x12544xf32, #tpu.memory_space<vmem>>, %arg6: memref<128x16xf32, #tpu.memory_space<vmem>>, %arg7: memref<128x16xf32, #tpu.memory_space<vmem>>, %arg8: memref<128xi32, #tpu.memory_space<vmem>>, %arg9: memref<128xi32, #tpu.memory_space<vmem>>, %arg10: memref<4096x16xf32, #tpu.memory_space<vmem_shared>>, %arg11: memref<!tpu.dma_semaphore, #tpu.memory_space<semaphore_mem>>, %arg12: memref<!tpu.dma_semaphore, #tpu.memory_space<semaphore_mem>>) attributes {dimension_semantics = [#tpu.dimension_semantics<core_parallel>, #tpu.dimension_semantics<subcore_parallel>], iteration_bounds = array<i64: 2, 16>, scalar_prefetch = 0 : i64, scratch_operands = 8 : i64, tpu.core_type = #tpu.core_type<sc_vector_subcore>, window_params = [{transform_indices = #map}, {transform_indices = #map}, {transform_indices = #map1}]} {
    %mul3A = arith.constant 16 : i32
    %mul3A_0 = arith.muli %arg0, %mul3A : i32
    %add3A = arith.addi %mul3A_0, %arg1 : i32
    %mul3A_1 = arith.constant 256 : i32
    %mul3A_2 = arith.muli %arg1, %mul3A_1 : i32
    "tpu.region"() ({
      %run_scoped3A = tpu.sem_alloc : memref<!tpu.dma_semaphore, #tpu.memory_space<semaphore_mem>>
      %dma_start3A = arith.constant 0 : i32
      %dma_start3A_27 = tpu.memref_slice %arg10[%mul3A_2, %dma_start3A] : memref<4096x16xf32, #tpu.memory_space<vmem_shared>> -> memref<256x16xf32, #tpu.memory_space<vmem_shared>>
      %dma_start3A_28 = arith.constant 0 : i32
      %dma_start3A_29 = tpu.memref_slice %arg3[%mul3A_2, %dma_start3A_28] : memref<4096x16xf32, #tpu.memory_space<hbm>> -> memref<256x16xf32, #tpu.memory_space<hbm>>
      tpu.enqueue_dma source(%dma_start3A_29 : memref<256x16xf32, #tpu.memory_space<hbm>>) target(%dma_start3A_27 : memref<256x16xf32, #tpu.memory_space<vmem_shared>>) target_semaphore(%run_scoped3A : memref<!tpu.dma_semaphore, #tpu.memory_space<semaphore_mem>>)
      %dma_wait3A_30 = arith.constant 0 : i32
      %dma_wait3A_31 = tpu.memref_slice %arg10[%mul3A_2, %dma_wait3A_30] : memref<4096x16xf32, #tpu.memory_space<vmem_shared>> -> memref<256x16xf32, #tpu.memory_space<vmem_shared>>
      %dma_wait3A_32 = arith.constant 0 : i32
      %dma_wait3A_33 = tpu.memref_slice %arg3[%mul3A_2, %dma_wait3A_32] : memref<4096x16xf32, #tpu.memory_space<hbm>> -> memref<256x16xf32, #tpu.memory_space<hbm>>
      tpu.wait_dma2 semaphore(%run_scoped3A : memref<!tpu.dma_semaphore, #tpu.memory_space<semaphore_mem>>) src(%dma_wait3A_33 : memref<256x16xf32, #tpu.memory_space<hbm>>) dst(%dma_wait3A_31 : memref<256x16xf32, #tpu.memory_space<vmem_shared>>)
      tpu.yield
    }) : () -> ()
    %mul3A_3 = arith.constant 12544 : i32
    %mul3A_4 = arith.muli %add3A, %mul3A_3 : i32
    "tpu.region"() ({
      %run_scoped3A = tpu.sem_alloc : memref<!tpu.dma_semaphore, #tpu.memory_space<semaphore_mem>>
      %dma_start3A = arith.constant 0 : i32
      %dma_start3A_27 = tpu.memref_slice %arg2[%dma_start3A, %mul3A_4] : memref<3x401408xf32, #tpu.memory_space<hbm>> -> memref<3x12544xf32, #tpu.memory_space<hbm>>
      %dma_start3A_28 = arith.constant 0 : i32
      %dma_start3A_29 = tpu.memref_slice %arg2[%dma_start3A_28, %mul3A_4] : memref<3x401408xf32, #tpu.memory_space<hbm>> -> memref<3x12544xf32, #tpu.memory_space<hbm>>
      tpu.enqueue_dma source(%dma_start3A_29 : memref<3x12544xf32, #tpu.memory_space<hbm>>) target(%arg5 : memref<3x12544xf32, #tpu.memory_space<vmem>>) target_semaphore(%run_scoped3A : memref<!tpu.dma_semaphore, #tpu.memory_space<semaphore_mem>>)
      %dma_wait3A_30 = arith.constant 0 : i32
      %dma_wait3A_31 = tpu.memref_slice %arg2[%dma_wait3A_30, %mul3A_4] : memref<3x401408xf32, #tpu.memory_space<hbm>> -> memref<3x12544xf32, #tpu.memory_space<hbm>>
      %dma_wait3A_32 = arith.constant 0 : i32
      %dma_wait3A_33 = tpu.memref_slice %arg2[%dma_wait3A_32, %mul3A_4] : memref<3x401408xf32, #tpu.memory_space<hbm>> -> memref<3x12544xf32, #tpu.memory_space<hbm>>
      tpu.wait_dma2 semaphore(%run_scoped3A : memref<!tpu.dma_semaphore, #tpu.memory_space<semaphore_mem>>) src(%dma_wait3A_33 : memref<3x12544xf32, #tpu.memory_space<hbm>>) dst(%arg5 : memref<3x12544xf32, #tpu.memory_space<vmem>>)
      tpu.yield
    }) : () -> ()
    %broadcast_in_dim3A = arith.constant 0.000000e+00 : f32
    %broadcast_in_dim3A_5 = vector.broadcast %broadcast_in_dim3A : f32 to vector<16xf32>
    %scan3A = arith.constant 0 : i32
    %scan3A_6 = arith.constant 0 : i32
    %scan3A_7 = arith.constant 128 : i32
    %scan3A_8 = arith.addi %scan3A_6, %scan3A_7 : i32
    %scan3A_9 = arith.constant 1 : i32
    scf.for %scan3A_27 = %scan3A_6 to %scan3A_8 step %scan3A_9  : i32 {
      %swap3A = arith.index_cast %scan3A_27 : i32 to index
      %swap3A_28 = arith.constant 0 : index
      %swap3A_29 = tpu.vector_load %arg6[%swap3A, %swap3A_28] {strides = array<i32>} : memref<128x16xf32, #tpu.memory_space<vmem>>, vector<16xf32>,
      tpu.vector_store %arg6[%swap3A, %swap3A_28], %broadcast_in_dim3A_5 {strides = array<i32>} : memref<128x16xf32, #tpu.memory_space<vmem>>, vector<16xf32>,
      %swap3A_30 = arith.index_cast %scan3A_27 : i32 to index
      %swap3A_31 = arith.constant 0 : index
      %swap3A_32 = tpu.vector_load %arg7[%swap3A_30, %swap3A_31] {strides = array<i32>} : memref<128x16xf32, #tpu.memory_space<vmem>>, vector<16xf32>,
      tpu.vector_store %arg7[%swap3A_30, %swap3A_31], %broadcast_in_dim3A_5 {strides = array<i32>} : memref<128x16xf32, #tpu.memory_space<vmem>>, vector<16xf32>,
    }
    %scan3A_10 = arith.constant 128 : i32
    %barrier3A = arith.constant 0 : index
    tpu.barrier barrier_id(%barrier3A)
    %mul3A_11 = arith.constant 12544 : i32
    %mul3A_12 = arith.muli %add3A, %mul3A_11 : i32
    %iota3A = tpu.iota {dimensions = array<i32: 0>} : vector<16xi32>
    %broadcast_in_dim3A_13 = arith.constant 1.000000e+00 : f32
    %broadcast_in_dim3A_14 = vector.broadcast %broadcast_in_dim3A_13 : f32 to vector<16xf32>
    %scan3A_15 = arith.constant 0 : i32
    %scan3A_16 = arith.constant 0 : i32
    %scan3A_17 = arith.constant 49 : i32
    %scan3A_18 = arith.addi %scan3A_16, %scan3A_17 : i32
    %scan3A_19 = arith.constant 1 : i32
    scf.for %scan3A_27 = %scan3A_16 to %scan3A_18 step %scan3A_19  : i32 {
      %mul3A_28 = arith.constant 2 : i32
      %mul3A_29 = arith.muli %scan3A_27, %mul3A_28 : i32
      %add3A_30 = arith.constant 0 : i32
      %add3A_31 = arith.addi %mul3A_29, %add3A_30 : i32
      %gt3A = arith.constant 0 : i32
      %gt3A_32 = arith.cmpi sgt, %scan3A_27, %gt3A : i32
      %convert_element_type3A = arith.extui %gt3A_32 : i1 to i32
      %cond3A = arith.constant 0 : i32
      %cond3A_33 = arith.cmpi ne, %convert_element_type3A, %cond3A : i32
      scf.if %cond3A_33 {
        %dma_wait3A_60 = arith.constant 0 : i32
        %dma_wait3A_61 = arith.constant 0 : i32
        %dma_wait3A_62 = tpu.memref_slice %arg10[%dma_wait3A_60, %dma_wait3A_61] : memref<4096x16xf32, #tpu.memory_space<vmem_shared>> -> memref<4096x16xf32, #tpu.memory_space<vmem_shared>>
        tpu.wait_indirect_dma semaphore(%arg11 : memref<!tpu.dma_semaphore, #tpu.memory_space<semaphore_mem>>) src(%arg6 : memref<128x16xf32, #tpu.memory_space<vmem>>) dst(%dma_wait3A_62 : memref<4096x16xf32, #tpu.memory_space<vmem_shared>>)
      } else {
      }
      %scan3A_34 = arith.constant 0 : i32
      %scan3A_35 = arith.constant 0 : i32
      %scan3A_36 = arith.constant 8 : i32
      %scan3A_37 = arith.addi %scan3A_35, %scan3A_36 : i32
      %scan3A_38 = arith.constant 1 : i32
      scf.for %scan3A_60 = %scan3A_35 to %scan3A_37 step %scan3A_38  : i32 {
        %mul3A_61 = arith.constant 128 : i32
        %mul3A_62 = arith.muli %add3A_31, %mul3A_61 : i32
        %mul3A_63 = arith.constant 16 : i32
        %mul3A_64 = arith.muli %scan3A_60, %mul3A_63 : i32
        %add3A_65 = arith.addi %mul3A_62, %mul3A_64 : i32
        %get3A = arith.constant 0 : i32
        %get3A_66 = arith.index_cast %get3A : i32 to index
        %get3A_67 = arith.index_cast %add3A_65 : i32 to index
        %get3A_68 = tpu.vector_load %arg5[%get3A_66, %get3A_67] {strides = array<i32>} : memref<3x12544xf32, #tpu.memory_space<vmem>>, vector<16xf32>,
        %get3A_69 = arith.constant 1 : i32
        %get3A_70 = arith.index_cast %get3A_69 : i32 to index
        %get3A_71 = arith.index_cast %add3A_65 : i32 to index
        %get3A_72 = tpu.vector_load %arg5[%get3A_70, %get3A_71] {strides = array<i32>} : memref<3x12544xf32, #tpu.memory_space<vmem>>, vector<16xf32>,
        %get3A_73 = arith.constant 2 : i32
        %get3A_74 = arith.index_cast %get3A_73 : i32 to index
        %get3A_75 = arith.index_cast %add3A_65 : i32 to index
        %get3A_76 = tpu.vector_load %arg5[%get3A_74, %get3A_75] {strides = array<i32>} : memref<3x12544xf32, #tpu.memory_space<vmem>>, vector<16xf32>,
        %add3A_77 = arith.addi %mul3A_12, %add3A_65 : i32
        %add3A_78 = vector.broadcast %add3A_77 : i32 to vector<16xi32>
        %add3A_79 = arith.addi %add3A_78, %iota3A : vector<16xi32>
        %mul3A_80 = arith.constant 1.000000e+01 : f32
        %mul3A_81 = vector.broadcast %mul3A_80 : f32 to vector<16xf32>
        %mul3A_82 = arith.mulf %get3A_68, %mul3A_81 : vector<16xf32>
        %convert_element_type3A_83 = arith.fptosi %mul3A_82 : vector<16xf32> to vector<16xi32>
        %mul3A_84 = arith.constant 1.000000e+01 : f32
        %mul3A_85 = vector.broadcast %mul3A_84 : f32 to vector<16xf32>
        %mul3A_86 = arith.mulf %get3A_72, %mul3A_85 : vector<16xf32>
        %convert_element_type3A_87 = arith.fptosi %mul3A_86 : vector<16xf32> to vector<16xi32>
        %mul3A_88 = arith.constant 1.000000e+01 : f32
        %mul3A_89 = vector.broadcast %mul3A_88 : f32 to vector<16xf32>
        %mul3A_90 = arith.mulf %get3A_76, %mul3A_89 : vector<16xf32>
        %convert_element_type3A_91 = arith.fptosi %mul3A_90 : vector<16xf32> to vector<16xi32>
        %broadcast_in_dim3A_92 = arith.constant 0 : i32
        %broadcast_in_dim3A_93 = vector.broadcast %broadcast_in_dim3A_92 : i32 to vector<16xi32>
        %add3A_94 = arith.constant 9 : i32
        %add3A_95 = vector.broadcast %add3A_94 : i32 to vector<16xi32>
        %add3A_96 = arith.addi %broadcast_in_dim3A_93, %add3A_95 : vector<16xi32>
        %max3A = arith.maxsi %convert_element_type3A_83, %broadcast_in_dim3A_93 : vector<16xi32>
        %min3A = arith.minsi %max3A, %add3A_96 : vector<16xi32>
        %max3A_97 = arith.maxsi %convert_element_type3A_87, %broadcast_in_dim3A_93 : vector<16xi32>
        %min3A_98 = arith.minsi %max3A_97, %add3A_96 : vector<16xi32>
        %max3A_99 = arith.maxsi %convert_element_type3A_91, %broadcast_in_dim3A_93 : vector<16xi32>
        %min3A_100 = arith.minsi %max3A_99, %add3A_96 : vector<16xi32>
        %mul3A_101 = arith.constant 100 : i32
        %mul3A_102 = vector.broadcast %mul3A_101 : i32 to vector<16xi32>
        %mul3A_103 = arith.muli %min3A, %mul3A_102 : vector<16xi32>
        %mul3A_104 = arith.constant 10 : i32
        %mul3A_105 = vector.broadcast %mul3A_104 : i32 to vector<16xi32>
        %mul3A_106 = arith.muli %min3A_98, %mul3A_105 : vector<16xi32>
        %add3A_107 = arith.addi %mul3A_103, %mul3A_106 : vector<16xi32>
        %add3A_108 = arith.addi %add3A_107, %min3A_100 : vector<16xi32>
        %convert_element_type3A_109 = arith.sitofp %add3A_79 : vector<16xi32> to vector<16xf32>
        %mul3A_110 = arith.constant 9.99999974E-6 : f32
        %mul3A_111 = vector.broadcast %mul3A_110 : f32 to vector<16xf32>
        %mul3A_112 = arith.mulf %convert_element_type3A_109, %mul3A_111 : vector<16xf32>
        %convert_element_type3A_113 = arith.fptosi %mul3A_112 : vector<16xf32> to vector<16xi32>
        %mul3A_114 = arith.constant 1000 : i32
        %mul3A_115 = vector.broadcast %mul3A_114 : i32 to vector<16xi32>
        %mul3A_116 = arith.muli %convert_element_type3A_113, %mul3A_115 : vector<16xi32>
        %add3A_117 = arith.addi %add3A_108, %mul3A_116 : vector<16xi32>
        %mul3A_118 = arith.constant 16 : i32
        %mul3A_119 = arith.muli %scan3A_60, %mul3A_118 : i32
        %swap3A = arith.index_cast %mul3A_119 : i32 to index
        %swap3A_120 = tpu.vector_load %arg8[%swap3A] {strides = array<i32>} : memref<128xi32, #tpu.memory_space<vmem>>, vector<16xi32>,
        tpu.vector_store %arg8[%swap3A], %add3A_117 {strides = array<i32>} : memref<128xi32, #tpu.memory_space<vmem>>, vector<16xi32>,
        %mul3A_121 = arith.constant 16 : i32
        %mul3A_122 = arith.muli %scan3A_60, %mul3A_121 : i32
        %add3A_123 = vector.broadcast %mul3A_122 : i32 to vector<16xi32>
        %add3A_124 = arith.addi %add3A_123, %iota3A : vector<16xi32>
        %mul3A_125 = arith.constant 0 : i32
        %mul3A_126 = vector.broadcast %mul3A_125 : i32 to vector<16xi32>
        %mul3A_127 = arith.muli %iota3A, %mul3A_126 : vector<16xi32>
        tpu.vector_store_idx %arg6[%add3A_124, %mul3A_127], %broadcast_in_dim3A_14 : memref<128x16xf32, #tpu.memory_space<vmem>>[vector<16xi32>, vector<16xi32>], vector<16xf32>,
        %mul3A_128 = arith.constant 0 : i32
        %mul3A_129 = vector.broadcast %mul3A_128 : i32 to vector<16xi32>
        %mul3A_130 = arith.muli %iota3A, %mul3A_129 : vector<16xi32>
        %add3A_131 = arith.constant 1 : i32
        %add3A_132 = vector.broadcast %add3A_131 : i32 to vector<16xi32>
        %add3A_133 = arith.addi %mul3A_130, %add3A_132 : vector<16xi32>
        tpu.vector_store_idx %arg6[%add3A_124, %add3A_133], %get3A_68 : memref<128x16xf32, #tpu.memory_space<vmem>>[vector<16xi32>, vector<16xi32>], vector<16xf32>,
        %mul3A_134 = arith.constant 0 : i32
        %mul3A_135 = vector.broadcast %mul3A_134 : i32 to vector<16xi32>
        %mul3A_136 = arith.muli %iota3A, %mul3A_135 : vector<16xi32>
        %add3A_137 = arith.constant 2 : i32
        %add3A_138 = vector.broadcast %add3A_137 : i32 to vector<16xi32>
        %add3A_139 = arith.addi %mul3A_136, %add3A_138 : vector<16xi32>
        tpu.vector_store_idx %arg6[%add3A_124, %add3A_139], %get3A_72 : memref<128x16xf32, #tpu.memory_space<vmem>>[vector<16xi32>, vector<16xi32>], vector<16xf32>,
        %mul3A_140 = arith.constant 0 : i32
        %mul3A_141 = vector.broadcast %mul3A_140 : i32 to vector<16xi32>
        %mul3A_142 = arith.muli %iota3A, %mul3A_141 : vector<16xi32>
        %add3A_143 = arith.constant 3 : i32
        %add3A_144 = vector.broadcast %add3A_143 : i32 to vector<16xi32>
        %add3A_145 = arith.addi %mul3A_142, %add3A_144 : vector<16xi32>
        tpu.vector_store_idx %arg6[%add3A_124, %add3A_145], %get3A_76 : memref<128x16xf32, #tpu.memory_space<vmem>>[vector<16xi32>, vector<16xi32>], vector<16xf32>,
      }
      %scan3A_39 = arith.constant 8 : i32
      %dma_start3A = arith.constant 0 : i32
      %dma_start3A_40 = arith.constant 0 : i32
      %dma_start3A_41 = tpu.memref_slice %arg10[%dma_start3A, %dma_start3A_40] : memref<4096x16xf32, #tpu.memory_space<vmem_shared>> -> memref<4096x16xf32, #tpu.memory_space<vmem_shared>>
      tpu.enqueue_indirect_dma source(%arg6 : memref<128x16xf32, #tpu.memory_space<vmem>>) target(%dma_start3A_41 : memref<4096x16xf32, #tpu.memory_space<vmem_shared>>) offsets(%arg8 : memref<128xi32, #tpu.memory_space<vmem>>) semaphore(%arg11 : memref<!tpu.dma_semaphore, #tpu.memory_space<semaphore_mem>>) {add = true}
      %mul3A_42 = arith.constant 2 : i32
      %mul3A_43 = arith.muli %scan3A_27, %mul3A_42 : i32
      %add3A_44 = arith.constant 1 : i32
      %add3A_45 = arith.addi %mul3A_43, %add3A_44 : i32
      %gt3A_46 = arith.constant 0 : i32
      %gt3A_47 = arith.cmpi sgt, %scan3A_27, %gt3A_46 : i32
      %convert_element_type3A_48 = arith.extui %gt3A_47 : i1 to i32
      %cond3A_49 = arith.constant 0 : i32
      %cond3A_50 = arith.cmpi ne, %convert_element_type3A_48, %cond3A_49 : i32
      scf.if %cond3A_50 {
        %dma_wait3A_60 = arith.constant 0 : i32
        %dma_wait3A_61 = arith.constant 0 : i32
        %dma_wait3A_62 = tpu.memref_slice %arg10[%dma_wait3A_60, %dma_wait3A_61] : memref<4096x16xf32, #tpu.memory_space<vmem_shared>> -> memref<4096x16xf32, #tpu.memory_space<vmem_shared>>
        tpu.wait_indirect_dma semaphore(%arg12 : memref<!tpu.dma_semaphore, #tpu.memory_space<semaphore_mem>>) src(%arg7 : memref<128x16xf32, #tpu.memory_space<vmem>>) dst(%dma_wait3A_62 : memref<4096x16xf32, #tpu.memory_space<vmem_shared>>)
      } else {
      }
      %scan3A_51 = arith.constant 0 : i32
      %scan3A_52 = arith.constant 0 : i32
      %scan3A_53 = arith.constant 8 : i32
      %scan3A_54 = arith.addi %scan3A_52, %scan3A_53 : i32
      %scan3A_55 = arith.constant 1 : i32
      scf.for %scan3A_60 = %scan3A_52 to %scan3A_54 step %scan3A_55  : i32 {
        %mul3A_61 = arith.constant 128 : i32
        %mul3A_62 = arith.muli %add3A_45, %mul3A_61 : i32
        %mul3A_63 = arith.constant 16 : i32
        %mul3A_64 = arith.muli %scan3A_60, %mul3A_63 : i32
        %add3A_65 = arith.addi %mul3A_62, %mul3A_64 : i32
        %get3A = arith.constant 0 : i32
        %get3A_66 = arith.index_cast %get3A : i32 to index
        %get3A_67 = arith.index_cast %add3A_65 : i32 to index
        %get3A_68 = tpu.vector_load %arg5[%get3A_66, %get3A_67] {strides = array<i32>} : memref<3x12544xf32, #tpu.memory_space<vmem>>, vector<16xf32>,
        %get3A_69 = arith.constant 1 : i32
        %get3A_70 = arith.index_cast %get3A_69 : i32 to index
        %get3A_71 = arith.index_cast %add3A_65 : i32 to index
        %get3A_72 = tpu.vector_load %arg5[%get3A_70, %get3A_71] {strides = array<i32>} : memref<3x12544xf32, #tpu.memory_space<vmem>>, vector<16xf32>,
        %get3A_73 = arith.constant 2 : i32
        %get3A_74 = arith.index_cast %get3A_73 : i32 to index
        %get3A_75 = arith.index_cast %add3A_65 : i32 to index
        %get3A_76 = tpu.vector_load %arg5[%get3A_74, %get3A_75] {strides = array<i32>} : memref<3x12544xf32, #tpu.memory_space<vmem>>, vector<16xf32>,
        %add3A_77 = arith.addi %mul3A_12, %add3A_65 : i32
        %add3A_78 = vector.broadcast %add3A_77 : i32 to vector<16xi32>
        %add3A_79 = arith.addi %add3A_78, %iota3A : vector<16xi32>
        %mul3A_80 = arith.constant 1.000000e+01 : f32
        %mul3A_81 = vector.broadcast %mul3A_80 : f32 to vector<16xf32>
        %mul3A_82 = arith.mulf %get3A_68, %mul3A_81 : vector<16xf32>
        %convert_element_type3A_83 = arith.fptosi %mul3A_82 : vector<16xf32> to vector<16xi32>
        %mul3A_84 = arith.constant 1.000000e+01 : f32
        %mul3A_85 = vector.broadcast %mul3A_84 : f32 to vector<16xf32>
        %mul3A_86 = arith.mulf %get3A_72, %mul3A_85 : vector<16xf32>
        %convert_element_type3A_87 = arith.fptosi %mul3A_86 : vector<16xf32> to vector<16xi32>
        %mul3A_88 = arith.constant 1.000000e+01 : f32
        %mul3A_89 = vector.broadcast %mul3A_88 : f32 to vector<16xf32>
        %mul3A_90 = arith.mulf %get3A_76, %mul3A_89 : vector<16xf32>
        %convert_element_type3A_91 = arith.fptosi %mul3A_90 : vector<16xf32> to vector<16xi32>
        %broadcast_in_dim3A_92 = arith.constant 0 : i32
        %broadcast_in_dim3A_93 = vector.broadcast %broadcast_in_dim3A_92 : i32 to vector<16xi32>
        %add3A_94 = arith.constant 9 : i32
        %add3A_95 = vector.broadcast %add3A_94 : i32 to vector<16xi32>
        %add3A_96 = arith.addi %broadcast_in_dim3A_93, %add3A_95 : vector<16xi32>
        %max3A = arith.maxsi %convert_element_type3A_83, %broadcast_in_dim3A_93 : vector<16xi32>
        %min3A = arith.minsi %max3A, %add3A_96 : vector<16xi32>
        %max3A_97 = arith.maxsi %convert_element_type3A_87, %broadcast_in_dim3A_93 : vector<16xi32>
        %min3A_98 = arith.minsi %max3A_97, %add3A_96 : vector<16xi32>
        %max3A_99 = arith.maxsi %convert_element_type3A_91, %broadcast_in_dim3A_93 : vector<16xi32>
        %min3A_100 = arith.minsi %max3A_99, %add3A_96 : vector<16xi32>
        %mul3A_101 = arith.constant 100 : i32
        %mul3A_102 = vector.broadcast %mul3A_101 : i32 to vector<16xi32>
        %mul3A_103 = arith.muli %min3A, %mul3A_102 : vector<16xi32>
        %mul3A_104 = arith.constant 10 : i32
        %mul3A_105 = vector.broadcast %mul3A_104 : i32 to vector<16xi32>
        %mul3A_106 = arith.muli %min3A_98, %mul3A_105 : vector<16xi32>
        %add3A_107 = arith.addi %mul3A_103, %mul3A_106 : vector<16xi32>
        %add3A_108 = arith.addi %add3A_107, %min3A_100 : vector<16xi32>
        %convert_element_type3A_109 = arith.sitofp %add3A_79 : vector<16xi32> to vector<16xf32>
        %mul3A_110 = arith.constant 9.99999974E-6 : f32
        %mul3A_111 = vector.broadcast %mul3A_110 : f32 to vector<16xf32>
        %mul3A_112 = arith.mulf %convert_element_type3A_109, %mul3A_111 : vector<16xf32>
        %convert_element_type3A_113 = arith.fptosi %mul3A_112 : vector<16xf32> to vector<16xi32>
        %mul3A_114 = arith.constant 1000 : i32
        %mul3A_115 = vector.broadcast %mul3A_114 : i32 to vector<16xi32>
        %mul3A_116 = arith.muli %convert_element_type3A_113, %mul3A_115 : vector<16xi32>
        %add3A_117 = arith.addi %add3A_108, %mul3A_116 : vector<16xi32>
        %mul3A_118 = arith.constant 16 : i32
        %mul3A_119 = arith.muli %scan3A_60, %mul3A_118 : i32
        %swap3A = arith.index_cast %mul3A_119 : i32 to index
        %swap3A_120 = tpu.vector_load %arg9[%swap3A] {strides = array<i32>} : memref<128xi32, #tpu.memory_space<vmem>>, vector<16xi32>,
        tpu.vector_store %arg9[%swap3A], %add3A_117 {strides = array<i32>} : memref<128xi32, #tpu.memory_space<vmem>>, vector<16xi32>,
        %mul3A_121 = arith.constant 16 : i32
        %mul3A_122 = arith.muli %scan3A_60, %mul3A_121 : i32
        %add3A_123 = vector.broadcast %mul3A_122 : i32 to vector<16xi32>
        %add3A_124 = arith.addi %add3A_123, %iota3A : vector<16xi32>
        %mul3A_125 = arith.constant 0 : i32
        %mul3A_126 = vector.broadcast %mul3A_125 : i32 to vector<16xi32>
        %mul3A_127 = arith.muli %iota3A, %mul3A_126 : vector<16xi32>
        tpu.vector_store_idx %arg7[%add3A_124, %mul3A_127], %broadcast_in_dim3A_14 : memref<128x16xf32, #tpu.memory_space<vmem>>[vector<16xi32>, vector<16xi32>], vector<16xf32>,
        %mul3A_128 = arith.constant 0 : i32
        %mul3A_129 = vector.broadcast %mul3A_128 : i32 to vector<16xi32>
        %mul3A_130 = arith.muli %iota3A, %mul3A_129 : vector<16xi32>
        %add3A_131 = arith.constant 1 : i32
        %add3A_132 = vector.broadcast %add3A_131 : i32 to vector<16xi32>
        %add3A_133 = arith.addi %mul3A_130, %add3A_132 : vector<16xi32>
        tpu.vector_store_idx %arg7[%add3A_124, %add3A_133], %get3A_68 : memref<128x16xf32, #tpu.memory_space<vmem>>[vector<16xi32>, vector<16xi32>], vector<16xf32>,
        %mul3A_134 = arith.constant 0 : i32
        %mul3A_135 = vector.broadcast %mul3A_134 : i32 to vector<16xi32>
        %mul3A_136 = arith.muli %iota3A, %mul3A_135 : vector<16xi32>
        %add3A_137 = arith.constant 2 : i32
        %add3A_138 = vector.broadcast %add3A_137 : i32 to vector<16xi32>
        %add3A_139 = arith.addi %mul3A_136, %add3A_138 : vector<16xi32>
        tpu.vector_store_idx %arg7[%add3A_124, %add3A_139], %get3A_72 : memref<128x16xf32, #tpu.memory_space<vmem>>[vector<16xi32>, vector<16xi32>], vector<16xf32>,
        %mul3A_140 = arith.constant 0 : i32
        %mul3A_141 = vector.broadcast %mul3A_140 : i32 to vector<16xi32>
        %mul3A_142 = arith.muli %iota3A, %mul3A_141 : vector<16xi32>
        %add3A_143 = arith.constant 3 : i32
        %add3A_144 = vector.broadcast %add3A_143 : i32 to vector<16xi32>
        %add3A_145 = arith.addi %mul3A_142, %add3A_144 : vector<16xi32>
        tpu.vector_store_idx %arg7[%add3A_124, %add3A_145], %get3A_76 : memref<128x16xf32, #tpu.memory_space<vmem>>[vector<16xi32>, vector<16xi32>], vector<16xf32>,
      }
      %scan3A_56 = arith.constant 8 : i32
      %dma_start3A_57 = arith.constant 0 : i32
      %dma_start3A_58 = arith.constant 0 : i32
      %dma_start3A_59 = tpu.memref_slice %arg10[%dma_start3A_57, %dma_start3A_58] : memref<4096x16xf32, #tpu.memory_space<vmem_shared>> -> memref<4096x16xf32, #tpu.memory_space<vmem_shared>>
      tpu.enqueue_indirect_dma source(%arg7 : memref<128x16xf32, #tpu.memory_space<vmem>>) target(%dma_start3A_59 : memref<4096x16xf32, #tpu.memory_space<vmem_shared>>) offsets(%arg9 : memref<128xi32, #tpu.memory_space<vmem>>) semaphore(%arg12 : memref<!tpu.dma_semaphore, #tpu.memory_space<semaphore_mem>>) {add = true}
    }
    %scan3A_20 = arith.constant 49 : i32
    %dma_wait3A = arith.constant 0 : i32
    %dma_wait3A_21 = arith.constant 0 : i32
    %dma_wait3A_22 = tpu.memref_slice %arg10[%dma_wait3A, %dma_wait3A_21] : memref<4096x16xf32, #tpu.memory_space<vmem_shared>> -> memref<4096x16xf32, #tpu.memory_space<vmem_shared>>
    tpu.wait_indirect_dma semaphore(%arg11 : memref<!tpu.dma_semaphore, #tpu.memory_space<semaphore_mem>>) src(%arg6 : memref<128x16xf32, #tpu.memory_space<vmem>>) dst(%dma_wait3A_22 : memref<4096x16xf32, #tpu.memory_space<vmem_shared>>)
    %dma_wait3A_23 = arith.constant 0 : i32
    %dma_wait3A_24 = arith.constant 0 : i32
    %dma_wait3A_25 = tpu.memref_slice %arg10[%dma_wait3A_23, %dma_wait3A_24] : memref<4096x16xf32, #tpu.memory_space<vmem_shared>> -> memref<4096x16xf32, #tpu.memory_space<vmem_shared>>
    tpu.wait_indirect_dma semaphore(%arg12 : memref<!tpu.dma_semaphore, #tpu.memory_space<semaphore_mem>>) src(%arg7 : memref<128x16xf32, #tpu.memory_space<vmem>>) dst(%dma_wait3A_25 : memref<4096x16xf32, #tpu.memory_space<vmem_shared>>)
    %barrier3A_26 = arith.constant 0 : index
    tpu.barrier barrier_id(%barrier3A_26)
    "tpu.region"() ({
      %run_scoped3A = tpu.sem_alloc : memref<!tpu.dma_semaphore, #tpu.memory_space<semaphore_mem>>
      %dma_start3A = arith.constant 0 : i32
      %dma_start3A_27 = tpu.memref_slice %arg4[%arg0, %mul3A_2, %dma_start3A] : memref<2x4096x16xf32, #tpu.memory_space<hbm>> -> memref<1x256x16xf32, #tpu.memory_space<hbm>>
      %dma_start3A_28 = tpu.memref_squeeze %dma_start3A_27 : memref<1x256x16xf32, #tpu.memory_space<hbm>> -> memref<256x16xf32, #tpu.memory_space<hbm>>
      %dma_start3A_29 = arith.constant 0 : i32
      %dma_start3A_30 = tpu.memref_slice %arg10[%mul3A_2, %dma_start3A_29] : memref<4096x16xf32, #tpu.memory_space<vmem_shared>> -> memref<256x16xf32, #tpu.memory_space<vmem_shared>>
      tpu.enqueue_dma source(%dma_start3A_30 : memref<256x16xf32, #tpu.memory_space<vmem_shared>>) target(%dma_start3A_28 : memref<256x16xf32, #tpu.memory_space<hbm>>) target_semaphore(%run_scoped3A : memref<!tpu.dma_semaphore, #tpu.memory_space<semaphore_mem>>)
      %dma_wait3A_31 = arith.constant 0 : i32
      %dma_wait3A_32 = tpu.memref_slice %arg4[%arg0, %mul3A_2, %dma_wait3A_31] : memref<2x4096x16xf32, #tpu.memory_space<hbm>> -> memref<1x256x16xf32, #tpu.memory_space<hbm>>
      %dma_wait3A_33 = tpu.memref_squeeze %dma_wait3A_32 : memref<1x256x16xf32, #tpu.memory_space<hbm>> -> memref<256x16xf32, #tpu.memory_space<hbm>>
      %dma_wait3A_34 = arith.constant 0 : i32
      %dma_wait3A_35 = tpu.memref_slice %arg10[%mul3A_2, %dma_wait3A_34] : memref<4096x16xf32, #tpu.memory_space<vmem_shared>> -> memref<256x16xf32, #tpu.memory_space<vmem_shared>>
      tpu.wait_dma2 semaphore(%run_scoped3A : memref<!tpu.dma_semaphore, #tpu.memory_space<semaphore_mem>>) src(%dma_wait3A_35 : memref<256x16xf32, #tpu.memory_space<vmem_shared>>) dst(%dma_wait3A_33 : memref<256x16xf32, #tpu.memory_space<hbm>>)
      tpu.yield
    }) : () -> ()
    return
  }
}

#map = affine_map<(d0, d1) -> (0, 0)>
#map1 = affine_map<(d0, d1) -> (0)>
#map2 = affine_map<(d0, d1) -> (0, 0, 0)>
module attributes {stable_mosaic.version = 14 : i64} {
  func.func @_kb_body(%arg0: i32, %arg1: i32, %arg2: memref<3x401408xf32, #tpu.memory_space<hbm>>, %arg3: memref<2x65536xf32, #tpu.memory_space<hbm>>, %arg4: memref<4096x80xf32, #tpu.memory_space<hbm>>, %arg5: memref<192xf32, #tpu.memory_space<hbm>>, %arg6: memref<64xf32, #tpu.memory_space<hbm>>, %arg7: memref<2x4096x80xf32, #tpu.memory_space<hbm>>, %arg8: memref<3x12544xf32, #tpu.memory_space<vmem>>, %arg9: memref<128x80xf32, #tpu.memory_space<vmem>>, %arg10: memref<128x80xf32, #tpu.memory_space<vmem>>, %arg11: memref<128xi32, #tpu.memory_space<vmem>>, %arg12: memref<128xi32, #tpu.memory_space<vmem>>, %arg13: memref<4096xf32, #tpu.memory_space<vmem>>, %arg14: memref<4096xf32, #tpu.memory_space<vmem>>, %arg15: memref<1024xf32, #tpu.memory_space<vmem>>, %arg16: memref<16384xf32, #tpu.memory_space<vmem>>, %arg17: memref<192xf32, #tpu.memory_space<vmem>>, %arg18: memref<64xf32, #tpu.memory_space<vmem>>, %arg19: memref<4096x80xf32, #tpu.memory_space<vmem_shared>>, %arg20: memref<16384xf32, #tpu.memory_space<vmem_shared>>, %arg21: memref<!tpu.dma_semaphore, #tpu.memory_space<semaphore_mem>>, %arg22: memref<!tpu.dma_semaphore, #tpu.memory_space<semaphore_mem>>) attributes {dimension_semantics = [#tpu.dimension_semantics<core_parallel>, #tpu.dimension_semantics<subcore_parallel>], iteration_bounds = array<i64: 2, 16>, scalar_prefetch = 0 : i64, scratch_operands = 15 : i64, tpu.core_type = #tpu.core_type<sc_vector_subcore>, window_params = [{transform_indices = #map}, {transform_indices = #map}, {transform_indices = #map}, {transform_indices = #map1}, {transform_indices = #map1}, {transform_indices = #map2}]} {
    %mul3A = arith.constant 16 : i32
    %mul3A_0 = arith.muli %arg0, %mul3A : i32
    %add3A = arith.addi %mul3A_0, %arg1 : i32
    %mul3A_1 = arith.constant 256 : i32
    %mul3A_2 = arith.muli %arg1, %mul3A_1 : i32
    "tpu.region"() ({
      %run_scoped3A_69 = tpu.sem_alloc : memref<!tpu.dma_semaphore, #tpu.memory_space<semaphore_mem>>
      %dma_start3A = arith.constant 0 : i32
      %dma_start3A_70 = tpu.memref_slice %arg19[%mul3A_2, %dma_start3A] : memref<4096x80xf32, #tpu.memory_space<vmem_shared>> -> memref<256x80xf32, #tpu.memory_space<vmem_shared>>
      %dma_start3A_71 = arith.constant 0 : i32
      %dma_start3A_72 = tpu.memref_slice %arg4[%mul3A_2, %dma_start3A_71] : memref<4096x80xf32, #tpu.memory_space<hbm>> -> memref<256x80xf32, #tpu.memory_space<hbm>>
      tpu.enqueue_dma source(%dma_start3A_72 : memref<256x80xf32, #tpu.memory_space<hbm>>) target(%dma_start3A_70 : memref<256x80xf32, #tpu.memory_space<vmem_shared>>) target_semaphore(%run_scoped3A_69 : memref<!tpu.dma_semaphore, #tpu.memory_space<semaphore_mem>>)
      %dma_wait3A_73 = arith.constant 0 : i32
      %dma_wait3A_74 = tpu.memref_slice %arg19[%mul3A_2, %dma_wait3A_73] : memref<4096x80xf32, #tpu.memory_space<vmem_shared>> -> memref<256x80xf32, #tpu.memory_space<vmem_shared>>
      %dma_wait3A_75 = arith.constant 0 : i32
      %dma_wait3A_76 = tpu.memref_slice %arg4[%mul3A_2, %dma_wait3A_75] : memref<4096x80xf32, #tpu.memory_space<hbm>> -> memref<256x80xf32, #tpu.memory_space<hbm>>
      tpu.wait_dma2 semaphore(%run_scoped3A_69 : memref<!tpu.dma_semaphore, #tpu.memory_space<semaphore_mem>>) src(%dma_wait3A_76 : memref<256x80xf32, #tpu.memory_space<hbm>>) dst(%dma_wait3A_74 : memref<256x80xf32, #tpu.memory_space<vmem_shared>>)
      tpu.yield
    }) : () -> ()
    %mul3A_3 = arith.constant 12544 : i32
    %mul3A_4 = arith.muli %add3A, %mul3A_3 : i32
    "tpu.region"() ({
      %run_scoped3A_69 = tpu.sem_alloc : memref<!tpu.dma_semaphore, #tpu.memory_space<semaphore_mem>>
      %dma_start3A = arith.constant 0 : i32
      %dma_start3A_70 = tpu.memref_slice %arg2[%dma_start3A, %mul3A_4] : memref<3x401408xf32, #tpu.memory_space<hbm>> -> memref<3x12544xf32, #tpu.memory_space<hbm>>
      %dma_start3A_71 = arith.constant 0 : i32
      %dma_start3A_72 = tpu.memref_slice %arg2[%dma_start3A_71, %mul3A_4] : memref<3x401408xf32, #tpu.memory_space<hbm>> -> memref<3x12544xf32, #tpu.memory_space<hbm>>
      tpu.enqueue_dma source(%dma_start3A_72 : memref<3x12544xf32, #tpu.memory_space<hbm>>) target(%arg8 : memref<3x12544xf32, #tpu.memory_space<vmem>>) target_semaphore(%run_scoped3A_69 : memref<!tpu.dma_semaphore, #tpu.memory_space<semaphore_mem>>)
      %dma_wait3A_73 = arith.constant 0 : i32
      %dma_wait3A_74 = tpu.memref_slice %arg2[%dma_wait3A_73, %mul3A_4] : memref<3x401408xf32, #tpu.memory_space<hbm>> -> memref<3x12544xf32, #tpu.memory_space<hbm>>
      %dma_wait3A_75 = arith.constant 0 : i32
      %dma_wait3A_76 = tpu.memref_slice %arg2[%dma_wait3A_75, %mul3A_4] : memref<3x401408xf32, #tpu.memory_space<hbm>> -> memref<3x12544xf32, #tpu.memory_space<hbm>>
      tpu.wait_dma2 semaphore(%run_scoped3A_69 : memref<!tpu.dma_semaphore, #tpu.memory_space<semaphore_mem>>) src(%dma_wait3A_76 : memref<3x12544xf32, #tpu.memory_space<hbm>>) dst(%arg8 : memref<3x12544xf32, #tpu.memory_space<vmem>>)
      tpu.yield
    }) : () -> ()
    "tpu.region"() ({
      %run_scoped3A_69 = tpu.sem_alloc : memref<!tpu.dma_semaphore, #tpu.memory_space<semaphore_mem>>
      tpu.enqueue_dma source(%arg5 : memref<192xf32, #tpu.memory_space<hbm>>) target(%arg17 : memref<192xf32, #tpu.memory_space<vmem>>) target_semaphore(%run_scoped3A_69 : memref<!tpu.dma_semaphore, #tpu.memory_space<semaphore_mem>>)
      tpu.wait_dma2 semaphore(%run_scoped3A_69 : memref<!tpu.dma_semaphore, #tpu.memory_space<semaphore_mem>>) src(%arg5 : memref<192xf32, #tpu.memory_space<hbm>>) dst(%arg17 : memref<192xf32, #tpu.memory_space<vmem>>)
      tpu.yield
    }) : () -> ()
    "tpu.region"() ({
      %run_scoped3A_69 = tpu.sem_alloc : memref<!tpu.dma_semaphore, #tpu.memory_space<semaphore_mem>>
      tpu.enqueue_dma source(%arg6 : memref<64xf32, #tpu.memory_space<hbm>>) target(%arg18 : memref<64xf32, #tpu.memory_space<vmem>>) target_semaphore(%run_scoped3A_69 : memref<!tpu.dma_semaphore, #tpu.memory_space<semaphore_mem>>)
      tpu.wait_dma2 semaphore(%run_scoped3A_69 : memref<!tpu.dma_semaphore, #tpu.memory_space<semaphore_mem>>) src(%arg6 : memref<64xf32, #tpu.memory_space<hbm>>) dst(%arg18 : memref<64xf32, #tpu.memory_space<vmem>>)
      tpu.yield
    }) : () -> ()
    %mul3A_5 = arith.constant 16 : i32
    %mul3A_6 = arith.muli %mul3A_2, %mul3A_5 : i32
    %run_scoped3A = arith.constant 0 : i32
    "tpu.region"() ({
      %run_scoped3A_69 = tpu.sem_alloc : memref<!tpu.dma_semaphore, #tpu.memory_space<semaphore_mem>>
      %dma_start3A = tpu.memref_slice %arg3[%run_scoped3A, %mul3A_6] : memref<2x65536xf32, #tpu.memory_space<hbm>> -> memref<1x4096xf32, #tpu.memory_space<hbm>>
      %dma_start3A_70 = tpu.memref_squeeze %dma_start3A : memref<1x4096xf32, #tpu.memory_space<hbm>> -> memref<4096xf32, #tpu.memory_space<hbm>>
      %dma_start3A_71 = tpu.memref_slice %arg3[%run_scoped3A, %mul3A_6] : memref<2x65536xf32, #tpu.memory_space<hbm>> -> memref<1x4096xf32, #tpu.memory_space<hbm>>
      %dma_start3A_72 = tpu.memref_squeeze %dma_start3A_71 : memref<1x4096xf32, #tpu.memory_space<hbm>> -> memref<4096xf32, #tpu.memory_space<hbm>>
      tpu.enqueue_dma source(%dma_start3A_72 : memref<4096xf32, #tpu.memory_space<hbm>>) target(%arg13 : memref<4096xf32, #tpu.memory_space<vmem>>) target_semaphore(%run_scoped3A_69 : memref<!tpu.dma_semaphore, #tpu.memory_space<semaphore_mem>>)
      %dma_wait3A_73 = tpu.memref_slice %arg3[%run_scoped3A, %mul3A_6] : memref<2x65536xf32, #tpu.memory_space<hbm>> -> memref<1x4096xf32, #tpu.memory_space<hbm>>
      %dma_wait3A_74 = tpu.memref_squeeze %dma_wait3A_73 : memref<1x4096xf32, #tpu.memory_space<hbm>> -> memref<4096xf32, #tpu.memory_space<hbm>>
      %dma_wait3A_75 = tpu.memref_slice %arg3[%run_scoped3A, %mul3A_6] : memref<2x65536xf32, #tpu.memory_space<hbm>> -> memref<1x4096xf32, #tpu.memory_space<hbm>>
      %dma_wait3A_76 = tpu.memref_squeeze %dma_wait3A_75 : memref<1x4096xf32, #tpu.memory_space<hbm>> -> memref<4096xf32, #tpu.memory_space<hbm>>
      tpu.wait_dma2 semaphore(%run_scoped3A_69 : memref<!tpu.dma_semaphore, #tpu.memory_space<semaphore_mem>>) src(%dma_wait3A_76 : memref<4096xf32, #tpu.memory_space<hbm>>) dst(%arg13 : memref<4096xf32, #tpu.memory_space<vmem>>)
      tpu.yield
    }) : () -> ()
    %mul3A_7 = arith.constant 16 : i32
    %mul3A_8 = arith.muli %mul3A_2, %mul3A_7 : i32
    %run_scoped3A_9 = arith.constant 1 : i32
    "tpu.region"() ({
      %run_scoped3A_69 = tpu.sem_alloc : memref<!tpu.dma_semaphore, #tpu.memory_space<semaphore_mem>>
      %dma_start3A = tpu.memref_slice %arg3[%run_scoped3A_9, %mul3A_8] : memref<2x65536xf32, #tpu.memory_space<hbm>> -> memref<1x4096xf32, #tpu.memory_space<hbm>>
      %dma_start3A_70 = tpu.memref_squeeze %dma_start3A : memref<1x4096xf32, #tpu.memory_space<hbm>> -> memref<4096xf32, #tpu.memory_space<hbm>>
      %dma_start3A_71 = tpu.memref_slice %arg3[%run_scoped3A_9, %mul3A_8] : memref<2x65536xf32, #tpu.memory_space<hbm>> -> memref<1x4096xf32, #tpu.memory_space<hbm>>
      %dma_start3A_72 = tpu.memref_squeeze %dma_start3A_71 : memref<1x4096xf32, #tpu.memory_space<hbm>> -> memref<4096xf32, #tpu.memory_space<hbm>>
      tpu.enqueue_dma source(%dma_start3A_72 : memref<4096xf32, #tpu.memory_space<hbm>>) target(%arg14 : memref<4096xf32, #tpu.memory_space<vmem>>) target_semaphore(%run_scoped3A_69 : memref<!tpu.dma_semaphore, #tpu.memory_space<semaphore_mem>>)
      %dma_wait3A_73 = tpu.memref_slice %arg3[%run_scoped3A_9, %mul3A_8] : memref<2x65536xf32, #tpu.memory_space<hbm>> -> memref<1x4096xf32, #tpu.memory_space<hbm>>
      %dma_wait3A_74 = tpu.memref_squeeze %dma_wait3A_73 : memref<1x4096xf32, #tpu.memory_space<hbm>> -> memref<4096xf32, #tpu.memory_space<hbm>>
      %dma_wait3A_75 = tpu.memref_slice %arg3[%run_scoped3A_9, %mul3A_8] : memref<2x65536xf32, #tpu.memory_space<hbm>> -> memref<1x4096xf32, #tpu.memory_space<hbm>>
      %dma_wait3A_76 = tpu.memref_squeeze %dma_wait3A_75 : memref<1x4096xf32, #tpu.memory_space<hbm>> -> memref<4096xf32, #tpu.memory_space<hbm>>
      tpu.wait_dma2 semaphore(%run_scoped3A_69 : memref<!tpu.dma_semaphore, #tpu.memory_space<semaphore_mem>>) src(%dma_wait3A_76 : memref<4096xf32, #tpu.memory_space<hbm>>) dst(%arg14 : memref<4096xf32, #tpu.memory_space<vmem>>)
      tpu.yield
    }) : () -> ()
    %iota3A = tpu.iota {dimensions = array<i32: 0>} : vector<16xi32>
    %scan3A = arith.constant 0 : i32
    %scan3A_10 = arith.constant 0 : i32
    %scan3A_11 = arith.constant 16 : i32
    %scan3A_12 = arith.addi %scan3A_10, %scan3A_11 : i32
    %scan3A_13 = arith.constant 1 : i32
    scf.for %scan3A_69 = %scan3A_10 to %scan3A_12 step %scan3A_13  : i32 {
      %mul3A_70 = arith.constant 16 : i32
      %mul3A_71 = arith.muli %scan3A_69, %mul3A_70 : i32
      %add3A_72 = vector.broadcast %mul3A_71 : i32 to vector<16xi32>
      %add3A_73 = arith.addi %add3A_72, %iota3A : vector<16xi32>
      %mul3A_74 = arith.constant 16 : i32
      %mul3A_75 = vector.broadcast %mul3A_74 : i32 to vector<16xi32>
      %mul3A_76 = arith.muli %add3A_73, %mul3A_75 : vector<16xi32>
      %gather3A = tpu.vector_load_idx %arg13[%mul3A_76] : memref<4096xf32, #tpu.memory_space<vmem>>[vector<16xi32>], vector<16xf32>,
      %gather3A_77 = tpu.vector_load_idx %arg14[%mul3A_76] : memref<4096xf32, #tpu.memory_space<vmem>>[vector<16xi32>], vector<16xf32>,
      %add3A_78 = arith.addf %gather3A, %gather3A_77 : vector<16xf32>
      %broadcast_in_dim3A_79 = arith.constant 1.000000e+00 : f32
      %broadcast_in_dim3A_80 = vector.broadcast %broadcast_in_dim3A_79 : f32 to vector<16xf32>
      %broadcast_in_dim3A_81 = arith.constant 1.000000e+00 : f32
      %broadcast_in_dim3A_82 = vector.broadcast %broadcast_in_dim3A_81 : f32 to vector<16xf32>
      %max3A = arith.maximumf %add3A_78, %broadcast_in_dim3A_82 : vector<16xf32>
      %div3A = arith.divf %broadcast_in_dim3A_80, %max3A : vector<16xf32>
      %mul3A_83 = arith.constant 4 : i32
      %mul3A_84 = vector.broadcast %mul3A_83 : i32 to vector<16xi32>
      %mul3A_85 = arith.muli %add3A_73, %mul3A_84 : vector<16xi32>
      %add3A_86 = arith.constant 1 : i32
      %add3A_87 = vector.broadcast %add3A_86 : i32 to vector<16xi32>
      %add3A_88 = arith.addi %mul3A_76, %add3A_87 : vector<16xi32>
      %gather3A_89 = tpu.vector_load_idx %arg13[%add3A_88] : memref<4096xf32, #tpu.memory_space<vmem>>[vector<16xi32>], vector<16xf32>,
      %add3A_90 = arith.constant 1 : i32
      %add3A_91 = vector.broadcast %add3A_90 : i32 to vector<16xi32>
      %add3A_92 = arith.addi %mul3A_76, %add3A_91 : vector<16xi32>
      %gather3A_93 = tpu.vector_load_idx %arg14[%add3A_92] : memref<4096xf32, #tpu.memory_space<vmem>>[vector<16xi32>], vector<16xf32>,
      %add3A_94 = arith.addf %gather3A_89, %gather3A_93 : vector<16xf32>
      %add3A_95 = arith.constant 0 : i32
      %add3A_96 = vector.broadcast %add3A_95 : i32 to vector<16xi32>
      %add3A_97 = arith.addi %mul3A_85, %add3A_96 : vector<16xi32>
      %mul3A_98 = arith.mulf %add3A_94, %div3A : vector<16xf32>
      tpu.vector_store_idx %arg15[%add3A_97], %mul3A_98 : memref<1024xf32, #tpu.memory_space<vmem>>[vector<16xi32>], vector<16xf32>,
      %add3A_99 = arith.constant 2 : i32
      %add3A_100 = vector.broadcast %add3A_99 : i32 to vector<16xi32>
      %add3A_101 = arith.addi %mul3A_76, %add3A_100 : vector<16xi32>
      %gather3A_102 = tpu.vector_load_idx %arg13[%add3A_101] : memref<4096xf32, #tpu.memory_space<vmem>>[vector<16xi32>], vector<16xf32>,
      %add3A_103 = arith.constant 2 : i32
      %add3A_104 = vector.broadcast %add3A_103 : i32 to vector<16xi32>
      %add3A_105 = arith.addi %mul3A_76, %add3A_104 : vector<16xi32>
      %gather3A_106 = tpu.vector_load_idx %arg14[%add3A_105] : memref<4096xf32, #tpu.memory_space<vmem>>[vector<16xi32>], vector<16xf32>,
      %add3A_107 = arith.addf %gather3A_102, %gather3A_106 : vector<16xf32>
      %add3A_108 = arith.constant 1 : i32
      %add3A_109 = vector.broadcast %add3A_108 : i32 to vector<16xi32>
      %add3A_110 = arith.addi %mul3A_85, %add3A_109 : vector<16xi32>
      %mul3A_111 = arith.mulf %add3A_107, %div3A : vector<16xf32>
      tpu.vector_store_idx %arg15[%add3A_110], %mul3A_111 : memref<1024xf32, #tpu.memory_space<vmem>>[vector<16xi32>], vector<16xf32>,
      %add3A_112 = arith.constant 3 : i32
      %add3A_113 = vector.broadcast %add3A_112 : i32 to vector<16xi32>
      %add3A_114 = arith.addi %mul3A_76, %add3A_113 : vector<16xi32>
      %gather3A_115 = tpu.vector_load_idx %arg13[%add3A_114] : memref<4096xf32, #tpu.memory_space<vmem>>[vector<16xi32>], vector<16xf32>,
      %add3A_116 = arith.constant 3 : i32
      %add3A_117 = vector.broadcast %add3A_116 : i32 to vector<16xi32>
      %add3A_118 = arith.addi %mul3A_76, %add3A_117 : vector<16xi32>
      %gather3A_119 = tpu.vector_load_idx %arg14[%add3A_118] : memref<4096xf32, #tpu.memory_space<vmem>>[vector<16xi32>], vector<16xf32>,
      %add3A_120 = arith.addf %gather3A_115, %gather3A_119 : vector<16xf32>
      %add3A_121 = arith.constant 2 : i32
      %add3A_122 = vector.broadcast %add3A_121 : i32 to vector<16xi32>
      %add3A_123 = arith.addi %mul3A_85, %add3A_122 : vector<16xi32>
      %mul3A_124 = arith.mulf %add3A_120, %div3A : vector<16xf32>
      tpu.vector_store_idx %arg15[%add3A_123], %mul3A_124 : memref<1024xf32, #tpu.memory_space<vmem>>[vector<16xi32>], vector<16xf32>,
      %add3A_125 = arith.constant 3 : i32
      %add3A_126 = vector.broadcast %add3A_125 : i32 to vector<16xi32>
      %add3A_127 = arith.addi %mul3A_85, %add3A_126 : vector<16xi32>
      tpu.vector_store_idx %arg15[%add3A_127], %add3A_78 : memref<1024xf32, #tpu.memory_space<vmem>>[vector<16xi32>], vector<16xf32>,
    }
    %scan3A_14 = arith.constant 16 : i32
    %mul3A_15 = arith.constant 4 : i32
    %mul3A_16 = arith.muli %mul3A_2, %mul3A_15 : i32
    "tpu.region"() ({
      %run_scoped3A_69 = tpu.sem_alloc : memref<!tpu.dma_semaphore, #tpu.memory_space<semaphore_mem>>
      %dma_start3A = tpu.memref_slice %arg20[%mul3A_16] : memref<16384xf32, #tpu.memory_space<vmem_shared>> -> memref<1024xf32, #tpu.memory_space<vmem_shared>>
      %dma_start3A_70 = tpu.memref_slice %arg20[%mul3A_16] : memref<16384xf32, #tpu.memory_space<vmem_shared>> -> memref<1024xf32, #tpu.memory_space<vmem_shared>>
      tpu.enqueue_dma source(%arg15 : memref<1024xf32, #tpu.memory_space<vmem>>) target(%dma_start3A_70 : memref<1024xf32, #tpu.memory_space<vmem_shared>>) target_semaphore(%run_scoped3A_69 : memref<!tpu.dma_semaphore, #tpu.memory_space<semaphore_mem>>)
      %dma_wait3A_71 = tpu.memref_slice %arg20[%mul3A_16] : memref<16384xf32, #tpu.memory_space<vmem_shared>> -> memref<1024xf32, #tpu.memory_space<vmem_shared>>
      %dma_wait3A_72 = tpu.memref_slice %arg20[%mul3A_16] : memref<16384xf32, #tpu.memory_space<vmem_shared>> -> memref<1024xf32, #tpu.memory_space<vmem_shared>>
      tpu.wait_dma2 semaphore(%run_scoped3A_69 : memref<!tpu.dma_semaphore, #tpu.memory_space<semaphore_mem>>) src(%arg15 : memref<1024xf32, #tpu.memory_space<vmem>>) dst(%dma_wait3A_72 : memref<1024xf32, #tpu.memory_space<vmem_shared>>)
      tpu.yield
    }) : () -> ()
    %barrier3A = arith.constant 0 : index
    tpu.barrier barrier_id(%barrier3A)
    "tpu.region"() ({
      %run_scoped3A_69 = tpu.sem_alloc : memref<!tpu.dma_semaphore, #tpu.memory_space<semaphore_mem>>
      tpu.enqueue_dma source(%arg20 : memref<16384xf32, #tpu.memory_space<vmem_shared>>) target(%arg16 : memref<16384xf32, #tpu.memory_space<vmem>>) target_semaphore(%run_scoped3A_69 : memref<!tpu.dma_semaphore, #tpu.memory_space<semaphore_mem>>)
      tpu.wait_dma2 semaphore(%run_scoped3A_69 : memref<!tpu.dma_semaphore, #tpu.memory_space<semaphore_mem>>) src(%arg20 : memref<16384xf32, #tpu.memory_space<vmem_shared>>) dst(%arg16 : memref<16384xf32, #tpu.memory_space<vmem>>)
      tpu.yield
    }) : () -> ()
    %get3A = arith.constant 0 : index
    %get3A_17 = tpu.vector_load %arg17[%get3A] {strides = array<i32>} : memref<192xf32, #tpu.memory_space<vmem>>, vector<16xf32>,
    %get3A_18 = arith.constant 16 : index
    %get3A_19 = tpu.vector_load %arg17[%get3A_18] {strides = array<i32>} : memref<192xf32, #tpu.memory_space<vmem>>, vector<16xf32>,
    %get3A_20 = arith.constant 32 : index
    %get3A_21 = tpu.vector_load %arg17[%get3A_20] {strides = array<i32>} : memref<192xf32, #tpu.memory_space<vmem>>, vector<16xf32>,
    %get3A_22 = arith.constant 48 : index
    %get3A_23 = tpu.vector_load %arg17[%get3A_22] {strides = array<i32>} : memref<192xf32, #tpu.memory_space<vmem>>, vector<16xf32>,
    %get3A_24 = arith.constant 64 : index
    %get3A_25 = tpu.vector_load %arg17[%get3A_24] {strides = array<i32>} : memref<192xf32, #tpu.memory_space<vmem>>, vector<16xf32>,
    %get3A_26 = arith.constant 80 : index
    %get3A_27 = tpu.vector_load %arg17[%get3A_26] {strides = array<i32>} : memref<192xf32, #tpu.memory_space<vmem>>, vector<16xf32>,
    %get3A_28 = arith.constant 96 : index
    %get3A_29 = tpu.vector_load %arg17[%get3A_28] {strides = array<i32>} : memref<192xf32, #tpu.memory_space<vmem>>, vector<16xf32>,
    %get3A_30 = arith.constant 112 : index
    %get3A_31 = tpu.vector_load %arg17[%get3A_30] {strides = array<i32>} : memref<192xf32, #tpu.memory_space<vmem>>, vector<16xf32>,
    %get3A_32 = arith.constant 128 : index
    %get3A_33 = tpu.vector_load %arg17[%get3A_32] {strides = array<i32>} : memref<192xf32, #tpu.memory_space<vmem>>, vector<16xf32>,
    %get3A_34 = arith.constant 144 : index
    %get3A_35 = tpu.vector_load %arg17[%get3A_34] {strides = array<i32>} : memref<192xf32, #tpu.memory_space<vmem>>, vector<16xf32>,
    %get3A_36 = arith.constant 160 : index
    %get3A_37 = tpu.vector_load %arg17[%get3A_36] {strides = array<i32>} : memref<192xf32, #tpu.memory_space<vmem>>, vector<16xf32>,
    %get3A_38 = arith.constant 176 : index
    %get3A_39 = tpu.vector_load %arg17[%get3A_38] {strides = array<i32>} : memref<192xf32, #tpu.memory_space<vmem>>, vector<16xf32>,
    %get3A_40 = arith.constant 0 : index
    %get3A_41 = tpu.vector_load %arg18[%get3A_40] {strides = array<i32>} : memref<64xf32, #tpu.memory_space<vmem>>, vector<16xf32>,
    %get3A_42 = arith.constant 16 : index
    %get3A_43 = tpu.vector_load %arg18[%get3A_42] {strides = array<i32>} : memref<64xf32, #tpu.memory_space<vmem>>, vector<16xf32>,
    %get3A_44 = arith.constant 32 : index
    %get3A_45 = tpu.vector_load %arg18[%get3A_44] {strides = array<i32>} : memref<64xf32, #tpu.memory_space<vmem>>, vector<16xf32>,
    %get3A_46 = arith.constant 48 : index
    %get3A_47 = tpu.vector_load %arg18[%get3A_46] {strides = array<i32>} : memref<64xf32, #tpu.memory_space<vmem>>, vector<16xf32>,
    %broadcast_in_dim3A = arith.constant 0.000000e+00 : f32
    %broadcast_in_dim3A_48 = vector.broadcast %broadcast_in_dim3A : f32 to vector<16xf32>
    %scan3A_49 = arith.constant 0 : i32
    %scan3A_50 = arith.constant 0 : i32
    %scan3A_51 = arith.constant 128 : i32
    %scan3A_52 = arith.addi %scan3A_50, %scan3A_51 : i32
    %scan3A_53 = arith.constant 1 : i32
    scf.for %scan3A_69 = %scan3A_50 to %scan3A_52 step %scan3A_53  : i32 {
      %swap3A = arith.index_cast %scan3A_69 : i32 to index
      %swap3A_70 = arith.constant 0 : index
      %swap3A_71 = tpu.vector_load %arg9[%swap3A, %swap3A_70] {strides = array<i32>} : memref<128x80xf32, #tpu.memory_space<vmem>>, vector<16xf32>,
      tpu.vector_store %arg9[%swap3A, %swap3A_70], %broadcast_in_dim3A_48 {strides = array<i32>} : memref<128x80xf32, #tpu.memory_space<vmem>>, vector<16xf32>,
      %swap3A_72 = arith.index_cast %scan3A_69 : i32 to index
      %swap3A_73 = arith.constant 0 : index
      %swap3A_74 = tpu.vector_load %arg10[%swap3A_72, %swap3A_73] {strides = array<i32>} : memref<128x80xf32, #tpu.memory_space<vmem>>, vector<16xf32>,
      tpu.vector_store %arg10[%swap3A_72, %swap3A_73], %broadcast_in_dim3A_48 {strides = array<i32>} : memref<128x80xf32, #tpu.memory_space<vmem>>, vector<16xf32>,
      %swap3A_75 = arith.index_cast %scan3A_69 : i32 to index
      %swap3A_76 = arith.constant 16 : index
      %swap3A_77 = tpu.vector_load %arg9[%swap3A_75, %swap3A_76] {strides = array<i32>} : memref<128x80xf32, #tpu.memory_space<vmem>>, vector<16xf32>,
      tpu.vector_store %arg9[%swap3A_75, %swap3A_76], %broadcast_in_dim3A_48 {strides = array<i32>} : memref<128x80xf32, #tpu.memory_space<vmem>>, vector<16xf32>,
      %swap3A_78 = arith.index_cast %scan3A_69 : i32 to index
      %swap3A_79 = arith.constant 16 : index
      %swap3A_80 = tpu.vector_load %arg10[%swap3A_78, %swap3A_79] {strides = array<i32>} : memref<128x80xf32, #tpu.memory_space<vmem>>, vector<16xf32>,
      tpu.vector_store %arg10[%swap3A_78, %swap3A_79], %broadcast_in_dim3A_48 {strides = array<i32>} : memref<128x80xf32, #tpu.memory_space<vmem>>, vector<16xf32>,
      %swap3A_81 = arith.index_cast %scan3A_69 : i32 to index
      %swap3A_82 = arith.constant 32 : index
      %swap3A_83 = tpu.vector_load %arg9[%swap3A_81, %swap3A_82] {strides = array<i32>} : memref<128x80xf32, #tpu.memory_space<vmem>>, vector<16xf32>,
      tpu.vector_store %arg9[%swap3A_81, %swap3A_82], %broadcast_in_dim3A_48 {strides = array<i32>} : memref<128x80xf32, #tpu.memory_space<vmem>>, vector<16xf32>,
      %swap3A_84 = arith.index_cast %scan3A_69 : i32 to index
      %swap3A_85 = arith.constant 32 : index
      %swap3A_86 = tpu.vector_load %arg10[%swap3A_84, %swap3A_85] {strides = array<i32>} : memref<128x80xf32, #tpu.memory_space<vmem>>, vector<16xf32>,
      tpu.vector_store %arg10[%swap3A_84, %swap3A_85], %broadcast_in_dim3A_48 {strides = array<i32>} : memref<128x80xf32, #tpu.memory_space<vmem>>, vector<16xf32>,
      %swap3A_87 = arith.index_cast %scan3A_69 : i32 to index
      %swap3A_88 = arith.constant 48 : index
      %swap3A_89 = tpu.vector_load %arg9[%swap3A_87, %swap3A_88] {strides = array<i32>} : memref<128x80xf32, #tpu.memory_space<vmem>>, vector<16xf32>,
      tpu.vector_store %arg9[%swap3A_87, %swap3A_88], %broadcast_in_dim3A_48 {strides = array<i32>} : memref<128x80xf32, #tpu.memory_space<vmem>>, vector<16xf32>,
      %swap3A_90 = arith.index_cast %scan3A_69 : i32 to index
      %swap3A_91 = arith.constant 48 : index
      %swap3A_92 = tpu.vector_load %arg10[%swap3A_90, %swap3A_91] {strides = array<i32>} : memref<128x80xf32, #tpu.memory_space<vmem>>, vector<16xf32>,
      tpu.vector_store %arg10[%swap3A_90, %swap3A_91], %broadcast_in_dim3A_48 {strides = array<i32>} : memref<128x80xf32, #tpu.memory_space<vmem>>, vector<16xf32>,
      %swap3A_93 = arith.index_cast %scan3A_69 : i32 to index
      %swap3A_94 = arith.constant 64 : index
      %swap3A_95 = tpu.vector_load %arg9[%swap3A_93, %swap3A_94] {strides = array<i32>} : memref<128x80xf32, #tpu.memory_space<vmem>>, vector<16xf32>,
      tpu.vector_store %arg9[%swap3A_93, %swap3A_94], %broadcast_in_dim3A_48 {strides = array<i32>} : memref<128x80xf32, #tpu.memory_space<vmem>>, vector<16xf32>,
      %swap3A_96 = arith.index_cast %scan3A_69 : i32 to index
      %swap3A_97 = arith.constant 64 : index
      %swap3A_98 = tpu.vector_load %arg10[%swap3A_96, %swap3A_97] {strides = array<i32>} : memref<128x80xf32, #tpu.memory_space<vmem>>, vector<16xf32>,
      tpu.vector_store %arg10[%swap3A_96, %swap3A_97], %broadcast_in_dim3A_48 {strides = array<i32>} : memref<128x80xf32, #tpu.memory_space<vmem>>, vector<16xf32>,
    }
    %scan3A_54 = arith.constant 128 : i32
    %mul3A_55 = arith.constant 12544 : i32
    %mul3A_56 = arith.muli %add3A, %mul3A_55 : i32
    %scan3A_57 = arith.constant 0 : i32
    %scan3A_58 = arith.constant 0 : i32
    %scan3A_59 = arith.constant 49 : i32
    %scan3A_60 = arith.addi %scan3A_58, %scan3A_59 : i32
    %scan3A_61 = arith.constant 1 : i32
    scf.for %scan3A_69 = %scan3A_58 to %scan3A_60 step %scan3A_61  : i32 {
      %mul3A_70 = arith.constant 2 : i32
      %mul3A_71 = arith.muli %scan3A_69, %mul3A_70 : i32
      %add3A_72 = arith.constant 0 : i32
      %add3A_73 = arith.addi %mul3A_71, %add3A_72 : i32
      %gt3A = arith.constant 0 : i32
      %gt3A_74 = arith.cmpi sgt, %scan3A_69, %gt3A : i32
      %convert_element_type3A = arith.extui %gt3A_74 : i1 to i32
      %cond3A = arith.constant 0 : i32
      %cond3A_75 = arith.cmpi ne, %convert_element_type3A, %cond3A : i32
      scf.if %cond3A_75 {
        %dma_wait3A_102 = arith.constant 0 : i32
        %dma_wait3A_103 = arith.constant 0 : i32
        %dma_wait3A_104 = tpu.memref_slice %arg19[%dma_wait3A_102, %dma_wait3A_103] : memref<4096x80xf32, #tpu.memory_space<vmem_shared>> -> memref<4096x80xf32, #tpu.memory_space<vmem_shared>>
        tpu.wait_indirect_dma semaphore(%arg21 : memref<!tpu.dma_semaphore, #tpu.memory_space<semaphore_mem>>) src(%arg9 : memref<128x80xf32, #tpu.memory_space<vmem>>) dst(%dma_wait3A_104 : memref<4096x80xf32, #tpu.memory_space<vmem_shared>>)
      } else {
      }
      %scan3A_76 = arith.constant 0 : i32
      %scan3A_77 = arith.constant 0 : i32
      %scan3A_78 = arith.constant 8 : i32
      %scan3A_79 = arith.addi %scan3A_77, %scan3A_78 : i32
      %scan3A_80 = arith.constant 1 : i32
      scf.for %scan3A_102 = %scan3A_77 to %scan3A_79 step %scan3A_80  : i32 {
        %mul3A_103 = arith.constant 128 : i32
        %mul3A_104 = arith.muli %add3A_73, %mul3A_103 : i32
        %mul3A_105 = arith.constant 16 : i32
        %mul3A_106 = arith.muli %scan3A_102, %mul3A_105 : i32
        %add3A_107 = arith.addi %mul3A_104, %mul3A_106 : i32
        %get3A_108 = arith.constant 0 : i32
        %get3A_109 = arith.index_cast %get3A_108 : i32 to index
        %get3A_110 = arith.index_cast %add3A_107 : i32 to index
        %get3A_111 = tpu.vector_load %arg8[%get3A_109, %get3A_110] {strides = array<i32>} : memref<3x12544xf32, #tpu.memory_space<vmem>>, vector<16xf32>,
        %get3A_112 = arith.constant 1 : i32
        %get3A_113 = arith.index_cast %get3A_112 : i32 to index
        %get3A_114 = arith.index_cast %add3A_107 : i32 to index
        %get3A_115 = tpu.vector_load %arg8[%get3A_113, %get3A_114] {strides = array<i32>} : memref<3x12544xf32, #tpu.memory_space<vmem>>, vector<16xf32>,
        %get3A_116 = arith.constant 2 : i32
        %get3A_117 = arith.index_cast %get3A_116 : i32 to index
        %get3A_118 = arith.index_cast %add3A_107 : i32 to index
        %get3A_119 = tpu.vector_load %arg8[%get3A_117, %get3A_118] {strides = array<i32>} : memref<3x12544xf32, #tpu.memory_space<vmem>>, vector<16xf32>,
        %add3A_120 = arith.addi %mul3A_56, %add3A_107 : i32
        %add3A_121 = vector.broadcast %add3A_120 : i32 to vector<16xi32>
        %add3A_122 = arith.addi %add3A_121, %iota3A : vector<16xi32>
        %mul3A_123 = arith.constant 1.000000e+01 : f32
        %mul3A_124 = vector.broadcast %mul3A_123 : f32 to vector<16xf32>
        %mul3A_125 = arith.mulf %get3A_111, %mul3A_124 : vector<16xf32>
        %convert_element_type3A_126 = arith.fptosi %mul3A_125 : vector<16xf32> to vector<16xi32>
        %mul3A_127 = arith.constant 1.000000e+01 : f32
        %mul3A_128 = vector.broadcast %mul3A_127 : f32 to vector<16xf32>
        %mul3A_129 = arith.mulf %get3A_115, %mul3A_128 : vector<16xf32>
        %convert_element_type3A_130 = arith.fptosi %mul3A_129 : vector<16xf32> to vector<16xi32>
        %mul3A_131 = arith.constant 1.000000e+01 : f32
        %mul3A_132 = vector.broadcast %mul3A_131 : f32 to vector<16xf32>
        %mul3A_133 = arith.mulf %get3A_119, %mul3A_132 : vector<16xf32>
        %convert_element_type3A_134 = arith.fptosi %mul3A_133 : vector<16xf32> to vector<16xi32>
        %broadcast_in_dim3A_135 = arith.constant 0 : i32
        %broadcast_in_dim3A_136 = vector.broadcast %broadcast_in_dim3A_135 : i32 to vector<16xi32>
        %add3A_137 = arith.constant 9 : i32
        %add3A_138 = vector.broadcast %add3A_137 : i32 to vector<16xi32>
        %add3A_139 = arith.addi %broadcast_in_dim3A_136, %add3A_138 : vector<16xi32>
        %max3A = arith.maxsi %convert_element_type3A_126, %broadcast_in_dim3A_136 : vector<16xi32>
        %min3A = arith.minsi %max3A, %add3A_139 : vector<16xi32>
        %max3A_140 = arith.maxsi %convert_element_type3A_130, %broadcast_in_dim3A_136 : vector<16xi32>
        %min3A_141 = arith.minsi %max3A_140, %add3A_139 : vector<16xi32>
        %max3A_142 = arith.maxsi %convert_element_type3A_134, %broadcast_in_dim3A_136 : vector<16xi32>
        %min3A_143 = arith.minsi %max3A_142, %add3A_139 : vector<16xi32>
        %mul3A_144 = arith.constant 100 : i32
        %mul3A_145 = vector.broadcast %mul3A_144 : i32 to vector<16xi32>
        %mul3A_146 = arith.muli %min3A, %mul3A_145 : vector<16xi32>
        %mul3A_147 = arith.constant 10 : i32
        %mul3A_148 = vector.broadcast %mul3A_147 : i32 to vector<16xi32>
        %mul3A_149 = arith.muli %min3A_141, %mul3A_148 : vector<16xi32>
        %add3A_150 = arith.addi %mul3A_146, %mul3A_149 : vector<16xi32>
        %add3A_151 = arith.addi %add3A_150, %min3A_143 : vector<16xi32>
        %convert_element_type3A_152 = arith.sitofp %add3A_122 : vector<16xi32> to vector<16xf32>
        %mul3A_153 = arith.constant 9.99999974E-6 : f32
        %mul3A_154 = vector.broadcast %mul3A_153 : f32 to vector<16xf32>
        %mul3A_155 = arith.mulf %convert_element_type3A_152, %mul3A_154 : vector<16xf32>
        %convert_element_type3A_156 = arith.fptosi %mul3A_155 : vector<16xf32> to vector<16xi32>
        %mul3A_157 = arith.constant 1000 : i32
        %mul3A_158 = vector.broadcast %mul3A_157 : i32 to vector<16xi32>
        %mul3A_159 = arith.muli %convert_element_type3A_156, %mul3A_158 : vector<16xi32>
        %add3A_160 = arith.addi %add3A_151, %mul3A_159 : vector<16xi32>
        %mul3A_161 = arith.constant 16 : i32
        %mul3A_162 = arith.muli %scan3A_102, %mul3A_161 : i32
        %swap3A = arith.index_cast %mul3A_162 : i32 to index
        %swap3A_163 = tpu.vector_load %arg11[%swap3A] {strides = array<i32>} : memref<128xi32, #tpu.memory_space<vmem>>, vector<16xi32>,
        tpu.vector_store %arg11[%swap3A], %add3A_160 {strides = array<i32>} : memref<128xi32, #tpu.memory_space<vmem>>, vector<16xi32>,
        %mul3A_164 = arith.constant 4 : i32
        %mul3A_165 = vector.broadcast %mul3A_164 : i32 to vector<16xi32>
        %mul3A_166 = arith.muli %add3A_160, %mul3A_165 : vector<16xi32>
        %gather3A = tpu.vector_load_idx %arg16[%mul3A_166] : memref<16384xf32, #tpu.memory_space<vmem>>[vector<16xi32>], vector<16xf32>,
        %sub3A = arith.subf %get3A_111, %gather3A : vector<16xf32>
        %add3A_167 = arith.constant 1 : i32
        %add3A_168 = vector.broadcast %add3A_167 : i32 to vector<16xi32>
        %add3A_169 = arith.addi %mul3A_166, %add3A_168 : vector<16xi32>
        %gather3A_170 = tpu.vector_load_idx %arg16[%add3A_169] : memref<16384xf32, #tpu.memory_space<vmem>>[vector<16xi32>], vector<16xf32>,
        %sub3A_171 = arith.subf %get3A_115, %gather3A_170 : vector<16xf32>
        %add3A_172 = arith.constant 2 : i32
        %add3A_173 = vector.broadcast %add3A_172 : i32 to vector<16xi32>
        %add3A_174 = arith.addi %mul3A_166, %add3A_173 : vector<16xi32>
        %gather3A_175 = tpu.vector_load_idx %arg16[%add3A_174] : memref<16384xf32, #tpu.memory_space<vmem>>[vector<16xi32>], vector<16xf32>,
        %sub3A_176 = arith.subf %get3A_119, %gather3A_175 : vector<16xf32>
        %mul3A_177 = arith.constant 16 : i32
        %mul3A_178 = arith.muli %scan3A_102, %mul3A_177 : i32
        %add3A_179 = vector.broadcast %mul3A_178 : i32 to vector<16xi32>
        %add3A_180 = arith.addi %add3A_179, %iota3A : vector<16xi32>
        %mul3A_181 = arith.constant 0 : i32
        %mul3A_182 = vector.broadcast %mul3A_181 : i32 to vector<16xi32>
        %mul3A_183 = arith.muli %iota3A, %mul3A_182 : vector<16xi32>
        %add3A_184 = arith.constant 64 : i32
        %add3A_185 = vector.broadcast %add3A_184 : i32 to vector<16xi32>
        %add3A_186 = arith.addi %mul3A_183, %add3A_185 : vector<16xi32>
        %abs3A = math.absf %sub3A : vector<16xf32>
        tpu.vector_store_idx %arg9[%add3A_180, %add3A_186], %abs3A : memref<128x80xf32, #tpu.memory_space<vmem>>[vector<16xi32>, vector<16xi32>], vector<16xf32>,
        %mul3A_187 = arith.constant 0 : i32
        %mul3A_188 = vector.broadcast %mul3A_187 : i32 to vector<16xi32>
        %mul3A_189 = arith.muli %iota3A, %mul3A_188 : vector<16xi32>
        %add3A_190 = arith.constant 65 : i32
        %add3A_191 = vector.broadcast %add3A_190 : i32 to vector<16xi32>
        %add3A_192 = arith.addi %mul3A_189, %add3A_191 : vector<16xi32>
        %abs3A_193 = math.absf %sub3A_171 : vector<16xf32>
        tpu.vector_store_idx %arg9[%add3A_180, %add3A_192], %abs3A_193 : memref<128x80xf32, #tpu.memory_space<vmem>>[vector<16xi32>, vector<16xi32>], vector<16xf32>,
        %mul3A_194 = arith.constant 0 : i32
        %mul3A_195 = vector.broadcast %mul3A_194 : i32 to vector<16xi32>
        %mul3A_196 = arith.muli %iota3A, %mul3A_195 : vector<16xi32>
        %add3A_197 = arith.constant 66 : i32
        %add3A_198 = vector.broadcast %add3A_197 : i32 to vector<16xi32>
        %add3A_199 = arith.addi %mul3A_196, %add3A_198 : vector<16xi32>
        %abs3A_200 = math.absf %sub3A_176 : vector<16xf32>
        tpu.vector_store_idx %arg9[%add3A_180, %add3A_199], %abs3A_200 : memref<128x80xf32, #tpu.memory_space<vmem>>[vector<16xi32>, vector<16xi32>], vector<16xf32>,
        %slice3A = vector.extract_strided_slice %sub3A {offsets = [0], sizes = [1], strides = [1]} : vector<16xf32> to vector<1xf32>
        %squeeze3A = vector.extract %slice3A[0] : f32 from vector<1xf32>
        %slice3A_201 = vector.extract_strided_slice %sub3A_171 {offsets = [0], sizes = [1], strides = [1]} : vector<16xf32> to vector<1xf32>
        %squeeze3A_202 = vector.extract %slice3A_201[0] : f32 from vector<1xf32>
        %slice3A_203 = vector.extract_strided_slice %sub3A_176 {offsets = [0], sizes = [1], strides = [1]} : vector<16xf32> to vector<1xf32>
        %squeeze3A_204 = vector.extract %slice3A_203[0] : f32 from vector<1xf32>
        %mul3A_205 = vector.broadcast %squeeze3A : f32 to vector<16xf32>
        %mul3A_206 = arith.mulf %mul3A_205, %get3A_17 : vector<16xf32>
        %add3A_207 = arith.addf %get3A_41, %mul3A_206 : vector<16xf32>
        %mul3A_208 = vector.broadcast %squeeze3A_202 : f32 to vector<16xf32>
        %mul3A_209 = arith.mulf %mul3A_208, %get3A_25 : vector<16xf32>
        %add3A_210 = arith.addf %add3A_207, %mul3A_209 : vector<16xf32>
        %mul3A_211 = vector.broadcast %squeeze3A_204 : f32 to vector<16xf32>
        %mul3A_212 = arith.mulf %mul3A_211, %get3A_33 : vector<16xf32>
        %add3A_213 = arith.addf %add3A_210, %mul3A_212 : vector<16xf32>
        %max3A_214 = arith.constant 0.000000e+00 : f32
        %max3A_215 = vector.broadcast %max3A_214 : f32 to vector<16xf32>
        %max3A_216 = arith.maximumf %add3A_213, %max3A_215 : vector<16xf32>
        %mul3A_217 = arith.constant 16 : i32
        %mul3A_218 = arith.muli %scan3A_102, %mul3A_217 : i32
        %add3A_219 = arith.constant 0 : i32
        %add3A_220 = arith.addi %mul3A_218, %add3A_219 : i32
        %swap3A_221 = arith.index_cast %add3A_220 : i32 to index
        %swap3A_222 = arith.constant 0 : index
        %swap3A_223 = tpu.vector_load %arg9[%swap3A_221, %swap3A_222] {strides = array<i32>} : memref<128x80xf32, #tpu.memory_space<vmem>>, vector<16xf32>,
        tpu.vector_store %arg9[%swap3A_221, %swap3A_222], %max3A_216 {strides = array<i32>} : memref<128x80xf32, #tpu.memory_space<vmem>>, vector<16xf32>,
        %mul3A_224 = vector.broadcast %squeeze3A : f32 to vector<16xf32>
        %mul3A_225 = arith.mulf %mul3A_224, %get3A_19 : vector<16xf32>
        %add3A_226 = arith.addf %get3A_43, %mul3A_225 : vector<16xf32>
        %mul3A_227 = vector.broadcast %squeeze3A_202 : f32 to vector<16xf32>
        %mul3A_228 = arith.mulf %mul3A_227, %get3A_27 : vector<16xf32>
        %add3A_229 = arith.addf %add3A_226, %mul3A_228 : vector<16xf32>
        %mul3A_230 = vector.broadcast %squeeze3A_204 : f32 to vector<16xf32>
        %mul3A_231 = arith.mulf %mul3A_230, %get3A_35 : vector<16xf32>
        %add3A_232 = arith.addf %add3A_229, %mul3A_231 : vector<16xf32>
        %max3A_233 = arith.constant 0.000000e+00 : f32
        %max3A_234 = vector.broadcast %max3A_233 : f32 to vector<16xf32>
        %max3A_235 = arith.maximumf %add3A_232, %max3A_234 : vector<16xf32>
        %mul3A_236 = arith.constant 16 : i32
        %mul3A_237 = arith.muli %scan3A_102, %mul3A_236 : i32
        %add3A_238 = arith.constant 0 : i32
        %add3A_239 = arith.addi %mul3A_237, %add3A_238 : i32
        %swap3A_240 = arith.index_cast %add3A_239 : i32 to index
        %swap3A_241 = arith.constant 16 : index
        %swap3A_242 = tpu.vector_load %arg9[%swap3A_240, %swap3A_241] {strides = array<i32>} : memref<128x80xf32, #tpu.memory_space<vmem>>, vector<16xf32>,
        tpu.vector_store %arg9[%swap3A_240, %swap3A_241], %max3A_235 {strides = array<i32>} : memref<128x80xf32, #tpu.memory_space<vmem>>, vector<16xf32>,
        %mul3A_243 = vector.broadcast %squeeze3A : f32 to vector<16xf32>
        %mul3A_244 = arith.mulf %mul3A_243, %get3A_21 : vector<16xf32>
        %add3A_245 = arith.addf %get3A_45, %mul3A_244 : vector<16xf32>
        %mul3A_246 = vector.broadcast %squeeze3A_202 : f32 to vector<16xf32>
        %mul3A_247 = arith.mulf %mul3A_246, %get3A_29 : vector<16xf32>
        %add3A_248 = arith.addf %add3A_245, %mul3A_247 : vector<16xf32>
        %mul3A_249 = vector.broadcast %squeeze3A_204 : f32 to vector<16xf32>
        %mul3A_250 = arith.mulf %mul3A_249, %get3A_37 : vector<16xf32>
        %add3A_251 = arith.addf %add3A_248, %mul3A_250 : vector<16xf32>
        %max3A_252 = arith.constant 0.000000e+00 : f32
        %max3A_253 = vector.broadcast %max3A_252 : f32 to vector<16xf32>
        %max3A_254 = arith.maximumf %add3A_251, %max3A_253 : vector<16xf32>
        %mul3A_255 = arith.constant 16 : i32
        %mul3A_256 = arith.muli %scan3A_102, %mul3A_255 : i32
        %add3A_257 = arith.constant 0 : i32
        %add3A_258 = arith.addi %mul3A_256, %add3A_257 : i32
        %swap3A_259 = arith.index_cast %add3A_258 : i32 to index
        %swap3A_260 = arith.constant 32 : index
        %swap3A_261 = tpu.vector_load %arg9[%swap3A_259, %swap3A_260] {strides = array<i32>} : memref<128x80xf32, #tpu.memory_space<vmem>>, vector<16xf32>,
        tpu.vector_store %arg9[%swap3A_259, %swap3A_260], %max3A_254 {strides = array<i32>} : memref<128x80xf32, #tpu.memory_space<vmem>>, vector<16xf32>,
        %mul3A_262 = vector.broadcast %squeeze3A : f32 to vector<16xf32>
        %mul3A_263 = arith.mulf %mul3A_262, %get3A_23 : vector<16xf32>
        %add3A_264 = arith.addf %get3A_47, %mul3A_263 : vector<16xf32>
        %mul3A_265 = vector.broadcast %squeeze3A_202 : f32 to vector<16xf32>
        %mul3A_266 = arith.mulf %mul3A_265, %get3A_31 : vector<16xf32>
        %add3A_267 = arith.addf %add3A_264, %mul3A_266 : vector<16xf32>
        %mul3A_268 = vector.broadcast %squeeze3A_204 : f32 to vector<16xf32>
        %mul3A_269 = arith.mulf %mul3A_268, %get3A_39 : vector<16xf32>
        %add3A_270 = arith.addf %add3A_267, %mul3A_269 : vector<16xf32>
        %max3A_271 = arith.constant 0.000000e+00 : f32
        %max3A_272 = vector.broadcast %max3A_271 : f32 to vector<16xf32>
        %max3A_273 = arith.maximumf %add3A_270, %max3A_272 : vector<16xf32>
        %mul3A_274 = arith.constant 16 : i32
        %mul3A_275 = arith.muli %scan3A_102, %mul3A_274 : i32
        %add3A_276 = arith.constant 0 : i32
        %add3A_277 = arith.addi %mul3A_275, %add3A_276 : i32
        %swap3A_278 = arith.index_cast %add3A_277 : i32 to index
        %swap3A_279 = arith.constant 48 : index
        %swap3A_280 = tpu.vector_load %arg9[%swap3A_278, %swap3A_279] {strides = array<i32>} : memref<128x80xf32, #tpu.memory_space<vmem>>, vector<16xf32>,
        tpu.vector_store %arg9[%swap3A_278, %swap3A_279], %max3A_273 {strides = array<i32>} : memref<128x80xf32, #tpu.memory_space<vmem>>, vector<16xf32>,
        %slice3A_281 = vector.extract_strided_slice %sub3A {offsets = [1], sizes = [1], strides = [1]} : vector<16xf32> to vector<1xf32>
        %squeeze3A_282 = vector.extract %slice3A_281[0] : f32 from vector<1xf32>
        %slice3A_283 = vector.extract_strided_slice %sub3A_171 {offsets = [1], sizes = [1], strides = [1]} : vector<16xf32> to vector<1xf32>
        %squeeze3A_284 = vector.extract %slice3A_283[0] : f32 from vector<1xf32>
        %slice3A_285 = vector.extract_strided_slice %sub3A_176 {offsets = [1], sizes = [1], strides = [1]} : vector<16xf32> to vector<1xf32>
        %squeeze3A_286 = vector.extract %slice3A_285[0] : f32 from vector<1xf32>
        %mul3A_287 = vector.broadcast %squeeze3A_282 : f32 to vector<16xf32>
        %mul3A_288 = arith.mulf %mul3A_287, %get3A_17 : vector<16xf32>
        %add3A_289 = arith.addf %get3A_41, %mul3A_288 : vector<16xf32>
        %mul3A_290 = vector.broadcast %squeeze3A_284 : f32 to vector<16xf32>
        %mul3A_291 = arith.mulf %mul3A_290, %get3A_25 : vector<16xf32>
        %add3A_292 = arith.addf %add3A_289, %mul3A_291 : vector<16xf32>
        %mul3A_293 = vector.broadcast %squeeze3A_286 : f32 to vector<16xf32>
        %mul3A_294 = arith.mulf %mul3A_293, %get3A_33 : vector<16xf32>
        %add3A_295 = arith.addf %add3A_292, %mul3A_294 : vector<16xf32>
        %max3A_296 = arith.constant 0.000000e+00 : f32
        %max3A_297 = vector.broadcast %max3A_296 : f32 to vector<16xf32>
        %max3A_298 = arith.maximumf %add3A_295, %max3A_297 : vector<16xf32>
        %mul3A_299 = arith.constant 16 : i32
        %mul3A_300 = arith.muli %scan3A_102, %mul3A_299 : i32
        %add3A_301 = arith.constant 1 : i32
        %add3A_302 = arith.addi %mul3A_300, %add3A_301 : i32
        %swap3A_303 = arith.index_cast %add3A_302 : i32 to index
        %swap3A_304 = arith.constant 0 : index
        %swap3A_305 = tpu.vector_load %arg9[%swap3A_303, %swap3A_304] {strides = array<i32>} : memref<128x80xf32, #tpu.memory_space<vmem>>, vector<16xf32>,
        tpu.vector_store %arg9[%swap3A_303, %swap3A_304], %max3A_298 {strides = array<i32>} : memref<128x80xf32, #tpu.memory_space<vmem>>, vector<16xf32>,
        %mul3A_306 = vector.broadcast %squeeze3A_282 : f32 to vector<16xf32>
        %mul3A_307 = arith.mulf %mul3A_306, %get3A_19 : vector<16xf32>
        %add3A_308 = arith.addf %get3A_43, %mul3A_307 : vector<16xf32>
        %mul3A_309 = vector.broadcast %squeeze3A_284 : f32 to vector<16xf32>
        %mul3A_310 = arith.mulf %mul3A_309, %get3A_27 : vector<16xf32>
        %add3A_311 = arith.addf %add3A_308, %mul3A_310 : vector<16xf32>
        %mul3A_312 = vector.broadcast %squeeze3A_286 : f32 to vector<16xf32>
        %mul3A_313 = arith.mulf %mul3A_312, %get3A_35 : vector<16xf32>
        %add3A_314 = arith.addf %add3A_311, %mul3A_313 : vector<16xf32>
        %max3A_315 = arith.constant 0.000000e+00 : f32
        %max3A_316 = vector.broadcast %max3A_315 : f32 to vector<16xf32>
        %max3A_317 = arith.maximumf %add3A_314, %max3A_316 : vector<16xf32>
        %mul3A_318 = arith.constant 16 : i32
        %mul3A_319 = arith.muli %scan3A_102, %mul3A_318 : i32
        %add3A_320 = arith.constant 1 : i32
        %add3A_321 = arith.addi %mul3A_319, %add3A_320 : i32
        %swap3A_322 = arith.index_cast %add3A_321 : i32 to index
        %swap3A_323 = arith.constant 16 : index
        %swap3A_324 = tpu.vector_load %arg9[%swap3A_322, %swap3A_323] {strides = array<i32>} : memref<128x80xf32, #tpu.memory_space<vmem>>, vector<16xf32>,
        tpu.vector_store %arg9[%swap3A_322, %swap3A_323], %max3A_317 {strides = array<i32>} : memref<128x80xf32, #tpu.memory_space<vmem>>, vector<16xf32>,
        %mul3A_325 = vector.broadcast %squeeze3A_282 : f32 to vector<16xf32>
        %mul3A_326 = arith.mulf %mul3A_325, %get3A_21 : vector<16xf32>
        %add3A_327 = arith.addf %get3A_45, %mul3A_326 : vector<16xf32>
        %mul3A_328 = vector.broadcast %squeeze3A_284 : f32 to vector<16xf32>
        %mul3A_329 = arith.mulf %mul3A_328, %get3A_29 : vector<16xf32>
        %add3A_330 = arith.addf %add3A_327, %mul3A_329 : vector<16xf32>
        %mul3A_331 = vector.broadcast %squeeze3A_286 : f32 to vector<16xf32>
        %mul3A_332 = arith.mulf %mul3A_331, %get3A_37 : vector<16xf32>
        %add3A_333 = arith.addf %add3A_330, %mul3A_332 : vector<16xf32>
        %max3A_334 = arith.constant 0.000000e+00 : f32
        %max3A_335 = vector.broadcast %max3A_334 : f32 to vector<16xf32>
        %max3A_336 = arith.maximumf %add3A_333, %max3A_335 : vector<16xf32>
        %mul3A_337 = arith.constant 16 : i32
        %mul3A_338 = arith.muli %scan3A_102, %mul3A_337 : i32
        %add3A_339 = arith.constant 1 : i32
        %add3A_340 = arith.addi %mul3A_338, %add3A_339 : i32
        %swap3A_341 = arith.index_cast %add3A_340 : i32 to index
        %swap3A_342 = arith.constant 32 : index
        %swap3A_343 = tpu.vector_load %arg9[%swap3A_341, %swap3A_342] {strides = array<i32>} : memref<128x80xf32, #tpu.memory_space<vmem>>, vector<16xf32>,
        tpu.vector_store %arg9[%swap3A_341, %swap3A_342], %max3A_336 {strides = array<i32>} : memref<128x80xf32, #tpu.memory_space<vmem>>, vector<16xf32>,
        %mul3A_344 = vector.broadcast %squeeze3A_282 : f32 to vector<16xf32>
        %mul3A_345 = arith.mulf %mul3A_344, %get3A_23 : vector<16xf32>
        %add3A_346 = arith.addf %get3A_47, %mul3A_345 : vector<16xf32>
        %mul3A_347 = vector.broadcast %squeeze3A_284 : f32 to vector<16xf32>
        %mul3A_348 = arith.mulf %mul3A_347, %get3A_31 : vector<16xf32>
        %add3A_349 = arith.addf %add3A_346, %mul3A_348 : vector<16xf32>
        %mul3A_350 = vector.broadcast %squeeze3A_286 : f32 to vector<16xf32>
        %mul3A_351 = arith.mulf %mul3A_350, %get3A_39 : vector<16xf32>
        %add3A_352 = arith.addf %add3A_349, %mul3A_351 : vector<16xf32>
        %max3A_353 = arith.constant 0.000000e+00 : f32
        %max3A_354 = vector.broadcast %max3A_353 : f32 to vector<16xf32>
        %max3A_355 = arith.maximumf %add3A_352, %max3A_354 : vector<16xf32>
        %mul3A_356 = arith.constant 16 : i32
        %mul3A_357 = arith.muli %scan3A_102, %mul3A_356 : i32
        %add3A_358 = arith.constant 1 : i32
        %add3A_359 = arith.addi %mul3A_357, %add3A_358 : i32
        %swap3A_360 = arith.index_cast %add3A_359 : i32 to index
        %swap3A_361 = arith.constant 48 : index
        %swap3A_362 = tpu.vector_load %arg9[%swap3A_360, %swap3A_361] {strides = array<i32>} : memref<128x80xf32, #tpu.memory_space<vmem>>, vector<16xf32>,
        tpu.vector_store %arg9[%swap3A_360, %swap3A_361], %max3A_355 {strides = array<i32>} : memref<128x80xf32, #tpu.memory_space<vmem>>, vector<16xf32>,
        %slice3A_363 = vector.extract_strided_slice %sub3A {offsets = [2], sizes = [1], strides = [1]} : vector<16xf32> to vector<1xf32>
        %squeeze3A_364 = vector.extract %slice3A_363[0] : f32 from vector<1xf32>
        %slice3A_365 = vector.extract_strided_slice %sub3A_171 {offsets = [2], sizes = [1], strides = [1]} : vector<16xf32> to vector<1xf32>
        %squeeze3A_366 = vector.extract %slice3A_365[0] : f32 from vector<1xf32>
        %slice3A_367 = vector.extract_strided_slice %sub3A_176 {offsets = [2], sizes = [1], strides = [1]} : vector<16xf32> to vector<1xf32>
        %squeeze3A_368 = vector.extract %slice3A_367[0] : f32 from vector<1xf32>
        %mul3A_369 = vector.broadcast %squeeze3A_364 : f32 to vector<16xf32>
        %mul3A_370 = arith.mulf %mul3A_369, %get3A_17 : vector<16xf32>
        %add3A_371 = arith.addf %get3A_41, %mul3A_370 : vector<16xf32>
        %mul3A_372 = vector.broadcast %squeeze3A_366 : f32 to vector<16xf32>
        %mul3A_373 = arith.mulf %mul3A_372, %get3A_25 : vector<16xf32>
        %add3A_374 = arith.addf %add3A_371, %mul3A_373 : vector<16xf32>
        %mul3A_375 = vector.broadcast %squeeze3A_368 : f32 to vector<16xf32>
        %mul3A_376 = arith.mulf %mul3A_375, %get3A_33 : vector<16xf32>
        %add3A_377 = arith.addf %add3A_374, %mul3A_376 : vector<16xf32>
        %max3A_378 = arith.constant 0.000000e+00 : f32
        %max3A_379 = vector.broadcast %max3A_378 : f32 to vector<16xf32>
        %max3A_380 = arith.maximumf %add3A_377, %max3A_379 : vector<16xf32>
        %mul3A_381 = arith.constant 16 : i32
        %mul3A_382 = arith.muli %scan3A_102, %mul3A_381 : i32
        %add3A_383 = arith.constant 2 : i32
        %add3A_384 = arith.addi %mul3A_382, %add3A_383 : i32
        %swap3A_385 = arith.index_cast %add3A_384 : i32 to index
        %swap3A_386 = arith.constant 0 : index
        %swap3A_387 = tpu.vector_load %arg9[%swap3A_385, %swap3A_386] {strides = array<i32>} : memref<128x80xf32, #tpu.memory_space<vmem>>, vector<16xf32>,
        tpu.vector_store %arg9[%swap3A_385, %swap3A_386], %max3A_380 {strides = array<i32>} : memref<128x80xf32, #tpu.memory_space<vmem>>, vector<16xf32>,
        %mul3A_388 = vector.broadcast %squeeze3A_364 : f32 to vector<16xf32>
        %mul3A_389 = arith.mulf %mul3A_388, %get3A_19 : vector<16xf32>
        %add3A_390 = arith.addf %get3A_43, %mul3A_389 : vector<16xf32>
        %mul3A_391 = vector.broadcast %squeeze3A_366 : f32 to vector<16xf32>
        %mul3A_392 = arith.mulf %mul3A_391, %get3A_27 : vector<16xf32>
        %add3A_393 = arith.addf %add3A_390, %mul3A_392 : vector<16xf32>
        %mul3A_394 = vector.broadcast %squeeze3A_368 : f32 to vector<16xf32>
        %mul3A_395 = arith.mulf %mul3A_394, %get3A_35 : vector<16xf32>
        %add3A_396 = arith.addf %add3A_393, %mul3A_395 : vector<16xf32>
        %max3A_397 = arith.constant 0.000000e+00 : f32
        %max3A_398 = vector.broadcast %max3A_397 : f32 to vector<16xf32>
        %max3A_399 = arith.maximumf %add3A_396, %max3A_398 : vector<16xf32>
        %mul3A_400 = arith.constant 16 : i32
        %mul3A_401 = arith.muli %scan3A_102, %mul3A_400 : i32
        %add3A_402 = arith.constant 2 : i32
        %add3A_403 = arith.addi %mul3A_401, %add3A_402 : i32
        %swap3A_404 = arith.index_cast %add3A_403 : i32 to index
        %swap3A_405 = arith.constant 16 : index
        %swap3A_406 = tpu.vector_load %arg9[%swap3A_404, %swap3A_405] {strides = array<i32>} : memref<128x80xf32, #tpu.memory_space<vmem>>, vector<16xf32>,
        tpu.vector_store %arg9[%swap3A_404, %swap3A_405], %max3A_399 {strides = array<i32>} : memref<128x80xf32, #tpu.memory_space<vmem>>, vector<16xf32>,
        %mul3A_407 = vector.broadcast %squeeze3A_364 : f32 to vector<16xf32>
        %mul3A_408 = arith.mulf %mul3A_407, %get3A_21 : vector<16xf32>
        %add3A_409 = arith.addf %get3A_45, %mul3A_408 : vector<16xf32>
        %mul3A_410 = vector.broadcast %squeeze3A_366 : f32 to vector<16xf32>
        %mul3A_411 = arith.mulf %mul3A_410, %get3A_29 : vector<16xf32>
        %add3A_412 = arith.addf %add3A_409, %mul3A_411 : vector<16xf32>
        %mul3A_413 = vector.broadcast %squeeze3A_368 : f32 to vector<16xf32>
        %mul3A_414 = arith.mulf %mul3A_413, %get3A_37 : vector<16xf32>
        %add3A_415 = arith.addf %add3A_412, %mul3A_414 : vector<16xf32>
        %max3A_416 = arith.constant 0.000000e+00 : f32
        %max3A_417 = vector.broadcast %max3A_416 : f32 to vector<16xf32>
        %max3A_418 = arith.maximumf %add3A_415, %max3A_417 : vector<16xf32>
        %mul3A_419 = arith.constant 16 : i32
        %mul3A_420 = arith.muli %scan3A_102, %mul3A_419 : i32
        %add3A_421 = arith.constant 2 : i32
        %add3A_422 = arith.addi %mul3A_420, %add3A_421 : i32
        %swap3A_423 = arith.index_cast %add3A_422 : i32 to index
        %swap3A_424 = arith.constant 32 : index
        %swap3A_425 = tpu.vector_load %arg9[%swap3A_423, %swap3A_424] {strides = array<i32>} : memref<128x80xf32, #tpu.memory_space<vmem>>, vector<16xf32>,
        tpu.vector_store %arg9[%swap3A_423, %swap3A_424], %max3A_418 {strides = array<i32>} : memref<128x80xf32, #tpu.memory_space<vmem>>, vector<16xf32>,
        %mul3A_426 = vector.broadcast %squeeze3A_364 : f32 to vector<16xf32>
        %mul3A_427 = arith.mulf %mul3A_426, %get3A_23 : vector<16xf32>
        %add3A_428 = arith.addf %get3A_47, %mul3A_427 : vector<16xf32>
        %mul3A_429 = vector.broadcast %squeeze3A_366 : f32 to vector<16xf32>
        %mul3A_430 = arith.mulf %mul3A_429, %get3A_31 : vector<16xf32>
        %add3A_431 = arith.addf %add3A_428, %mul3A_430 : vector<16xf32>
        %mul3A_432 = vector.broadcast %squeeze3A_368 : f32 to vector<16xf32>
        %mul3A_433 = arith.mulf %mul3A_432, %get3A_39 : vector<16xf32>
        %add3A_434 = arith.addf %add3A_431, %mul3A_433 : vector<16xf32>
        %max3A_435 = arith.constant 0.000000e+00 : f32
        %max3A_436 = vector.broadcast %max3A_435 : f32 to vector<16xf32>
        %max3A_437 = arith.maximumf %add3A_434, %max3A_436 : vector<16xf32>
        %mul3A_438 = arith.constant 16 : i32
        %mul3A_439 = arith.muli %scan3A_102, %mul3A_438 : i32
        %add3A_440 = arith.constant 2 : i32
        %add3A_441 = arith.addi %mul3A_439, %add3A_440 : i32
        %swap3A_442 = arith.index_cast %add3A_441 : i32 to index
        %swap3A_443 = arith.constant 48 : index
        %swap3A_444 = tpu.vector_load %arg9[%swap3A_442, %swap3A_443] {strides = array<i32>} : memref<128x80xf32, #tpu.memory_space<vmem>>, vector<16xf32>,
        tpu.vector_store %arg9[%swap3A_442, %swap3A_443], %max3A_437 {strides = array<i32>} : memref<128x80xf32, #tpu.memory_space<vmem>>, vector<16xf32>,
        %slice3A_445 = vector.extract_strided_slice %sub3A {offsets = [3], sizes = [1], strides = [1]} : vector<16xf32> to vector<1xf32>
        %squeeze3A_446 = vector.extract %slice3A_445[0] : f32 from vector<1xf32>
        %slice3A_447 = vector.extract_strided_slice %sub3A_171 {offsets = [3], sizes = [1], strides = [1]} : vector<16xf32> to vector<1xf32>
        %squeeze3A_448 = vector.extract %slice3A_447[0] : f32 from vector<1xf32>
        %slice3A_449 = vector.extract_strided_slice %sub3A_176 {offsets = [3], sizes = [1], strides = [1]} : vector<16xf32> to vector<1xf32>
        %squeeze3A_450 = vector.extract %slice3A_449[0] : f32 from vector<1xf32>
        %mul3A_451 = vector.broadcast %squeeze3A_446 : f32 to vector<16xf32>
        %mul3A_452 = arith.mulf %mul3A_451, %get3A_17 : vector<16xf32>
        %add3A_453 = arith.addf %get3A_41, %mul3A_452 : vector<16xf32>
        %mul3A_454 = vector.broadcast %squeeze3A_448 : f32 to vector<16xf32>
        %mul3A_455 = arith.mulf %mul3A_454, %get3A_25 : vector<16xf32>
        %add3A_456 = arith.addf %add3A_453, %mul3A_455 : vector<16xf32>
        %mul3A_457 = vector.broadcast %squeeze3A_450 : f32 to vector<16xf32>
        %mul3A_458 = arith.mulf %mul3A_457, %get3A_33 : vector<16xf32>
        %add3A_459 = arith.addf %add3A_456, %mul3A_458 : vector<16xf32>
        %max3A_460 = arith.constant 0.000000e+00 : f32
        %max3A_461 = vector.broadcast %max3A_460 : f32 to vector<16xf32>
        %max3A_462 = arith.maximumf %add3A_459, %max3A_461 : vector<16xf32>
        %mul3A_463 = arith.constant 16 : i32
        %mul3A_464 = arith.muli %scan3A_102, %mul3A_463 : i32
        %add3A_465 = arith.constant 3 : i32
        %add3A_466 = arith.addi %mul3A_464, %add3A_465 : i32
        %swap3A_467 = arith.index_cast %add3A_466 : i32 to index
        %swap3A_468 = arith.constant 0 : index
        %swap3A_469 = tpu.vector_load %arg9[%swap3A_467, %swap3A_468] {strides = array<i32>} : memref<128x80xf32, #tpu.memory_space<vmem>>, vector<16xf32>,
        tpu.vector_store %arg9[%swap3A_467, %swap3A_468], %max3A_462 {strides = array<i32>} : memref<128x80xf32, #tpu.memory_space<vmem>>, vector<16xf32>,
        %mul3A_470 = vector.broadcast %squeeze3A_446 : f32 to vector<16xf32>
        %mul3A_471 = arith.mulf %mul3A_470, %get3A_19 : vector<16xf32>
        %add3A_472 = arith.addf %get3A_43, %mul3A_471 : vector<16xf32>
        %mul3A_473 = vector.broadcast %squeeze3A_448 : f32 to vector<16xf32>
        %mul3A_474 = arith.mulf %mul3A_473, %get3A_27 : vector<16xf32>
        %add3A_475 = arith.addf %add3A_472, %mul3A_474 : vector<16xf32>
        %mul3A_476 = vector.broadcast %squeeze3A_450 : f32 to vector<16xf32>
        %mul3A_477 = arith.mulf %mul3A_476, %get3A_35 : vector<16xf32>
        %add3A_478 = arith.addf %add3A_475, %mul3A_477 : vector<16xf32>
        %max3A_479 = arith.constant 0.000000e+00 : f32
        %max3A_480 = vector.broadcast %max3A_479 : f32 to vector<16xf32>
        %max3A_481 = arith.maximumf %add3A_478, %max3A_480 : vector<16xf32>
        %mul3A_482 = arith.constant 16 : i32
        %mul3A_483 = arith.muli %scan3A_102, %mul3A_482 : i32
        %add3A_484 = arith.constant 3 : i32
        %add3A_485 = arith.addi %mul3A_483, %add3A_484 : i32
        %swap3A_486 = arith.index_cast %add3A_485 : i32 to index
        %swap3A_487 = arith.constant 16 : index
        %swap3A_488 = tpu.vector_load %arg9[%swap3A_486, %swap3A_487] {strides = array<i32>} : memref<128x80xf32, #tpu.memory_space<vmem>>, vector<16xf32>,
        tpu.vector_store %arg9[%swap3A_486, %swap3A_487], %max3A_481 {strides = array<i32>} : memref<128x80xf32, #tpu.memory_space<vmem>>, vector<16xf32>,
        %mul3A_489 = vector.broadcast %squeeze3A_446 : f32 to vector<16xf32>
        %mul3A_490 = arith.mulf %mul3A_489, %get3A_21 : vector<16xf32>
        %add3A_491 = arith.addf %get3A_45, %mul3A_490 : vector<16xf32>
        %mul3A_492 = vector.broadcast %squeeze3A_448 : f32 to vector<16xf32>
        %mul3A_493 = arith.mulf %mul3A_492, %get3A_29 : vector<16xf32>
        %add3A_494 = arith.addf %add3A_491, %mul3A_493 : vector<16xf32>
        %mul3A_495 = vector.broadcast %squeeze3A_450 : f32 to vector<16xf32>
        %mul3A_496 = arith.mulf %mul3A_495, %get3A_37 : vector<16xf32>
        %add3A_497 = arith.addf %add3A_494, %mul3A_496 : vector<16xf32>
        %max3A_498 = arith.constant 0.000000e+00 : f32
        %max3A_499 = vector.broadcast %max3A_498 : f32 to vector<16xf32>
        %max3A_500 = arith.maximumf %add3A_497, %max3A_499 : vector<16xf32>
        %mul3A_501 = arith.constant 16 : i32
        %mul3A_502 = arith.muli %scan3A_102, %mul3A_501 : i32
        %add3A_503 = arith.constant 3 : i32
        %add3A_504 = arith.addi %mul3A_502, %add3A_503 : i32
        %swap3A_505 = arith.index_cast %add3A_504 : i32 to index
        %swap3A_506 = arith.constant 32 : index
        %swap3A_507 = tpu.vector_load %arg9[%swap3A_505, %swap3A_506] {strides = array<i32>} : memref<128x80xf32, #tpu.memory_space<vmem>>, vector<16xf32>,
        tpu.vector_store %arg9[%swap3A_505, %swap3A_506], %max3A_500 {strides = array<i32>} : memref<128x80xf32, #tpu.memory_space<vmem>>, vector<16xf32>,
        %mul3A_508 = vector.broadcast %squeeze3A_446 : f32 to vector<16xf32>
        %mul3A_509 = arith.mulf %mul3A_508, %get3A_23 : vector<16xf32>
        %add3A_510 = arith.addf %get3A_47, %mul3A_509 : vector<16xf32>
        %mul3A_511 = vector.broadcast %squeeze3A_448 : f32 to vector<16xf32>
        %mul3A_512 = arith.mulf %mul3A_511, %get3A_31 : vector<16xf32>
        %add3A_513 = arith.addf %add3A_510, %mul3A_512 : vector<16xf32>
        %mul3A_514 = vector.broadcast %squeeze3A_450 : f32 to vector<16xf32>
        %mul3A_515 = arith.mulf %mul3A_514, %get3A_39 : vector<16xf32>
        %add3A_516 = arith.addf %add3A_513, %mul3A_515 : vector<16xf32>
        %max3A_517 = arith.constant 0.000000e+00 : f32
        %max3A_518 = vector.broadcast %max3A_517 : f32 to vector<16xf32>
        %max3A_519 = arith.maximumf %add3A_516, %max3A_518 : vector<16xf32>
        %mul3A_520 = arith.constant 16 : i32
        %mul3A_521 = arith.muli %scan3A_102, %mul3A_520 : i32
        %add3A_522 = arith.constant 3 : i32
        %add3A_523 = arith.addi %mul3A_521, %add3A_522 : i32
        %swap3A_524 = arith.index_cast %add3A_523 : i32 to index
        %swap3A_525 = arith.constant 48 : index
        %swap3A_526 = tpu.vector_load %arg9[%swap3A_524, %swap3A_525] {strides = array<i32>} : memref<128x80xf32, #tpu.memory_space<vmem>>, vector<16xf32>,
        tpu.vector_store %arg9[%swap3A_524, %swap3A_525], %max3A_519 {strides = array<i32>} : memref<128x80xf32, #tpu.memory_space<vmem>>, vector<16xf32>,
        %slice3A_527 = vector.extract_strided_slice %sub3A {offsets = [4], sizes = [1], strides = [1]} : vector<16xf32> to vector<1xf32>
        %squeeze3A_528 = vector.extract %slice3A_527[0] : f32 from vector<1xf32>
        %slice3A_529 = vector.extract_strided_slice %sub3A_171 {offsets = [4], sizes = [1], strides = [1]} : vector<16xf32> to vector<1xf32>
        %squeeze3A_530 = vector.extract %slice3A_529[0] : f32 from vector<1xf32>
        %slice3A_531 = vector.extract_strided_slice %sub3A_176 {offsets = [4], sizes = [1], strides = [1]} : vector<16xf32> to vector<1xf32>
        %squeeze3A_532 = vector.extract %slice3A_531[0] : f32 from vector<1xf32>
        %mul3A_533 = vector.broadcast %squeeze3A_528 : f32 to vector<16xf32>
        %mul3A_534 = arith.mulf %mul3A_533, %get3A_17 : vector<16xf32>
        %add3A_535 = arith.addf %get3A_41, %mul3A_534 : vector<16xf32>
        %mul3A_536 = vector.broadcast %squeeze3A_530 : f32 to vector<16xf32>
        %mul3A_537 = arith.mulf %mul3A_536, %get3A_25 : vector<16xf32>
        %add3A_538 = arith.addf %add3A_535, %mul3A_537 : vector<16xf32>
        %mul3A_539 = vector.broadcast %squeeze3A_532 : f32 to vector<16xf32>
        %mul3A_540 = arith.mulf %mul3A_539, %get3A_33 : vector<16xf32>
        %add3A_541 = arith.addf %add3A_538, %mul3A_540 : vector<16xf32>
        %max3A_542 = arith.constant 0.000000e+00 : f32
        %max3A_543 = vector.broadcast %max3A_542 : f32 to vector<16xf32>
        %max3A_544 = arith.maximumf %add3A_541, %max3A_543 : vector<16xf32>
        %mul3A_545 = arith.constant 16 : i32
        %mul3A_546 = arith.muli %scan3A_102, %mul3A_545 : i32
        %add3A_547 = arith.constant 4 : i32
        %add3A_548 = arith.addi %mul3A_546, %add3A_547 : i32
        %swap3A_549 = arith.index_cast %add3A_548 : i32 to index
        %swap3A_550 = arith.constant 0 : index
        %swap3A_551 = tpu.vector_load %arg9[%swap3A_549, %swap3A_550] {strides = array<i32>} : memref<128x80xf32, #tpu.memory_space<vmem>>, vector<16xf32>,
        tpu.vector_store %arg9[%swap3A_549, %swap3A_550], %max3A_544 {strides = array<i32>} : memref<128x80xf32, #tpu.memory_space<vmem>>, vector<16xf32>,
        %mul3A_552 = vector.broadcast %squeeze3A_528 : f32 to vector<16xf32>
        %mul3A_553 = arith.mulf %mul3A_552, %get3A_19 : vector<16xf32>
        %add3A_554 = arith.addf %get3A_43, %mul3A_553 : vector<16xf32>
        %mul3A_555 = vector.broadcast %squeeze3A_530 : f32 to vector<16xf32>
        %mul3A_556 = arith.mulf %mul3A_555, %get3A_27 : vector<16xf32>
        %add3A_557 = arith.addf %add3A_554, %mul3A_556 : vector<16xf32>
        %mul3A_558 = vector.broadcast %squeeze3A_532 : f32 to vector<16xf32>
        %mul3A_559 = arith.mulf %mul3A_558, %get3A_35 : vector<16xf32>
        %add3A_560 = arith.addf %add3A_557, %mul3A_559 : vector<16xf32>
        %max3A_561 = arith.constant 0.000000e+00 : f32
        %max3A_562 = vector.broadcast %max3A_561 : f32 to vector<16xf32>
        %max3A_563 = arith.maximumf %add3A_560, %max3A_562 : vector<16xf32>
        %mul3A_564 = arith.constant 16 : i32
        %mul3A_565 = arith.muli %scan3A_102, %mul3A_564 : i32
        %add3A_566 = arith.constant 4 : i32
        %add3A_567 = arith.addi %mul3A_565, %add3A_566 : i32
        %swap3A_568 = arith.index_cast %add3A_567 : i32 to index
        %swap3A_569 = arith.constant 16 : index
        %swap3A_570 = tpu.vector_load %arg9[%swap3A_568, %swap3A_569] {strides = array<i32>} : memref<128x80xf32, #tpu.memory_space<vmem>>, vector<16xf32>,
        tpu.vector_store %arg9[%swap3A_568, %swap3A_569], %max3A_563 {strides = array<i32>} : memref<128x80xf32, #tpu.memory_space<vmem>>, vector<16xf32>,
        %mul3A_571 = vector.broadcast %squeeze3A_528 : f32 to vector<16xf32>
        %mul3A_572 = arith.mulf %mul3A_571, %get3A_21 : vector<16xf32>
        %add3A_573 = arith.addf %get3A_45, %mul3A_572 : vector<16xf32>
        %mul3A_574 = vector.broadcast %squeeze3A_530 : f32 to vector<16xf32>
        %mul3A_575 = arith.mulf %mul3A_574, %get3A_29 : vector<16xf32>
        %add3A_576 = arith.addf %add3A_573, %mul3A_575 : vector<16xf32>
        %mul3A_577 = vector.broadcast %squeeze3A_532 : f32 to vector<16xf32>
        %mul3A_578 = arith.mulf %mul3A_577, %get3A_37 : vector<16xf32>
        %add3A_579 = arith.addf %add3A_576, %mul3A_578 : vector<16xf32>
        %max3A_580 = arith.constant 0.000000e+00 : f32
        %max3A_581 = vector.broadcast %max3A_580 : f32 to vector<16xf32>
        %max3A_582 = arith.maximumf %add3A_579, %max3A_581 : vector<16xf32>
        %mul3A_583 = arith.constant 16 : i32
        %mul3A_584 = arith.muli %scan3A_102, %mul3A_583 : i32
        %add3A_585 = arith.constant 4 : i32
        %add3A_586 = arith.addi %mul3A_584, %add3A_585 : i32
        %swap3A_587 = arith.index_cast %add3A_586 : i32 to index
        %swap3A_588 = arith.constant 32 : index
        %swap3A_589 = tpu.vector_load %arg9[%swap3A_587, %swap3A_588] {strides = array<i32>} : memref<128x80xf32, #tpu.memory_space<vmem>>, vector<16xf32>,
        tpu.vector_store %arg9[%swap3A_587, %swap3A_588], %max3A_582 {strides = array<i32>} : memref<128x80xf32, #tpu.memory_space<vmem>>, vector<16xf32>,
        %mul3A_590 = vector.broadcast %squeeze3A_528 : f32 to vector<16xf32>
        %mul3A_591 = arith.mulf %mul3A_590, %get3A_23 : vector<16xf32>
        %add3A_592 = arith.addf %get3A_47, %mul3A_591 : vector<16xf32>
        %mul3A_593 = vector.broadcast %squeeze3A_530 : f32 to vector<16xf32>
        %mul3A_594 = arith.mulf %mul3A_593, %get3A_31 : vector<16xf32>
        %add3A_595 = arith.addf %add3A_592, %mul3A_594 : vector<16xf32>
        %mul3A_596 = vector.broadcast %squeeze3A_532 : f32 to vector<16xf32>
        %mul3A_597 = arith.mulf %mul3A_596, %get3A_39 : vector<16xf32>
        %add3A_598 = arith.addf %add3A_595, %mul3A_597 : vector<16xf32>
        %max3A_599 = arith.constant 0.000000e+00 : f32
        %max3A_600 = vector.broadcast %max3A_599 : f32 to vector<16xf32>
        %max3A_601 = arith.maximumf %add3A_598, %max3A_600 : vector<16xf32>
        %mul3A_602 = arith.constant 16 : i32
        %mul3A_603 = arith.muli %scan3A_102, %mul3A_602 : i32
        %add3A_604 = arith.constant 4 : i32
        %add3A_605 = arith.addi %mul3A_603, %add3A_604 : i32
        %swap3A_606 = arith.index_cast %add3A_605 : i32 to index
        %swap3A_607 = arith.constant 48 : index
        %swap3A_608 = tpu.vector_load %arg9[%swap3A_606, %swap3A_607] {strides = array<i32>} : memref<128x80xf32, #tpu.memory_space<vmem>>, vector<16xf32>,
        tpu.vector_store %arg9[%swap3A_606, %swap3A_607], %max3A_601 {strides = array<i32>} : memref<128x80xf32, #tpu.memory_space<vmem>>, vector<16xf32>,
        %slice3A_609 = vector.extract_strided_slice %sub3A {offsets = [5], sizes = [1], strides = [1]} : vector<16xf32> to vector<1xf32>
        %squeeze3A_610 = vector.extract %slice3A_609[0] : f32 from vector<1xf32>
        %slice3A_611 = vector.extract_strided_slice %sub3A_171 {offsets = [5], sizes = [1], strides = [1]} : vector<16xf32> to vector<1xf32>
        %squeeze3A_612 = vector.extract %slice3A_611[0] : f32 from vector<1xf32>
        %slice3A_613 = vector.extract_strided_slice %sub3A_176 {offsets = [5], sizes = [1], strides = [1]} : vector<16xf32> to vector<1xf32>
        %squeeze3A_614 = vector.extract %slice3A_613[0] : f32 from vector<1xf32>
        %mul3A_615 = vector.broadcast %squeeze3A_610 : f32 to vector<16xf32>
        %mul3A_616 = arith.mulf %mul3A_615, %get3A_17 : vector<16xf32>
        %add3A_617 = arith.addf %get3A_41, %mul3A_616 : vector<16xf32>
        %mul3A_618 = vector.broadcast %squeeze3A_612 : f32 to vector<16xf32>
        %mul3A_619 = arith.mulf %mul3A_618, %get3A_25 : vector<16xf32>
        %add3A_620 = arith.addf %add3A_617, %mul3A_619 : vector<16xf32>
        %mul3A_621 = vector.broadcast %squeeze3A_614 : f32 to vector<16xf32>
        %mul3A_622 = arith.mulf %mul3A_621, %get3A_33 : vector<16xf32>
        %add3A_623 = arith.addf %add3A_620, %mul3A_622 : vector<16xf32>
        %max3A_624 = arith.constant 0.000000e+00 : f32
        %max3A_625 = vector.broadcast %max3A_624 : f32 to vector<16xf32>
        %max3A_626 = arith.maximumf %add3A_623, %max3A_625 : vector<16xf32>
        %mul3A_627 = arith.constant 16 : i32
        %mul3A_628 = arith.muli %scan3A_102, %mul3A_627 : i32
        %add3A_629 = arith.constant 5 : i32
        %add3A_630 = arith.addi %mul3A_628, %add3A_629 : i32
        %swap3A_631 = arith.index_cast %add3A_630 : i32 to index
        %swap3A_632 = arith.constant 0 : index
        %swap3A_633 = tpu.vector_load %arg9[%swap3A_631, %swap3A_632] {strides = array<i32>} : memref<128x80xf32, #tpu.memory_space<vmem>>, vector<16xf32>,
        tpu.vector_store %arg9[%swap3A_631, %swap3A_632], %max3A_626 {strides = array<i32>} : memref<128x80xf32, #tpu.memory_space<vmem>>, vector<16xf32>,
        %mul3A_634 = vector.broadcast %squeeze3A_610 : f32 to vector<16xf32>
        %mul3A_635 = arith.mulf %mul3A_634, %get3A_19 : vector<16xf32>
        %add3A_636 = arith.addf %get3A_43, %mul3A_635 : vector<16xf32>
        %mul3A_637 = vector.broadcast %squeeze3A_612 : f32 to vector<16xf32>
        %mul3A_638 = arith.mulf %mul3A_637, %get3A_27 : vector<16xf32>
        %add3A_639 = arith.addf %add3A_636, %mul3A_638 : vector<16xf32>
        %mul3A_640 = vector.broadcast %squeeze3A_614 : f32 to vector<16xf32>
        %mul3A_641 = arith.mulf %mul3A_640, %get3A_35 : vector<16xf32>
        %add3A_642 = arith.addf %add3A_639, %mul3A_641 : vector<16xf32>
        %max3A_643 = arith.constant 0.000000e+00 : f32
        %max3A_644 = vector.broadcast %max3A_643 : f32 to vector<16xf32>
        %max3A_645 = arith.maximumf %add3A_642, %max3A_644 : vector<16xf32>
        %mul3A_646 = arith.constant 16 : i32
        %mul3A_647 = arith.muli %scan3A_102, %mul3A_646 : i32
        %add3A_648 = arith.constant 5 : i32
        %add3A_649 = arith.addi %mul3A_647, %add3A_648 : i32
        %swap3A_650 = arith.index_cast %add3A_649 : i32 to index
        %swap3A_651 = arith.constant 16 : index
        %swap3A_652 = tpu.vector_load %arg9[%swap3A_650, %swap3A_651] {strides = array<i32>} : memref<128x80xf32, #tpu.memory_space<vmem>>, vector<16xf32>,
        tpu.vector_store %arg9[%swap3A_650, %swap3A_651], %max3A_645 {strides = array<i32>} : memref<128x80xf32, #tpu.memory_space<vmem>>, vector<16xf32>,
        %mul3A_653 = vector.broadcast %squeeze3A_610 : f32 to vector<16xf32>
        %mul3A_654 = arith.mulf %mul3A_653, %get3A_21 : vector<16xf32>
        %add3A_655 = arith.addf %get3A_45, %mul3A_654 : vector<16xf32>
        %mul3A_656 = vector.broadcast %squeeze3A_612 : f32 to vector<16xf32>
        %mul3A_657 = arith.mulf %mul3A_656, %get3A_29 : vector<16xf32>
        %add3A_658 = arith.addf %add3A_655, %mul3A_657 : vector<16xf32>
        %mul3A_659 = vector.broadcast %squeeze3A_614 : f32 to vector<16xf32>
        %mul3A_660 = arith.mulf %mul3A_659, %get3A_37 : vector<16xf32>
        %add3A_661 = arith.addf %add3A_658, %mul3A_660 : vector<16xf32>
        %max3A_662 = arith.constant 0.000000e+00 : f32
        %max3A_663 = vector.broadcast %max3A_662 : f32 to vector<16xf32>
        %max3A_664 = arith.maximumf %add3A_661, %max3A_663 : vector<16xf32>
        %mul3A_665 = arith.constant 16 : i32
        %mul3A_666 = arith.muli %scan3A_102, %mul3A_665 : i32
        %add3A_667 = arith.constant 5 : i32
        %add3A_668 = arith.addi %mul3A_666, %add3A_667 : i32
        %swap3A_669 = arith.index_cast %add3A_668 : i32 to index
        %swap3A_670 = arith.constant 32 : index
        %swap3A_671 = tpu.vector_load %arg9[%swap3A_669, %swap3A_670] {strides = array<i32>} : memref<128x80xf32, #tpu.memory_space<vmem>>, vector<16xf32>,
        tpu.vector_store %arg9[%swap3A_669, %swap3A_670], %max3A_664 {strides = array<i32>} : memref<128x80xf32, #tpu.memory_space<vmem>>, vector<16xf32>,
        %mul3A_672 = vector.broadcast %squeeze3A_610 : f32 to vector<16xf32>
        %mul3A_673 = arith.mulf %mul3A_672, %get3A_23 : vector<16xf32>
        %add3A_674 = arith.addf %get3A_47, %mul3A_673 : vector<16xf32>
        %mul3A_675 = vector.broadcast %squeeze3A_612 : f32 to vector<16xf32>
        %mul3A_676 = arith.mulf %mul3A_675, %get3A_31 : vector<16xf32>
        %add3A_677 = arith.addf %add3A_674, %mul3A_676 : vector<16xf32>
        %mul3A_678 = vector.broadcast %squeeze3A_614 : f32 to vector<16xf32>
        %mul3A_679 = arith.mulf %mul3A_678, %get3A_39 : vector<16xf32>
        %add3A_680 = arith.addf %add3A_677, %mul3A_679 : vector<16xf32>
        %max3A_681 = arith.constant 0.000000e+00 : f32
        %max3A_682 = vector.broadcast %max3A_681 : f32 to vector<16xf32>
        %max3A_683 = arith.maximumf %add3A_680, %max3A_682 : vector<16xf32>
        %mul3A_684 = arith.constant 16 : i32
        %mul3A_685 = arith.muli %scan3A_102, %mul3A_684 : i32
        %add3A_686 = arith.constant 5 : i32
        %add3A_687 = arith.addi %mul3A_685, %add3A_686 : i32
        %swap3A_688 = arith.index_cast %add3A_687 : i32 to index
        %swap3A_689 = arith.constant 48 : index
        %swap3A_690 = tpu.vector_load %arg9[%swap3A_688, %swap3A_689] {strides = array<i32>} : memref<128x80xf32, #tpu.memory_space<vmem>>, vector<16xf32>,
        tpu.vector_store %arg9[%swap3A_688, %swap3A_689], %max3A_683 {strides = array<i32>} : memref<128x80xf32, #tpu.memory_space<vmem>>, vector<16xf32>,
        %slice3A_691 = vector.extract_strided_slice %sub3A {offsets = [6], sizes = [1], strides = [1]} : vector<16xf32> to vector<1xf32>
        %squeeze3A_692 = vector.extract %slice3A_691[0] : f32 from vector<1xf32>
        %slice3A_693 = vector.extract_strided_slice %sub3A_171 {offsets = [6], sizes = [1], strides = [1]} : vector<16xf32> to vector<1xf32>
        %squeeze3A_694 = vector.extract %slice3A_693[0] : f32 from vector<1xf32>
        %slice3A_695 = vector.extract_strided_slice %sub3A_176 {offsets = [6], sizes = [1], strides = [1]} : vector<16xf32> to vector<1xf32>
        %squeeze3A_696 = vector.extract %slice3A_695[0] : f32 from vector<1xf32>
        %mul3A_697 = vector.broadcast %squeeze3A_692 : f32 to vector<16xf32>
        %mul3A_698 = arith.mulf %mul3A_697, %get3A_17 : vector<16xf32>
        %add3A_699 = arith.addf %get3A_41, %mul3A_698 : vector<16xf32>
        %mul3A_700 = vector.broadcast %squeeze3A_694 : f32 to vector<16xf32>
        %mul3A_701 = arith.mulf %mul3A_700, %get3A_25 : vector<16xf32>
        %add3A_702 = arith.addf %add3A_699, %mul3A_701 : vector<16xf32>
        %mul3A_703 = vector.broadcast %squeeze3A_696 : f32 to vector<16xf32>
        %mul3A_704 = arith.mulf %mul3A_703, %get3A_33 : vector<16xf32>
        %add3A_705 = arith.addf %add3A_702, %mul3A_704 : vector<16xf32>
        %max3A_706 = arith.constant 0.000000e+00 : f32
        %max3A_707 = vector.broadcast %max3A_706 : f32 to vector<16xf32>
        %max3A_708 = arith.maximumf %add3A_705, %max3A_707 : vector<16xf32>
        %mul3A_709 = arith.constant 16 : i32
        %mul3A_710 = arith.muli %scan3A_102, %mul3A_709 : i32
        %add3A_711 = arith.constant 6 : i32
        %add3A_712 = arith.addi %mul3A_710, %add3A_711 : i32
        %swap3A_713 = arith.index_cast %add3A_712 : i32 to index
        %swap3A_714 = arith.constant 0 : index
        %swap3A_715 = tpu.vector_load %arg9[%swap3A_713, %swap3A_714] {strides = array<i32>} : memref<128x80xf32, #tpu.memory_space<vmem>>, vector<16xf32>,
        tpu.vector_store %arg9[%swap3A_713, %swap3A_714], %max3A_708 {strides = array<i32>} : memref<128x80xf32, #tpu.memory_space<vmem>>, vector<16xf32>,
        %mul3A_716 = vector.broadcast %squeeze3A_692 : f32 to vector<16xf32>
        %mul3A_717 = arith.mulf %mul3A_716, %get3A_19 : vector<16xf32>
        %add3A_718 = arith.addf %get3A_43, %mul3A_717 : vector<16xf32>
        %mul3A_719 = vector.broadcast %squeeze3A_694 : f32 to vector<16xf32>
        %mul3A_720 = arith.mulf %mul3A_719, %get3A_27 : vector<16xf32>
        %add3A_721 = arith.addf %add3A_718, %mul3A_720 : vector<16xf32>
        %mul3A_722 = vector.broadcast %squeeze3A_696 : f32 to vector<16xf32>
        %mul3A_723 = arith.mulf %mul3A_722, %get3A_35 : vector<16xf32>
        %add3A_724 = arith.addf %add3A_721, %mul3A_723 : vector<16xf32>
        %max3A_725 = arith.constant 0.000000e+00 : f32
        %max3A_726 = vector.broadcast %max3A_725 : f32 to vector<16xf32>
        %max3A_727 = arith.maximumf %add3A_724, %max3A_726 : vector<16xf32>
        %mul3A_728 = arith.constant 16 : i32
        %mul3A_729 = arith.muli %scan3A_102, %mul3A_728 : i32
        %add3A_730 = arith.constant 6 : i32
        %add3A_731 = arith.addi %mul3A_729, %add3A_730 : i32
        %swap3A_732 = arith.index_cast %add3A_731 : i32 to index
        %swap3A_733 = arith.constant 16 : index
        %swap3A_734 = tpu.vector_load %arg9[%swap3A_732, %swap3A_733] {strides = array<i32>} : memref<128x80xf32, #tpu.memory_space<vmem>>, vector<16xf32>,
        tpu.vector_store %arg9[%swap3A_732, %swap3A_733], %max3A_727 {strides = array<i32>} : memref<128x80xf32, #tpu.memory_space<vmem>>, vector<16xf32>,
        %mul3A_735 = vector.broadcast %squeeze3A_692 : f32 to vector<16xf32>
        %mul3A_736 = arith.mulf %mul3A_735, %get3A_21 : vector<16xf32>
        %add3A_737 = arith.addf %get3A_45, %mul3A_736 : vector<16xf32>
        %mul3A_738 = vector.broadcast %squeeze3A_694 : f32 to vector<16xf32>
        %mul3A_739 = arith.mulf %mul3A_738, %get3A_29 : vector<16xf32>
        %add3A_740 = arith.addf %add3A_737, %mul3A_739 : vector<16xf32>
        %mul3A_741 = vector.broadcast %squeeze3A_696 : f32 to vector<16xf32>
        %mul3A_742 = arith.mulf %mul3A_741, %get3A_37 : vector<16xf32>
        %add3A_743 = arith.addf %add3A_740, %mul3A_742 : vector<16xf32>
        %max3A_744 = arith.constant 0.000000e+00 : f32
        %max3A_745 = vector.broadcast %max3A_744 : f32 to vector<16xf32>
        %max3A_746 = arith.maximumf %add3A_743, %max3A_745 : vector<16xf32>
        %mul3A_747 = arith.constant 16 : i32
        %mul3A_748 = arith.muli %scan3A_102, %mul3A_747 : i32
        %add3A_749 = arith.constant 6 : i32
        %add3A_750 = arith.addi %mul3A_748, %add3A_749 : i32
        %swap3A_751 = arith.index_cast %add3A_750 : i32 to index
        %swap3A_752 = arith.constant 32 : index
        %swap3A_753 = tpu.vector_load %arg9[%swap3A_751, %swap3A_752] {strides = array<i32>} : memref<128x80xf32, #tpu.memory_space<vmem>>, vector<16xf32>,
        tpu.vector_store %arg9[%swap3A_751, %swap3A_752], %max3A_746 {strides = array<i32>} : memref<128x80xf32, #tpu.memory_space<vmem>>, vector<16xf32>,
        %mul3A_754 = vector.broadcast %squeeze3A_692 : f32 to vector<16xf32>
        %mul3A_755 = arith.mulf %mul3A_754, %get3A_23 : vector<16xf32>
        %add3A_756 = arith.addf %get3A_47, %mul3A_755 : vector<16xf32>
        %mul3A_757 = vector.broadcast %squeeze3A_694 : f32 to vector<16xf32>
        %mul3A_758 = arith.mulf %mul3A_757, %get3A_31 : vector<16xf32>
        %add3A_759 = arith.addf %add3A_756, %mul3A_758 : vector<16xf32>
        %mul3A_760 = vector.broadcast %squeeze3A_696 : f32 to vector<16xf32>
        %mul3A_761 = arith.mulf %mul3A_760, %get3A_39 : vector<16xf32>
        %add3A_762 = arith.addf %add3A_759, %mul3A_761 : vector<16xf32>
        %max3A_763 = arith.constant 0.000000e+00 : f32
        %max3A_764 = vector.broadcast %max3A_763 : f32 to vector<16xf32>
        %max3A_765 = arith.maximumf %add3A_762, %max3A_764 : vector<16xf32>
        %mul3A_766 = arith.constant 16 : i32
        %mul3A_767 = arith.muli %scan3A_102, %mul3A_766 : i32
        %add3A_768 = arith.constant 6 : i32
        %add3A_769 = arith.addi %mul3A_767, %add3A_768 : i32
        %swap3A_770 = arith.index_cast %add3A_769 : i32 to index
        %swap3A_771 = arith.constant 48 : index
        %swap3A_772 = tpu.vector_load %arg9[%swap3A_770, %swap3A_771] {strides = array<i32>} : memref<128x80xf32, #tpu.memory_space<vmem>>, vector<16xf32>,
        tpu.vector_store %arg9[%swap3A_770, %swap3A_771], %max3A_765 {strides = array<i32>} : memref<128x80xf32, #tpu.memory_space<vmem>>, vector<16xf32>,
        %slice3A_773 = vector.extract_strided_slice %sub3A {offsets = [7], sizes = [1], strides = [1]} : vector<16xf32> to vector<1xf32>
        %squeeze3A_774 = vector.extract %slice3A_773[0] : f32 from vector<1xf32>
        %slice3A_775 = vector.extract_strided_slice %sub3A_171 {offsets = [7], sizes = [1], strides = [1]} : vector<16xf32> to vector<1xf32>
        %squeeze3A_776 = vector.extract %slice3A_775[0] : f32 from vector<1xf32>
        %slice3A_777 = vector.extract_strided_slice %sub3A_176 {offsets = [7], sizes = [1], strides = [1]} : vector<16xf32> to vector<1xf32>
        %squeeze3A_778 = vector.extract %slice3A_777[0] : f32 from vector<1xf32>
        %mul3A_779 = vector.broadcast %squeeze3A_774 : f32 to vector<16xf32>
        %mul3A_780 = arith.mulf %mul3A_779, %get3A_17 : vector<16xf32>
        %add3A_781 = arith.addf %get3A_41, %mul3A_780 : vector<16xf32>
        %mul3A_782 = vector.broadcast %squeeze3A_776 : f32 to vector<16xf32>
        %mul3A_783 = arith.mulf %mul3A_782, %get3A_25 : vector<16xf32>
        %add3A_784 = arith.addf %add3A_781, %mul3A_783 : vector<16xf32>
        %mul3A_785 = vector.broadcast %squeeze3A_778 : f32 to vector<16xf32>
        %mul3A_786 = arith.mulf %mul3A_785, %get3A_33 : vector<16xf32>
        %add3A_787 = arith.addf %add3A_784, %mul3A_786 : vector<16xf32>
        %max3A_788 = arith.constant 0.000000e+00 : f32
        %max3A_789 = vector.broadcast %max3A_788 : f32 to vector<16xf32>
        %max3A_790 = arith.maximumf %add3A_787, %max3A_789 : vector<16xf32>
        %mul3A_791 = arith.constant 16 : i32
        %mul3A_792 = arith.muli %scan3A_102, %mul3A_791 : i32
        %add3A_793 = arith.constant 7 : i32
        %add3A_794 = arith.addi %mul3A_792, %add3A_793 : i32
        %swap3A_795 = arith.index_cast %add3A_794 : i32 to index
        %swap3A_796 = arith.constant 0 : index
        %swap3A_797 = tpu.vector_load %arg9[%swap3A_795, %swap3A_796] {strides = array<i32>} : memref<128x80xf32, #tpu.memory_space<vmem>>, vector<16xf32>,
        tpu.vector_store %arg9[%swap3A_795, %swap3A_796], %max3A_790 {strides = array<i32>} : memref<128x80xf32, #tpu.memory_space<vmem>>, vector<16xf32>,
        %mul3A_798 = vector.broadcast %squeeze3A_774 : f32 to vector<16xf32>
        %mul3A_799 = arith.mulf %mul3A_798, %get3A_19 : vector<16xf32>
        %add3A_800 = arith.addf %get3A_43, %mul3A_799 : vector<16xf32>
        %mul3A_801 = vector.broadcast %squeeze3A_776 : f32 to vector<16xf32>
        %mul3A_802 = arith.mulf %mul3A_801, %get3A_27 : vector<16xf32>
        %add3A_803 = arith.addf %add3A_800, %mul3A_802 : vector<16xf32>
        %mul3A_804 = vector.broadcast %squeeze3A_778 : f32 to vector<16xf32>
        %mul3A_805 = arith.mulf %mul3A_804, %get3A_35 : vector<16xf32>
        %add3A_806 = arith.addf %add3A_803, %mul3A_805 : vector<16xf32>
        %max3A_807 = arith.constant 0.000000e+00 : f32
        %max3A_808 = vector.broadcast %max3A_807 : f32 to vector<16xf32>
        %max3A_809 = arith.maximumf %add3A_806, %max3A_808 : vector<16xf32>
        %mul3A_810 = arith.constant 16 : i32
        %mul3A_811 = arith.muli %scan3A_102, %mul3A_810 : i32
        %add3A_812 = arith.constant 7 : i32
        %add3A_813 = arith.addi %mul3A_811, %add3A_812 : i32
        %swap3A_814 = arith.index_cast %add3A_813 : i32 to index
        %swap3A_815 = arith.constant 16 : index
        %swap3A_816 = tpu.vector_load %arg9[%swap3A_814, %swap3A_815] {strides = array<i32>} : memref<128x80xf32, #tpu.memory_space<vmem>>, vector<16xf32>,
        tpu.vector_store %arg9[%swap3A_814, %swap3A_815], %max3A_809 {strides = array<i32>} : memref<128x80xf32, #tpu.memory_space<vmem>>, vector<16xf32>,
        %mul3A_817 = vector.broadcast %squeeze3A_774 : f32 to vector<16xf32>
        %mul3A_818 = arith.mulf %mul3A_817, %get3A_21 : vector<16xf32>
        %add3A_819 = arith.addf %get3A_45, %mul3A_818 : vector<16xf32>
        %mul3A_820 = vector.broadcast %squeeze3A_776 : f32 to vector<16xf32>
        %mul3A_821 = arith.mulf %mul3A_820, %get3A_29 : vector<16xf32>
        %add3A_822 = arith.addf %add3A_819, %mul3A_821 : vector<16xf32>
        %mul3A_823 = vector.broadcast %squeeze3A_778 : f32 to vector<16xf32>
        %mul3A_824 = arith.mulf %mul3A_823, %get3A_37 : vector<16xf32>
        %add3A_825 = arith.addf %add3A_822, %mul3A_824 : vector<16xf32>
        %max3A_826 = arith.constant 0.000000e+00 : f32
        %max3A_827 = vector.broadcast %max3A_826 : f32 to vector<16xf32>
        %max3A_828 = arith.maximumf %add3A_825, %max3A_827 : vector<16xf32>
        %mul3A_829 = arith.constant 16 : i32
        %mul3A_830 = arith.muli %scan3A_102, %mul3A_829 : i32
        %add3A_831 = arith.constant 7 : i32
        %add3A_832 = arith.addi %mul3A_830, %add3A_831 : i32
        %swap3A_833 = arith.index_cast %add3A_832 : i32 to index
        %swap3A_834 = arith.constant 32 : index
        %swap3A_835 = tpu.vector_load %arg9[%swap3A_833, %swap3A_834] {strides = array<i32>} : memref<128x80xf32, #tpu.memory_space<vmem>>, vector<16xf32>,
        tpu.vector_store %arg9[%swap3A_833, %swap3A_834], %max3A_828 {strides = array<i32>} : memref<128x80xf32, #tpu.memory_space<vmem>>, vector<16xf32>,
        %mul3A_836 = vector.broadcast %squeeze3A_774 : f32 to vector<16xf32>
        %mul3A_837 = arith.mulf %mul3A_836, %get3A_23 : vector<16xf32>
        %add3A_838 = arith.addf %get3A_47, %mul3A_837 : vector<16xf32>
        %mul3A_839 = vector.broadcast %squeeze3A_776 : f32 to vector<16xf32>
        %mul3A_840 = arith.mulf %mul3A_839, %get3A_31 : vector<16xf32>
        %add3A_841 = arith.addf %add3A_838, %mul3A_840 : vector<16xf32>
        %mul3A_842 = vector.broadcast %squeeze3A_778 : f32 to vector<16xf32>
        %mul3A_843 = arith.mulf %mul3A_842, %get3A_39 : vector<16xf32>
        %add3A_844 = arith.addf %add3A_841, %mul3A_843 : vector<16xf32>
        %max3A_845 = arith.constant 0.000000e+00 : f32
        %max3A_846 = vector.broadcast %max3A_845 : f32 to vector<16xf32>
        %max3A_847 = arith.maximumf %add3A_844, %max3A_846 : vector<16xf32>
        %mul3A_848 = arith.constant 16 : i32
        %mul3A_849 = arith.muli %scan3A_102, %mul3A_848 : i32
        %add3A_850 = arith.constant 7 : i32
        %add3A_851 = arith.addi %mul3A_849, %add3A_850 : i32
        %swap3A_852 = arith.index_cast %add3A_851 : i32 to index
        %swap3A_853 = arith.constant 48 : index
        %swap3A_854 = tpu.vector_load %arg9[%swap3A_852, %swap3A_853] {strides = array<i32>} : memref<128x80xf32, #tpu.memory_space<vmem>>, vector<16xf32>,
        tpu.vector_store %arg9[%swap3A_852, %swap3A_853], %max3A_847 {strides = array<i32>} : memref<128x80xf32, #tpu.memory_space<vmem>>, vector<16xf32>,
        %slice3A_855 = vector.extract_strided_slice %sub3A {offsets = [8], sizes = [1], strides = [1]} : vector<16xf32> to vector<1xf32>
        %squeeze3A_856 = vector.extract %slice3A_855[0] : f32 from vector<1xf32>
        %slice3A_857 = vector.extract_strided_slice %sub3A_171 {offsets = [8], sizes = [1], strides = [1]} : vector<16xf32> to vector<1xf32>
        %squeeze3A_858 = vector.extract %slice3A_857[0] : f32 from vector<1xf32>
        %slice3A_859 = vector.extract_strided_slice %sub3A_176 {offsets = [8], sizes = [1], strides = [1]} : vector<16xf32> to vector<1xf32>
        %squeeze3A_860 = vector.extract %slice3A_859[0] : f32 from vector<1xf32>
        %mul3A_861 = vector.broadcast %squeeze3A_856 : f32 to vector<16xf32>
        %mul3A_862 = arith.mulf %mul3A_861, %get3A_17 : vector<16xf32>
        %add3A_863 = arith.addf %get3A_41, %mul3A_862 : vector<16xf32>
        %mul3A_864 = vector.broadcast %squeeze3A_858 : f32 to vector<16xf32>
        %mul3A_865 = arith.mulf %mul3A_864, %get3A_25 : vector<16xf32>
        %add3A_866 = arith.addf %add3A_863, %mul3A_865 : vector<16xf32>
        %mul3A_867 = vector.broadcast %squeeze3A_860 : f32 to vector<16xf32>
        %mul3A_868 = arith.mulf %mul3A_867, %get3A_33 : vector<16xf32>
        %add3A_869 = arith.addf %add3A_866, %mul3A_868 : vector<16xf32>
        %max3A_870 = arith.constant 0.000000e+00 : f32
        %max3A_871 = vector.broadcast %max3A_870 : f32 to vector<16xf32>
        %max3A_872 = arith.maximumf %add3A_869, %max3A_871 : vector<16xf32>
        %mul3A_873 = arith.constant 16 : i32
        %mul3A_874 = arith.muli %scan3A_102, %mul3A_873 : i32
        %add3A_875 = arith.constant 8 : i32
        %add3A_876 = arith.addi %mul3A_874, %add3A_875 : i32
        %swap3A_877 = arith.index_cast %add3A_876 : i32 to index
        %swap3A_878 = arith.constant 0 : index
        %swap3A_879 = tpu.vector_load %arg9[%swap3A_877, %swap3A_878] {strides = array<i32>} : memref<128x80xf32, #tpu.memory_space<vmem>>, vector<16xf32>,
        tpu.vector_store %arg9[%swap3A_877, %swap3A_878], %max3A_872 {strides = array<i32>} : memref<128x80xf32, #tpu.memory_space<vmem>>, vector<16xf32>,
        %mul3A_880 = vector.broadcast %squeeze3A_856 : f32 to vector<16xf32>
        %mul3A_881 = arith.mulf %mul3A_880, %get3A_19 : vector<16xf32>
        %add3A_882 = arith.addf %get3A_43, %mul3A_881 : vector<16xf32>
        %mul3A_883 = vector.broadcast %squeeze3A_858 : f32 to vector<16xf32>
        %mul3A_884 = arith.mulf %mul3A_883, %get3A_27 : vector<16xf32>
        %add3A_885 = arith.addf %add3A_882, %mul3A_884 : vector<16xf32>
        %mul3A_886 = vector.broadcast %squeeze3A_860 : f32 to vector<16xf32>
        %mul3A_887 = arith.mulf %mul3A_886, %get3A_35 : vector<16xf32>
        %add3A_888 = arith.addf %add3A_885, %mul3A_887 : vector<16xf32>
        %max3A_889 = arith.constant 0.000000e+00 : f32
        %max3A_890 = vector.broadcast %max3A_889 : f32 to vector<16xf32>
        %max3A_891 = arith.maximumf %add3A_888, %max3A_890 : vector<16xf32>
        %mul3A_892 = arith.constant 16 : i32
        %mul3A_893 = arith.muli %scan3A_102, %mul3A_892 : i32
        %add3A_894 = arith.constant 8 : i32
        %add3A_895 = arith.addi %mul3A_893, %add3A_894 : i32
        %swap3A_896 = arith.index_cast %add3A_895 : i32 to index
        %swap3A_897 = arith.constant 16 : index
        %swap3A_898 = tpu.vector_load %arg9[%swap3A_896, %swap3A_897] {strides = array<i32>} : memref<128x80xf32, #tpu.memory_space<vmem>>, vector<16xf32>,
        tpu.vector_store %arg9[%swap3A_896, %swap3A_897], %max3A_891 {strides = array<i32>} : memref<128x80xf32, #tpu.memory_space<vmem>>, vector<16xf32>,
        %mul3A_899 = vector.broadcast %squeeze3A_856 : f32 to vector<16xf32>
        %mul3A_900 = arith.mulf %mul3A_899, %get3A_21 : vector<16xf32>
        %add3A_901 = arith.addf %get3A_45, %mul3A_900 : vector<16xf32>
        %mul3A_902 = vector.broadcast %squeeze3A_858 : f32 to vector<16xf32>
        %mul3A_903 = arith.mulf %mul3A_902, %get3A_29 : vector<16xf32>
        %add3A_904 = arith.addf %add3A_901, %mul3A_903 : vector<16xf32>
        %mul3A_905 = vector.broadcast %squeeze3A_860 : f32 to vector<16xf32>
        %mul3A_906 = arith.mulf %mul3A_905, %get3A_37 : vector<16xf32>
        %add3A_907 = arith.addf %add3A_904, %mul3A_906 : vector<16xf32>
        %max3A_908 = arith.constant 0.000000e+00 : f32
        %max3A_909 = vector.broadcast %max3A_908 : f32 to vector<16xf32>
        %max3A_910 = arith.maximumf %add3A_907, %max3A_909 : vector<16xf32>
        %mul3A_911 = arith.constant 16 : i32
        %mul3A_912 = arith.muli %scan3A_102, %mul3A_911 : i32
        %add3A_913 = arith.constant 8 : i32
        %add3A_914 = arith.addi %mul3A_912, %add3A_913 : i32
        %swap3A_915 = arith.index_cast %add3A_914 : i32 to index
        %swap3A_916 = arith.constant 32 : index
        %swap3A_917 = tpu.vector_load %arg9[%swap3A_915, %swap3A_916] {strides = array<i32>} : memref<128x80xf32, #tpu.memory_space<vmem>>, vector<16xf32>,
        tpu.vector_store %arg9[%swap3A_915, %swap3A_916], %max3A_910 {strides = array<i32>} : memref<128x80xf32, #tpu.memory_space<vmem>>, vector<16xf32>,
        %mul3A_918 = vector.broadcast %squeeze3A_856 : f32 to vector<16xf32>
        %mul3A_919 = arith.mulf %mul3A_918, %get3A_23 : vector<16xf32>
        %add3A_920 = arith.addf %get3A_47, %mul3A_919 : vector<16xf32>
        %mul3A_921 = vector.broadcast %squeeze3A_858 : f32 to vector<16xf32>
        %mul3A_922 = arith.mulf %mul3A_921, %get3A_31 : vector<16xf32>
        %add3A_923 = arith.addf %add3A_920, %mul3A_922 : vector<16xf32>
        %mul3A_924 = vector.broadcast %squeeze3A_860 : f32 to vector<16xf32>
        %mul3A_925 = arith.mulf %mul3A_924, %get3A_39 : vector<16xf32>
        %add3A_926 = arith.addf %add3A_923, %mul3A_925 : vector<16xf32>
        %max3A_927 = arith.constant 0.000000e+00 : f32
        %max3A_928 = vector.broadcast %max3A_927 : f32 to vector<16xf32>
        %max3A_929 = arith.maximumf %add3A_926, %max3A_928 : vector<16xf32>
        %mul3A_930 = arith.constant 16 : i32
        %mul3A_931 = arith.muli %scan3A_102, %mul3A_930 : i32
        %add3A_932 = arith.constant 8 : i32
        %add3A_933 = arith.addi %mul3A_931, %add3A_932 : i32
        %swap3A_934 = arith.index_cast %add3A_933 : i32 to index
        %swap3A_935 = arith.constant 48 : index
        %swap3A_936 = tpu.vector_load %arg9[%swap3A_934, %swap3A_935] {strides = array<i32>} : memref<128x80xf32, #tpu.memory_space<vmem>>, vector<16xf32>,
        tpu.vector_store %arg9[%swap3A_934, %swap3A_935], %max3A_929 {strides = array<i32>} : memref<128x80xf32, #tpu.memory_space<vmem>>, vector<16xf32>,
        %slice3A_937 = vector.extract_strided_slice %sub3A {offsets = [9], sizes = [1], strides = [1]} : vector<16xf32> to vector<1xf32>
        %squeeze3A_938 = vector.extract %slice3A_937[0] : f32 from vector<1xf32>
        %slice3A_939 = vector.extract_strided_slice %sub3A_171 {offsets = [9], sizes = [1], strides = [1]} : vector<16xf32> to vector<1xf32>
        %squeeze3A_940 = vector.extract %slice3A_939[0] : f32 from vector<1xf32>
        %slice3A_941 = vector.extract_strided_slice %sub3A_176 {offsets = [9], sizes = [1], strides = [1]} : vector<16xf32> to vector<1xf32>
        %squeeze3A_942 = vector.extract %slice3A_941[0] : f32 from vector<1xf32>
        %mul3A_943 = vector.broadcast %squeeze3A_938 : f32 to vector<16xf32>
        %mul3A_944 = arith.mulf %mul3A_943, %get3A_17 : vector<16xf32>
        %add3A_945 = arith.addf %get3A_41, %mul3A_944 : vector<16xf32>
        %mul3A_946 = vector.broadcast %squeeze3A_940 : f32 to vector<16xf32>
        %mul3A_947 = arith.mulf %mul3A_946, %get3A_25 : vector<16xf32>
        %add3A_948 = arith.addf %add3A_945, %mul3A_947 : vector<16xf32>
        %mul3A_949 = vector.broadcast %squeeze3A_942 : f32 to vector<16xf32>
        %mul3A_950 = arith.mulf %mul3A_949, %get3A_33 : vector<16xf32>
        %add3A_951 = arith.addf %add3A_948, %mul3A_950 : vector<16xf32>
        %max3A_952 = arith.constant 0.000000e+00 : f32
        %max3A_953 = vector.broadcast %max3A_952 : f32 to vector<16xf32>
        %max3A_954 = arith.maximumf %add3A_951, %max3A_953 : vector<16xf32>
        %mul3A_955 = arith.constant 16 : i32
        %mul3A_956 = arith.muli %scan3A_102, %mul3A_955 : i32
        %add3A_957 = arith.constant 9 : i32
        %add3A_958 = arith.addi %mul3A_956, %add3A_957 : i32
        %swap3A_959 = arith.index_cast %add3A_958 : i32 to index
        %swap3A_960 = arith.constant 0 : index
        %swap3A_961 = tpu.vector_load %arg9[%swap3A_959, %swap3A_960] {strides = array<i32>} : memref<128x80xf32, #tpu.memory_space<vmem>>, vector<16xf32>,
        tpu.vector_store %arg9[%swap3A_959, %swap3A_960], %max3A_954 {strides = array<i32>} : memref<128x80xf32, #tpu.memory_space<vmem>>, vector<16xf32>,
        %mul3A_962 = vector.broadcast %squeeze3A_938 : f32 to vector<16xf32>
        %mul3A_963 = arith.mulf %mul3A_962, %get3A_19 : vector<16xf32>
        %add3A_964 = arith.addf %get3A_43, %mul3A_963 : vector<16xf32>
        %mul3A_965 = vector.broadcast %squeeze3A_940 : f32 to vector<16xf32>
        %mul3A_966 = arith.mulf %mul3A_965, %get3A_27 : vector<16xf32>
        %add3A_967 = arith.addf %add3A_964, %mul3A_966 : vector<16xf32>
        %mul3A_968 = vector.broadcast %squeeze3A_942 : f32 to vector<16xf32>
        %mul3A_969 = arith.mulf %mul3A_968, %get3A_35 : vector<16xf32>
        %add3A_970 = arith.addf %add3A_967, %mul3A_969 : vector<16xf32>
        %max3A_971 = arith.constant 0.000000e+00 : f32
        %max3A_972 = vector.broadcast %max3A_971 : f32 to vector<16xf32>
        %max3A_973 = arith.maximumf %add3A_970, %max3A_972 : vector<16xf32>
        %mul3A_974 = arith.constant 16 : i32
        %mul3A_975 = arith.muli %scan3A_102, %mul3A_974 : i32
        %add3A_976 = arith.constant 9 : i32
        %add3A_977 = arith.addi %mul3A_975, %add3A_976 : i32
        %swap3A_978 = arith.index_cast %add3A_977 : i32 to index
        %swap3A_979 = arith.constant 16 : index
        %swap3A_980 = tpu.vector_load %arg9[%swap3A_978, %swap3A_979] {strides = array<i32>} : memref<128x80xf32, #tpu.memory_space<vmem>>, vector<16xf32>,
        tpu.vector_store %arg9[%swap3A_978, %swap3A_979], %max3A_973 {strides = array<i32>} : memref<128x80xf32, #tpu.memory_space<vmem>>, vector<16xf32>,
        %mul3A_981 = vector.broadcast %squeeze3A_938 : f32 to vector<16xf32>
        %mul3A_982 = arith.mulf %mul3A_981, %get3A_21 : vector<16xf32>
        %add3A_983 = arith.addf %get3A_45, %mul3A_982 : vector<16xf32>
        %mul3A_984 = vector.broadcast %squeeze3A_940 : f32 to vector<16xf32>
        %mul3A_985 = arith.mulf %mul3A_984, %get3A_29 : vector<16xf32>
        %add3A_986 = arith.addf %add3A_983, %mul3A_985 : vector<16xf32>
        %mul3A_987 = vector.broadcast %squeeze3A_942 : f32 to vector<16xf32>
        %mul3A_988 = arith.mulf %mul3A_987, %get3A_37 : vector<16xf32>
        %add3A_989 = arith.addf %add3A_986, %mul3A_988 : vector<16xf32>
        %max3A_990 = arith.constant 0.000000e+00 : f32
        %max3A_991 = vector.broadcast %max3A_990 : f32 to vector<16xf32>
        %max3A_992 = arith.maximumf %add3A_989, %max3A_991 : vector<16xf32>
        %mul3A_993 = arith.constant 16 : i32
        %mul3A_994 = arith.muli %scan3A_102, %mul3A_993 : i32
        %add3A_995 = arith.constant 9 : i32
        %add3A_996 = arith.addi %mul3A_994, %add3A_995 : i32
        %swap3A_997 = arith.index_cast %add3A_996 : i32 to index
        %swap3A_998 = arith.constant 32 : index
        %swap3A_999 = tpu.vector_load %arg9[%swap3A_997, %swap3A_998] {strides = array<i32>} : memref<128x80xf32, #tpu.memory_space<vmem>>, vector<16xf32>,
        tpu.vector_store %arg9[%swap3A_997, %swap3A_998], %max3A_992 {strides = array<i32>} : memref<128x80xf32, #tpu.memory_space<vmem>>, vector<16xf32>,
        %mul3A_1000 = vector.broadcast %squeeze3A_938 : f32 to vector<16xf32>
        %mul3A_1001 = arith.mulf %mul3A_1000, %get3A_23 : vector<16xf32>
        %add3A_1002 = arith.addf %get3A_47, %mul3A_1001 : vector<16xf32>
        %mul3A_1003 = vector.broadcast %squeeze3A_940 : f32 to vector<16xf32>
        %mul3A_1004 = arith.mulf %mul3A_1003, %get3A_31 : vector<16xf32>
        %add3A_1005 = arith.addf %add3A_1002, %mul3A_1004 : vector<16xf32>
        %mul3A_1006 = vector.broadcast %squeeze3A_942 : f32 to vector<16xf32>
        %mul3A_1007 = arith.mulf %mul3A_1006, %get3A_39 : vector<16xf32>
        %add3A_1008 = arith.addf %add3A_1005, %mul3A_1007 : vector<16xf32>
        %max3A_1009 = arith.constant 0.000000e+00 : f32
        %max3A_1010 = vector.broadcast %max3A_1009 : f32 to vector<16xf32>
        %max3A_1011 = arith.maximumf %add3A_1008, %max3A_1010 : vector<16xf32>
        %mul3A_1012 = arith.constant 16 : i32
        %mul3A_1013 = arith.muli %scan3A_102, %mul3A_1012 : i32
        %add3A_1014 = arith.constant 9 : i32
        %add3A_1015 = arith.addi %mul3A_1013, %add3A_1014 : i32
        %swap3A_1016 = arith.index_cast %add3A_1015 : i32 to index
        %swap3A_1017 = arith.constant 48 : index
        %swap3A_1018 = tpu.vector_load %arg9[%swap3A_1016, %swap3A_1017] {strides = array<i32>} : memref<128x80xf32, #tpu.memory_space<vmem>>, vector<16xf32>,
        tpu.vector_store %arg9[%swap3A_1016, %swap3A_1017], %max3A_1011 {strides = array<i32>} : memref<128x80xf32, #tpu.memory_space<vmem>>, vector<16xf32>,
        %slice3A_1019 = vector.extract_strided_slice %sub3A {offsets = [10], sizes = [1], strides = [1]} : vector<16xf32> to vector<1xf32>
        %squeeze3A_1020 = vector.extract %slice3A_1019[0] : f32 from vector<1xf32>
        %slice3A_1021 = vector.extract_strided_slice %sub3A_171 {offsets = [10], sizes = [1], strides = [1]} : vector<16xf32> to vector<1xf32>
        %squeeze3A_1022 = vector.extract %slice3A_1021[0] : f32 from vector<1xf32>
        %slice3A_1023 = vector.extract_strided_slice %sub3A_176 {offsets = [10], sizes = [1], strides = [1]} : vector<16xf32> to vector<1xf32>
        %squeeze3A_1024 = vector.extract %slice3A_1023[0] : f32 from vector<1xf32>
        %mul3A_1025 = vector.broadcast %squeeze3A_1020 : f32 to vector<16xf32>
        %mul3A_1026 = arith.mulf %mul3A_1025, %get3A_17 : vector<16xf32>
        %add3A_1027 = arith.addf %get3A_41, %mul3A_1026 : vector<16xf32>
        %mul3A_1028 = vector.broadcast %squeeze3A_1022 : f32 to vector<16xf32>
        %mul3A_1029 = arith.mulf %mul3A_1028, %get3A_25 : vector<16xf32>
        %add3A_1030 = arith.addf %add3A_1027, %mul3A_1029 : vector<16xf32>
        %mul3A_1031 = vector.broadcast %squeeze3A_1024 : f32 to vector<16xf32>
        %mul3A_1032 = arith.mulf %mul3A_1031, %get3A_33 : vector<16xf32>
        %add3A_1033 = arith.addf %add3A_1030, %mul3A_1032 : vector<16xf32>
        %max3A_1034 = arith.constant 0.000000e+00 : f32
        %max3A_1035 = vector.broadcast %max3A_1034 : f32 to vector<16xf32>
        %max3A_1036 = arith.maximumf %add3A_1033, %max3A_1035 : vector<16xf32>
        %mul3A_1037 = arith.constant 16 : i32
        %mul3A_1038 = arith.muli %scan3A_102, %mul3A_1037 : i32
        %add3A_1039 = arith.constant 10 : i32
        %add3A_1040 = arith.addi %mul3A_1038, %add3A_1039 : i32
        %swap3A_1041 = arith.index_cast %add3A_1040 : i32 to index
        %swap3A_1042 = arith.constant 0 : index
        %swap3A_1043 = tpu.vector_load %arg9[%swap3A_1041, %swap3A_1042] {strides = array<i32>} : memref<128x80xf32, #tpu.memory_space<vmem>>, vector<16xf32>,
        tpu.vector_store %arg9[%swap3A_1041, %swap3A_1042], %max3A_1036 {strides = array<i32>} : memref<128x80xf32, #tpu.memory_space<vmem>>, vector<16xf32>,
        %mul3A_1044 = vector.broadcast %squeeze3A_1020 : f32 to vector<16xf32>
        %mul3A_1045 = arith.mulf %mul3A_1044, %get3A_19 : vector<16xf32>
        %add3A_1046 = arith.addf %get3A_43, %mul3A_1045 : vector<16xf32>
        %mul3A_1047 = vector.broadcast %squeeze3A_1022 : f32 to vector<16xf32>
        %mul3A_1048 = arith.mulf %mul3A_1047, %get3A_27 : vector<16xf32>
        %add3A_1049 = arith.addf %add3A_1046, %mul3A_1048 : vector<16xf32>
        %mul3A_1050 = vector.broadcast %squeeze3A_1024 : f32 to vector<16xf32>
        %mul3A_1051 = arith.mulf %mul3A_1050, %get3A_35 : vector<16xf32>
        %add3A_1052 = arith.addf %add3A_1049, %mul3A_1051 : vector<16xf32>
        %max3A_1053 = arith.constant 0.000000e+00 : f32
        %max3A_1054 = vector.broadcast %max3A_1053 : f32 to vector<16xf32>
        %max3A_1055 = arith.maximumf %add3A_1052, %max3A_1054 : vector<16xf32>
        %mul3A_1056 = arith.constant 16 : i32
        %mul3A_1057 = arith.muli %scan3A_102, %mul3A_1056 : i32
        %add3A_1058 = arith.constant 10 : i32
        %add3A_1059 = arith.addi %mul3A_1057, %add3A_1058 : i32
        %swap3A_1060 = arith.index_cast %add3A_1059 : i32 to index
        %swap3A_1061 = arith.constant 16 : index
        %swap3A_1062 = tpu.vector_load %arg9[%swap3A_1060, %swap3A_1061] {strides = array<i32>} : memref<128x80xf32, #tpu.memory_space<vmem>>, vector<16xf32>,
        tpu.vector_store %arg9[%swap3A_1060, %swap3A_1061], %max3A_1055 {strides = array<i32>} : memref<128x80xf32, #tpu.memory_space<vmem>>, vector<16xf32>,
        %mul3A_1063 = vector.broadcast %squeeze3A_1020 : f32 to vector<16xf32>
        %mul3A_1064 = arith.mulf %mul3A_1063, %get3A_21 : vector<16xf32>
        %add3A_1065 = arith.addf %get3A_45, %mul3A_1064 : vector<16xf32>
        %mul3A_1066 = vector.broadcast %squeeze3A_1022 : f32 to vector<16xf32>
        %mul3A_1067 = arith.mulf %mul3A_1066, %get3A_29 : vector<16xf32>
        %add3A_1068 = arith.addf %add3A_1065, %mul3A_1067 : vector<16xf32>
        %mul3A_1069 = vector.broadcast %squeeze3A_1024 : f32 to vector<16xf32>
        %mul3A_1070 = arith.mulf %mul3A_1069, %get3A_37 : vector<16xf32>
        %add3A_1071 = arith.addf %add3A_1068, %mul3A_1070 : vector<16xf32>
        %max3A_1072 = arith.constant 0.000000e+00 : f32
        %max3A_1073 = vector.broadcast %max3A_1072 : f32 to vector<16xf32>
        %max3A_1074 = arith.maximumf %add3A_1071, %max3A_1073 : vector<16xf32>
        %mul3A_1075 = arith.constant 16 : i32
        %mul3A_1076 = arith.muli %scan3A_102, %mul3A_1075 : i32
        %add3A_1077 = arith.constant 10 : i32
        %add3A_1078 = arith.addi %mul3A_1076, %add3A_1077 : i32
        %swap3A_1079 = arith.index_cast %add3A_1078 : i32 to index
        %swap3A_1080 = arith.constant 32 : index
        %swap3A_1081 = tpu.vector_load %arg9[%swap3A_1079, %swap3A_1080] {strides = array<i32>} : memref<128x80xf32, #tpu.memory_space<vmem>>, vector<16xf32>,
        tpu.vector_store %arg9[%swap3A_1079, %swap3A_1080], %max3A_1074 {strides = array<i32>} : memref<128x80xf32, #tpu.memory_space<vmem>>, vector<16xf32>,
        %mul3A_1082 = vector.broadcast %squeeze3A_1020 : f32 to vector<16xf32>
        %mul3A_1083 = arith.mulf %mul3A_1082, %get3A_23 : vector<16xf32>
        %add3A_1084 = arith.addf %get3A_47, %mul3A_1083 : vector<16xf32>
        %mul3A_1085 = vector.broadcast %squeeze3A_1022 : f32 to vector<16xf32>
        %mul3A_1086 = arith.mulf %mul3A_1085, %get3A_31 : vector<16xf32>
        %add3A_1087 = arith.addf %add3A_1084, %mul3A_1086 : vector<16xf32>
        %mul3A_1088 = vector.broadcast %squeeze3A_1024 : f32 to vector<16xf32>
        %mul3A_1089 = arith.mulf %mul3A_1088, %get3A_39 : vector<16xf32>
        %add3A_1090 = arith.addf %add3A_1087, %mul3A_1089 : vector<16xf32>
        %max3A_1091 = arith.constant 0.000000e+00 : f32
        %max3A_1092 = vector.broadcast %max3A_1091 : f32 to vector<16xf32>
        %max3A_1093 = arith.maximumf %add3A_1090, %max3A_1092 : vector<16xf32>
        %mul3A_1094 = arith.constant 16 : i32
        %mul3A_1095 = arith.muli %scan3A_102, %mul3A_1094 : i32
        %add3A_1096 = arith.constant 10 : i32
        %add3A_1097 = arith.addi %mul3A_1095, %add3A_1096 : i32
        %swap3A_1098 = arith.index_cast %add3A_1097 : i32 to index
        %swap3A_1099 = arith.constant 48 : index
        %swap3A_1100 = tpu.vector_load %arg9[%swap3A_1098, %swap3A_1099] {strides = array<i32>} : memref<128x80xf32, #tpu.memory_space<vmem>>, vector<16xf32>,
        tpu.vector_store %arg9[%swap3A_1098, %swap3A_1099], %max3A_1093 {strides = array<i32>} : memref<128x80xf32, #tpu.memory_space<vmem>>, vector<16xf32>,
        %slice3A_1101 = vector.extract_strided_slice %sub3A {offsets = [11], sizes = [1], strides = [1]} : vector<16xf32> to vector<1xf32>
        %squeeze3A_1102 = vector.extract %slice3A_1101[0] : f32 from vector<1xf32>
        %slice3A_1103 = vector.extract_strided_slice %sub3A_171 {offsets = [11], sizes = [1], strides = [1]} : vector<16xf32> to vector<1xf32>
        %squeeze3A_1104 = vector.extract %slice3A_1103[0] : f32 from vector<1xf32>
        %slice3A_1105 = vector.extract_strided_slice %sub3A_176 {offsets = [11], sizes = [1], strides = [1]} : vector<16xf32> to vector<1xf32>
        %squeeze3A_1106 = vector.extract %slice3A_1105[0] : f32 from vector<1xf32>
        %mul3A_1107 = vector.broadcast %squeeze3A_1102 : f32 to vector<16xf32>
        %mul3A_1108 = arith.mulf %mul3A_1107, %get3A_17 : vector<16xf32>
        %add3A_1109 = arith.addf %get3A_41, %mul3A_1108 : vector<16xf32>
        %mul3A_1110 = vector.broadcast %squeeze3A_1104 : f32 to vector<16xf32>
        %mul3A_1111 = arith.mulf %mul3A_1110, %get3A_25 : vector<16xf32>
        %add3A_1112 = arith.addf %add3A_1109, %mul3A_1111 : vector<16xf32>
        %mul3A_1113 = vector.broadcast %squeeze3A_1106 : f32 to vector<16xf32>
        %mul3A_1114 = arith.mulf %mul3A_1113, %get3A_33 : vector<16xf32>
        %add3A_1115 = arith.addf %add3A_1112, %mul3A_1114 : vector<16xf32>
        %max3A_1116 = arith.constant 0.000000e+00 : f32
        %max3A_1117 = vector.broadcast %max3A_1116 : f32 to vector<16xf32>
        %max3A_1118 = arith.maximumf %add3A_1115, %max3A_1117 : vector<16xf32>
        %mul3A_1119 = arith.constant 16 : i32
        %mul3A_1120 = arith.muli %scan3A_102, %mul3A_1119 : i32
        %add3A_1121 = arith.constant 11 : i32
        %add3A_1122 = arith.addi %mul3A_1120, %add3A_1121 : i32
        %swap3A_1123 = arith.index_cast %add3A_1122 : i32 to index
        %swap3A_1124 = arith.constant 0 : index
        %swap3A_1125 = tpu.vector_load %arg9[%swap3A_1123, %swap3A_1124] {strides = array<i32>} : memref<128x80xf32, #tpu.memory_space<vmem>>, vector<16xf32>,
        tpu.vector_store %arg9[%swap3A_1123, %swap3A_1124], %max3A_1118 {strides = array<i32>} : memref<128x80xf32, #tpu.memory_space<vmem>>, vector<16xf32>,
        %mul3A_1126 = vector.broadcast %squeeze3A_1102 : f32 to vector<16xf32>
        %mul3A_1127 = arith.mulf %mul3A_1126, %get3A_19 : vector<16xf32>
        %add3A_1128 = arith.addf %get3A_43, %mul3A_1127 : vector<16xf32>
        %mul3A_1129 = vector.broadcast %squeeze3A_1104 : f32 to vector<16xf32>
        %mul3A_1130 = arith.mulf %mul3A_1129, %get3A_27 : vector<16xf32>
        %add3A_1131 = arith.addf %add3A_1128, %mul3A_1130 : vector<16xf32>
        %mul3A_1132 = vector.broadcast %squeeze3A_1106 : f32 to vector<16xf32>
        %mul3A_1133 = arith.mulf %mul3A_1132, %get3A_35 : vector<16xf32>
        %add3A_1134 = arith.addf %add3A_1131, %mul3A_1133 : vector<16xf32>
        %max3A_1135 = arith.constant 0.000000e+00 : f32
        %max3A_1136 = vector.broadcast %max3A_1135 : f32 to vector<16xf32>
        %max3A_1137 = arith.maximumf %add3A_1134, %max3A_1136 : vector<16xf32>
        %mul3A_1138 = arith.constant 16 : i32
        %mul3A_1139 = arith.muli %scan3A_102, %mul3A_1138 : i32
        %add3A_1140 = arith.constant 11 : i32
        %add3A_1141 = arith.addi %mul3A_1139, %add3A_1140 : i32
        %swap3A_1142 = arith.index_cast %add3A_1141 : i32 to index
        %swap3A_1143 = arith.constant 16 : index
        %swap3A_1144 = tpu.vector_load %arg9[%swap3A_1142, %swap3A_1143] {strides = array<i32>} : memref<128x80xf32, #tpu.memory_space<vmem>>, vector<16xf32>,
        tpu.vector_store %arg9[%swap3A_1142, %swap3A_1143], %max3A_1137 {strides = array<i32>} : memref<128x80xf32, #tpu.memory_space<vmem>>, vector<16xf32>,
        %mul3A_1145 = vector.broadcast %squeeze3A_1102 : f32 to vector<16xf32>
        %mul3A_1146 = arith.mulf %mul3A_1145, %get3A_21 : vector<16xf32>
        %add3A_1147 = arith.addf %get3A_45, %mul3A_1146 : vector<16xf32>
        %mul3A_1148 = vector.broadcast %squeeze3A_1104 : f32 to vector<16xf32>
        %mul3A_1149 = arith.mulf %mul3A_1148, %get3A_29 : vector<16xf32>
        %add3A_1150 = arith.addf %add3A_1147, %mul3A_1149 : vector<16xf32>
        %mul3A_1151 = vector.broadcast %squeeze3A_1106 : f32 to vector<16xf32>
        %mul3A_1152 = arith.mulf %mul3A_1151, %get3A_37 : vector<16xf32>
        %add3A_1153 = arith.addf %add3A_1150, %mul3A_1152 : vector<16xf32>
        %max3A_1154 = arith.constant 0.000000e+00 : f32
        %max3A_1155 = vector.broadcast %max3A_1154 : f32 to vector<16xf32>
        %max3A_1156 = arith.maximumf %add3A_1153, %max3A_1155 : vector<16xf32>
        %mul3A_1157 = arith.constant 16 : i32
        %mul3A_1158 = arith.muli %scan3A_102, %mul3A_1157 : i32
        %add3A_1159 = arith.constant 11 : i32
        %add3A_1160 = arith.addi %mul3A_1158, %add3A_1159 : i32
        %swap3A_1161 = arith.index_cast %add3A_1160 : i32 to index
        %swap3A_1162 = arith.constant 32 : index
        %swap3A_1163 = tpu.vector_load %arg9[%swap3A_1161, %swap3A_1162] {strides = array<i32>} : memref<128x80xf32, #tpu.memory_space<vmem>>, vector<16xf32>,
        tpu.vector_store %arg9[%swap3A_1161, %swap3A_1162], %max3A_1156 {strides = array<i32>} : memref<128x80xf32, #tpu.memory_space<vmem>>, vector<16xf32>,
        %mul3A_1164 = vector.broadcast %squeeze3A_1102 : f32 to vector<16xf32>
        %mul3A_1165 = arith.mulf %mul3A_1164, %get3A_23 : vector<16xf32>
        %add3A_1166 = arith.addf %get3A_47, %mul3A_1165 : vector<16xf32>
        %mul3A_1167 = vector.broadcast %squeeze3A_1104 : f32 to vector<16xf32>
        %mul3A_1168 = arith.mulf %mul3A_1167, %get3A_31 : vector<16xf32>
        %add3A_1169 = arith.addf %add3A_1166, %mul3A_1168 : vector<16xf32>
        %mul3A_1170 = vector.broadcast %squeeze3A_1106 : f32 to vector<16xf32>
        %mul3A_1171 = arith.mulf %mul3A_1170, %get3A_39 : vector<16xf32>
        %add3A_1172 = arith.addf %add3A_1169, %mul3A_1171 : vector<16xf32>
        %max3A_1173 = arith.constant 0.000000e+00 : f32
        %max3A_1174 = vector.broadcast %max3A_1173 : f32 to vector<16xf32>
        %max3A_1175 = arith.maximumf %add3A_1172, %max3A_1174 : vector<16xf32>
        %mul3A_1176 = arith.constant 16 : i32
        %mul3A_1177 = arith.muli %scan3A_102, %mul3A_1176 : i32
        %add3A_1178 = arith.constant 11 : i32
        %add3A_1179 = arith.addi %mul3A_1177, %add3A_1178 : i32
        %swap3A_1180 = arith.index_cast %add3A_1179 : i32 to index
        %swap3A_1181 = arith.constant 48 : index
        %swap3A_1182 = tpu.vector_load %arg9[%swap3A_1180, %swap3A_1181] {strides = array<i32>} : memref<128x80xf32, #tpu.memory_space<vmem>>, vector<16xf32>,
        tpu.vector_store %arg9[%swap3A_1180, %swap3A_1181], %max3A_1175 {strides = array<i32>} : memref<128x80xf32, #tpu.memory_space<vmem>>, vector<16xf32>,
        %slice3A_1183 = vector.extract_strided_slice %sub3A {offsets = [12], sizes = [1], strides = [1]} : vector<16xf32> to vector<1xf32>
        %squeeze3A_1184 = vector.extract %slice3A_1183[0] : f32 from vector<1xf32>
        %slice3A_1185 = vector.extract_strided_slice %sub3A_171 {offsets = [12], sizes = [1], strides = [1]} : vector<16xf32> to vector<1xf32>
        %squeeze3A_1186 = vector.extract %slice3A_1185[0] : f32 from vector<1xf32>
        %slice3A_1187 = vector.extract_strided_slice %sub3A_176 {offsets = [12], sizes = [1], strides = [1]} : vector<16xf32> to vector<1xf32>
        %squeeze3A_1188 = vector.extract %slice3A_1187[0] : f32 from vector<1xf32>
        %mul3A_1189 = vector.broadcast %squeeze3A_1184 : f32 to vector<16xf32>
        %mul3A_1190 = arith.mulf %mul3A_1189, %get3A_17 : vector<16xf32>
        %add3A_1191 = arith.addf %get3A_41, %mul3A_1190 : vector<16xf32>
        %mul3A_1192 = vector.broadcast %squeeze3A_1186 : f32 to vector<16xf32>
        %mul3A_1193 = arith.mulf %mul3A_1192, %get3A_25 : vector<16xf32>
        %add3A_1194 = arith.addf %add3A_1191, %mul3A_1193 : vector<16xf32>
        %mul3A_1195 = vector.broadcast %squeeze3A_1188 : f32 to vector<16xf32>
        %mul3A_1196 = arith.mulf %mul3A_1195, %get3A_33 : vector<16xf32>
        %add3A_1197 = arith.addf %add3A_1194, %mul3A_1196 : vector<16xf32>
        %max3A_1198 = arith.constant 0.000000e+00 : f32
        %max3A_1199 = vector.broadcast %max3A_1198 : f32 to vector<16xf32>
        %max3A_1200 = arith.maximumf %add3A_1197, %max3A_1199 : vector<16xf32>
        %mul3A_1201 = arith.constant 16 : i32
        %mul3A_1202 = arith.muli %scan3A_102, %mul3A_1201 : i32
        %add3A_1203 = arith.constant 12 : i32
        %add3A_1204 = arith.addi %mul3A_1202, %add3A_1203 : i32
        %swap3A_1205 = arith.index_cast %add3A_1204 : i32 to index
        %swap3A_1206 = arith.constant 0 : index
        %swap3A_1207 = tpu.vector_load %arg9[%swap3A_1205, %swap3A_1206] {strides = array<i32>} : memref<128x80xf32, #tpu.memory_space<vmem>>, vector<16xf32>,
        tpu.vector_store %arg9[%swap3A_1205, %swap3A_1206], %max3A_1200 {strides = array<i32>} : memref<128x80xf32, #tpu.memory_space<vmem>>, vector<16xf32>,
        %mul3A_1208 = vector.broadcast %squeeze3A_1184 : f32 to vector<16xf32>
        %mul3A_1209 = arith.mulf %mul3A_1208, %get3A_19 : vector<16xf32>
        %add3A_1210 = arith.addf %get3A_43, %mul3A_1209 : vector<16xf32>
        %mul3A_1211 = vector.broadcast %squeeze3A_1186 : f32 to vector<16xf32>
        %mul3A_1212 = arith.mulf %mul3A_1211, %get3A_27 : vector<16xf32>
        %add3A_1213 = arith.addf %add3A_1210, %mul3A_1212 : vector<16xf32>
        %mul3A_1214 = vector.broadcast %squeeze3A_1188 : f32 to vector<16xf32>
        %mul3A_1215 = arith.mulf %mul3A_1214, %get3A_35 : vector<16xf32>
        %add3A_1216 = arith.addf %add3A_1213, %mul3A_1215 : vector<16xf32>
        %max3A_1217 = arith.constant 0.000000e+00 : f32
        %max3A_1218 = vector.broadcast %max3A_1217 : f32 to vector<16xf32>
        %max3A_1219 = arith.maximumf %add3A_1216, %max3A_1218 : vector<16xf32>
        %mul3A_1220 = arith.constant 16 : i32
        %mul3A_1221 = arith.muli %scan3A_102, %mul3A_1220 : i32
        %add3A_1222 = arith.constant 12 : i32
        %add3A_1223 = arith.addi %mul3A_1221, %add3A_1222 : i32
        %swap3A_1224 = arith.index_cast %add3A_1223 : i32 to index
        %swap3A_1225 = arith.constant 16 : index
        %swap3A_1226 = tpu.vector_load %arg9[%swap3A_1224, %swap3A_1225] {strides = array<i32>} : memref<128x80xf32, #tpu.memory_space<vmem>>, vector<16xf32>,
        tpu.vector_store %arg9[%swap3A_1224, %swap3A_1225], %max3A_1219 {strides = array<i32>} : memref<128x80xf32, #tpu.memory_space<vmem>>, vector<16xf32>,
        %mul3A_1227 = vector.broadcast %squeeze3A_1184 : f32 to vector<16xf32>
        %mul3A_1228 = arith.mulf %mul3A_1227, %get3A_21 : vector<16xf32>
        %add3A_1229 = arith.addf %get3A_45, %mul3A_1228 : vector<16xf32>
        %mul3A_1230 = vector.broadcast %squeeze3A_1186 : f32 to vector<16xf32>
        %mul3A_1231 = arith.mulf %mul3A_1230, %get3A_29 : vector<16xf32>
        %add3A_1232 = arith.addf %add3A_1229, %mul3A_1231 : vector<16xf32>
        %mul3A_1233 = vector.broadcast %squeeze3A_1188 : f32 to vector<16xf32>
        %mul3A_1234 = arith.mulf %mul3A_1233, %get3A_37 : vector<16xf32>
        %add3A_1235 = arith.addf %add3A_1232, %mul3A_1234 : vector<16xf32>
        %max3A_1236 = arith.constant 0.000000e+00 : f32
        %max3A_1237 = vector.broadcast %max3A_1236 : f32 to vector<16xf32>
        %max3A_1238 = arith.maximumf %add3A_1235, %max3A_1237 : vector<16xf32>
        %mul3A_1239 = arith.constant 16 : i32
        %mul3A_1240 = arith.muli %scan3A_102, %mul3A_1239 : i32
        %add3A_1241 = arith.constant 12 : i32
        %add3A_1242 = arith.addi %mul3A_1240, %add3A_1241 : i32
        %swap3A_1243 = arith.index_cast %add3A_1242 : i32 to index
        %swap3A_1244 = arith.constant 32 : index
        %swap3A_1245 = tpu.vector_load %arg9[%swap3A_1243, %swap3A_1244] {strides = array<i32>} : memref<128x80xf32, #tpu.memory_space<vmem>>, vector<16xf32>,
        tpu.vector_store %arg9[%swap3A_1243, %swap3A_1244], %max3A_1238 {strides = array<i32>} : memref<128x80xf32, #tpu.memory_space<vmem>>, vector<16xf32>,
        %mul3A_1246 = vector.broadcast %squeeze3A_1184 : f32 to vector<16xf32>
        %mul3A_1247 = arith.mulf %mul3A_1246, %get3A_23 : vector<16xf32>
        %add3A_1248 = arith.addf %get3A_47, %mul3A_1247 : vector<16xf32>
        %mul3A_1249 = vector.broadcast %squeeze3A_1186 : f32 to vector<16xf32>
        %mul3A_1250 = arith.mulf %mul3A_1249, %get3A_31 : vector<16xf32>
        %add3A_1251 = arith.addf %add3A_1248, %mul3A_1250 : vector<16xf32>
        %mul3A_1252 = vector.broadcast %squeeze3A_1188 : f32 to vector<16xf32>
        %mul3A_1253 = arith.mulf %mul3A_1252, %get3A_39 : vector<16xf32>
        %add3A_1254 = arith.addf %add3A_1251, %mul3A_1253 : vector<16xf32>
        %max3A_1255 = arith.constant 0.000000e+00 : f32
        %max3A_1256 = vector.broadcast %max3A_1255 : f32 to vector<16xf32>
        %max3A_1257 = arith.maximumf %add3A_1254, %max3A_1256 : vector<16xf32>
        %mul3A_1258 = arith.constant 16 : i32
        %mul3A_1259 = arith.muli %scan3A_102, %mul3A_1258 : i32
        %add3A_1260 = arith.constant 12 : i32
        %add3A_1261 = arith.addi %mul3A_1259, %add3A_1260 : i32
        %swap3A_1262 = arith.index_cast %add3A_1261 : i32 to index
        %swap3A_1263 = arith.constant 48 : index
        %swap3A_1264 = tpu.vector_load %arg9[%swap3A_1262, %swap3A_1263] {strides = array<i32>} : memref<128x80xf32, #tpu.memory_space<vmem>>, vector<16xf32>,
        tpu.vector_store %arg9[%swap3A_1262, %swap3A_1263], %max3A_1257 {strides = array<i32>} : memref<128x80xf32, #tpu.memory_space<vmem>>, vector<16xf32>,
        %slice3A_1265 = vector.extract_strided_slice %sub3A {offsets = [13], sizes = [1], strides = [1]} : vector<16xf32> to vector<1xf32>
        %squeeze3A_1266 = vector.extract %slice3A_1265[0] : f32 from vector<1xf32>
        %slice3A_1267 = vector.extract_strided_slice %sub3A_171 {offsets = [13], sizes = [1], strides = [1]} : vector<16xf32> to vector<1xf32>
        %squeeze3A_1268 = vector.extract %slice3A_1267[0] : f32 from vector<1xf32>
        %slice3A_1269 = vector.extract_strided_slice %sub3A_176 {offsets = [13], sizes = [1], strides = [1]} : vector<16xf32> to vector<1xf32>
        %squeeze3A_1270 = vector.extract %slice3A_1269[0] : f32 from vector<1xf32>
        %mul3A_1271 = vector.broadcast %squeeze3A_1266 : f32 to vector<16xf32>
        %mul3A_1272 = arith.mulf %mul3A_1271, %get3A_17 : vector<16xf32>
        %add3A_1273 = arith.addf %get3A_41, %mul3A_1272 : vector<16xf32>
        %mul3A_1274 = vector.broadcast %squeeze3A_1268 : f32 to vector<16xf32>
        %mul3A_1275 = arith.mulf %mul3A_1274, %get3A_25 : vector<16xf32>
        %add3A_1276 = arith.addf %add3A_1273, %mul3A_1275 : vector<16xf32>
        %mul3A_1277 = vector.broadcast %squeeze3A_1270 : f32 to vector<16xf32>
        %mul3A_1278 = arith.mulf %mul3A_1277, %get3A_33 : vector<16xf32>
        %add3A_1279 = arith.addf %add3A_1276, %mul3A_1278 : vector<16xf32>
        %max3A_1280 = arith.constant 0.000000e+00 : f32
        %max3A_1281 = vector.broadcast %max3A_1280 : f32 to vector<16xf32>
        %max3A_1282 = arith.maximumf %add3A_1279, %max3A_1281 : vector<16xf32>
        %mul3A_1283 = arith.constant 16 : i32
        %mul3A_1284 = arith.muli %scan3A_102, %mul3A_1283 : i32
        %add3A_1285 = arith.constant 13 : i32
        %add3A_1286 = arith.addi %mul3A_1284, %add3A_1285 : i32
        %swap3A_1287 = arith.index_cast %add3A_1286 : i32 to index
        %swap3A_1288 = arith.constant 0 : index
        %swap3A_1289 = tpu.vector_load %arg9[%swap3A_1287, %swap3A_1288] {strides = array<i32>} : memref<128x80xf32, #tpu.memory_space<vmem>>, vector<16xf32>,
        tpu.vector_store %arg9[%swap3A_1287, %swap3A_1288], %max3A_1282 {strides = array<i32>} : memref<128x80xf32, #tpu.memory_space<vmem>>, vector<16xf32>,
        %mul3A_1290 = vector.broadcast %squeeze3A_1266 : f32 to vector<16xf32>
        %mul3A_1291 = arith.mulf %mul3A_1290, %get3A_19 : vector<16xf32>
        %add3A_1292 = arith.addf %get3A_43, %mul3A_1291 : vector<16xf32>
        %mul3A_1293 = vector.broadcast %squeeze3A_1268 : f32 to vector<16xf32>
        %mul3A_1294 = arith.mulf %mul3A_1293, %get3A_27 : vector<16xf32>
        %add3A_1295 = arith.addf %add3A_1292, %mul3A_1294 : vector<16xf32>
        %mul3A_1296 = vector.broadcast %squeeze3A_1270 : f32 to vector<16xf32>
        %mul3A_1297 = arith.mulf %mul3A_1296, %get3A_35 : vector<16xf32>
        %add3A_1298 = arith.addf %add3A_1295, %mul3A_1297 : vector<16xf32>
        %max3A_1299 = arith.constant 0.000000e+00 : f32
        %max3A_1300 = vector.broadcast %max3A_1299 : f32 to vector<16xf32>
        %max3A_1301 = arith.maximumf %add3A_1298, %max3A_1300 : vector<16xf32>
        %mul3A_1302 = arith.constant 16 : i32
        %mul3A_1303 = arith.muli %scan3A_102, %mul3A_1302 : i32
        %add3A_1304 = arith.constant 13 : i32
        %add3A_1305 = arith.addi %mul3A_1303, %add3A_1304 : i32
        %swap3A_1306 = arith.index_cast %add3A_1305 : i32 to index
        %swap3A_1307 = arith.constant 16 : index
        %swap3A_1308 = tpu.vector_load %arg9[%swap3A_1306, %swap3A_1307] {strides = array<i32>} : memref<128x80xf32, #tpu.memory_space<vmem>>, vector<16xf32>,
        tpu.vector_store %arg9[%swap3A_1306, %swap3A_1307], %max3A_1301 {strides = array<i32>} : memref<128x80xf32, #tpu.memory_space<vmem>>, vector<16xf32>,
        %mul3A_1309 = vector.broadcast %squeeze3A_1266 : f32 to vector<16xf32>
        %mul3A_1310 = arith.mulf %mul3A_1309, %get3A_21 : vector<16xf32>
        %add3A_1311 = arith.addf %get3A_45, %mul3A_1310 : vector<16xf32>
        %mul3A_1312 = vector.broadcast %squeeze3A_1268 : f32 to vector<16xf32>
        %mul3A_1313 = arith.mulf %mul3A_1312, %get3A_29 : vector<16xf32>
        %add3A_1314 = arith.addf %add3A_1311, %mul3A_1313 : vector<16xf32>
        %mul3A_1315 = vector.broadcast %squeeze3A_1270 : f32 to vector<16xf32>
        %mul3A_1316 = arith.mulf %mul3A_1315, %get3A_37 : vector<16xf32>
        %add3A_1317 = arith.addf %add3A_1314, %mul3A_1316 : vector<16xf32>
        %max3A_1318 = arith.constant 0.000000e+00 : f32
        %max3A_1319 = vector.broadcast %max3A_1318 : f32 to vector<16xf32>
        %max3A_1320 = arith.maximumf %add3A_1317, %max3A_1319 : vector<16xf32>
        %mul3A_1321 = arith.constant 16 : i32
        %mul3A_1322 = arith.muli %scan3A_102, %mul3A_1321 : i32
        %add3A_1323 = arith.constant 13 : i32
        %add3A_1324 = arith.addi %mul3A_1322, %add3A_1323 : i32
        %swap3A_1325 = arith.index_cast %add3A_1324 : i32 to index
        %swap3A_1326 = arith.constant 32 : index
        %swap3A_1327 = tpu.vector_load %arg9[%swap3A_1325, %swap3A_1326] {strides = array<i32>} : memref<128x80xf32, #tpu.memory_space<vmem>>, vector<16xf32>,
        tpu.vector_store %arg9[%swap3A_1325, %swap3A_1326], %max3A_1320 {strides = array<i32>} : memref<128x80xf32, #tpu.memory_space<vmem>>, vector<16xf32>,
        %mul3A_1328 = vector.broadcast %squeeze3A_1266 : f32 to vector<16xf32>
        %mul3A_1329 = arith.mulf %mul3A_1328, %get3A_23 : vector<16xf32>
        %add3A_1330 = arith.addf %get3A_47, %mul3A_1329 : vector<16xf32>
        %mul3A_1331 = vector.broadcast %squeeze3A_1268 : f32 to vector<16xf32>
        %mul3A_1332 = arith.mulf %mul3A_1331, %get3A_31 : vector<16xf32>
        %add3A_1333 = arith.addf %add3A_1330, %mul3A_1332 : vector<16xf32>
        %mul3A_1334 = vector.broadcast %squeeze3A_1270 : f32 to vector<16xf32>
        %mul3A_1335 = arith.mulf %mul3A_1334, %get3A_39 : vector<16xf32>
        %add3A_1336 = arith.addf %add3A_1333, %mul3A_1335 : vector<16xf32>
        %max3A_1337 = arith.constant 0.000000e+00 : f32
        %max3A_1338 = vector.broadcast %max3A_1337 : f32 to vector<16xf32>
        %max3A_1339 = arith.maximumf %add3A_1336, %max3A_1338 : vector<16xf32>
        %mul3A_1340 = arith.constant 16 : i32
        %mul3A_1341 = arith.muli %scan3A_102, %mul3A_1340 : i32
        %add3A_1342 = arith.constant 13 : i32
        %add3A_1343 = arith.addi %mul3A_1341, %add3A_1342 : i32
        %swap3A_1344 = arith.index_cast %add3A_1343 : i32 to index
        %swap3A_1345 = arith.constant 48 : index
        %swap3A_1346 = tpu.vector_load %arg9[%swap3A_1344, %swap3A_1345] {strides = array<i32>} : memref<128x80xf32, #tpu.memory_space<vmem>>, vector<16xf32>,
        tpu.vector_store %arg9[%swap3A_1344, %swap3A_1345], %max3A_1339 {strides = array<i32>} : memref<128x80xf32, #tpu.memory_space<vmem>>, vector<16xf32>,
        %slice3A_1347 = vector.extract_strided_slice %sub3A {offsets = [14], sizes = [1], strides = [1]} : vector<16xf32> to vector<1xf32>
        %squeeze3A_1348 = vector.extract %slice3A_1347[0] : f32 from vector<1xf32>
        %slice3A_1349 = vector.extract_strided_slice %sub3A_171 {offsets = [14], sizes = [1], strides = [1]} : vector<16xf32> to vector<1xf32>
        %squeeze3A_1350 = vector.extract %slice3A_1349[0] : f32 from vector<1xf32>
        %slice3A_1351 = vector.extract_strided_slice %sub3A_176 {offsets = [14], sizes = [1], strides = [1]} : vector<16xf32> to vector<1xf32>
        %squeeze3A_1352 = vector.extract %slice3A_1351[0] : f32 from vector<1xf32>
        %mul3A_1353 = vector.broadcast %squeeze3A_1348 : f32 to vector<16xf32>
        %mul3A_1354 = arith.mulf %mul3A_1353, %get3A_17 : vector<16xf32>
        %add3A_1355 = arith.addf %get3A_41, %mul3A_1354 : vector<16xf32>
        %mul3A_1356 = vector.broadcast %squeeze3A_1350 : f32 to vector<16xf32>
        %mul3A_1357 = arith.mulf %mul3A_1356, %get3A_25 : vector<16xf32>
        %add3A_1358 = arith.addf %add3A_1355, %mul3A_1357 : vector<16xf32>
        %mul3A_1359 = vector.broadcast %squeeze3A_1352 : f32 to vector<16xf32>
        %mul3A_1360 = arith.mulf %mul3A_1359, %get3A_33 : vector<16xf32>
        %add3A_1361 = arith.addf %add3A_1358, %mul3A_1360 : vector<16xf32>
        %max3A_1362 = arith.constant 0.000000e+00 : f32
        %max3A_1363 = vector.broadcast %max3A_1362 : f32 to vector<16xf32>
        %max3A_1364 = arith.maximumf %add3A_1361, %max3A_1363 : vector<16xf32>
        %mul3A_1365 = arith.constant 16 : i32
        %mul3A_1366 = arith.muli %scan3A_102, %mul3A_1365 : i32
        %add3A_1367 = arith.constant 14 : i32
        %add3A_1368 = arith.addi %mul3A_1366, %add3A_1367 : i32
        %swap3A_1369 = arith.index_cast %add3A_1368 : i32 to index
        %swap3A_1370 = arith.constant 0 : index
        %swap3A_1371 = tpu.vector_load %arg9[%swap3A_1369, %swap3A_1370] {strides = array<i32>} : memref<128x80xf32, #tpu.memory_space<vmem>>, vector<16xf32>,
        tpu.vector_store %arg9[%swap3A_1369, %swap3A_1370], %max3A_1364 {strides = array<i32>} : memref<128x80xf32, #tpu.memory_space<vmem>>, vector<16xf32>,
        %mul3A_1372 = vector.broadcast %squeeze3A_1348 : f32 to vector<16xf32>
        %mul3A_1373 = arith.mulf %mul3A_1372, %get3A_19 : vector<16xf32>
        %add3A_1374 = arith.addf %get3A_43, %mul3A_1373 : vector<16xf32>
        %mul3A_1375 = vector.broadcast %squeeze3A_1350 : f32 to vector<16xf32>
        %mul3A_1376 = arith.mulf %mul3A_1375, %get3A_27 : vector<16xf32>
        %add3A_1377 = arith.addf %add3A_1374, %mul3A_1376 : vector<16xf32>
        %mul3A_1378 = vector.broadcast %squeeze3A_1352 : f32 to vector<16xf32>
        %mul3A_1379 = arith.mulf %mul3A_1378, %get3A_35 : vector<16xf32>
        %add3A_1380 = arith.addf %add3A_1377, %mul3A_1379 : vector<16xf32>
        %max3A_1381 = arith.constant 0.000000e+00 : f32
        %max3A_1382 = vector.broadcast %max3A_1381 : f32 to vector<16xf32>
        %max3A_1383 = arith.maximumf %add3A_1380, %max3A_1382 : vector<16xf32>
        %mul3A_1384 = arith.constant 16 : i32
        %mul3A_1385 = arith.muli %scan3A_102, %mul3A_1384 : i32
        %add3A_1386 = arith.constant 14 : i32
        %add3A_1387 = arith.addi %mul3A_1385, %add3A_1386 : i32
        %swap3A_1388 = arith.index_cast %add3A_1387 : i32 to index
        %swap3A_1389 = arith.constant 16 : index
        %swap3A_1390 = tpu.vector_load %arg9[%swap3A_1388, %swap3A_1389] {strides = array<i32>} : memref<128x80xf32, #tpu.memory_space<vmem>>, vector<16xf32>,
        tpu.vector_store %arg9[%swap3A_1388, %swap3A_1389], %max3A_1383 {strides = array<i32>} : memref<128x80xf32, #tpu.memory_space<vmem>>, vector<16xf32>,
        %mul3A_1391 = vector.broadcast %squeeze3A_1348 : f32 to vector<16xf32>
        %mul3A_1392 = arith.mulf %mul3A_1391, %get3A_21 : vector<16xf32>
        %add3A_1393 = arith.addf %get3A_45, %mul3A_1392 : vector<16xf32>
        %mul3A_1394 = vector.broadcast %squeeze3A_1350 : f32 to vector<16xf32>
        %mul3A_1395 = arith.mulf %mul3A_1394, %get3A_29 : vector<16xf32>
        %add3A_1396 = arith.addf %add3A_1393, %mul3A_1395 : vector<16xf32>
        %mul3A_1397 = vector.broadcast %squeeze3A_1352 : f32 to vector<16xf32>
        %mul3A_1398 = arith.mulf %mul3A_1397, %get3A_37 : vector<16xf32>
        %add3A_1399 = arith.addf %add3A_1396, %mul3A_1398 : vector<16xf32>
        %max3A_1400 = arith.constant 0.000000e+00 : f32
        %max3A_1401 = vector.broadcast %max3A_1400 : f32 to vector<16xf32>
        %max3A_1402 = arith.maximumf %add3A_1399, %max3A_1401 : vector<16xf32>
        %mul3A_1403 = arith.constant 16 : i32
        %mul3A_1404 = arith.muli %scan3A_102, %mul3A_1403 : i32
        %add3A_1405 = arith.constant 14 : i32
        %add3A_1406 = arith.addi %mul3A_1404, %add3A_1405 : i32
        %swap3A_1407 = arith.index_cast %add3A_1406 : i32 to index
        %swap3A_1408 = arith.constant 32 : index
        %swap3A_1409 = tpu.vector_load %arg9[%swap3A_1407, %swap3A_1408] {strides = array<i32>} : memref<128x80xf32, #tpu.memory_space<vmem>>, vector<16xf32>,
        tpu.vector_store %arg9[%swap3A_1407, %swap3A_1408], %max3A_1402 {strides = array<i32>} : memref<128x80xf32, #tpu.memory_space<vmem>>, vector<16xf32>,
        %mul3A_1410 = vector.broadcast %squeeze3A_1348 : f32 to vector<16xf32>
        %mul3A_1411 = arith.mulf %mul3A_1410, %get3A_23 : vector<16xf32>
        %add3A_1412 = arith.addf %get3A_47, %mul3A_1411 : vector<16xf32>
        %mul3A_1413 = vector.broadcast %squeeze3A_1350 : f32 to vector<16xf32>
        %mul3A_1414 = arith.mulf %mul3A_1413, %get3A_31 : vector<16xf32>
        %add3A_1415 = arith.addf %add3A_1412, %mul3A_1414 : vector<16xf32>
        %mul3A_1416 = vector.broadcast %squeeze3A_1352 : f32 to vector<16xf32>
        %mul3A_1417 = arith.mulf %mul3A_1416, %get3A_39 : vector<16xf32>
        %add3A_1418 = arith.addf %add3A_1415, %mul3A_1417 : vector<16xf32>
        %max3A_1419 = arith.constant 0.000000e+00 : f32
        %max3A_1420 = vector.broadcast %max3A_1419 : f32 to vector<16xf32>
        %max3A_1421 = arith.maximumf %add3A_1418, %max3A_1420 : vector<16xf32>
        %mul3A_1422 = arith.constant 16 : i32
        %mul3A_1423 = arith.muli %scan3A_102, %mul3A_1422 : i32
        %add3A_1424 = arith.constant 14 : i32
        %add3A_1425 = arith.addi %mul3A_1423, %add3A_1424 : i32
        %swap3A_1426 = arith.index_cast %add3A_1425 : i32 to index
        %swap3A_1427 = arith.constant 48 : index
        %swap3A_1428 = tpu.vector_load %arg9[%swap3A_1426, %swap3A_1427] {strides = array<i32>} : memref<128x80xf32, #tpu.memory_space<vmem>>, vector<16xf32>,
        tpu.vector_store %arg9[%swap3A_1426, %swap3A_1427], %max3A_1421 {strides = array<i32>} : memref<128x80xf32, #tpu.memory_space<vmem>>, vector<16xf32>,
        %slice3A_1429 = vector.extract_strided_slice %sub3A {offsets = [15], sizes = [1], strides = [1]} : vector<16xf32> to vector<1xf32>
        %squeeze3A_1430 = vector.extract %slice3A_1429[0] : f32 from vector<1xf32>
        %slice3A_1431 = vector.extract_strided_slice %sub3A_171 {offsets = [15], sizes = [1], strides = [1]} : vector<16xf32> to vector<1xf32>
        %squeeze3A_1432 = vector.extract %slice3A_1431[0] : f32 from vector<1xf32>
        %slice3A_1433 = vector.extract_strided_slice %sub3A_176 {offsets = [15], sizes = [1], strides = [1]} : vector<16xf32> to vector<1xf32>
        %squeeze3A_1434 = vector.extract %slice3A_1433[0] : f32 from vector<1xf32>
        %mul3A_1435 = vector.broadcast %squeeze3A_1430 : f32 to vector<16xf32>
        %mul3A_1436 = arith.mulf %mul3A_1435, %get3A_17 : vector<16xf32>
        %add3A_1437 = arith.addf %get3A_41, %mul3A_1436 : vector<16xf32>
        %mul3A_1438 = vector.broadcast %squeeze3A_1432 : f32 to vector<16xf32>
        %mul3A_1439 = arith.mulf %mul3A_1438, %get3A_25 : vector<16xf32>
        %add3A_1440 = arith.addf %add3A_1437, %mul3A_1439 : vector<16xf32>
        %mul3A_1441 = vector.broadcast %squeeze3A_1434 : f32 to vector<16xf32>
        %mul3A_1442 = arith.mulf %mul3A_1441, %get3A_33 : vector<16xf32>
        %add3A_1443 = arith.addf %add3A_1440, %mul3A_1442 : vector<16xf32>
        %max3A_1444 = arith.constant 0.000000e+00 : f32
        %max3A_1445 = vector.broadcast %max3A_1444 : f32 to vector<16xf32>
        %max3A_1446 = arith.maximumf %add3A_1443, %max3A_1445 : vector<16xf32>
        %mul3A_1447 = arith.constant 16 : i32
        %mul3A_1448 = arith.muli %scan3A_102, %mul3A_1447 : i32
        %add3A_1449 = arith.constant 15 : i32
        %add3A_1450 = arith.addi %mul3A_1448, %add3A_1449 : i32
        %swap3A_1451 = arith.index_cast %add3A_1450 : i32 to index
        %swap3A_1452 = arith.constant 0 : index
        %swap3A_1453 = tpu.vector_load %arg9[%swap3A_1451, %swap3A_1452] {strides = array<i32>} : memref<128x80xf32, #tpu.memory_space<vmem>>, vector<16xf32>,
        tpu.vector_store %arg9[%swap3A_1451, %swap3A_1452], %max3A_1446 {strides = array<i32>} : memref<128x80xf32, #tpu.memory_space<vmem>>, vector<16xf32>,
        %mul3A_1454 = vector.broadcast %squeeze3A_1430 : f32 to vector<16xf32>
        %mul3A_1455 = arith.mulf %mul3A_1454, %get3A_19 : vector<16xf32>
        %add3A_1456 = arith.addf %get3A_43, %mul3A_1455 : vector<16xf32>
        %mul3A_1457 = vector.broadcast %squeeze3A_1432 : f32 to vector<16xf32>
        %mul3A_1458 = arith.mulf %mul3A_1457, %get3A_27 : vector<16xf32>
        %add3A_1459 = arith.addf %add3A_1456, %mul3A_1458 : vector<16xf32>
        %mul3A_1460 = vector.broadcast %squeeze3A_1434 : f32 to vector<16xf32>
        %mul3A_1461 = arith.mulf %mul3A_1460, %get3A_35 : vector<16xf32>
        %add3A_1462 = arith.addf %add3A_1459, %mul3A_1461 : vector<16xf32>
        %max3A_1463 = arith.constant 0.000000e+00 : f32
        %max3A_1464 = vector.broadcast %max3A_1463 : f32 to vector<16xf32>
        %max3A_1465 = arith.maximumf %add3A_1462, %max3A_1464 : vector<16xf32>
        %mul3A_1466 = arith.constant 16 : i32
        %mul3A_1467 = arith.muli %scan3A_102, %mul3A_1466 : i32
        %add3A_1468 = arith.constant 15 : i32
        %add3A_1469 = arith.addi %mul3A_1467, %add3A_1468 : i32
        %swap3A_1470 = arith.index_cast %add3A_1469 : i32 to index
        %swap3A_1471 = arith.constant 16 : index
        %swap3A_1472 = tpu.vector_load %arg9[%swap3A_1470, %swap3A_1471] {strides = array<i32>} : memref<128x80xf32, #tpu.memory_space<vmem>>, vector<16xf32>,
        tpu.vector_store %arg9[%swap3A_1470, %swap3A_1471], %max3A_1465 {strides = array<i32>} : memref<128x80xf32, #tpu.memory_space<vmem>>, vector<16xf32>,
        %mul3A_1473 = vector.broadcast %squeeze3A_1430 : f32 to vector<16xf32>
        %mul3A_1474 = arith.mulf %mul3A_1473, %get3A_21 : vector<16xf32>
        %add3A_1475 = arith.addf %get3A_45, %mul3A_1474 : vector<16xf32>
        %mul3A_1476 = vector.broadcast %squeeze3A_1432 : f32 to vector<16xf32>
        %mul3A_1477 = arith.mulf %mul3A_1476, %get3A_29 : vector<16xf32>
        %add3A_1478 = arith.addf %add3A_1475, %mul3A_1477 : vector<16xf32>
        %mul3A_1479 = vector.broadcast %squeeze3A_1434 : f32 to vector<16xf32>
        %mul3A_1480 = arith.mulf %mul3A_1479, %get3A_37 : vector<16xf32>
        %add3A_1481 = arith.addf %add3A_1478, %mul3A_1480 : vector<16xf32>
        %max3A_1482 = arith.constant 0.000000e+00 : f32
        %max3A_1483 = vector.broadcast %max3A_1482 : f32 to vector<16xf32>
        %max3A_1484 = arith.maximumf %add3A_1481, %max3A_1483 : vector<16xf32>
        %mul3A_1485 = arith.constant 16 : i32
        %mul3A_1486 = arith.muli %scan3A_102, %mul3A_1485 : i32
        %add3A_1487 = arith.constant 15 : i32
        %add3A_1488 = arith.addi %mul3A_1486, %add3A_1487 : i32
        %swap3A_1489 = arith.index_cast %add3A_1488 : i32 to index
        %swap3A_1490 = arith.constant 32 : index
        %swap3A_1491 = tpu.vector_load %arg9[%swap3A_1489, %swap3A_1490] {strides = array<i32>} : memref<128x80xf32, #tpu.memory_space<vmem>>, vector<16xf32>,
        tpu.vector_store %arg9[%swap3A_1489, %swap3A_1490], %max3A_1484 {strides = array<i32>} : memref<128x80xf32, #tpu.memory_space<vmem>>, vector<16xf32>,
        %mul3A_1492 = vector.broadcast %squeeze3A_1430 : f32 to vector<16xf32>
        %mul3A_1493 = arith.mulf %mul3A_1492, %get3A_23 : vector<16xf32>
        %add3A_1494 = arith.addf %get3A_47, %mul3A_1493 : vector<16xf32>
        %mul3A_1495 = vector.broadcast %squeeze3A_1432 : f32 to vector<16xf32>
        %mul3A_1496 = arith.mulf %mul3A_1495, %get3A_31 : vector<16xf32>
        %add3A_1497 = arith.addf %add3A_1494, %mul3A_1496 : vector<16xf32>
        %mul3A_1498 = vector.broadcast %squeeze3A_1434 : f32 to vector<16xf32>
        %mul3A_1499 = arith.mulf %mul3A_1498, %get3A_39 : vector<16xf32>
        %add3A_1500 = arith.addf %add3A_1497, %mul3A_1499 : vector<16xf32>
        %max3A_1501 = arith.constant 0.000000e+00 : f32
        %max3A_1502 = vector.broadcast %max3A_1501 : f32 to vector<16xf32>
        %max3A_1503 = arith.maximumf %add3A_1500, %max3A_1502 : vector<16xf32>
        %mul3A_1504 = arith.constant 16 : i32
        %mul3A_1505 = arith.muli %scan3A_102, %mul3A_1504 : i32
        %add3A_1506 = arith.constant 15 : i32
        %add3A_1507 = arith.addi %mul3A_1505, %add3A_1506 : i32
        %swap3A_1508 = arith.index_cast %add3A_1507 : i32 to index
        %swap3A_1509 = arith.constant 48 : index
        %swap3A_1510 = tpu.vector_load %arg9[%swap3A_1508, %swap3A_1509] {strides = array<i32>} : memref<128x80xf32, #tpu.memory_space<vmem>>, vector<16xf32>,
        tpu.vector_store %arg9[%swap3A_1508, %swap3A_1509], %max3A_1503 {strides = array<i32>} : memref<128x80xf32, #tpu.memory_space<vmem>>, vector<16xf32>,
      }
      %scan3A_81 = arith.constant 8 : i32
      %dma_start3A = arith.constant 0 : i32
      %dma_start3A_82 = arith.constant 0 : i32
      %dma_start3A_83 = tpu.memref_slice %arg19[%dma_start3A, %dma_start3A_82] : memref<4096x80xf32, #tpu.memory_space<vmem_shared>> -> memref<4096x80xf32, #tpu.memory_space<vmem_shared>>
      tpu.enqueue_indirect_dma source(%arg9 : memref<128x80xf32, #tpu.memory_space<vmem>>) target(%dma_start3A_83 : memref<4096x80xf32, #tpu.memory_space<vmem_shared>>) offsets(%arg11 : memref<128xi32, #tpu.memory_space<vmem>>) semaphore(%arg21 : memref<!tpu.dma_semaphore, #tpu.memory_space<semaphore_mem>>) {add = true}
      %mul3A_84 = arith.constant 2 : i32
      %mul3A_85 = arith.muli %scan3A_69, %mul3A_84 : i32
      %add3A_86 = arith.constant 1 : i32
      %add3A_87 = arith.addi %mul3A_85, %add3A_86 : i32
      %gt3A_88 = arith.constant 0 : i32
      %gt3A_89 = arith.cmpi sgt, %scan3A_69, %gt3A_88 : i32
      %convert_element_type3A_90 = arith.extui %gt3A_89 : i1 to i32
      %cond3A_91 = arith.constant 0 : i32
      %cond3A_92 = arith.cmpi ne, %convert_element_type3A_90, %cond3A_91 : i32
      scf.if %cond3A_92 {
        %dma_wait3A_102 = arith.constant 0 : i32
        %dma_wait3A_103 = arith.constant 0 : i32
        %dma_wait3A_104 = tpu.memref_slice %arg19[%dma_wait3A_102, %dma_wait3A_103] : memref<4096x80xf32, #tpu.memory_space<vmem_shared>> -> memref<4096x80xf32, #tpu.memory_space<vmem_shared>>
        tpu.wait_indirect_dma semaphore(%arg22 : memref<!tpu.dma_semaphore, #tpu.memory_space<semaphore_mem>>) src(%arg10 : memref<128x80xf32, #tpu.memory_space<vmem>>) dst(%dma_wait3A_104 : memref<4096x80xf32, #tpu.memory_space<vmem_shared>>)
      } else {
      }
      %scan3A_93 = arith.constant 0 : i32
      %scan3A_94 = arith.constant 0 : i32
      %scan3A_95 = arith.constant 8 : i32
      %scan3A_96 = arith.addi %scan3A_94, %scan3A_95 : i32
      %scan3A_97 = arith.constant 1 : i32
      scf.for %scan3A_102 = %scan3A_94 to %scan3A_96 step %scan3A_97  : i32 {
        %mul3A_103 = arith.constant 128 : i32
        %mul3A_104 = arith.muli %add3A_87, %mul3A_103 : i32
        %mul3A_105 = arith.constant 16 : i32
        %mul3A_106 = arith.muli %scan3A_102, %mul3A_105 : i32
        %add3A_107 = arith.addi %mul3A_104, %mul3A_106 : i32
        %get3A_108 = arith.constant 0 : i32
        %get3A_109 = arith.index_cast %get3A_108 : i32 to index
        %get3A_110 = arith.index_cast %add3A_107 : i32 to index
        %get3A_111 = tpu.vector_load %arg8[%get3A_109, %get3A_110] {strides = array<i32>} : memref<3x12544xf32, #tpu.memory_space<vmem>>, vector<16xf32>,
        %get3A_112 = arith.constant 1 : i32
        %get3A_113 = arith.index_cast %get3A_112 : i32 to index
        %get3A_114 = arith.index_cast %add3A_107 : i32 to index
        %get3A_115 = tpu.vector_load %arg8[%get3A_113, %get3A_114] {strides = array<i32>} : memref<3x12544xf32, #tpu.memory_space<vmem>>, vector<16xf32>,
        %get3A_116 = arith.constant 2 : i32
        %get3A_117 = arith.index_cast %get3A_116 : i32 to index
        %get3A_118 = arith.index_cast %add3A_107 : i32 to index
        %get3A_119 = tpu.vector_load %arg8[%get3A_117, %get3A_118] {strides = array<i32>} : memref<3x12544xf32, #tpu.memory_space<vmem>>, vector<16xf32>,
        %add3A_120 = arith.addi %mul3A_56, %add3A_107 : i32
        %add3A_121 = vector.broadcast %add3A_120 : i32 to vector<16xi32>
        %add3A_122 = arith.addi %add3A_121, %iota3A : vector<16xi32>
        %mul3A_123 = arith.constant 1.000000e+01 : f32
        %mul3A_124 = vector.broadcast %mul3A_123 : f32 to vector<16xf32>
        %mul3A_125 = arith.mulf %get3A_111, %mul3A_124 : vector<16xf32>
        %convert_element_type3A_126 = arith.fptosi %mul3A_125 : vector<16xf32> to vector<16xi32>
        %mul3A_127 = arith.constant 1.000000e+01 : f32
        %mul3A_128 = vector.broadcast %mul3A_127 : f32 to vector<16xf32>
        %mul3A_129 = arith.mulf %get3A_115, %mul3A_128 : vector<16xf32>
        %convert_element_type3A_130 = arith.fptosi %mul3A_129 : vector<16xf32> to vector<16xi32>
        %mul3A_131 = arith.constant 1.000000e+01 : f32
        %mul3A_132 = vector.broadcast %mul3A_131 : f32 to vector<16xf32>
        %mul3A_133 = arith.mulf %get3A_119, %mul3A_132 : vector<16xf32>
        %convert_element_type3A_134 = arith.fptosi %mul3A_133 : vector<16xf32> to vector<16xi32>
        %broadcast_in_dim3A_135 = arith.constant 0 : i32
        %broadcast_in_dim3A_136 = vector.broadcast %broadcast_in_dim3A_135 : i32 to vector<16xi32>
        %add3A_137 = arith.constant 9 : i32
        %add3A_138 = vector.broadcast %add3A_137 : i32 to vector<16xi32>
        %add3A_139 = arith.addi %broadcast_in_dim3A_136, %add3A_138 : vector<16xi32>
        %max3A = arith.maxsi %convert_element_type3A_126, %broadcast_in_dim3A_136 : vector<16xi32>
        %min3A = arith.minsi %max3A, %add3A_139 : vector<16xi32>
        %max3A_140 = arith.maxsi %convert_element_type3A_130, %broadcast_in_dim3A_136 : vector<16xi32>
        %min3A_141 = arith.minsi %max3A_140, %add3A_139 : vector<16xi32>
        %max3A_142 = arith.maxsi %convert_element_type3A_134, %broadcast_in_dim3A_136 : vector<16xi32>
        %min3A_143 = arith.minsi %max3A_142, %add3A_139 : vector<16xi32>
        %mul3A_144 = arith.constant 100 : i32
        %mul3A_145 = vector.broadcast %mul3A_144 : i32 to vector<16xi32>
        %mul3A_146 = arith.muli %min3A, %mul3A_145 : vector<16xi32>
        %mul3A_147 = arith.constant 10 : i32
        %mul3A_148 = vector.broadcast %mul3A_147 : i32 to vector<16xi32>
        %mul3A_149 = arith.muli %min3A_141, %mul3A_148 : vector<16xi32>
        %add3A_150 = arith.addi %mul3A_146, %mul3A_149 : vector<16xi32>
        %add3A_151 = arith.addi %add3A_150, %min3A_143 : vector<16xi32>
        %convert_element_type3A_152 = arith.sitofp %add3A_122 : vector<16xi32> to vector<16xf32>
        %mul3A_153 = arith.constant 9.99999974E-6 : f32
        %mul3A_154 = vector.broadcast %mul3A_153 : f32 to vector<16xf32>
        %mul3A_155 = arith.mulf %convert_element_type3A_152, %mul3A_154 : vector<16xf32>
        %convert_element_type3A_156 = arith.fptosi %mul3A_155 : vector<16xf32> to vector<16xi32>
        %mul3A_157 = arith.constant 1000 : i32
        %mul3A_158 = vector.broadcast %mul3A_157 : i32 to vector<16xi32>
        %mul3A_159 = arith.muli %convert_element_type3A_156, %mul3A_158 : vector<16xi32>
        %add3A_160 = arith.addi %add3A_151, %mul3A_159 : vector<16xi32>
        %mul3A_161 = arith.constant 16 : i32
        %mul3A_162 = arith.muli %scan3A_102, %mul3A_161 : i32
        %swap3A = arith.index_cast %mul3A_162 : i32 to index
        %swap3A_163 = tpu.vector_load %arg12[%swap3A] {strides = array<i32>} : memref<128xi32, #tpu.memory_space<vmem>>, vector<16xi32>,
        tpu.vector_store %arg12[%swap3A], %add3A_160 {strides = array<i32>} : memref<128xi32, #tpu.memory_space<vmem>>, vector<16xi32>,
        %mul3A_164 = arith.constant 4 : i32
        %mul3A_165 = vector.broadcast %mul3A_164 : i32 to vector<16xi32>
        %mul3A_166 = arith.muli %add3A_160, %mul3A_165 : vector<16xi32>
        %gather3A = tpu.vector_load_idx %arg16[%mul3A_166] : memref<16384xf32, #tpu.memory_space<vmem>>[vector<16xi32>], vector<16xf32>,
        %sub3A = arith.subf %get3A_111, %gather3A : vector<16xf32>
        %add3A_167 = arith.constant 1 : i32
        %add3A_168 = vector.broadcast %add3A_167 : i32 to vector<16xi32>
        %add3A_169 = arith.addi %mul3A_166, %add3A_168 : vector<16xi32>
        %gather3A_170 = tpu.vector_load_idx %arg16[%add3A_169] : memref<16384xf32, #tpu.memory_space<vmem>>[vector<16xi32>], vector<16xf32>,
        %sub3A_171 = arith.subf %get3A_115, %gather3A_170 : vector<16xf32>
        %add3A_172 = arith.constant 2 : i32
        %add3A_173 = vector.broadcast %add3A_172 : i32 to vector<16xi32>
        %add3A_174 = arith.addi %mul3A_166, %add3A_173 : vector<16xi32>
        %gather3A_175 = tpu.vector_load_idx %arg16[%add3A_174] : memref<16384xf32, #tpu.memory_space<vmem>>[vector<16xi32>], vector<16xf32>,
        %sub3A_176 = arith.subf %get3A_119, %gather3A_175 : vector<16xf32>
        %mul3A_177 = arith.constant 16 : i32
        %mul3A_178 = arith.muli %scan3A_102, %mul3A_177 : i32
        %add3A_179 = vector.broadcast %mul3A_178 : i32 to vector<16xi32>
        %add3A_180 = arith.addi %add3A_179, %iota3A : vector<16xi32>
        %mul3A_181 = arith.constant 0 : i32
        %mul3A_182 = vector.broadcast %mul3A_181 : i32 to vector<16xi32>
        %mul3A_183 = arith.muli %iota3A, %mul3A_182 : vector<16xi32>
        %add3A_184 = arith.constant 64 : i32
        %add3A_185 = vector.broadcast %add3A_184 : i32 to vector<16xi32>
        %add3A_186 = arith.addi %mul3A_183, %add3A_185 : vector<16xi32>
        %abs3A = math.absf %sub3A : vector<16xf32>
        tpu.vector_store_idx %arg10[%add3A_180, %add3A_186], %abs3A : memref<128x80xf32, #tpu.memory_space<vmem>>[vector<16xi32>, vector<16xi32>], vector<16xf32>,
        %mul3A_187 = arith.constant 0 : i32
        %mul3A_188 = vector.broadcast %mul3A_187 : i32 to vector<16xi32>
        %mul3A_189 = arith.muli %iota3A, %mul3A_188 : vector<16xi32>
        %add3A_190 = arith.constant 65 : i32
        %add3A_191 = vector.broadcast %add3A_190 : i32 to vector<16xi32>
        %add3A_192 = arith.addi %mul3A_189, %add3A_191 : vector<16xi32>
        %abs3A_193 = math.absf %sub3A_171 : vector<16xf32>
        tpu.vector_store_idx %arg10[%add3A_180, %add3A_192], %abs3A_193 : memref<128x80xf32, #tpu.memory_space<vmem>>[vector<16xi32>, vector<16xi32>], vector<16xf32>,
        %mul3A_194 = arith.constant 0 : i32
        %mul3A_195 = vector.broadcast %mul3A_194 : i32 to vector<16xi32>
        %mul3A_196 = arith.muli %iota3A, %mul3A_195 : vector<16xi32>
        %add3A_197 = arith.constant 66 : i32
        %add3A_198 = vector.broadcast %add3A_197 : i32 to vector<16xi32>
        %add3A_199 = arith.addi %mul3A_196, %add3A_198 : vector<16xi32>
        %abs3A_200 = math.absf %sub3A_176 : vector<16xf32>
        tpu.vector_store_idx %arg10[%add3A_180, %add3A_199], %abs3A_200 : memref<128x80xf32, #tpu.memory_space<vmem>>[vector<16xi32>, vector<16xi32>], vector<16xf32>,
        %slice3A = vector.extract_strided_slice %sub3A {offsets = [0], sizes = [1], strides = [1]} : vector<16xf32> to vector<1xf32>
        %squeeze3A = vector.extract %slice3A[0] : f32 from vector<1xf32>
        %slice3A_201 = vector.extract_strided_slice %sub3A_171 {offsets = [0], sizes = [1], strides = [1]} : vector<16xf32> to vector<1xf32>
        %squeeze3A_202 = vector.extract %slice3A_201[0] : f32 from vector<1xf32>
        %slice3A_203 = vector.extract_strided_slice %sub3A_176 {offsets = [0], sizes = [1], strides = [1]} : vector<16xf32> to vector<1xf32>
        %squeeze3A_204 = vector.extract %slice3A_203[0] : f32 from vector<1xf32>
        %mul3A_205 = vector.broadcast %squeeze3A : f32 to vector<16xf32>
        %mul3A_206 = arith.mulf %mul3A_205, %get3A_17 : vector<16xf32>
        %add3A_207 = arith.addf %get3A_41, %mul3A_206 : vector<16xf32>
        %mul3A_208 = vector.broadcast %squeeze3A_202 : f32 to vector<16xf32>
        %mul3A_209 = arith.mulf %mul3A_208, %get3A_25 : vector<16xf32>
        %add3A_210 = arith.addf %add3A_207, %mul3A_209 : vector<16xf32>
        %mul3A_211 = vector.broadcast %squeeze3A_204 : f32 to vector<16xf32>
        %mul3A_212 = arith.mulf %mul3A_211, %get3A_33 : vector<16xf32>
        %add3A_213 = arith.addf %add3A_210, %mul3A_212 : vector<16xf32>
        %max3A_214 = arith.constant 0.000000e+00 : f32
        %max3A_215 = vector.broadcast %max3A_214 : f32 to vector<16xf32>
        %max3A_216 = arith.maximumf %add3A_213, %max3A_215 : vector<16xf32>
        %mul3A_217 = arith.constant 16 : i32
        %mul3A_218 = arith.muli %scan3A_102, %mul3A_217 : i32
        %add3A_219 = arith.constant 0 : i32
        %add3A_220 = arith.addi %mul3A_218, %add3A_219 : i32
        %swap3A_221 = arith.index_cast %add3A_220 : i32 to index
        %swap3A_222 = arith.constant 0 : index
        %swap3A_223 = tpu.vector_load %arg10[%swap3A_221, %swap3A_222] {strides = array<i32>} : memref<128x80xf32, #tpu.memory_space<vmem>>, vector<16xf32>,
        tpu.vector_store %arg10[%swap3A_221, %swap3A_222], %max3A_216 {strides = array<i32>} : memref<128x80xf32, #tpu.memory_space<vmem>>, vector<16xf32>,
        %mul3A_224 = vector.broadcast %squeeze3A : f32 to vector<16xf32>
        %mul3A_225 = arith.mulf %mul3A_224, %get3A_19 : vector<16xf32>
        %add3A_226 = arith.addf %get3A_43, %mul3A_225 : vector<16xf32>
        %mul3A_227 = vector.broadcast %squeeze3A_202 : f32 to vector<16xf32>
        %mul3A_228 = arith.mulf %mul3A_227, %get3A_27 : vector<16xf32>
        %add3A_229 = arith.addf %add3A_226, %mul3A_228 : vector<16xf32>
        %mul3A_230 = vector.broadcast %squeeze3A_204 : f32 to vector<16xf32>
        %mul3A_231 = arith.mulf %mul3A_230, %get3A_35 : vector<16xf32>
        %add3A_232 = arith.addf %add3A_229, %mul3A_231 : vector<16xf32>
        %max3A_233 = arith.constant 0.000000e+00 : f32
        %max3A_234 = vector.broadcast %max3A_233 : f32 to vector<16xf32>
        %max3A_235 = arith.maximumf %add3A_232, %max3A_234 : vector<16xf32>
        %mul3A_236 = arith.constant 16 : i32
        %mul3A_237 = arith.muli %scan3A_102, %mul3A_236 : i32
        %add3A_238 = arith.constant 0 : i32
        %add3A_239 = arith.addi %mul3A_237, %add3A_238 : i32
        %swap3A_240 = arith.index_cast %add3A_239 : i32 to index
        %swap3A_241 = arith.constant 16 : index
        %swap3A_242 = tpu.vector_load %arg10[%swap3A_240, %swap3A_241] {strides = array<i32>} : memref<128x80xf32, #tpu.memory_space<vmem>>, vector<16xf32>,
        tpu.vector_store %arg10[%swap3A_240, %swap3A_241], %max3A_235 {strides = array<i32>} : memref<128x80xf32, #tpu.memory_space<vmem>>, vector<16xf32>,
        %mul3A_243 = vector.broadcast %squeeze3A : f32 to vector<16xf32>
        %mul3A_244 = arith.mulf %mul3A_243, %get3A_21 : vector<16xf32>
        %add3A_245 = arith.addf %get3A_45, %mul3A_244 : vector<16xf32>
        %mul3A_246 = vector.broadcast %squeeze3A_202 : f32 to vector<16xf32>
        %mul3A_247 = arith.mulf %mul3A_246, %get3A_29 : vector<16xf32>
        %add3A_248 = arith.addf %add3A_245, %mul3A_247 : vector<16xf32>
        %mul3A_249 = vector.broadcast %squeeze3A_204 : f32 to vector<16xf32>
        %mul3A_250 = arith.mulf %mul3A_249, %get3A_37 : vector<16xf32>
        %add3A_251 = arith.addf %add3A_248, %mul3A_250 : vector<16xf32>
        %max3A_252 = arith.constant 0.000000e+00 : f32
        %max3A_253 = vector.broadcast %max3A_252 : f32 to vector<16xf32>
        %max3A_254 = arith.maximumf %add3A_251, %max3A_253 : vector<16xf32>
        %mul3A_255 = arith.constant 16 : i32
        %mul3A_256 = arith.muli %scan3A_102, %mul3A_255 : i32
        %add3A_257 = arith.constant 0 : i32
        %add3A_258 = arith.addi %mul3A_256, %add3A_257 : i32
        %swap3A_259 = arith.index_cast %add3A_258 : i32 to index
        %swap3A_260 = arith.constant 32 : index
        %swap3A_261 = tpu.vector_load %arg10[%swap3A_259, %swap3A_260] {strides = array<i32>} : memref<128x80xf32, #tpu.memory_space<vmem>>, vector<16xf32>,
        tpu.vector_store %arg10[%swap3A_259, %swap3A_260], %max3A_254 {strides = array<i32>} : memref<128x80xf32, #tpu.memory_space<vmem>>, vector<16xf32>,
        %mul3A_262 = vector.broadcast %squeeze3A : f32 to vector<16xf32>
        %mul3A_263 = arith.mulf %mul3A_262, %get3A_23 : vector<16xf32>
        %add3A_264 = arith.addf %get3A_47, %mul3A_263 : vector<16xf32>
        %mul3A_265 = vector.broadcast %squeeze3A_202 : f32 to vector<16xf32>
        %mul3A_266 = arith.mulf %mul3A_265, %get3A_31 : vector<16xf32>
        %add3A_267 = arith.addf %add3A_264, %mul3A_266 : vector<16xf32>
        %mul3A_268 = vector.broadcast %squeeze3A_204 : f32 to vector<16xf32>
        %mul3A_269 = arith.mulf %mul3A_268, %get3A_39 : vector<16xf32>
        %add3A_270 = arith.addf %add3A_267, %mul3A_269 : vector<16xf32>
        %max3A_271 = arith.constant 0.000000e+00 : f32
        %max3A_272 = vector.broadcast %max3A_271 : f32 to vector<16xf32>
        %max3A_273 = arith.maximumf %add3A_270, %max3A_272 : vector<16xf32>
        %mul3A_274 = arith.constant 16 : i32
        %mul3A_275 = arith.muli %scan3A_102, %mul3A_274 : i32
        %add3A_276 = arith.constant 0 : i32
        %add3A_277 = arith.addi %mul3A_275, %add3A_276 : i32
        %swap3A_278 = arith.index_cast %add3A_277 : i32 to index
        %swap3A_279 = arith.constant 48 : index
        %swap3A_280 = tpu.vector_load %arg10[%swap3A_278, %swap3A_279] {strides = array<i32>} : memref<128x80xf32, #tpu.memory_space<vmem>>, vector<16xf32>,
        tpu.vector_store %arg10[%swap3A_278, %swap3A_279], %max3A_273 {strides = array<i32>} : memref<128x80xf32, #tpu.memory_space<vmem>>, vector<16xf32>,
        %slice3A_281 = vector.extract_strided_slice %sub3A {offsets = [1], sizes = [1], strides = [1]} : vector<16xf32> to vector<1xf32>
        %squeeze3A_282 = vector.extract %slice3A_281[0] : f32 from vector<1xf32>
        %slice3A_283 = vector.extract_strided_slice %sub3A_171 {offsets = [1], sizes = [1], strides = [1]} : vector<16xf32> to vector<1xf32>
        %squeeze3A_284 = vector.extract %slice3A_283[0] : f32 from vector<1xf32>
        %slice3A_285 = vector.extract_strided_slice %sub3A_176 {offsets = [1], sizes = [1], strides = [1]} : vector<16xf32> to vector<1xf32>
        %squeeze3A_286 = vector.extract %slice3A_285[0] : f32 from vector<1xf32>
        %mul3A_287 = vector.broadcast %squeeze3A_282 : f32 to vector<16xf32>
        %mul3A_288 = arith.mulf %mul3A_287, %get3A_17 : vector<16xf32>
        %add3A_289 = arith.addf %get3A_41, %mul3A_288 : vector<16xf32>
        %mul3A_290 = vector.broadcast %squeeze3A_284 : f32 to vector<16xf32>
        %mul3A_291 = arith.mulf %mul3A_290, %get3A_25 : vector<16xf32>
        %add3A_292 = arith.addf %add3A_289, %mul3A_291 : vector<16xf32>
        %mul3A_293 = vector.broadcast %squeeze3A_286 : f32 to vector<16xf32>
        %mul3A_294 = arith.mulf %mul3A_293, %get3A_33 : vector<16xf32>
        %add3A_295 = arith.addf %add3A_292, %mul3A_294 : vector<16xf32>
        %max3A_296 = arith.constant 0.000000e+00 : f32
        %max3A_297 = vector.broadcast %max3A_296 : f32 to vector<16xf32>
        %max3A_298 = arith.maximumf %add3A_295, %max3A_297 : vector<16xf32>
        %mul3A_299 = arith.constant 16 : i32
        %mul3A_300 = arith.muli %scan3A_102, %mul3A_299 : i32
        %add3A_301 = arith.constant 1 : i32
        %add3A_302 = arith.addi %mul3A_300, %add3A_301 : i32
        %swap3A_303 = arith.index_cast %add3A_302 : i32 to index
        %swap3A_304 = arith.constant 0 : index
        %swap3A_305 = tpu.vector_load %arg10[%swap3A_303, %swap3A_304] {strides = array<i32>} : memref<128x80xf32, #tpu.memory_space<vmem>>, vector<16xf32>,
        tpu.vector_store %arg10[%swap3A_303, %swap3A_304], %max3A_298 {strides = array<i32>} : memref<128x80xf32, #tpu.memory_space<vmem>>, vector<16xf32>,
        %mul3A_306 = vector.broadcast %squeeze3A_282 : f32 to vector<16xf32>
        %mul3A_307 = arith.mulf %mul3A_306, %get3A_19 : vector<16xf32>
        %add3A_308 = arith.addf %get3A_43, %mul3A_307 : vector<16xf32>
        %mul3A_309 = vector.broadcast %squeeze3A_284 : f32 to vector<16xf32>
        %mul3A_310 = arith.mulf %mul3A_309, %get3A_27 : vector<16xf32>
        %add3A_311 = arith.addf %add3A_308, %mul3A_310 : vector<16xf32>
        %mul3A_312 = vector.broadcast %squeeze3A_286 : f32 to vector<16xf32>
        %mul3A_313 = arith.mulf %mul3A_312, %get3A_35 : vector<16xf32>
        %add3A_314 = arith.addf %add3A_311, %mul3A_313 : vector<16xf32>
        %max3A_315 = arith.constant 0.000000e+00 : f32
        %max3A_316 = vector.broadcast %max3A_315 : f32 to vector<16xf32>
        %max3A_317 = arith.maximumf %add3A_314, %max3A_316 : vector<16xf32>
        %mul3A_318 = arith.constant 16 : i32
        %mul3A_319 = arith.muli %scan3A_102, %mul3A_318 : i32
        %add3A_320 = arith.constant 1 : i32
        %add3A_321 = arith.addi %mul3A_319, %add3A_320 : i32
        %swap3A_322 = arith.index_cast %add3A_321 : i32 to index
        %swap3A_323 = arith.constant 16 : index
        %swap3A_324 = tpu.vector_load %arg10[%swap3A_322, %swap3A_323] {strides = array<i32>} : memref<128x80xf32, #tpu.memory_space<vmem>>, vector<16xf32>,
        tpu.vector_store %arg10[%swap3A_322, %swap3A_323], %max3A_317 {strides = array<i32>} : memref<128x80xf32, #tpu.memory_space<vmem>>, vector<16xf32>,
        %mul3A_325 = vector.broadcast %squeeze3A_282 : f32 to vector<16xf32>
        %mul3A_326 = arith.mulf %mul3A_325, %get3A_21 : vector<16xf32>
        %add3A_327 = arith.addf %get3A_45, %mul3A_326 : vector<16xf32>
        %mul3A_328 = vector.broadcast %squeeze3A_284 : f32 to vector<16xf32>
        %mul3A_329 = arith.mulf %mul3A_328, %get3A_29 : vector<16xf32>
        %add3A_330 = arith.addf %add3A_327, %mul3A_329 : vector<16xf32>
        %mul3A_331 = vector.broadcast %squeeze3A_286 : f32 to vector<16xf32>
        %mul3A_332 = arith.mulf %mul3A_331, %get3A_37 : vector<16xf32>
        %add3A_333 = arith.addf %add3A_330, %mul3A_332 : vector<16xf32>
        %max3A_334 = arith.constant 0.000000e+00 : f32
        %max3A_335 = vector.broadcast %max3A_334 : f32 to vector<16xf32>
        %max3A_336 = arith.maximumf %add3A_333, %max3A_335 : vector<16xf32>
        %mul3A_337 = arith.constant 16 : i32
        %mul3A_338 = arith.muli %scan3A_102, %mul3A_337 : i32
        %add3A_339 = arith.constant 1 : i32
        %add3A_340 = arith.addi %mul3A_338, %add3A_339 : i32
        %swap3A_341 = arith.index_cast %add3A_340 : i32 to index
        %swap3A_342 = arith.constant 32 : index
        %swap3A_343 = tpu.vector_load %arg10[%swap3A_341, %swap3A_342] {strides = array<i32>} : memref<128x80xf32, #tpu.memory_space<vmem>>, vector<16xf32>,
        tpu.vector_store %arg10[%swap3A_341, %swap3A_342], %max3A_336 {strides = array<i32>} : memref<128x80xf32, #tpu.memory_space<vmem>>, vector<16xf32>,
        %mul3A_344 = vector.broadcast %squeeze3A_282 : f32 to vector<16xf32>
        %mul3A_345 = arith.mulf %mul3A_344, %get3A_23 : vector<16xf32>
        %add3A_346 = arith.addf %get3A_47, %mul3A_345 : vector<16xf32>
        %mul3A_347 = vector.broadcast %squeeze3A_284 : f32 to vector<16xf32>
        %mul3A_348 = arith.mulf %mul3A_347, %get3A_31 : vector<16xf32>
        %add3A_349 = arith.addf %add3A_346, %mul3A_348 : vector<16xf32>
        %mul3A_350 = vector.broadcast %squeeze3A_286 : f32 to vector<16xf32>
        %mul3A_351 = arith.mulf %mul3A_350, %get3A_39 : vector<16xf32>
        %add3A_352 = arith.addf %add3A_349, %mul3A_351 : vector<16xf32>
        %max3A_353 = arith.constant 0.000000e+00 : f32
        %max3A_354 = vector.broadcast %max3A_353 : f32 to vector<16xf32>
        %max3A_355 = arith.maximumf %add3A_352, %max3A_354 : vector<16xf32>
        %mul3A_356 = arith.constant 16 : i32
        %mul3A_357 = arith.muli %scan3A_102, %mul3A_356 : i32
        %add3A_358 = arith.constant 1 : i32
        %add3A_359 = arith.addi %mul3A_357, %add3A_358 : i32
        %swap3A_360 = arith.index_cast %add3A_359 : i32 to index
        %swap3A_361 = arith.constant 48 : index
        %swap3A_362 = tpu.vector_load %arg10[%swap3A_360, %swap3A_361] {strides = array<i32>} : memref<128x80xf32, #tpu.memory_space<vmem>>, vector<16xf32>,
        tpu.vector_store %arg10[%swap3A_360, %swap3A_361], %max3A_355 {strides = array<i32>} : memref<128x80xf32, #tpu.memory_space<vmem>>, vector<16xf32>,
        %slice3A_363 = vector.extract_strided_slice %sub3A {offsets = [2], sizes = [1], strides = [1]} : vector<16xf32> to vector<1xf32>
        %squeeze3A_364 = vector.extract %slice3A_363[0] : f32 from vector<1xf32>
        %slice3A_365 = vector.extract_strided_slice %sub3A_171 {offsets = [2], sizes = [1], strides = [1]} : vector<16xf32> to vector<1xf32>
        %squeeze3A_366 = vector.extract %slice3A_365[0] : f32 from vector<1xf32>
        %slice3A_367 = vector.extract_strided_slice %sub3A_176 {offsets = [2], sizes = [1], strides = [1]} : vector<16xf32> to vector<1xf32>
        %squeeze3A_368 = vector.extract %slice3A_367[0] : f32 from vector<1xf32>
        %mul3A_369 = vector.broadcast %squeeze3A_364 : f32 to vector<16xf32>
        %mul3A_370 = arith.mulf %mul3A_369, %get3A_17 : vector<16xf32>
        %add3A_371 = arith.addf %get3A_41, %mul3A_370 : vector<16xf32>
        %mul3A_372 = vector.broadcast %squeeze3A_366 : f32 to vector<16xf32>
        %mul3A_373 = arith.mulf %mul3A_372, %get3A_25 : vector<16xf32>
        %add3A_374 = arith.addf %add3A_371, %mul3A_373 : vector<16xf32>
        %mul3A_375 = vector.broadcast %squeeze3A_368 : f32 to vector<16xf32>
        %mul3A_376 = arith.mulf %mul3A_375, %get3A_33 : vector<16xf32>
        %add3A_377 = arith.addf %add3A_374, %mul3A_376 : vector<16xf32>
        %max3A_378 = arith.constant 0.000000e+00 : f32
        %max3A_379 = vector.broadcast %max3A_378 : f32 to vector<16xf32>
        %max3A_380 = arith.maximumf %add3A_377, %max3A_379 : vector<16xf32>
        %mul3A_381 = arith.constant 16 : i32
        %mul3A_382 = arith.muli %scan3A_102, %mul3A_381 : i32
        %add3A_383 = arith.constant 2 : i32
        %add3A_384 = arith.addi %mul3A_382, %add3A_383 : i32
        %swap3A_385 = arith.index_cast %add3A_384 : i32 to index
        %swap3A_386 = arith.constant 0 : index
        %swap3A_387 = tpu.vector_load %arg10[%swap3A_385, %swap3A_386] {strides = array<i32>} : memref<128x80xf32, #tpu.memory_space<vmem>>, vector<16xf32>,
        tpu.vector_store %arg10[%swap3A_385, %swap3A_386], %max3A_380 {strides = array<i32>} : memref<128x80xf32, #tpu.memory_space<vmem>>, vector<16xf32>,
        %mul3A_388 = vector.broadcast %squeeze3A_364 : f32 to vector<16xf32>
        %mul3A_389 = arith.mulf %mul3A_388, %get3A_19 : vector<16xf32>
        %add3A_390 = arith.addf %get3A_43, %mul3A_389 : vector<16xf32>
        %mul3A_391 = vector.broadcast %squeeze3A_366 : f32 to vector<16xf32>
        %mul3A_392 = arith.mulf %mul3A_391, %get3A_27 : vector<16xf32>
        %add3A_393 = arith.addf %add3A_390, %mul3A_392 : vector<16xf32>
        %mul3A_394 = vector.broadcast %squeeze3A_368 : f32 to vector<16xf32>
        %mul3A_395 = arith.mulf %mul3A_394, %get3A_35 : vector<16xf32>
        %add3A_396 = arith.addf %add3A_393, %mul3A_395 : vector<16xf32>
        %max3A_397 = arith.constant 0.000000e+00 : f32
        %max3A_398 = vector.broadcast %max3A_397 : f32 to vector<16xf32>
        %max3A_399 = arith.maximumf %add3A_396, %max3A_398 : vector<16xf32>
        %mul3A_400 = arith.constant 16 : i32
        %mul3A_401 = arith.muli %scan3A_102, %mul3A_400 : i32
        %add3A_402 = arith.constant 2 : i32
        %add3A_403 = arith.addi %mul3A_401, %add3A_402 : i32
        %swap3A_404 = arith.index_cast %add3A_403 : i32 to index
        %swap3A_405 = arith.constant 16 : index
        %swap3A_406 = tpu.vector_load %arg10[%swap3A_404, %swap3A_405] {strides = array<i32>} : memref<128x80xf32, #tpu.memory_space<vmem>>, vector<16xf32>,
        tpu.vector_store %arg10[%swap3A_404, %swap3A_405], %max3A_399 {strides = array<i32>} : memref<128x80xf32, #tpu.memory_space<vmem>>, vector<16xf32>,
        %mul3A_407 = vector.broadcast %squeeze3A_364 : f32 to vector<16xf32>
        %mul3A_408 = arith.mulf %mul3A_407, %get3A_21 : vector<16xf32>
        %add3A_409 = arith.addf %get3A_45, %mul3A_408 : vector<16xf32>
        %mul3A_410 = vector.broadcast %squeeze3A_366 : f32 to vector<16xf32>
        %mul3A_411 = arith.mulf %mul3A_410, %get3A_29 : vector<16xf32>
        %add3A_412 = arith.addf %add3A_409, %mul3A_411 : vector<16xf32>
        %mul3A_413 = vector.broadcast %squeeze3A_368 : f32 to vector<16xf32>
        %mul3A_414 = arith.mulf %mul3A_413, %get3A_37 : vector<16xf32>
        %add3A_415 = arith.addf %add3A_412, %mul3A_414 : vector<16xf32>
        %max3A_416 = arith.constant 0.000000e+00 : f32
        %max3A_417 = vector.broadcast %max3A_416 : f32 to vector<16xf32>
        %max3A_418 = arith.maximumf %add3A_415, %max3A_417 : vector<16xf32>
        %mul3A_419 = arith.constant 16 : i32
        %mul3A_420 = arith.muli %scan3A_102, %mul3A_419 : i32
        %add3A_421 = arith.constant 2 : i32
        %add3A_422 = arith.addi %mul3A_420, %add3A_421 : i32
        %swap3A_423 = arith.index_cast %add3A_422 : i32 to index
        %swap3A_424 = arith.constant 32 : index
        %swap3A_425 = tpu.vector_load %arg10[%swap3A_423, %swap3A_424] {strides = array<i32>} : memref<128x80xf32, #tpu.memory_space<vmem>>, vector<16xf32>,
        tpu.vector_store %arg10[%swap3A_423, %swap3A_424], %max3A_418 {strides = array<i32>} : memref<128x80xf32, #tpu.memory_space<vmem>>, vector<16xf32>,
        %mul3A_426 = vector.broadcast %squeeze3A_364 : f32 to vector<16xf32>
        %mul3A_427 = arith.mulf %mul3A_426, %get3A_23 : vector<16xf32>
        %add3A_428 = arith.addf %get3A_47, %mul3A_427 : vector<16xf32>
        %mul3A_429 = vector.broadcast %squeeze3A_366 : f32 to vector<16xf32>
        %mul3A_430 = arith.mulf %mul3A_429, %get3A_31 : vector<16xf32>
        %add3A_431 = arith.addf %add3A_428, %mul3A_430 : vector<16xf32>
        %mul3A_432 = vector.broadcast %squeeze3A_368 : f32 to vector<16xf32>
        %mul3A_433 = arith.mulf %mul3A_432, %get3A_39 : vector<16xf32>
        %add3A_434 = arith.addf %add3A_431, %mul3A_433 : vector<16xf32>
        %max3A_435 = arith.constant 0.000000e+00 : f32
        %max3A_436 = vector.broadcast %max3A_435 : f32 to vector<16xf32>
        %max3A_437 = arith.maximumf %add3A_434, %max3A_436 : vector<16xf32>
        %mul3A_438 = arith.constant 16 : i32
        %mul3A_439 = arith.muli %scan3A_102, %mul3A_438 : i32
        %add3A_440 = arith.constant 2 : i32
        %add3A_441 = arith.addi %mul3A_439, %add3A_440 : i32
        %swap3A_442 = arith.index_cast %add3A_441 : i32 to index
        %swap3A_443 = arith.constant 48 : index
        %swap3A_444 = tpu.vector_load %arg10[%swap3A_442, %swap3A_443] {strides = array<i32>} : memref<128x80xf32, #tpu.memory_space<vmem>>, vector<16xf32>,
        tpu.vector_store %arg10[%swap3A_442, %swap3A_443], %max3A_437 {strides = array<i32>} : memref<128x80xf32, #tpu.memory_space<vmem>>, vector<16xf32>,
        %slice3A_445 = vector.extract_strided_slice %sub3A {offsets = [3], sizes = [1], strides = [1]} : vector<16xf32> to vector<1xf32>
        %squeeze3A_446 = vector.extract %slice3A_445[0] : f32 from vector<1xf32>
        %slice3A_447 = vector.extract_strided_slice %sub3A_171 {offsets = [3], sizes = [1], strides = [1]} : vector<16xf32> to vector<1xf32>
        %squeeze3A_448 = vector.extract %slice3A_447[0] : f32 from vector<1xf32>
        %slice3A_449 = vector.extract_strided_slice %sub3A_176 {offsets = [3], sizes = [1], strides = [1]} : vector<16xf32> to vector<1xf32>
        %squeeze3A_450 = vector.extract %slice3A_449[0] : f32 from vector<1xf32>
        %mul3A_451 = vector.broadcast %squeeze3A_446 : f32 to vector<16xf32>
        %mul3A_452 = arith.mulf %mul3A_451, %get3A_17 : vector<16xf32>
        %add3A_453 = arith.addf %get3A_41, %mul3A_452 : vector<16xf32>
        %mul3A_454 = vector.broadcast %squeeze3A_448 : f32 to vector<16xf32>
        %mul3A_455 = arith.mulf %mul3A_454, %get3A_25 : vector<16xf32>
        %add3A_456 = arith.addf %add3A_453, %mul3A_455 : vector<16xf32>
        %mul3A_457 = vector.broadcast %squeeze3A_450 : f32 to vector<16xf32>
        %mul3A_458 = arith.mulf %mul3A_457, %get3A_33 : vector<16xf32>
        %add3A_459 = arith.addf %add3A_456, %mul3A_458 : vector<16xf32>
        %max3A_460 = arith.constant 0.000000e+00 : f32
        %max3A_461 = vector.broadcast %max3A_460 : f32 to vector<16xf32>
        %max3A_462 = arith.maximumf %add3A_459, %max3A_461 : vector<16xf32>
        %mul3A_463 = arith.constant 16 : i32
        %mul3A_464 = arith.muli %scan3A_102, %mul3A_463 : i32
        %add3A_465 = arith.constant 3 : i32
        %add3A_466 = arith.addi %mul3A_464, %add3A_465 : i32
        %swap3A_467 = arith.index_cast %add3A_466 : i32 to index
        %swap3A_468 = arith.constant 0 : index
        %swap3A_469 = tpu.vector_load %arg10[%swap3A_467, %swap3A_468] {strides = array<i32>} : memref<128x80xf32, #tpu.memory_space<vmem>>, vector<16xf32>,
        tpu.vector_store %arg10[%swap3A_467, %swap3A_468], %max3A_462 {strides = array<i32>} : memref<128x80xf32, #tpu.memory_space<vmem>>, vector<16xf32>,
        %mul3A_470 = vector.broadcast %squeeze3A_446 : f32 to vector<16xf32>
        %mul3A_471 = arith.mulf %mul3A_470, %get3A_19 : vector<16xf32>
        %add3A_472 = arith.addf %get3A_43, %mul3A_471 : vector<16xf32>
        %mul3A_473 = vector.broadcast %squeeze3A_448 : f32 to vector<16xf32>
        %mul3A_474 = arith.mulf %mul3A_473, %get3A_27 : vector<16xf32>
        %add3A_475 = arith.addf %add3A_472, %mul3A_474 : vector<16xf32>
        %mul3A_476 = vector.broadcast %squeeze3A_450 : f32 to vector<16xf32>
        %mul3A_477 = arith.mulf %mul3A_476, %get3A_35 : vector<16xf32>
        %add3A_478 = arith.addf %add3A_475, %mul3A_477 : vector<16xf32>
        %max3A_479 = arith.constant 0.000000e+00 : f32
        %max3A_480 = vector.broadcast %max3A_479 : f32 to vector<16xf32>
        %max3A_481 = arith.maximumf %add3A_478, %max3A_480 : vector<16xf32>
        %mul3A_482 = arith.constant 16 : i32
        %mul3A_483 = arith.muli %scan3A_102, %mul3A_482 : i32
        %add3A_484 = arith.constant 3 : i32
        %add3A_485 = arith.addi %mul3A_483, %add3A_484 : i32
        %swap3A_486 = arith.index_cast %add3A_485 : i32 to index
        %swap3A_487 = arith.constant 16 : index
        %swap3A_488 = tpu.vector_load %arg10[%swap3A_486, %swap3A_487] {strides = array<i32>} : memref<128x80xf32, #tpu.memory_space<vmem>>, vector<16xf32>,
        tpu.vector_store %arg10[%swap3A_486, %swap3A_487], %max3A_481 {strides = array<i32>} : memref<128x80xf32, #tpu.memory_space<vmem>>, vector<16xf32>,
        %mul3A_489 = vector.broadcast %squeeze3A_446 : f32 to vector<16xf32>
        %mul3A_490 = arith.mulf %mul3A_489, %get3A_21 : vector<16xf32>
        %add3A_491 = arith.addf %get3A_45, %mul3A_490 : vector<16xf32>
        %mul3A_492 = vector.broadcast %squeeze3A_448 : f32 to vector<16xf32>
        %mul3A_493 = arith.mulf %mul3A_492, %get3A_29 : vector<16xf32>
        %add3A_494 = arith.addf %add3A_491, %mul3A_493 : vector<16xf32>
        %mul3A_495 = vector.broadcast %squeeze3A_450 : f32 to vector<16xf32>
        %mul3A_496 = arith.mulf %mul3A_495, %get3A_37 : vector<16xf32>
        %add3A_497 = arith.addf %add3A_494, %mul3A_496 : vector<16xf32>
        %max3A_498 = arith.constant 0.000000e+00 : f32
        %max3A_499 = vector.broadcast %max3A_498 : f32 to vector<16xf32>
        %max3A_500 = arith.maximumf %add3A_497, %max3A_499 : vector<16xf32>
        %mul3A_501 = arith.constant 16 : i32
        %mul3A_502 = arith.muli %scan3A_102, %mul3A_501 : i32
        %add3A_503 = arith.constant 3 : i32
        %add3A_504 = arith.addi %mul3A_502, %add3A_503 : i32
        %swap3A_505 = arith.index_cast %add3A_504 : i32 to index
        %swap3A_506 = arith.constant 32 : index
        %swap3A_507 = tpu.vector_load %arg10[%swap3A_505, %swap3A_506] {strides = array<i32>} : memref<128x80xf32, #tpu.memory_space<vmem>>, vector<16xf32>,
        tpu.vector_store %arg10[%swap3A_505, %swap3A_506], %max3A_500 {strides = array<i32>} : memref<128x80xf32, #tpu.memory_space<vmem>>, vector<16xf32>,
        %mul3A_508 = vector.broadcast %squeeze3A_446 : f32 to vector<16xf32>
        %mul3A_509 = arith.mulf %mul3A_508, %get3A_23 : vector<16xf32>
        %add3A_510 = arith.addf %get3A_47, %mul3A_509 : vector<16xf32>
        %mul3A_511 = vector.broadcast %squeeze3A_448 : f32 to vector<16xf32>
        %mul3A_512 = arith.mulf %mul3A_511, %get3A_31 : vector<16xf32>
        %add3A_513 = arith.addf %add3A_510, %mul3A_512 : vector<16xf32>
        %mul3A_514 = vector.broadcast %squeeze3A_450 : f32 to vector<16xf32>
        %mul3A_515 = arith.mulf %mul3A_514, %get3A_39 : vector<16xf32>
        %add3A_516 = arith.addf %add3A_513, %mul3A_515 : vector<16xf32>
        %max3A_517 = arith.constant 0.000000e+00 : f32
        %max3A_518 = vector.broadcast %max3A_517 : f32 to vector<16xf32>
        %max3A_519 = arith.maximumf %add3A_516, %max3A_518 : vector<16xf32>
        %mul3A_520 = arith.constant 16 : i32
        %mul3A_521 = arith.muli %scan3A_102, %mul3A_520 : i32
        %add3A_522 = arith.constant 3 : i32
        %add3A_523 = arith.addi %mul3A_521, %add3A_522 : i32
        %swap3A_524 = arith.index_cast %add3A_523 : i32 to index
        %swap3A_525 = arith.constant 48 : index
        %swap3A_526 = tpu.vector_load %arg10[%swap3A_524, %swap3A_525] {strides = array<i32>} : memref<128x80xf32, #tpu.memory_space<vmem>>, vector<16xf32>,
        tpu.vector_store %arg10[%swap3A_524, %swap3A_525], %max3A_519 {strides = array<i32>} : memref<128x80xf32, #tpu.memory_space<vmem>>, vector<16xf32>,
        %slice3A_527 = vector.extract_strided_slice %sub3A {offsets = [4], sizes = [1], strides = [1]} : vector<16xf32> to vector<1xf32>
        %squeeze3A_528 = vector.extract %slice3A_527[0] : f32 from vector<1xf32>
        %slice3A_529 = vector.extract_strided_slice %sub3A_171 {offsets = [4], sizes = [1], strides = [1]} : vector<16xf32> to vector<1xf32>
        %squeeze3A_530 = vector.extract %slice3A_529[0] : f32 from vector<1xf32>
        %slice3A_531 = vector.extract_strided_slice %sub3A_176 {offsets = [4], sizes = [1], strides = [1]} : vector<16xf32> to vector<1xf32>
        %squeeze3A_532 = vector.extract %slice3A_531[0] : f32 from vector<1xf32>
        %mul3A_533 = vector.broadcast %squeeze3A_528 : f32 to vector<16xf32>
        %mul3A_534 = arith.mulf %mul3A_533, %get3A_17 : vector<16xf32>
        %add3A_535 = arith.addf %get3A_41, %mul3A_534 : vector<16xf32>
        %mul3A_536 = vector.broadcast %squeeze3A_530 : f32 to vector<16xf32>
        %mul3A_537 = arith.mulf %mul3A_536, %get3A_25 : vector<16xf32>
        %add3A_538 = arith.addf %add3A_535, %mul3A_537 : vector<16xf32>
        %mul3A_539 = vector.broadcast %squeeze3A_532 : f32 to vector<16xf32>
        %mul3A_540 = arith.mulf %mul3A_539, %get3A_33 : vector<16xf32>
        %add3A_541 = arith.addf %add3A_538, %mul3A_540 : vector<16xf32>
        %max3A_542 = arith.constant 0.000000e+00 : f32
        %max3A_543 = vector.broadcast %max3A_542 : f32 to vector<16xf32>
        %max3A_544 = arith.maximumf %add3A_541, %max3A_543 : vector<16xf32>
        %mul3A_545 = arith.constant 16 : i32
        %mul3A_546 = arith.muli %scan3A_102, %mul3A_545 : i32
        %add3A_547 = arith.constant 4 : i32
        %add3A_548 = arith.addi %mul3A_546, %add3A_547 : i32
        %swap3A_549 = arith.index_cast %add3A_548 : i32 to index
        %swap3A_550 = arith.constant 0 : index
        %swap3A_551 = tpu.vector_load %arg10[%swap3A_549, %swap3A_550] {strides = array<i32>} : memref<128x80xf32, #tpu.memory_space<vmem>>, vector<16xf32>,
        tpu.vector_store %arg10[%swap3A_549, %swap3A_550], %max3A_544 {strides = array<i32>} : memref<128x80xf32, #tpu.memory_space<vmem>>, vector<16xf32>,
        %mul3A_552 = vector.broadcast %squeeze3A_528 : f32 to vector<16xf32>
        %mul3A_553 = arith.mulf %mul3A_552, %get3A_19 : vector<16xf32>
        %add3A_554 = arith.addf %get3A_43, %mul3A_553 : vector<16xf32>
        %mul3A_555 = vector.broadcast %squeeze3A_530 : f32 to vector<16xf32>
        %mul3A_556 = arith.mulf %mul3A_555, %get3A_27 : vector<16xf32>
        %add3A_557 = arith.addf %add3A_554, %mul3A_556 : vector<16xf32>
        %mul3A_558 = vector.broadcast %squeeze3A_532 : f32 to vector<16xf32>
        %mul3A_559 = arith.mulf %mul3A_558, %get3A_35 : vector<16xf32>
        %add3A_560 = arith.addf %add3A_557, %mul3A_559 : vector<16xf32>
        %max3A_561 = arith.constant 0.000000e+00 : f32
        %max3A_562 = vector.broadcast %max3A_561 : f32 to vector<16xf32>
        %max3A_563 = arith.maximumf %add3A_560, %max3A_562 : vector<16xf32>
        %mul3A_564 = arith.constant 16 : i32
        %mul3A_565 = arith.muli %scan3A_102, %mul3A_564 : i32
        %add3A_566 = arith.constant 4 : i32
        %add3A_567 = arith.addi %mul3A_565, %add3A_566 : i32
        %swap3A_568 = arith.index_cast %add3A_567 : i32 to index
        %swap3A_569 = arith.constant 16 : index
        %swap3A_570 = tpu.vector_load %arg10[%swap3A_568, %swap3A_569] {strides = array<i32>} : memref<128x80xf32, #tpu.memory_space<vmem>>, vector<16xf32>,
        tpu.vector_store %arg10[%swap3A_568, %swap3A_569], %max3A_563 {strides = array<i32>} : memref<128x80xf32, #tpu.memory_space<vmem>>, vector<16xf32>,
        %mul3A_571 = vector.broadcast %squeeze3A_528 : f32 to vector<16xf32>
        %mul3A_572 = arith.mulf %mul3A_571, %get3A_21 : vector<16xf32>
        %add3A_573 = arith.addf %get3A_45, %mul3A_572 : vector<16xf32>
        %mul3A_574 = vector.broadcast %squeeze3A_530 : f32 to vector<16xf32>
        %mul3A_575 = arith.mulf %mul3A_574, %get3A_29 : vector<16xf32>
        %add3A_576 = arith.addf %add3A_573, %mul3A_575 : vector<16xf32>
        %mul3A_577 = vector.broadcast %squeeze3A_532 : f32 to vector<16xf32>
        %mul3A_578 = arith.mulf %mul3A_577, %get3A_37 : vector<16xf32>
        %add3A_579 = arith.addf %add3A_576, %mul3A_578 : vector<16xf32>
        %max3A_580 = arith.constant 0.000000e+00 : f32
        %max3A_581 = vector.broadcast %max3A_580 : f32 to vector<16xf32>
        %max3A_582 = arith.maximumf %add3A_579, %max3A_581 : vector<16xf32>
        %mul3A_583 = arith.constant 16 : i32
        %mul3A_584 = arith.muli %scan3A_102, %mul3A_583 : i32
        %add3A_585 = arith.constant 4 : i32
        %add3A_586 = arith.addi %mul3A_584, %add3A_585 : i32
        %swap3A_587 = arith.index_cast %add3A_586 : i32 to index
        %swap3A_588 = arith.constant 32 : index
        %swap3A_589 = tpu.vector_load %arg10[%swap3A_587, %swap3A_588] {strides = array<i32>} : memref<128x80xf32, #tpu.memory_space<vmem>>, vector<16xf32>,
        tpu.vector_store %arg10[%swap3A_587, %swap3A_588], %max3A_582 {strides = array<i32>} : memref<128x80xf32, #tpu.memory_space<vmem>>, vector<16xf32>,
        %mul3A_590 = vector.broadcast %squeeze3A_528 : f32 to vector<16xf32>
        %mul3A_591 = arith.mulf %mul3A_590, %get3A_23 : vector<16xf32>
        %add3A_592 = arith.addf %get3A_47, %mul3A_591 : vector<16xf32>
        %mul3A_593 = vector.broadcast %squeeze3A_530 : f32 to vector<16xf32>
        %mul3A_594 = arith.mulf %mul3A_593, %get3A_31 : vector<16xf32>
        %add3A_595 = arith.addf %add3A_592, %mul3A_594 : vector<16xf32>
        %mul3A_596 = vector.broadcast %squeeze3A_532 : f32 to vector<16xf32>
        %mul3A_597 = arith.mulf %mul3A_596, %get3A_39 : vector<16xf32>
        %add3A_598 = arith.addf %add3A_595, %mul3A_597 : vector<16xf32>
        %max3A_599 = arith.constant 0.000000e+00 : f32
        %max3A_600 = vector.broadcast %max3A_599 : f32 to vector<16xf32>
        %max3A_601 = arith.maximumf %add3A_598, %max3A_600 : vector<16xf32>
        %mul3A_602 = arith.constant 16 : i32
        %mul3A_603 = arith.muli %scan3A_102, %mul3A_602 : i32
        %add3A_604 = arith.constant 4 : i32
        %add3A_605 = arith.addi %mul3A_603, %add3A_604 : i32
        %swap3A_606 = arith.index_cast %add3A_605 : i32 to index
        %swap3A_607 = arith.constant 48 : index
        %swap3A_608 = tpu.vector_load %arg10[%swap3A_606, %swap3A_607] {strides = array<i32>} : memref<128x80xf32, #tpu.memory_space<vmem>>, vector<16xf32>,
        tpu.vector_store %arg10[%swap3A_606, %swap3A_607], %max3A_601 {strides = array<i32>} : memref<128x80xf32, #tpu.memory_space<vmem>>, vector<16xf32>,
        %slice3A_609 = vector.extract_strided_slice %sub3A {offsets = [5], sizes = [1], strides = [1]} : vector<16xf32> to vector<1xf32>
        %squeeze3A_610 = vector.extract %slice3A_609[0] : f32 from vector<1xf32>
        %slice3A_611 = vector.extract_strided_slice %sub3A_171 {offsets = [5], sizes = [1], strides = [1]} : vector<16xf32> to vector<1xf32>
        %squeeze3A_612 = vector.extract %slice3A_611[0] : f32 from vector<1xf32>
        %slice3A_613 = vector.extract_strided_slice %sub3A_176 {offsets = [5], sizes = [1], strides = [1]} : vector<16xf32> to vector<1xf32>
        %squeeze3A_614 = vector.extract %slice3A_613[0] : f32 from vector<1xf32>
        %mul3A_615 = vector.broadcast %squeeze3A_610 : f32 to vector<16xf32>
        %mul3A_616 = arith.mulf %mul3A_615, %get3A_17 : vector<16xf32>
        %add3A_617 = arith.addf %get3A_41, %mul3A_616 : vector<16xf32>
        %mul3A_618 = vector.broadcast %squeeze3A_612 : f32 to vector<16xf32>
        %mul3A_619 = arith.mulf %mul3A_618, %get3A_25 : vector<16xf32>
        %add3A_620 = arith.addf %add3A_617, %mul3A_619 : vector<16xf32>
        %mul3A_621 = vector.broadcast %squeeze3A_614 : f32 to vector<16xf32>
        %mul3A_622 = arith.mulf %mul3A_621, %get3A_33 : vector<16xf32>
        %add3A_623 = arith.addf %add3A_620, %mul3A_622 : vector<16xf32>
        %max3A_624 = arith.constant 0.000000e+00 : f32
        %max3A_625 = vector.broadcast %max3A_624 : f32 to vector<16xf32>
        %max3A_626 = arith.maximumf %add3A_623, %max3A_625 : vector<16xf32>
        %mul3A_627 = arith.constant 16 : i32
        %mul3A_628 = arith.muli %scan3A_102, %mul3A_627 : i32
        %add3A_629 = arith.constant 5 : i32
        %add3A_630 = arith.addi %mul3A_628, %add3A_629 : i32
        %swap3A_631 = arith.index_cast %add3A_630 : i32 to index
        %swap3A_632 = arith.constant 0 : index
        %swap3A_633 = tpu.vector_load %arg10[%swap3A_631, %swap3A_632] {strides = array<i32>} : memref<128x80xf32, #tpu.memory_space<vmem>>, vector<16xf32>,
        tpu.vector_store %arg10[%swap3A_631, %swap3A_632], %max3A_626 {strides = array<i32>} : memref<128x80xf32, #tpu.memory_space<vmem>>, vector<16xf32>,
        %mul3A_634 = vector.broadcast %squeeze3A_610 : f32 to vector<16xf32>
        %mul3A_635 = arith.mulf %mul3A_634, %get3A_19 : vector<16xf32>
        %add3A_636 = arith.addf %get3A_43, %mul3A_635 : vector<16xf32>
        %mul3A_637 = vector.broadcast %squeeze3A_612 : f32 to vector<16xf32>
        %mul3A_638 = arith.mulf %mul3A_637, %get3A_27 : vector<16xf32>
        %add3A_639 = arith.addf %add3A_636, %mul3A_638 : vector<16xf32>
        %mul3A_640 = vector.broadcast %squeeze3A_614 : f32 to vector<16xf32>
        %mul3A_641 = arith.mulf %mul3A_640, %get3A_35 : vector<16xf32>
        %add3A_642 = arith.addf %add3A_639, %mul3A_641 : vector<16xf32>
        %max3A_643 = arith.constant 0.000000e+00 : f32
        %max3A_644 = vector.broadcast %max3A_643 : f32 to vector<16xf32>
        %max3A_645 = arith.maximumf %add3A_642, %max3A_644 : vector<16xf32>
        %mul3A_646 = arith.constant 16 : i32
        %mul3A_647 = arith.muli %scan3A_102, %mul3A_646 : i32
        %add3A_648 = arith.constant 5 : i32
        %add3A_649 = arith.addi %mul3A_647, %add3A_648 : i32
        %swap3A_650 = arith.index_cast %add3A_649 : i32 to index
        %swap3A_651 = arith.constant 16 : index
        %swap3A_652 = tpu.vector_load %arg10[%swap3A_650, %swap3A_651] {strides = array<i32>} : memref<128x80xf32, #tpu.memory_space<vmem>>, vector<16xf32>,
        tpu.vector_store %arg10[%swap3A_650, %swap3A_651], %max3A_645 {strides = array<i32>} : memref<128x80xf32, #tpu.memory_space<vmem>>, vector<16xf32>,
        %mul3A_653 = vector.broadcast %squeeze3A_610 : f32 to vector<16xf32>
        %mul3A_654 = arith.mulf %mul3A_653, %get3A_21 : vector<16xf32>
        %add3A_655 = arith.addf %get3A_45, %mul3A_654 : vector<16xf32>
        %mul3A_656 = vector.broadcast %squeeze3A_612 : f32 to vector<16xf32>
        %mul3A_657 = arith.mulf %mul3A_656, %get3A_29 : vector<16xf32>
        %add3A_658 = arith.addf %add3A_655, %mul3A_657 : vector<16xf32>
        %mul3A_659 = vector.broadcast %squeeze3A_614 : f32 to vector<16xf32>
        %mul3A_660 = arith.mulf %mul3A_659, %get3A_37 : vector<16xf32>
        %add3A_661 = arith.addf %add3A_658, %mul3A_660 : vector<16xf32>
        %max3A_662 = arith.constant 0.000000e+00 : f32
        %max3A_663 = vector.broadcast %max3A_662 : f32 to vector<16xf32>
        %max3A_664 = arith.maximumf %add3A_661, %max3A_663 : vector<16xf32>
        %mul3A_665 = arith.constant 16 : i32
        %mul3A_666 = arith.muli %scan3A_102, %mul3A_665 : i32
        %add3A_667 = arith.constant 5 : i32
        %add3A_668 = arith.addi %mul3A_666, %add3A_667 : i32
        %swap3A_669 = arith.index_cast %add3A_668 : i32 to index
        %swap3A_670 = arith.constant 32 : index
        %swap3A_671 = tpu.vector_load %arg10[%swap3A_669, %swap3A_670] {strides = array<i32>} : memref<128x80xf32, #tpu.memory_space<vmem>>, vector<16xf32>,
        tpu.vector_store %arg10[%swap3A_669, %swap3A_670], %max3A_664 {strides = array<i32>} : memref<128x80xf32, #tpu.memory_space<vmem>>, vector<16xf32>,
        %mul3A_672 = vector.broadcast %squeeze3A_610 : f32 to vector<16xf32>
        %mul3A_673 = arith.mulf %mul3A_672, %get3A_23 : vector<16xf32>
        %add3A_674 = arith.addf %get3A_47, %mul3A_673 : vector<16xf32>
        %mul3A_675 = vector.broadcast %squeeze3A_612 : f32 to vector<16xf32>
        %mul3A_676 = arith.mulf %mul3A_675, %get3A_31 : vector<16xf32>
        %add3A_677 = arith.addf %add3A_674, %mul3A_676 : vector<16xf32>
        %mul3A_678 = vector.broadcast %squeeze3A_614 : f32 to vector<16xf32>
        %mul3A_679 = arith.mulf %mul3A_678, %get3A_39 : vector<16xf32>
        %add3A_680 = arith.addf %add3A_677, %mul3A_679 : vector<16xf32>
        %max3A_681 = arith.constant 0.000000e+00 : f32
        %max3A_682 = vector.broadcast %max3A_681 : f32 to vector<16xf32>
        %max3A_683 = arith.maximumf %add3A_680, %max3A_682 : vector<16xf32>
        %mul3A_684 = arith.constant 16 : i32
        %mul3A_685 = arith.muli %scan3A_102, %mul3A_684 : i32
        %add3A_686 = arith.constant 5 : i32
        %add3A_687 = arith.addi %mul3A_685, %add3A_686 : i32
        %swap3A_688 = arith.index_cast %add3A_687 : i32 to index
        %swap3A_689 = arith.constant 48 : index
        %swap3A_690 = tpu.vector_load %arg10[%swap3A_688, %swap3A_689] {strides = array<i32>} : memref<128x80xf32, #tpu.memory_space<vmem>>, vector<16xf32>,
        tpu.vector_store %arg10[%swap3A_688, %swap3A_689], %max3A_683 {strides = array<i32>} : memref<128x80xf32, #tpu.memory_space<vmem>>, vector<16xf32>,
        %slice3A_691 = vector.extract_strided_slice %sub3A {offsets = [6], sizes = [1], strides = [1]} : vector<16xf32> to vector<1xf32>
        %squeeze3A_692 = vector.extract %slice3A_691[0] : f32 from vector<1xf32>
        %slice3A_693 = vector.extract_strided_slice %sub3A_171 {offsets = [6], sizes = [1], strides = [1]} : vector<16xf32> to vector<1xf32>
        %squeeze3A_694 = vector.extract %slice3A_693[0] : f32 from vector<1xf32>
        %slice3A_695 = vector.extract_strided_slice %sub3A_176 {offsets = [6], sizes = [1], strides = [1]} : vector<16xf32> to vector<1xf32>
        %squeeze3A_696 = vector.extract %slice3A_695[0] : f32 from vector<1xf32>
        %mul3A_697 = vector.broadcast %squeeze3A_692 : f32 to vector<16xf32>
        %mul3A_698 = arith.mulf %mul3A_697, %get3A_17 : vector<16xf32>
        %add3A_699 = arith.addf %get3A_41, %mul3A_698 : vector<16xf32>
        %mul3A_700 = vector.broadcast %squeeze3A_694 : f32 to vector<16xf32>
        %mul3A_701 = arith.mulf %mul3A_700, %get3A_25 : vector<16xf32>
        %add3A_702 = arith.addf %add3A_699, %mul3A_701 : vector<16xf32>
        %mul3A_703 = vector.broadcast %squeeze3A_696 : f32 to vector<16xf32>
        %mul3A_704 = arith.mulf %mul3A_703, %get3A_33 : vector<16xf32>
        %add3A_705 = arith.addf %add3A_702, %mul3A_704 : vector<16xf32>
        %max3A_706 = arith.constant 0.000000e+00 : f32
        %max3A_707 = vector.broadcast %max3A_706 : f32 to vector<16xf32>
        %max3A_708 = arith.maximumf %add3A_705, %max3A_707 : vector<16xf32>
        %mul3A_709 = arith.constant 16 : i32
        %mul3A_710 = arith.muli %scan3A_102, %mul3A_709 : i32
        %add3A_711 = arith.constant 6 : i32
        %add3A_712 = arith.addi %mul3A_710, %add3A_711 : i32
        %swap3A_713 = arith.index_cast %add3A_712 : i32 to index
        %swap3A_714 = arith.constant 0 : index
        %swap3A_715 = tpu.vector_load %arg10[%swap3A_713, %swap3A_714] {strides = array<i32>} : memref<128x80xf32, #tpu.memory_space<vmem>>, vector<16xf32>,
        tpu.vector_store %arg10[%swap3A_713, %swap3A_714], %max3A_708 {strides = array<i32>} : memref<128x80xf32, #tpu.memory_space<vmem>>, vector<16xf32>,
        %mul3A_716 = vector.broadcast %squeeze3A_692 : f32 to vector<16xf32>
        %mul3A_717 = arith.mulf %mul3A_716, %get3A_19 : vector<16xf32>
        %add3A_718 = arith.addf %get3A_43, %mul3A_717 : vector<16xf32>
        %mul3A_719 = vector.broadcast %squeeze3A_694 : f32 to vector<16xf32>
        %mul3A_720 = arith.mulf %mul3A_719, %get3A_27 : vector<16xf32>
        %add3A_721 = arith.addf %add3A_718, %mul3A_720 : vector<16xf32>
        %mul3A_722 = vector.broadcast %squeeze3A_696 : f32 to vector<16xf32>
        %mul3A_723 = arith.mulf %mul3A_722, %get3A_35 : vector<16xf32>
        %add3A_724 = arith.addf %add3A_721, %mul3A_723 : vector<16xf32>
        %max3A_725 = arith.constant 0.000000e+00 : f32
        %max3A_726 = vector.broadcast %max3A_725 : f32 to vector<16xf32>
        %max3A_727 = arith.maximumf %add3A_724, %max3A_726 : vector<16xf32>
        %mul3A_728 = arith.constant 16 : i32
        %mul3A_729 = arith.muli %scan3A_102, %mul3A_728 : i32
        %add3A_730 = arith.constant 6 : i32
        %add3A_731 = arith.addi %mul3A_729, %add3A_730 : i32
        %swap3A_732 = arith.index_cast %add3A_731 : i32 to index
        %swap3A_733 = arith.constant 16 : index
        %swap3A_734 = tpu.vector_load %arg10[%swap3A_732, %swap3A_733] {strides = array<i32>} : memref<128x80xf32, #tpu.memory_space<vmem>>, vector<16xf32>,
        tpu.vector_store %arg10[%swap3A_732, %swap3A_733], %max3A_727 {strides = array<i32>} : memref<128x80xf32, #tpu.memory_space<vmem>>, vector<16xf32>,
        %mul3A_735 = vector.broadcast %squeeze3A_692 : f32 to vector<16xf32>
        %mul3A_736 = arith.mulf %mul3A_735, %get3A_21 : vector<16xf32>
        %add3A_737 = arith.addf %get3A_45, %mul3A_736 : vector<16xf32>
        %mul3A_738 = vector.broadcast %squeeze3A_694 : f32 to vector<16xf32>
        %mul3A_739 = arith.mulf %mul3A_738, %get3A_29 : vector<16xf32>
        %add3A_740 = arith.addf %add3A_737, %mul3A_739 : vector<16xf32>
        %mul3A_741 = vector.broadcast %squeeze3A_696 : f32 to vector<16xf32>
        %mul3A_742 = arith.mulf %mul3A_741, %get3A_37 : vector<16xf32>
        %add3A_743 = arith.addf %add3A_740, %mul3A_742 : vector<16xf32>
        %max3A_744 = arith.constant 0.000000e+00 : f32
        %max3A_745 = vector.broadcast %max3A_744 : f32 to vector<16xf32>
        %max3A_746 = arith.maximumf %add3A_743, %max3A_745 : vector<16xf32>
        %mul3A_747 = arith.constant 16 : i32
        %mul3A_748 = arith.muli %scan3A_102, %mul3A_747 : i32
        %add3A_749 = arith.constant 6 : i32
        %add3A_750 = arith.addi %mul3A_748, %add3A_749 : i32
        %swap3A_751 = arith.index_cast %add3A_750 : i32 to index
        %swap3A_752 = arith.constant 32 : index
        %swap3A_753 = tpu.vector_load %arg10[%swap3A_751, %swap3A_752] {strides = array<i32>} : memref<128x80xf32, #tpu.memory_space<vmem>>, vector<16xf32>,
        tpu.vector_store %arg10[%swap3A_751, %swap3A_752], %max3A_746 {strides = array<i32>} : memref<128x80xf32, #tpu.memory_space<vmem>>, vector<16xf32>,
        %mul3A_754 = vector.broadcast %squeeze3A_692 : f32 to vector<16xf32>
        %mul3A_755 = arith.mulf %mul3A_754, %get3A_23 : vector<16xf32>
        %add3A_756 = arith.addf %get3A_47, %mul3A_755 : vector<16xf32>
        %mul3A_757 = vector.broadcast %squeeze3A_694 : f32 to vector<16xf32>
        %mul3A_758 = arith.mulf %mul3A_757, %get3A_31 : vector<16xf32>
        %add3A_759 = arith.addf %add3A_756, %mul3A_758 : vector<16xf32>
        %mul3A_760 = vector.broadcast %squeeze3A_696 : f32 to vector<16xf32>
        %mul3A_761 = arith.mulf %mul3A_760, %get3A_39 : vector<16xf32>
        %add3A_762 = arith.addf %add3A_759, %mul3A_761 : vector<16xf32>
        %max3A_763 = arith.constant 0.000000e+00 : f32
        %max3A_764 = vector.broadcast %max3A_763 : f32 to vector<16xf32>
        %max3A_765 = arith.maximumf %add3A_762, %max3A_764 : vector<16xf32>
        %mul3A_766 = arith.constant 16 : i32
        %mul3A_767 = arith.muli %scan3A_102, %mul3A_766 : i32
        %add3A_768 = arith.constant 6 : i32
        %add3A_769 = arith.addi %mul3A_767, %add3A_768 : i32
        %swap3A_770 = arith.index_cast %add3A_769 : i32 to index
        %swap3A_771 = arith.constant 48 : index
        %swap3A_772 = tpu.vector_load %arg10[%swap3A_770, %swap3A_771] {strides = array<i32>} : memref<128x80xf32, #tpu.memory_space<vmem>>, vector<16xf32>,
        tpu.vector_store %arg10[%swap3A_770, %swap3A_771], %max3A_765 {strides = array<i32>} : memref<128x80xf32, #tpu.memory_space<vmem>>, vector<16xf32>,
        %slice3A_773 = vector.extract_strided_slice %sub3A {offsets = [7], sizes = [1], strides = [1]} : vector<16xf32> to vector<1xf32>
        %squeeze3A_774 = vector.extract %slice3A_773[0] : f32 from vector<1xf32>
        %slice3A_775 = vector.extract_strided_slice %sub3A_171 {offsets = [7], sizes = [1], strides = [1]} : vector<16xf32> to vector<1xf32>
        %squeeze3A_776 = vector.extract %slice3A_775[0] : f32 from vector<1xf32>
        %slice3A_777 = vector.extract_strided_slice %sub3A_176 {offsets = [7], sizes = [1], strides = [1]} : vector<16xf32> to vector<1xf32>
        %squeeze3A_778 = vector.extract %slice3A_777[0] : f32 from vector<1xf32>
        %mul3A_779 = vector.broadcast %squeeze3A_774 : f32 to vector<16xf32>
        %mul3A_780 = arith.mulf %mul3A_779, %get3A_17 : vector<16xf32>
        %add3A_781 = arith.addf %get3A_41, %mul3A_780 : vector<16xf32>
        %mul3A_782 = vector.broadcast %squeeze3A_776 : f32 to vector<16xf32>
        %mul3A_783 = arith.mulf %mul3A_782, %get3A_25 : vector<16xf32>
        %add3A_784 = arith.addf %add3A_781, %mul3A_783 : vector<16xf32>
        %mul3A_785 = vector.broadcast %squeeze3A_778 : f32 to vector<16xf32>
        %mul3A_786 = arith.mulf %mul3A_785, %get3A_33 : vector<16xf32>
        %add3A_787 = arith.addf %add3A_784, %mul3A_786 : vector<16xf32>
        %max3A_788 = arith.constant 0.000000e+00 : f32
        %max3A_789 = vector.broadcast %max3A_788 : f32 to vector<16xf32>
        %max3A_790 = arith.maximumf %add3A_787, %max3A_789 : vector<16xf32>
        %mul3A_791 = arith.constant 16 : i32
        %mul3A_792 = arith.muli %scan3A_102, %mul3A_791 : i32
        %add3A_793 = arith.constant 7 : i32
        %add3A_794 = arith.addi %mul3A_792, %add3A_793 : i32
        %swap3A_795 = arith.index_cast %add3A_794 : i32 to index
        %swap3A_796 = arith.constant 0 : index
        %swap3A_797 = tpu.vector_load %arg10[%swap3A_795, %swap3A_796] {strides = array<i32>} : memref<128x80xf32, #tpu.memory_space<vmem>>, vector<16xf32>,
        tpu.vector_store %arg10[%swap3A_795, %swap3A_796], %max3A_790 {strides = array<i32>} : memref<128x80xf32, #tpu.memory_space<vmem>>, vector<16xf32>,
        %mul3A_798 = vector.broadcast %squeeze3A_774 : f32 to vector<16xf32>
        %mul3A_799 = arith.mulf %mul3A_798, %get3A_19 : vector<16xf32>
        %add3A_800 = arith.addf %get3A_43, %mul3A_799 : vector<16xf32>
        %mul3A_801 = vector.broadcast %squeeze3A_776 : f32 to vector<16xf32>
        %mul3A_802 = arith.mulf %mul3A_801, %get3A_27 : vector<16xf32>
        %add3A_803 = arith.addf %add3A_800, %mul3A_802 : vector<16xf32>
        %mul3A_804 = vector.broadcast %squeeze3A_778 : f32 to vector<16xf32>
        %mul3A_805 = arith.mulf %mul3A_804, %get3A_35 : vector<16xf32>
        %add3A_806 = arith.addf %add3A_803, %mul3A_805 : vector<16xf32>
        %max3A_807 = arith.constant 0.000000e+00 : f32
        %max3A_808 = vector.broadcast %max3A_807 : f32 to vector<16xf32>
        %max3A_809 = arith.maximumf %add3A_806, %max3A_808 : vector<16xf32>
        %mul3A_810 = arith.constant 16 : i32
        %mul3A_811 = arith.muli %scan3A_102, %mul3A_810 : i32
        %add3A_812 = arith.constant 7 : i32
        %add3A_813 = arith.addi %mul3A_811, %add3A_812 : i32
        %swap3A_814 = arith.index_cast %add3A_813 : i32 to index
        %swap3A_815 = arith.constant 16 : index
        %swap3A_816 = tpu.vector_load %arg10[%swap3A_814, %swap3A_815] {strides = array<i32>} : memref<128x80xf32, #tpu.memory_space<vmem>>, vector<16xf32>,
        tpu.vector_store %arg10[%swap3A_814, %swap3A_815], %max3A_809 {strides = array<i32>} : memref<128x80xf32, #tpu.memory_space<vmem>>, vector<16xf32>,
        %mul3A_817 = vector.broadcast %squeeze3A_774 : f32 to vector<16xf32>
        %mul3A_818 = arith.mulf %mul3A_817, %get3A_21 : vector<16xf32>
        %add3A_819 = arith.addf %get3A_45, %mul3A_818 : vector<16xf32>
        %mul3A_820 = vector.broadcast %squeeze3A_776 : f32 to vector<16xf32>
        %mul3A_821 = arith.mulf %mul3A_820, %get3A_29 : vector<16xf32>
        %add3A_822 = arith.addf %add3A_819, %mul3A_821 : vector<16xf32>
        %mul3A_823 = vector.broadcast %squeeze3A_778 : f32 to vector<16xf32>
        %mul3A_824 = arith.mulf %mul3A_823, %get3A_37 : vector<16xf32>
        %add3A_825 = arith.addf %add3A_822, %mul3A_824 : vector<16xf32>
        %max3A_826 = arith.constant 0.000000e+00 : f32
        %max3A_827 = vector.broadcast %max3A_826 : f32 to vector<16xf32>
        %max3A_828 = arith.maximumf %add3A_825, %max3A_827 : vector<16xf32>
        %mul3A_829 = arith.constant 16 : i32
        %mul3A_830 = arith.muli %scan3A_102, %mul3A_829 : i32
        %add3A_831 = arith.constant 7 : i32
        %add3A_832 = arith.addi %mul3A_830, %add3A_831 : i32
        %swap3A_833 = arith.index_cast %add3A_832 : i32 to index
        %swap3A_834 = arith.constant 32 : index
        %swap3A_835 = tpu.vector_load %arg10[%swap3A_833, %swap3A_834] {strides = array<i32>} : memref<128x80xf32, #tpu.memory_space<vmem>>, vector<16xf32>,
        tpu.vector_store %arg10[%swap3A_833, %swap3A_834], %max3A_828 {strides = array<i32>} : memref<128x80xf32, #tpu.memory_space<vmem>>, vector<16xf32>,
        %mul3A_836 = vector.broadcast %squeeze3A_774 : f32 to vector<16xf32>
        %mul3A_837 = arith.mulf %mul3A_836, %get3A_23 : vector<16xf32>
        %add3A_838 = arith.addf %get3A_47, %mul3A_837 : vector<16xf32>
        %mul3A_839 = vector.broadcast %squeeze3A_776 : f32 to vector<16xf32>
        %mul3A_840 = arith.mulf %mul3A_839, %get3A_31 : vector<16xf32>
        %add3A_841 = arith.addf %add3A_838, %mul3A_840 : vector<16xf32>
        %mul3A_842 = vector.broadcast %squeeze3A_778 : f32 to vector<16xf32>
        %mul3A_843 = arith.mulf %mul3A_842, %get3A_39 : vector<16xf32>
        %add3A_844 = arith.addf %add3A_841, %mul3A_843 : vector<16xf32>
        %max3A_845 = arith.constant 0.000000e+00 : f32
        %max3A_846 = vector.broadcast %max3A_845 : f32 to vector<16xf32>
        %max3A_847 = arith.maximumf %add3A_844, %max3A_846 : vector<16xf32>
        %mul3A_848 = arith.constant 16 : i32
        %mul3A_849 = arith.muli %scan3A_102, %mul3A_848 : i32
        %add3A_850 = arith.constant 7 : i32
        %add3A_851 = arith.addi %mul3A_849, %add3A_850 : i32
        %swap3A_852 = arith.index_cast %add3A_851 : i32 to index
        %swap3A_853 = arith.constant 48 : index
        %swap3A_854 = tpu.vector_load %arg10[%swap3A_852, %swap3A_853] {strides = array<i32>} : memref<128x80xf32, #tpu.memory_space<vmem>>, vector<16xf32>,
        tpu.vector_store %arg10[%swap3A_852, %swap3A_853], %max3A_847 {strides = array<i32>} : memref<128x80xf32, #tpu.memory_space<vmem>>, vector<16xf32>,
        %slice3A_855 = vector.extract_strided_slice %sub3A {offsets = [8], sizes = [1], strides = [1]} : vector<16xf32> to vector<1xf32>
        %squeeze3A_856 = vector.extract %slice3A_855[0] : f32 from vector<1xf32>
        %slice3A_857 = vector.extract_strided_slice %sub3A_171 {offsets = [8], sizes = [1], strides = [1]} : vector<16xf32> to vector<1xf32>
        %squeeze3A_858 = vector.extract %slice3A_857[0] : f32 from vector<1xf32>
        %slice3A_859 = vector.extract_strided_slice %sub3A_176 {offsets = [8], sizes = [1], strides = [1]} : vector<16xf32> to vector<1xf32>
        %squeeze3A_860 = vector.extract %slice3A_859[0] : f32 from vector<1xf32>
        %mul3A_861 = vector.broadcast %squeeze3A_856 : f32 to vector<16xf32>
        %mul3A_862 = arith.mulf %mul3A_861, %get3A_17 : vector<16xf32>
        %add3A_863 = arith.addf %get3A_41, %mul3A_862 : vector<16xf32>
        %mul3A_864 = vector.broadcast %squeeze3A_858 : f32 to vector<16xf32>
        %mul3A_865 = arith.mulf %mul3A_864, %get3A_25 : vector<16xf32>
        %add3A_866 = arith.addf %add3A_863, %mul3A_865 : vector<16xf32>
        %mul3A_867 = vector.broadcast %squeeze3A_860 : f32 to vector<16xf32>
        %mul3A_868 = arith.mulf %mul3A_867, %get3A_33 : vector<16xf32>
        %add3A_869 = arith.addf %add3A_866, %mul3A_868 : vector<16xf32>
        %max3A_870 = arith.constant 0.000000e+00 : f32
        %max3A_871 = vector.broadcast %max3A_870 : f32 to vector<16xf32>
        %max3A_872 = arith.maximumf %add3A_869, %max3A_871 : vector<16xf32>
        %mul3A_873 = arith.constant 16 : i32
        %mul3A_874 = arith.muli %scan3A_102, %mul3A_873 : i32
        %add3A_875 = arith.constant 8 : i32
        %add3A_876 = arith.addi %mul3A_874, %add3A_875 : i32
        %swap3A_877 = arith.index_cast %add3A_876 : i32 to index
        %swap3A_878 = arith.constant 0 : index
        %swap3A_879 = tpu.vector_load %arg10[%swap3A_877, %swap3A_878] {strides = array<i32>} : memref<128x80xf32, #tpu.memory_space<vmem>>, vector<16xf32>,
        tpu.vector_store %arg10[%swap3A_877, %swap3A_878], %max3A_872 {strides = array<i32>} : memref<128x80xf32, #tpu.memory_space<vmem>>, vector<16xf32>,
        %mul3A_880 = vector.broadcast %squeeze3A_856 : f32 to vector<16xf32>
        %mul3A_881 = arith.mulf %mul3A_880, %get3A_19 : vector<16xf32>
        %add3A_882 = arith.addf %get3A_43, %mul3A_881 : vector<16xf32>
        %mul3A_883 = vector.broadcast %squeeze3A_858 : f32 to vector<16xf32>
        %mul3A_884 = arith.mulf %mul3A_883, %get3A_27 : vector<16xf32>
        %add3A_885 = arith.addf %add3A_882, %mul3A_884 : vector<16xf32>
        %mul3A_886 = vector.broadcast %squeeze3A_860 : f32 to vector<16xf32>
        %mul3A_887 = arith.mulf %mul3A_886, %get3A_35 : vector<16xf32>
        %add3A_888 = arith.addf %add3A_885, %mul3A_887 : vector<16xf32>
        %max3A_889 = arith.constant 0.000000e+00 : f32
        %max3A_890 = vector.broadcast %max3A_889 : f32 to vector<16xf32>
        %max3A_891 = arith.maximumf %add3A_888, %max3A_890 : vector<16xf32>
        %mul3A_892 = arith.constant 16 : i32
        %mul3A_893 = arith.muli %scan3A_102, %mul3A_892 : i32
        %add3A_894 = arith.constant 8 : i32
        %add3A_895 = arith.addi %mul3A_893, %add3A_894 : i32
        %swap3A_896 = arith.index_cast %add3A_895 : i32 to index
        %swap3A_897 = arith.constant 16 : index
        %swap3A_898 = tpu.vector_load %arg10[%swap3A_896, %swap3A_897] {strides = array<i32>} : memref<128x80xf32, #tpu.memory_space<vmem>>, vector<16xf32>,
        tpu.vector_store %arg10[%swap3A_896, %swap3A_897], %max3A_891 {strides = array<i32>} : memref<128x80xf32, #tpu.memory_space<vmem>>, vector<16xf32>,
        %mul3A_899 = vector.broadcast %squeeze3A_856 : f32 to vector<16xf32>
        %mul3A_900 = arith.mulf %mul3A_899, %get3A_21 : vector<16xf32>
        %add3A_901 = arith.addf %get3A_45, %mul3A_900 : vector<16xf32>
        %mul3A_902 = vector.broadcast %squeeze3A_858 : f32 to vector<16xf32>
        %mul3A_903 = arith.mulf %mul3A_902, %get3A_29 : vector<16xf32>
        %add3A_904 = arith.addf %add3A_901, %mul3A_903 : vector<16xf32>
        %mul3A_905 = vector.broadcast %squeeze3A_860 : f32 to vector<16xf32>
        %mul3A_906 = arith.mulf %mul3A_905, %get3A_37 : vector<16xf32>
        %add3A_907 = arith.addf %add3A_904, %mul3A_906 : vector<16xf32>
        %max3A_908 = arith.constant 0.000000e+00 : f32
        %max3A_909 = vector.broadcast %max3A_908 : f32 to vector<16xf32>
        %max3A_910 = arith.maximumf %add3A_907, %max3A_909 : vector<16xf32>
        %mul3A_911 = arith.constant 16 : i32
        %mul3A_912 = arith.muli %scan3A_102, %mul3A_911 : i32
        %add3A_913 = arith.constant 8 : i32
        %add3A_914 = arith.addi %mul3A_912, %add3A_913 : i32
        %swap3A_915 = arith.index_cast %add3A_914 : i32 to index
        %swap3A_916 = arith.constant 32 : index
        %swap3A_917 = tpu.vector_load %arg10[%swap3A_915, %swap3A_916] {strides = array<i32>} : memref<128x80xf32, #tpu.memory_space<vmem>>, vector<16xf32>,
        tpu.vector_store %arg10[%swap3A_915, %swap3A_916], %max3A_910 {strides = array<i32>} : memref<128x80xf32, #tpu.memory_space<vmem>>, vector<16xf32>,
        %mul3A_918 = vector.broadcast %squeeze3A_856 : f32 to vector<16xf32>
        %mul3A_919 = arith.mulf %mul3A_918, %get3A_23 : vector<16xf32>
        %add3A_920 = arith.addf %get3A_47, %mul3A_919 : vector<16xf32>
        %mul3A_921 = vector.broadcast %squeeze3A_858 : f32 to vector<16xf32>
        %mul3A_922 = arith.mulf %mul3A_921, %get3A_31 : vector<16xf32>
        %add3A_923 = arith.addf %add3A_920, %mul3A_922 : vector<16xf32>
        %mul3A_924 = vector.broadcast %squeeze3A_860 : f32 to vector<16xf32>
        %mul3A_925 = arith.mulf %mul3A_924, %get3A_39 : vector<16xf32>
        %add3A_926 = arith.addf %add3A_923, %mul3A_925 : vector<16xf32>
        %max3A_927 = arith.constant 0.000000e+00 : f32
        %max3A_928 = vector.broadcast %max3A_927 : f32 to vector<16xf32>
        %max3A_929 = arith.maximumf %add3A_926, %max3A_928 : vector<16xf32>
        %mul3A_930 = arith.constant 16 : i32
        %mul3A_931 = arith.muli %scan3A_102, %mul3A_930 : i32
        %add3A_932 = arith.constant 8 : i32
        %add3A_933 = arith.addi %mul3A_931, %add3A_932 : i32
        %swap3A_934 = arith.index_cast %add3A_933 : i32 to index
        %swap3A_935 = arith.constant 48 : index
        %swap3A_936 = tpu.vector_load %arg10[%swap3A_934, %swap3A_935] {strides = array<i32>} : memref<128x80xf32, #tpu.memory_space<vmem>>, vector<16xf32>,
        tpu.vector_store %arg10[%swap3A_934, %swap3A_935], %max3A_929 {strides = array<i32>} : memref<128x80xf32, #tpu.memory_space<vmem>>, vector<16xf32>,
        %slice3A_937 = vector.extract_strided_slice %sub3A {offsets = [9], sizes = [1], strides = [1]} : vector<16xf32> to vector<1xf32>
        %squeeze3A_938 = vector.extract %slice3A_937[0] : f32 from vector<1xf32>
        %slice3A_939 = vector.extract_strided_slice %sub3A_171 {offsets = [9], sizes = [1], strides = [1]} : vector<16xf32> to vector<1xf32>
        %squeeze3A_940 = vector.extract %slice3A_939[0] : f32 from vector<1xf32>
        %slice3A_941 = vector.extract_strided_slice %sub3A_176 {offsets = [9], sizes = [1], strides = [1]} : vector<16xf32> to vector<1xf32>
        %squeeze3A_942 = vector.extract %slice3A_941[0] : f32 from vector<1xf32>
        %mul3A_943 = vector.broadcast %squeeze3A_938 : f32 to vector<16xf32>
        %mul3A_944 = arith.mulf %mul3A_943, %get3A_17 : vector<16xf32>
        %add3A_945 = arith.addf %get3A_41, %mul3A_944 : vector<16xf32>
        %mul3A_946 = vector.broadcast %squeeze3A_940 : f32 to vector<16xf32>
        %mul3A_947 = arith.mulf %mul3A_946, %get3A_25 : vector<16xf32>
        %add3A_948 = arith.addf %add3A_945, %mul3A_947 : vector<16xf32>
        %mul3A_949 = vector.broadcast %squeeze3A_942 : f32 to vector<16xf32>
        %mul3A_950 = arith.mulf %mul3A_949, %get3A_33 : vector<16xf32>
        %add3A_951 = arith.addf %add3A_948, %mul3A_950 : vector<16xf32>
        %max3A_952 = arith.constant 0.000000e+00 : f32
        %max3A_953 = vector.broadcast %max3A_952 : f32 to vector<16xf32>
        %max3A_954 = arith.maximumf %add3A_951, %max3A_953 : vector<16xf32>
        %mul3A_955 = arith.constant 16 : i32
        %mul3A_956 = arith.muli %scan3A_102, %mul3A_955 : i32
        %add3A_957 = arith.constant 9 : i32
        %add3A_958 = arith.addi %mul3A_956, %add3A_957 : i32
        %swap3A_959 = arith.index_cast %add3A_958 : i32 to index
        %swap3A_960 = arith.constant 0 : index
        %swap3A_961 = tpu.vector_load %arg10[%swap3A_959, %swap3A_960] {strides = array<i32>} : memref<128x80xf32, #tpu.memory_space<vmem>>, vector<16xf32>,
        tpu.vector_store %arg10[%swap3A_959, %swap3A_960], %max3A_954 {strides = array<i32>} : memref<128x80xf32, #tpu.memory_space<vmem>>, vector<16xf32>,
        %mul3A_962 = vector.broadcast %squeeze3A_938 : f32 to vector<16xf32>
        %mul3A_963 = arith.mulf %mul3A_962, %get3A_19 : vector<16xf32>
        %add3A_964 = arith.addf %get3A_43, %mul3A_963 : vector<16xf32>
        %mul3A_965 = vector.broadcast %squeeze3A_940 : f32 to vector<16xf32>
        %mul3A_966 = arith.mulf %mul3A_965, %get3A_27 : vector<16xf32>
        %add3A_967 = arith.addf %add3A_964, %mul3A_966 : vector<16xf32>
        %mul3A_968 = vector.broadcast %squeeze3A_942 : f32 to vector<16xf32>
        %mul3A_969 = arith.mulf %mul3A_968, %get3A_35 : vector<16xf32>
        %add3A_970 = arith.addf %add3A_967, %mul3A_969 : vector<16xf32>
        %max3A_971 = arith.constant 0.000000e+00 : f32
        %max3A_972 = vector.broadcast %max3A_971 : f32 to vector<16xf32>
        %max3A_973 = arith.maximumf %add3A_970, %max3A_972 : vector<16xf32>
        %mul3A_974 = arith.constant 16 : i32
        %mul3A_975 = arith.muli %scan3A_102, %mul3A_974 : i32
        %add3A_976 = arith.constant 9 : i32
        %add3A_977 = arith.addi %mul3A_975, %add3A_976 : i32
        %swap3A_978 = arith.index_cast %add3A_977 : i32 to index
        %swap3A_979 = arith.constant 16 : index
        %swap3A_980 = tpu.vector_load %arg10[%swap3A_978, %swap3A_979] {strides = array<i32>} : memref<128x80xf32, #tpu.memory_space<vmem>>, vector<16xf32>,
        tpu.vector_store %arg10[%swap3A_978, %swap3A_979], %max3A_973 {strides = array<i32>} : memref<128x80xf32, #tpu.memory_space<vmem>>, vector<16xf32>,
        %mul3A_981 = vector.broadcast %squeeze3A_938 : f32 to vector<16xf32>
        %mul3A_982 = arith.mulf %mul3A_981, %get3A_21 : vector<16xf32>
        %add3A_983 = arith.addf %get3A_45, %mul3A_982 : vector<16xf32>
        %mul3A_984 = vector.broadcast %squeeze3A_940 : f32 to vector<16xf32>
        %mul3A_985 = arith.mulf %mul3A_984, %get3A_29 : vector<16xf32>
        %add3A_986 = arith.addf %add3A_983, %mul3A_985 : vector<16xf32>
        %mul3A_987 = vector.broadcast %squeeze3A_942 : f32 to vector<16xf32>
        %mul3A_988 = arith.mulf %mul3A_987, %get3A_37 : vector<16xf32>
        %add3A_989 = arith.addf %add3A_986, %mul3A_988 : vector<16xf32>
        %max3A_990 = arith.constant 0.000000e+00 : f32
        %max3A_991 = vector.broadcast %max3A_990 : f32 to vector<16xf32>
        %max3A_992 = arith.maximumf %add3A_989, %max3A_991 : vector<16xf32>
        %mul3A_993 = arith.constant 16 : i32
        %mul3A_994 = arith.muli %scan3A_102, %mul3A_993 : i32
        %add3A_995 = arith.constant 9 : i32
        %add3A_996 = arith.addi %mul3A_994, %add3A_995 : i32
        %swap3A_997 = arith.index_cast %add3A_996 : i32 to index
        %swap3A_998 = arith.constant 32 : index
        %swap3A_999 = tpu.vector_load %arg10[%swap3A_997, %swap3A_998] {strides = array<i32>} : memref<128x80xf32, #tpu.memory_space<vmem>>, vector<16xf32>,
        tpu.vector_store %arg10[%swap3A_997, %swap3A_998], %max3A_992 {strides = array<i32>} : memref<128x80xf32, #tpu.memory_space<vmem>>, vector<16xf32>,
        %mul3A_1000 = vector.broadcast %squeeze3A_938 : f32 to vector<16xf32>
        %mul3A_1001 = arith.mulf %mul3A_1000, %get3A_23 : vector<16xf32>
        %add3A_1002 = arith.addf %get3A_47, %mul3A_1001 : vector<16xf32>
        %mul3A_1003 = vector.broadcast %squeeze3A_940 : f32 to vector<16xf32>
        %mul3A_1004 = arith.mulf %mul3A_1003, %get3A_31 : vector<16xf32>
        %add3A_1005 = arith.addf %add3A_1002, %mul3A_1004 : vector<16xf32>
        %mul3A_1006 = vector.broadcast %squeeze3A_942 : f32 to vector<16xf32>
        %mul3A_1007 = arith.mulf %mul3A_1006, %get3A_39 : vector<16xf32>
        %add3A_1008 = arith.addf %add3A_1005, %mul3A_1007 : vector<16xf32>
        %max3A_1009 = arith.constant 0.000000e+00 : f32
        %max3A_1010 = vector.broadcast %max3A_1009 : f32 to vector<16xf32>
        %max3A_1011 = arith.maximumf %add3A_1008, %max3A_1010 : vector<16xf32>
        %mul3A_1012 = arith.constant 16 : i32
        %mul3A_1013 = arith.muli %scan3A_102, %mul3A_1012 : i32
        %add3A_1014 = arith.constant 9 : i32
        %add3A_1015 = arith.addi %mul3A_1013, %add3A_1014 : i32
        %swap3A_1016 = arith.index_cast %add3A_1015 : i32 to index
        %swap3A_1017 = arith.constant 48 : index
        %swap3A_1018 = tpu.vector_load %arg10[%swap3A_1016, %swap3A_1017] {strides = array<i32>} : memref<128x80xf32, #tpu.memory_space<vmem>>, vector<16xf32>,
        tpu.vector_store %arg10[%swap3A_1016, %swap3A_1017], %max3A_1011 {strides = array<i32>} : memref<128x80xf32, #tpu.memory_space<vmem>>, vector<16xf32>,
        %slice3A_1019 = vector.extract_strided_slice %sub3A {offsets = [10], sizes = [1], strides = [1]} : vector<16xf32> to vector<1xf32>
        %squeeze3A_1020 = vector.extract %slice3A_1019[0] : f32 from vector<1xf32>
        %slice3A_1021 = vector.extract_strided_slice %sub3A_171 {offsets = [10], sizes = [1], strides = [1]} : vector<16xf32> to vector<1xf32>
        %squeeze3A_1022 = vector.extract %slice3A_1021[0] : f32 from vector<1xf32>
        %slice3A_1023 = vector.extract_strided_slice %sub3A_176 {offsets = [10], sizes = [1], strides = [1]} : vector<16xf32> to vector<1xf32>
        %squeeze3A_1024 = vector.extract %slice3A_1023[0] : f32 from vector<1xf32>
        %mul3A_1025 = vector.broadcast %squeeze3A_1020 : f32 to vector<16xf32>
        %mul3A_1026 = arith.mulf %mul3A_1025, %get3A_17 : vector<16xf32>
        %add3A_1027 = arith.addf %get3A_41, %mul3A_1026 : vector<16xf32>
        %mul3A_1028 = vector.broadcast %squeeze3A_1022 : f32 to vector<16xf32>
        %mul3A_1029 = arith.mulf %mul3A_1028, %get3A_25 : vector<16xf32>
        %add3A_1030 = arith.addf %add3A_1027, %mul3A_1029 : vector<16xf32>
        %mul3A_1031 = vector.broadcast %squeeze3A_1024 : f32 to vector<16xf32>
        %mul3A_1032 = arith.mulf %mul3A_1031, %get3A_33 : vector<16xf32>
        %add3A_1033 = arith.addf %add3A_1030, %mul3A_1032 : vector<16xf32>
        %max3A_1034 = arith.constant 0.000000e+00 : f32
        %max3A_1035 = vector.broadcast %max3A_1034 : f32 to vector<16xf32>
        %max3A_1036 = arith.maximumf %add3A_1033, %max3A_1035 : vector<16xf32>
        %mul3A_1037 = arith.constant 16 : i32
        %mul3A_1038 = arith.muli %scan3A_102, %mul3A_1037 : i32
        %add3A_1039 = arith.constant 10 : i32
        %add3A_1040 = arith.addi %mul3A_1038, %add3A_1039 : i32
        %swap3A_1041 = arith.index_cast %add3A_1040 : i32 to index
        %swap3A_1042 = arith.constant 0 : index
        %swap3A_1043 = tpu.vector_load %arg10[%swap3A_1041, %swap3A_1042] {strides = array<i32>} : memref<128x80xf32, #tpu.memory_space<vmem>>, vector<16xf32>,
        tpu.vector_store %arg10[%swap3A_1041, %swap3A_1042], %max3A_1036 {strides = array<i32>} : memref<128x80xf32, #tpu.memory_space<vmem>>, vector<16xf32>,
        %mul3A_1044 = vector.broadcast %squeeze3A_1020 : f32 to vector<16xf32>
        %mul3A_1045 = arith.mulf %mul3A_1044, %get3A_19 : vector<16xf32>
        %add3A_1046 = arith.addf %get3A_43, %mul3A_1045 : vector<16xf32>
        %mul3A_1047 = vector.broadcast %squeeze3A_1022 : f32 to vector<16xf32>
        %mul3A_1048 = arith.mulf %mul3A_1047, %get3A_27 : vector<16xf32>
        %add3A_1049 = arith.addf %add3A_1046, %mul3A_1048 : vector<16xf32>
        %mul3A_1050 = vector.broadcast %squeeze3A_1024 : f32 to vector<16xf32>
        %mul3A_1051 = arith.mulf %mul3A_1050, %get3A_35 : vector<16xf32>
        %add3A_1052 = arith.addf %add3A_1049, %mul3A_1051 : vector<16xf32>
        %max3A_1053 = arith.constant 0.000000e+00 : f32
        %max3A_1054 = vector.broadcast %max3A_1053 : f32 to vector<16xf32>
        %max3A_1055 = arith.maximumf %add3A_1052, %max3A_1054 : vector<16xf32>
        %mul3A_1056 = arith.constant 16 : i32
        %mul3A_1057 = arith.muli %scan3A_102, %mul3A_1056 : i32
        %add3A_1058 = arith.constant 10 : i32
        %add3A_1059 = arith.addi %mul3A_1057, %add3A_1058 : i32
        %swap3A_1060 = arith.index_cast %add3A_1059 : i32 to index
        %swap3A_1061 = arith.constant 16 : index
        %swap3A_1062 = tpu.vector_load %arg10[%swap3A_1060, %swap3A_1061] {strides = array<i32>} : memref<128x80xf32, #tpu.memory_space<vmem>>, vector<16xf32>,
        tpu.vector_store %arg10[%swap3A_1060, %swap3A_1061], %max3A_1055 {strides = array<i32>} : memref<128x80xf32, #tpu.memory_space<vmem>>, vector<16xf32>,
        %mul3A_1063 = vector.broadcast %squeeze3A_1020 : f32 to vector<16xf32>
        %mul3A_1064 = arith.mulf %mul3A_1063, %get3A_21 : vector<16xf32>
        %add3A_1065 = arith.addf %get3A_45, %mul3A_1064 : vector<16xf32>
        %mul3A_1066 = vector.broadcast %squeeze3A_1022 : f32 to vector<16xf32>
        %mul3A_1067 = arith.mulf %mul3A_1066, %get3A_29 : vector<16xf32>
        %add3A_1068 = arith.addf %add3A_1065, %mul3A_1067 : vector<16xf32>
        %mul3A_1069 = vector.broadcast %squeeze3A_1024 : f32 to vector<16xf32>
        %mul3A_1070 = arith.mulf %mul3A_1069, %get3A_37 : vector<16xf32>
        %add3A_1071 = arith.addf %add3A_1068, %mul3A_1070 : vector<16xf32>
        %max3A_1072 = arith.constant 0.000000e+00 : f32
        %max3A_1073 = vector.broadcast %max3A_1072 : f32 to vector<16xf32>
        %max3A_1074 = arith.maximumf %add3A_1071, %max3A_1073 : vector<16xf32>
        %mul3A_1075 = arith.constant 16 : i32
        %mul3A_1076 = arith.muli %scan3A_102, %mul3A_1075 : i32
        %add3A_1077 = arith.constant 10 : i32
        %add3A_1078 = arith.addi %mul3A_1076, %add3A_1077 : i32
        %swap3A_1079 = arith.index_cast %add3A_1078 : i32 to index
        %swap3A_1080 = arith.constant 32 : index
        %swap3A_1081 = tpu.vector_load %arg10[%swap3A_1079, %swap3A_1080] {strides = array<i32>} : memref<128x80xf32, #tpu.memory_space<vmem>>, vector<16xf32>,
        tpu.vector_store %arg10[%swap3A_1079, %swap3A_1080], %max3A_1074 {strides = array<i32>} : memref<128x80xf32, #tpu.memory_space<vmem>>, vector<16xf32>,
        %mul3A_1082 = vector.broadcast %squeeze3A_1020 : f32 to vector<16xf32>
        %mul3A_1083 = arith.mulf %mul3A_1082, %get3A_23 : vector<16xf32>
        %add3A_1084 = arith.addf %get3A_47, %mul3A_1083 : vector<16xf32>
        %mul3A_1085 = vector.broadcast %squeeze3A_1022 : f32 to vector<16xf32>
        %mul3A_1086 = arith.mulf %mul3A_1085, %get3A_31 : vector<16xf32>
        %add3A_1087 = arith.addf %add3A_1084, %mul3A_1086 : vector<16xf32>
        %mul3A_1088 = vector.broadcast %squeeze3A_1024 : f32 to vector<16xf32>
        %mul3A_1089 = arith.mulf %mul3A_1088, %get3A_39 : vector<16xf32>
        %add3A_1090 = arith.addf %add3A_1087, %mul3A_1089 : vector<16xf32>
        %max3A_1091 = arith.constant 0.000000e+00 : f32
        %max3A_1092 = vector.broadcast %max3A_1091 : f32 to vector<16xf32>
        %max3A_1093 = arith.maximumf %add3A_1090, %max3A_1092 : vector<16xf32>
        %mul3A_1094 = arith.constant 16 : i32
        %mul3A_1095 = arith.muli %scan3A_102, %mul3A_1094 : i32
        %add3A_1096 = arith.constant 10 : i32
        %add3A_1097 = arith.addi %mul3A_1095, %add3A_1096 : i32
        %swap3A_1098 = arith.index_cast %add3A_1097 : i32 to index
        %swap3A_1099 = arith.constant 48 : index
        %swap3A_1100 = tpu.vector_load %arg10[%swap3A_1098, %swap3A_1099] {strides = array<i32>} : memref<128x80xf32, #tpu.memory_space<vmem>>, vector<16xf32>,
        tpu.vector_store %arg10[%swap3A_1098, %swap3A_1099], %max3A_1093 {strides = array<i32>} : memref<128x80xf32, #tpu.memory_space<vmem>>, vector<16xf32>,
        %slice3A_1101 = vector.extract_strided_slice %sub3A {offsets = [11], sizes = [1], strides = [1]} : vector<16xf32> to vector<1xf32>
        %squeeze3A_1102 = vector.extract %slice3A_1101[0] : f32 from vector<1xf32>
        %slice3A_1103 = vector.extract_strided_slice %sub3A_171 {offsets = [11], sizes = [1], strides = [1]} : vector<16xf32> to vector<1xf32>
        %squeeze3A_1104 = vector.extract %slice3A_1103[0] : f32 from vector<1xf32>
        %slice3A_1105 = vector.extract_strided_slice %sub3A_176 {offsets = [11], sizes = [1], strides = [1]} : vector<16xf32> to vector<1xf32>
        %squeeze3A_1106 = vector.extract %slice3A_1105[0] : f32 from vector<1xf32>
        %mul3A_1107 = vector.broadcast %squeeze3A_1102 : f32 to vector<16xf32>
        %mul3A_1108 = arith.mulf %mul3A_1107, %get3A_17 : vector<16xf32>
        %add3A_1109 = arith.addf %get3A_41, %mul3A_1108 : vector<16xf32>
        %mul3A_1110 = vector.broadcast %squeeze3A_1104 : f32 to vector<16xf32>
        %mul3A_1111 = arith.mulf %mul3A_1110, %get3A_25 : vector<16xf32>
        %add3A_1112 = arith.addf %add3A_1109, %mul3A_1111 : vector<16xf32>
        %mul3A_1113 = vector.broadcast %squeeze3A_1106 : f32 to vector<16xf32>
        %mul3A_1114 = arith.mulf %mul3A_1113, %get3A_33 : vector<16xf32>
        %add3A_1115 = arith.addf %add3A_1112, %mul3A_1114 : vector<16xf32>
        %max3A_1116 = arith.constant 0.000000e+00 : f32
        %max3A_1117 = vector.broadcast %max3A_1116 : f32 to vector<16xf32>
        %max3A_1118 = arith.maximumf %add3A_1115, %max3A_1117 : vector<16xf32>
        %mul3A_1119 = arith.constant 16 : i32
        %mul3A_1120 = arith.muli %scan3A_102, %mul3A_1119 : i32
        %add3A_1121 = arith.constant 11 : i32
        %add3A_1122 = arith.addi %mul3A_1120, %add3A_1121 : i32
        %swap3A_1123 = arith.index_cast %add3A_1122 : i32 to index
        %swap3A_1124 = arith.constant 0 : index
        %swap3A_1125 = tpu.vector_load %arg10[%swap3A_1123, %swap3A_1124] {strides = array<i32>} : memref<128x80xf32, #tpu.memory_space<vmem>>, vector<16xf32>,
        tpu.vector_store %arg10[%swap3A_1123, %swap3A_1124], %max3A_1118 {strides = array<i32>} : memref<128x80xf32, #tpu.memory_space<vmem>>, vector<16xf32>,
        %mul3A_1126 = vector.broadcast %squeeze3A_1102 : f32 to vector<16xf32>
        %mul3A_1127 = arith.mulf %mul3A_1126, %get3A_19 : vector<16xf32>
        %add3A_1128 = arith.addf %get3A_43, %mul3A_1127 : vector<16xf32>
        %mul3A_1129 = vector.broadcast %squeeze3A_1104 : f32 to vector<16xf32>
        %mul3A_1130 = arith.mulf %mul3A_1129, %get3A_27 : vector<16xf32>
        %add3A_1131 = arith.addf %add3A_1128, %mul3A_1130 : vector<16xf32>
        %mul3A_1132 = vector.broadcast %squeeze3A_1106 : f32 to vector<16xf32>
        %mul3A_1133 = arith.mulf %mul3A_1132, %get3A_35 : vector<16xf32>
        %add3A_1134 = arith.addf %add3A_1131, %mul3A_1133 : vector<16xf32>
        %max3A_1135 = arith.constant 0.000000e+00 : f32
        %max3A_1136 = vector.broadcast %max3A_1135 : f32 to vector<16xf32>
        %max3A_1137 = arith.maximumf %add3A_1134, %max3A_1136 : vector<16xf32>
        %mul3A_1138 = arith.constant 16 : i32
        %mul3A_1139 = arith.muli %scan3A_102, %mul3A_1138 : i32
        %add3A_1140 = arith.constant 11 : i32
        %add3A_1141 = arith.addi %mul3A_1139, %add3A_1140 : i32
        %swap3A_1142 = arith.index_cast %add3A_1141 : i32 to index
        %swap3A_1143 = arith.constant 16 : index
        %swap3A_1144 = tpu.vector_load %arg10[%swap3A_1142, %swap3A_1143] {strides = array<i32>} : memref<128x80xf32, #tpu.memory_space<vmem>>, vector<16xf32>,
        tpu.vector_store %arg10[%swap3A_1142, %swap3A_1143], %max3A_1137 {strides = array<i32>} : memref<128x80xf32, #tpu.memory_space<vmem>>, vector<16xf32>,
        %mul3A_1145 = vector.broadcast %squeeze3A_1102 : f32 to vector<16xf32>
        %mul3A_1146 = arith.mulf %mul3A_1145, %get3A_21 : vector<16xf32>
        %add3A_1147 = arith.addf %get3A_45, %mul3A_1146 : vector<16xf32>
        %mul3A_1148 = vector.broadcast %squeeze3A_1104 : f32 to vector<16xf32>
        %mul3A_1149 = arith.mulf %mul3A_1148, %get3A_29 : vector<16xf32>
        %add3A_1150 = arith.addf %add3A_1147, %mul3A_1149 : vector<16xf32>
        %mul3A_1151 = vector.broadcast %squeeze3A_1106 : f32 to vector<16xf32>
        %mul3A_1152 = arith.mulf %mul3A_1151, %get3A_37 : vector<16xf32>
        %add3A_1153 = arith.addf %add3A_1150, %mul3A_1152 : vector<16xf32>
        %max3A_1154 = arith.constant 0.000000e+00 : f32
        %max3A_1155 = vector.broadcast %max3A_1154 : f32 to vector<16xf32>
        %max3A_1156 = arith.maximumf %add3A_1153, %max3A_1155 : vector<16xf32>
        %mul3A_1157 = arith.constant 16 : i32
        %mul3A_1158 = arith.muli %scan3A_102, %mul3A_1157 : i32
        %add3A_1159 = arith.constant 11 : i32
        %add3A_1160 = arith.addi %mul3A_1158, %add3A_1159 : i32
        %swap3A_1161 = arith.index_cast %add3A_1160 : i32 to index
        %swap3A_1162 = arith.constant 32 : index
        %swap3A_1163 = tpu.vector_load %arg10[%swap3A_1161, %swap3A_1162] {strides = array<i32>} : memref<128x80xf32, #tpu.memory_space<vmem>>, vector<16xf32>,
        tpu.vector_store %arg10[%swap3A_1161, %swap3A_1162], %max3A_1156 {strides = array<i32>} : memref<128x80xf32, #tpu.memory_space<vmem>>, vector<16xf32>,
        %mul3A_1164 = vector.broadcast %squeeze3A_1102 : f32 to vector<16xf32>
        %mul3A_1165 = arith.mulf %mul3A_1164, %get3A_23 : vector<16xf32>
        %add3A_1166 = arith.addf %get3A_47, %mul3A_1165 : vector<16xf32>
        %mul3A_1167 = vector.broadcast %squeeze3A_1104 : f32 to vector<16xf32>
        %mul3A_1168 = arith.mulf %mul3A_1167, %get3A_31 : vector<16xf32>
        %add3A_1169 = arith.addf %add3A_1166, %mul3A_1168 : vector<16xf32>
        %mul3A_1170 = vector.broadcast %squeeze3A_1106 : f32 to vector<16xf32>
        %mul3A_1171 = arith.mulf %mul3A_1170, %get3A_39 : vector<16xf32>
        %add3A_1172 = arith.addf %add3A_1169, %mul3A_1171 : vector<16xf32>
        %max3A_1173 = arith.constant 0.000000e+00 : f32
        %max3A_1174 = vector.broadcast %max3A_1173 : f32 to vector<16xf32>
        %max3A_1175 = arith.maximumf %add3A_1172, %max3A_1174 : vector<16xf32>
        %mul3A_1176 = arith.constant 16 : i32
        %mul3A_1177 = arith.muli %scan3A_102, %mul3A_1176 : i32
        %add3A_1178 = arith.constant 11 : i32
        %add3A_1179 = arith.addi %mul3A_1177, %add3A_1178 : i32
        %swap3A_1180 = arith.index_cast %add3A_1179 : i32 to index
        %swap3A_1181 = arith.constant 48 : index
        %swap3A_1182 = tpu.vector_load %arg10[%swap3A_1180, %swap3A_1181] {strides = array<i32>} : memref<128x80xf32, #tpu.memory_space<vmem>>, vector<16xf32>,
        tpu.vector_store %arg10[%swap3A_1180, %swap3A_1181], %max3A_1175 {strides = array<i32>} : memref<128x80xf32, #tpu.memory_space<vmem>>, vector<16xf32>,
        %slice3A_1183 = vector.extract_strided_slice %sub3A {offsets = [12], sizes = [1], strides = [1]} : vector<16xf32> to vector<1xf32>
        %squeeze3A_1184 = vector.extract %slice3A_1183[0] : f32 from vector<1xf32>
        %slice3A_1185 = vector.extract_strided_slice %sub3A_171 {offsets = [12], sizes = [1], strides = [1]} : vector<16xf32> to vector<1xf32>
        %squeeze3A_1186 = vector.extract %slice3A_1185[0] : f32 from vector<1xf32>
        %slice3A_1187 = vector.extract_strided_slice %sub3A_176 {offsets = [12], sizes = [1], strides = [1]} : vector<16xf32> to vector<1xf32>
        %squeeze3A_1188 = vector.extract %slice3A_1187[0] : f32 from vector<1xf32>
        %mul3A_1189 = vector.broadcast %squeeze3A_1184 : f32 to vector<16xf32>
        %mul3A_1190 = arith.mulf %mul3A_1189, %get3A_17 : vector<16xf32>
        %add3A_1191 = arith.addf %get3A_41, %mul3A_1190 : vector<16xf32>
        %mul3A_1192 = vector.broadcast %squeeze3A_1186 : f32 to vector<16xf32>
        %mul3A_1193 = arith.mulf %mul3A_1192, %get3A_25 : vector<16xf32>
        %add3A_1194 = arith.addf %add3A_1191, %mul3A_1193 : vector<16xf32>
        %mul3A_1195 = vector.broadcast %squeeze3A_1188 : f32 to vector<16xf32>
        %mul3A_1196 = arith.mulf %mul3A_1195, %get3A_33 : vector<16xf32>
        %add3A_1197 = arith.addf %add3A_1194, %mul3A_1196 : vector<16xf32>
        %max3A_1198 = arith.constant 0.000000e+00 : f32
        %max3A_1199 = vector.broadcast %max3A_1198 : f32 to vector<16xf32>
        %max3A_1200 = arith.maximumf %add3A_1197, %max3A_1199 : vector<16xf32>
        %mul3A_1201 = arith.constant 16 : i32
        %mul3A_1202 = arith.muli %scan3A_102, %mul3A_1201 : i32
        %add3A_1203 = arith.constant 12 : i32
        %add3A_1204 = arith.addi %mul3A_1202, %add3A_1203 : i32
        %swap3A_1205 = arith.index_cast %add3A_1204 : i32 to index
        %swap3A_1206 = arith.constant 0 : index
        %swap3A_1207 = tpu.vector_load %arg10[%swap3A_1205, %swap3A_1206] {strides = array<i32>} : memref<128x80xf32, #tpu.memory_space<vmem>>, vector<16xf32>,
        tpu.vector_store %arg10[%swap3A_1205, %swap3A_1206], %max3A_1200 {strides = array<i32>} : memref<128x80xf32, #tpu.memory_space<vmem>>, vector<16xf32>,
        %mul3A_1208 = vector.broadcast %squeeze3A_1184 : f32 to vector<16xf32>
        %mul3A_1209 = arith.mulf %mul3A_1208, %get3A_19 : vector<16xf32>
        %add3A_1210 = arith.addf %get3A_43, %mul3A_1209 : vector<16xf32>
        %mul3A_1211 = vector.broadcast %squeeze3A_1186 : f32 to vector<16xf32>
        %mul3A_1212 = arith.mulf %mul3A_1211, %get3A_27 : vector<16xf32>
        %add3A_1213 = arith.addf %add3A_1210, %mul3A_1212 : vector<16xf32>
        %mul3A_1214 = vector.broadcast %squeeze3A_1188 : f32 to vector<16xf32>
        %mul3A_1215 = arith.mulf %mul3A_1214, %get3A_35 : vector<16xf32>
        %add3A_1216 = arith.addf %add3A_1213, %mul3A_1215 : vector<16xf32>
        %max3A_1217 = arith.constant 0.000000e+00 : f32
        %max3A_1218 = vector.broadcast %max3A_1217 : f32 to vector<16xf32>
        %max3A_1219 = arith.maximumf %add3A_1216, %max3A_1218 : vector<16xf32>
        %mul3A_1220 = arith.constant 16 : i32
        %mul3A_1221 = arith.muli %scan3A_102, %mul3A_1220 : i32
        %add3A_1222 = arith.constant 12 : i32
        %add3A_1223 = arith.addi %mul3A_1221, %add3A_1222 : i32
        %swap3A_1224 = arith.index_cast %add3A_1223 : i32 to index
        %swap3A_1225 = arith.constant 16 : index
        %swap3A_1226 = tpu.vector_load %arg10[%swap3A_1224, %swap3A_1225] {strides = array<i32>} : memref<128x80xf32, #tpu.memory_space<vmem>>, vector<16xf32>,
        tpu.vector_store %arg10[%swap3A_1224, %swap3A_1225], %max3A_1219 {strides = array<i32>} : memref<128x80xf32, #tpu.memory_space<vmem>>, vector<16xf32>,
        %mul3A_1227 = vector.broadcast %squeeze3A_1184 : f32 to vector<16xf32>
        %mul3A_1228 = arith.mulf %mul3A_1227, %get3A_21 : vector<16xf32>
        %add3A_1229 = arith.addf %get3A_45, %mul3A_1228 : vector<16xf32>
        %mul3A_1230 = vector.broadcast %squeeze3A_1186 : f32 to vector<16xf32>
        %mul3A_1231 = arith.mulf %mul3A_1230, %get3A_29 : vector<16xf32>
        %add3A_1232 = arith.addf %add3A_1229, %mul3A_1231 : vector<16xf32>
        %mul3A_1233 = vector.broadcast %squeeze3A_1188 : f32 to vector<16xf32>
        %mul3A_1234 = arith.mulf %mul3A_1233, %get3A_37 : vector<16xf32>
        %add3A_1235 = arith.addf %add3A_1232, %mul3A_1234 : vector<16xf32>
        %max3A_1236 = arith.constant 0.000000e+00 : f32
        %max3A_1237 = vector.broadcast %max3A_1236 : f32 to vector<16xf32>
        %max3A_1238 = arith.maximumf %add3A_1235, %max3A_1237 : vector<16xf32>
        %mul3A_1239 = arith.constant 16 : i32
        %mul3A_1240 = arith.muli %scan3A_102, %mul3A_1239 : i32
        %add3A_1241 = arith.constant 12 : i32
        %add3A_1242 = arith.addi %mul3A_1240, %add3A_1241 : i32
        %swap3A_1243 = arith.index_cast %add3A_1242 : i32 to index
        %swap3A_1244 = arith.constant 32 : index
        %swap3A_1245 = tpu.vector_load %arg10[%swap3A_1243, %swap3A_1244] {strides = array<i32>} : memref<128x80xf32, #tpu.memory_space<vmem>>, vector<16xf32>,
        tpu.vector_store %arg10[%swap3A_1243, %swap3A_1244], %max3A_1238 {strides = array<i32>} : memref<128x80xf32, #tpu.memory_space<vmem>>, vector<16xf32>,
        %mul3A_1246 = vector.broadcast %squeeze3A_1184 : f32 to vector<16xf32>
        %mul3A_1247 = arith.mulf %mul3A_1246, %get3A_23 : vector<16xf32>
        %add3A_1248 = arith.addf %get3A_47, %mul3A_1247 : vector<16xf32>
        %mul3A_1249 = vector.broadcast %squeeze3A_1186 : f32 to vector<16xf32>
        %mul3A_1250 = arith.mulf %mul3A_1249, %get3A_31 : vector<16xf32>
        %add3A_1251 = arith.addf %add3A_1248, %mul3A_1250 : vector<16xf32>
        %mul3A_1252 = vector.broadcast %squeeze3A_1188 : f32 to vector<16xf32>
        %mul3A_1253 = arith.mulf %mul3A_1252, %get3A_39 : vector<16xf32>
        %add3A_1254 = arith.addf %add3A_1251, %mul3A_1253 : vector<16xf32>
        %max3A_1255 = arith.constant 0.000000e+00 : f32
        %max3A_1256 = vector.broadcast %max3A_1255 : f32 to vector<16xf32>
        %max3A_1257 = arith.maximumf %add3A_1254, %max3A_1256 : vector<16xf32>
        %mul3A_1258 = arith.constant 16 : i32
        %mul3A_1259 = arith.muli %scan3A_102, %mul3A_1258 : i32
        %add3A_1260 = arith.constant 12 : i32
        %add3A_1261 = arith.addi %mul3A_1259, %add3A_1260 : i32
        %swap3A_1262 = arith.index_cast %add3A_1261 : i32 to index
        %swap3A_1263 = arith.constant 48 : index
        %swap3A_1264 = tpu.vector_load %arg10[%swap3A_1262, %swap3A_1263] {strides = array<i32>} : memref<128x80xf32, #tpu.memory_space<vmem>>, vector<16xf32>,
        tpu.vector_store %arg10[%swap3A_1262, %swap3A_1263], %max3A_1257 {strides = array<i32>} : memref<128x80xf32, #tpu.memory_space<vmem>>, vector<16xf32>,
        %slice3A_1265 = vector.extract_strided_slice %sub3A {offsets = [13], sizes = [1], strides = [1]} : vector<16xf32> to vector<1xf32>
        %squeeze3A_1266 = vector.extract %slice3A_1265[0] : f32 from vector<1xf32>
        %slice3A_1267 = vector.extract_strided_slice %sub3A_171 {offsets = [13], sizes = [1], strides = [1]} : vector<16xf32> to vector<1xf32>
        %squeeze3A_1268 = vector.extract %slice3A_1267[0] : f32 from vector<1xf32>
        %slice3A_1269 = vector.extract_strided_slice %sub3A_176 {offsets = [13], sizes = [1], strides = [1]} : vector<16xf32> to vector<1xf32>
        %squeeze3A_1270 = vector.extract %slice3A_1269[0] : f32 from vector<1xf32>
        %mul3A_1271 = vector.broadcast %squeeze3A_1266 : f32 to vector<16xf32>
        %mul3A_1272 = arith.mulf %mul3A_1271, %get3A_17 : vector<16xf32>
        %add3A_1273 = arith.addf %get3A_41, %mul3A_1272 : vector<16xf32>
        %mul3A_1274 = vector.broadcast %squeeze3A_1268 : f32 to vector<16xf32>
        %mul3A_1275 = arith.mulf %mul3A_1274, %get3A_25 : vector<16xf32>
        %add3A_1276 = arith.addf %add3A_1273, %mul3A_1275 : vector<16xf32>
        %mul3A_1277 = vector.broadcast %squeeze3A_1270 : f32 to vector<16xf32>
        %mul3A_1278 = arith.mulf %mul3A_1277, %get3A_33 : vector<16xf32>
        %add3A_1279 = arith.addf %add3A_1276, %mul3A_1278 : vector<16xf32>
        %max3A_1280 = arith.constant 0.000000e+00 : f32
        %max3A_1281 = vector.broadcast %max3A_1280 : f32 to vector<16xf32>
        %max3A_1282 = arith.maximumf %add3A_1279, %max3A_1281 : vector<16xf32>
        %mul3A_1283 = arith.constant 16 : i32
        %mul3A_1284 = arith.muli %scan3A_102, %mul3A_1283 : i32
        %add3A_1285 = arith.constant 13 : i32
        %add3A_1286 = arith.addi %mul3A_1284, %add3A_1285 : i32
        %swap3A_1287 = arith.index_cast %add3A_1286 : i32 to index
        %swap3A_1288 = arith.constant 0 : index
        %swap3A_1289 = tpu.vector_load %arg10[%swap3A_1287, %swap3A_1288] {strides = array<i32>} : memref<128x80xf32, #tpu.memory_space<vmem>>, vector<16xf32>,
        tpu.vector_store %arg10[%swap3A_1287, %swap3A_1288], %max3A_1282 {strides = array<i32>} : memref<128x80xf32, #tpu.memory_space<vmem>>, vector<16xf32>,
        %mul3A_1290 = vector.broadcast %squeeze3A_1266 : f32 to vector<16xf32>
        %mul3A_1291 = arith.mulf %mul3A_1290, %get3A_19 : vector<16xf32>
        %add3A_1292 = arith.addf %get3A_43, %mul3A_1291 : vector<16xf32>
        %mul3A_1293 = vector.broadcast %squeeze3A_1268 : f32 to vector<16xf32>
        %mul3A_1294 = arith.mulf %mul3A_1293, %get3A_27 : vector<16xf32>
        %add3A_1295 = arith.addf %add3A_1292, %mul3A_1294 : vector<16xf32>
        %mul3A_1296 = vector.broadcast %squeeze3A_1270 : f32 to vector<16xf32>
        %mul3A_1297 = arith.mulf %mul3A_1296, %get3A_35 : vector<16xf32>
        %add3A_1298 = arith.addf %add3A_1295, %mul3A_1297 : vector<16xf32>
        %max3A_1299 = arith.constant 0.000000e+00 : f32
        %max3A_1300 = vector.broadcast %max3A_1299 : f32 to vector<16xf32>
        %max3A_1301 = arith.maximumf %add3A_1298, %max3A_1300 : vector<16xf32>
        %mul3A_1302 = arith.constant 16 : i32
        %mul3A_1303 = arith.muli %scan3A_102, %mul3A_1302 : i32
        %add3A_1304 = arith.constant 13 : i32
        %add3A_1305 = arith.addi %mul3A_1303, %add3A_1304 : i32
        %swap3A_1306 = arith.index_cast %add3A_1305 : i32 to index
        %swap3A_1307 = arith.constant 16 : index
        %swap3A_1308 = tpu.vector_load %arg10[%swap3A_1306, %swap3A_1307] {strides = array<i32>} : memref<128x80xf32, #tpu.memory_space<vmem>>, vector<16xf32>,
        tpu.vector_store %arg10[%swap3A_1306, %swap3A_1307], %max3A_1301 {strides = array<i32>} : memref<128x80xf32, #tpu.memory_space<vmem>>, vector<16xf32>,
        %mul3A_1309 = vector.broadcast %squeeze3A_1266 : f32 to vector<16xf32>
        %mul3A_1310 = arith.mulf %mul3A_1309, %get3A_21 : vector<16xf32>
        %add3A_1311 = arith.addf %get3A_45, %mul3A_1310 : vector<16xf32>
        %mul3A_1312 = vector.broadcast %squeeze3A_1268 : f32 to vector<16xf32>
        %mul3A_1313 = arith.mulf %mul3A_1312, %get3A_29 : vector<16xf32>
        %add3A_1314 = arith.addf %add3A_1311, %mul3A_1313 : vector<16xf32>
        %mul3A_1315 = vector.broadcast %squeeze3A_1270 : f32 to vector<16xf32>
        %mul3A_1316 = arith.mulf %mul3A_1315, %get3A_37 : vector<16xf32>
        %add3A_1317 = arith.addf %add3A_1314, %mul3A_1316 : vector<16xf32>
        %max3A_1318 = arith.constant 0.000000e+00 : f32
        %max3A_1319 = vector.broadcast %max3A_1318 : f32 to vector<16xf32>
        %max3A_1320 = arith.maximumf %add3A_1317, %max3A_1319 : vector<16xf32>
        %mul3A_1321 = arith.constant 16 : i32
        %mul3A_1322 = arith.muli %scan3A_102, %mul3A_1321 : i32
        %add3A_1323 = arith.constant 13 : i32
        %add3A_1324 = arith.addi %mul3A_1322, %add3A_1323 : i32
        %swap3A_1325 = arith.index_cast %add3A_1324 : i32 to index
        %swap3A_1326 = arith.constant 32 : index
        %swap3A_1327 = tpu.vector_load %arg10[%swap3A_1325, %swap3A_1326] {strides = array<i32>} : memref<128x80xf32, #tpu.memory_space<vmem>>, vector<16xf32>,
        tpu.vector_store %arg10[%swap3A_1325, %swap3A_1326], %max3A_1320 {strides = array<i32>} : memref<128x80xf32, #tpu.memory_space<vmem>>, vector<16xf32>,
        %mul3A_1328 = vector.broadcast %squeeze3A_1266 : f32 to vector<16xf32>
        %mul3A_1329 = arith.mulf %mul3A_1328, %get3A_23 : vector<16xf32>
        %add3A_1330 = arith.addf %get3A_47, %mul3A_1329 : vector<16xf32>
        %mul3A_1331 = vector.broadcast %squeeze3A_1268 : f32 to vector<16xf32>
        %mul3A_1332 = arith.mulf %mul3A_1331, %get3A_31 : vector<16xf32>
        %add3A_1333 = arith.addf %add3A_1330, %mul3A_1332 : vector<16xf32>
        %mul3A_1334 = vector.broadcast %squeeze3A_1270 : f32 to vector<16xf32>
        %mul3A_1335 = arith.mulf %mul3A_1334, %get3A_39 : vector<16xf32>
        %add3A_1336 = arith.addf %add3A_1333, %mul3A_1335 : vector<16xf32>
        %max3A_1337 = arith.constant 0.000000e+00 : f32
        %max3A_1338 = vector.broadcast %max3A_1337 : f32 to vector<16xf32>
        %max3A_1339 = arith.maximumf %add3A_1336, %max3A_1338 : vector<16xf32>
        %mul3A_1340 = arith.constant 16 : i32
        %mul3A_1341 = arith.muli %scan3A_102, %mul3A_1340 : i32
        %add3A_1342 = arith.constant 13 : i32
        %add3A_1343 = arith.addi %mul3A_1341, %add3A_1342 : i32
        %swap3A_1344 = arith.index_cast %add3A_1343 : i32 to index
        %swap3A_1345 = arith.constant 48 : index
        %swap3A_1346 = tpu.vector_load %arg10[%swap3A_1344, %swap3A_1345] {strides = array<i32>} : memref<128x80xf32, #tpu.memory_space<vmem>>, vector<16xf32>,
        tpu.vector_store %arg10[%swap3A_1344, %swap3A_1345], %max3A_1339 {strides = array<i32>} : memref<128x80xf32, #tpu.memory_space<vmem>>, vector<16xf32>,
        %slice3A_1347 = vector.extract_strided_slice %sub3A {offsets = [14], sizes = [1], strides = [1]} : vector<16xf32> to vector<1xf32>
        %squeeze3A_1348 = vector.extract %slice3A_1347[0] : f32 from vector<1xf32>
        %slice3A_1349 = vector.extract_strided_slice %sub3A_171 {offsets = [14], sizes = [1], strides = [1]} : vector<16xf32> to vector<1xf32>
        %squeeze3A_1350 = vector.extract %slice3A_1349[0] : f32 from vector<1xf32>
        %slice3A_1351 = vector.extract_strided_slice %sub3A_176 {offsets = [14], sizes = [1], strides = [1]} : vector<16xf32> to vector<1xf32>
        %squeeze3A_1352 = vector.extract %slice3A_1351[0] : f32 from vector<1xf32>
        %mul3A_1353 = vector.broadcast %squeeze3A_1348 : f32 to vector<16xf32>
        %mul3A_1354 = arith.mulf %mul3A_1353, %get3A_17 : vector<16xf32>
        %add3A_1355 = arith.addf %get3A_41, %mul3A_1354 : vector<16xf32>
        %mul3A_1356 = vector.broadcast %squeeze3A_1350 : f32 to vector<16xf32>
        %mul3A_1357 = arith.mulf %mul3A_1356, %get3A_25 : vector<16xf32>
        %add3A_1358 = arith.addf %add3A_1355, %mul3A_1357 : vector<16xf32>
        %mul3A_1359 = vector.broadcast %squeeze3A_1352 : f32 to vector<16xf32>
        %mul3A_1360 = arith.mulf %mul3A_1359, %get3A_33 : vector<16xf32>
        %add3A_1361 = arith.addf %add3A_1358, %mul3A_1360 : vector<16xf32>
        %max3A_1362 = arith.constant 0.000000e+00 : f32
        %max3A_1363 = vector.broadcast %max3A_1362 : f32 to vector<16xf32>
        %max3A_1364 = arith.maximumf %add3A_1361, %max3A_1363 : vector<16xf32>
        %mul3A_1365 = arith.constant 16 : i32
        %mul3A_1366 = arith.muli %scan3A_102, %mul3A_1365 : i32
        %add3A_1367 = arith.constant 14 : i32
        %add3A_1368 = arith.addi %mul3A_1366, %add3A_1367 : i32
        %swap3A_1369 = arith.index_cast %add3A_1368 : i32 to index
        %swap3A_1370 = arith.constant 0 : index
        %swap3A_1371 = tpu.vector_load %arg10[%swap3A_1369, %swap3A_1370] {strides = array<i32>} : memref<128x80xf32, #tpu.memory_space<vmem>>, vector<16xf32>,
        tpu.vector_store %arg10[%swap3A_1369, %swap3A_1370], %max3A_1364 {strides = array<i32>} : memref<128x80xf32, #tpu.memory_space<vmem>>, vector<16xf32>,
        %mul3A_1372 = vector.broadcast %squeeze3A_1348 : f32 to vector<16xf32>
        %mul3A_1373 = arith.mulf %mul3A_1372, %get3A_19 : vector<16xf32>
        %add3A_1374 = arith.addf %get3A_43, %mul3A_1373 : vector<16xf32>
        %mul3A_1375 = vector.broadcast %squeeze3A_1350 : f32 to vector<16xf32>
        %mul3A_1376 = arith.mulf %mul3A_1375, %get3A_27 : vector<16xf32>
        %add3A_1377 = arith.addf %add3A_1374, %mul3A_1376 : vector<16xf32>
        %mul3A_1378 = vector.broadcast %squeeze3A_1352 : f32 to vector<16xf32>
        %mul3A_1379 = arith.mulf %mul3A_1378, %get3A_35 : vector<16xf32>
        %add3A_1380 = arith.addf %add3A_1377, %mul3A_1379 : vector<16xf32>
        %max3A_1381 = arith.constant 0.000000e+00 : f32
        %max3A_1382 = vector.broadcast %max3A_1381 : f32 to vector<16xf32>
        %max3A_1383 = arith.maximumf %add3A_1380, %max3A_1382 : vector<16xf32>
        %mul3A_1384 = arith.constant 16 : i32
        %mul3A_1385 = arith.muli %scan3A_102, %mul3A_1384 : i32
        %add3A_1386 = arith.constant 14 : i32
        %add3A_1387 = arith.addi %mul3A_1385, %add3A_1386 : i32
        %swap3A_1388 = arith.index_cast %add3A_1387 : i32 to index
        %swap3A_1389 = arith.constant 16 : index
        %swap3A_1390 = tpu.vector_load %arg10[%swap3A_1388, %swap3A_1389] {strides = array<i32>} : memref<128x80xf32, #tpu.memory_space<vmem>>, vector<16xf32>,
        tpu.vector_store %arg10[%swap3A_1388, %swap3A_1389], %max3A_1383 {strides = array<i32>} : memref<128x80xf32, #tpu.memory_space<vmem>>, vector<16xf32>,
        %mul3A_1391 = vector.broadcast %squeeze3A_1348 : f32 to vector<16xf32>
        %mul3A_1392 = arith.mulf %mul3A_1391, %get3A_21 : vector<16xf32>
        %add3A_1393 = arith.addf %get3A_45, %mul3A_1392 : vector<16xf32>
        %mul3A_1394 = vector.broadcast %squeeze3A_1350 : f32 to vector<16xf32>
        %mul3A_1395 = arith.mulf %mul3A_1394, %get3A_29 : vector<16xf32>
        %add3A_1396 = arith.addf %add3A_1393, %mul3A_1395 : vector<16xf32>
        %mul3A_1397 = vector.broadcast %squeeze3A_1352 : f32 to vector<16xf32>
        %mul3A_1398 = arith.mulf %mul3A_1397, %get3A_37 : vector<16xf32>
        %add3A_1399 = arith.addf %add3A_1396, %mul3A_1398 : vector<16xf32>
        %max3A_1400 = arith.constant 0.000000e+00 : f32
        %max3A_1401 = vector.broadcast %max3A_1400 : f32 to vector<16xf32>
        %max3A_1402 = arith.maximumf %add3A_1399, %max3A_1401 : vector<16xf32>
        %mul3A_1403 = arith.constant 16 : i32
        %mul3A_1404 = arith.muli %scan3A_102, %mul3A_1403 : i32
        %add3A_1405 = arith.constant 14 : i32
        %add3A_1406 = arith.addi %mul3A_1404, %add3A_1405 : i32
        %swap3A_1407 = arith.index_cast %add3A_1406 : i32 to index
        %swap3A_1408 = arith.constant 32 : index
        %swap3A_1409 = tpu.vector_load %arg10[%swap3A_1407, %swap3A_1408] {strides = array<i32>} : memref<128x80xf32, #tpu.memory_space<vmem>>, vector<16xf32>,
        tpu.vector_store %arg10[%swap3A_1407, %swap3A_1408], %max3A_1402 {strides = array<i32>} : memref<128x80xf32, #tpu.memory_space<vmem>>, vector<16xf32>,
        %mul3A_1410 = vector.broadcast %squeeze3A_1348 : f32 to vector<16xf32>
        %mul3A_1411 = arith.mulf %mul3A_1410, %get3A_23 : vector<16xf32>
        %add3A_1412 = arith.addf %get3A_47, %mul3A_1411 : vector<16xf32>
        %mul3A_1413 = vector.broadcast %squeeze3A_1350 : f32 to vector<16xf32>
        %mul3A_1414 = arith.mulf %mul3A_1413, %get3A_31 : vector<16xf32>
        %add3A_1415 = arith.addf %add3A_1412, %mul3A_1414 : vector<16xf32>
        %mul3A_1416 = vector.broadcast %squeeze3A_1352 : f32 to vector<16xf32>
        %mul3A_1417 = arith.mulf %mul3A_1416, %get3A_39 : vector<16xf32>
        %add3A_1418 = arith.addf %add3A_1415, %mul3A_1417 : vector<16xf32>
        %max3A_1419 = arith.constant 0.000000e+00 : f32
        %max3A_1420 = vector.broadcast %max3A_1419 : f32 to vector<16xf32>
        %max3A_1421 = arith.maximumf %add3A_1418, %max3A_1420 : vector<16xf32>
        %mul3A_1422 = arith.constant 16 : i32
        %mul3A_1423 = arith.muli %scan3A_102, %mul3A_1422 : i32
        %add3A_1424 = arith.constant 14 : i32
        %add3A_1425 = arith.addi %mul3A_1423, %add3A_1424 : i32
        %swap3A_1426 = arith.index_cast %add3A_1425 : i32 to index
        %swap3A_1427 = arith.constant 48 : index
        %swap3A_1428 = tpu.vector_load %arg10[%swap3A_1426, %swap3A_1427] {strides = array<i32>} : memref<128x80xf32, #tpu.memory_space<vmem>>, vector<16xf32>,
        tpu.vector_store %arg10[%swap3A_1426, %swap3A_1427], %max3A_1421 {strides = array<i32>} : memref<128x80xf32, #tpu.memory_space<vmem>>, vector<16xf32>,
        %slice3A_1429 = vector.extract_strided_slice %sub3A {offsets = [15], sizes = [1], strides = [1]} : vector<16xf32> to vector<1xf32>
        %squeeze3A_1430 = vector.extract %slice3A_1429[0] : f32 from vector<1xf32>
        %slice3A_1431 = vector.extract_strided_slice %sub3A_171 {offsets = [15], sizes = [1], strides = [1]} : vector<16xf32> to vector<1xf32>
        %squeeze3A_1432 = vector.extract %slice3A_1431[0] : f32 from vector<1xf32>
        %slice3A_1433 = vector.extract_strided_slice %sub3A_176 {offsets = [15], sizes = [1], strides = [1]} : vector<16xf32> to vector<1xf32>
        %squeeze3A_1434 = vector.extract %slice3A_1433[0] : f32 from vector<1xf32>
        %mul3A_1435 = vector.broadcast %squeeze3A_1430 : f32 to vector<16xf32>
        %mul3A_1436 = arith.mulf %mul3A_1435, %get3A_17 : vector<16xf32>
        %add3A_1437 = arith.addf %get3A_41, %mul3A_1436 : vector<16xf32>
        %mul3A_1438 = vector.broadcast %squeeze3A_1432 : f32 to vector<16xf32>
        %mul3A_1439 = arith.mulf %mul3A_1438, %get3A_25 : vector<16xf32>
        %add3A_1440 = arith.addf %add3A_1437, %mul3A_1439 : vector<16xf32>
        %mul3A_1441 = vector.broadcast %squeeze3A_1434 : f32 to vector<16xf32>
        %mul3A_1442 = arith.mulf %mul3A_1441, %get3A_33 : vector<16xf32>
        %add3A_1443 = arith.addf %add3A_1440, %mul3A_1442 : vector<16xf32>
        %max3A_1444 = arith.constant 0.000000e+00 : f32
        %max3A_1445 = vector.broadcast %max3A_1444 : f32 to vector<16xf32>
        %max3A_1446 = arith.maximumf %add3A_1443, %max3A_1445 : vector<16xf32>
        %mul3A_1447 = arith.constant 16 : i32
        %mul3A_1448 = arith.muli %scan3A_102, %mul3A_1447 : i32
        %add3A_1449 = arith.constant 15 : i32
        %add3A_1450 = arith.addi %mul3A_1448, %add3A_1449 : i32
        %swap3A_1451 = arith.index_cast %add3A_1450 : i32 to index
        %swap3A_1452 = arith.constant 0 : index
        %swap3A_1453 = tpu.vector_load %arg10[%swap3A_1451, %swap3A_1452] {strides = array<i32>} : memref<128x80xf32, #tpu.memory_space<vmem>>, vector<16xf32>,
        tpu.vector_store %arg10[%swap3A_1451, %swap3A_1452], %max3A_1446 {strides = array<i32>} : memref<128x80xf32, #tpu.memory_space<vmem>>, vector<16xf32>,
        %mul3A_1454 = vector.broadcast %squeeze3A_1430 : f32 to vector<16xf32>
        %mul3A_1455 = arith.mulf %mul3A_1454, %get3A_19 : vector<16xf32>
        %add3A_1456 = arith.addf %get3A_43, %mul3A_1455 : vector<16xf32>
        %mul3A_1457 = vector.broadcast %squeeze3A_1432 : f32 to vector<16xf32>
        %mul3A_1458 = arith.mulf %mul3A_1457, %get3A_27 : vector<16xf32>
        %add3A_1459 = arith.addf %add3A_1456, %mul3A_1458 : vector<16xf32>
        %mul3A_1460 = vector.broadcast %squeeze3A_1434 : f32 to vector<16xf32>
        %mul3A_1461 = arith.mulf %mul3A_1460, %get3A_35 : vector<16xf32>
        %add3A_1462 = arith.addf %add3A_1459, %mul3A_1461 : vector<16xf32>
        %max3A_1463 = arith.constant 0.000000e+00 : f32
        %max3A_1464 = vector.broadcast %max3A_1463 : f32 to vector<16xf32>
        %max3A_1465 = arith.maximumf %add3A_1462, %max3A_1464 : vector<16xf32>
        %mul3A_1466 = arith.constant 16 : i32
        %mul3A_1467 = arith.muli %scan3A_102, %mul3A_1466 : i32
        %add3A_1468 = arith.constant 15 : i32
        %add3A_1469 = arith.addi %mul3A_1467, %add3A_1468 : i32
        %swap3A_1470 = arith.index_cast %add3A_1469 : i32 to index
        %swap3A_1471 = arith.constant 16 : index
        %swap3A_1472 = tpu.vector_load %arg10[%swap3A_1470, %swap3A_1471] {strides = array<i32>} : memref<128x80xf32, #tpu.memory_space<vmem>>, vector<16xf32>,
        tpu.vector_store %arg10[%swap3A_1470, %swap3A_1471], %max3A_1465 {strides = array<i32>} : memref<128x80xf32, #tpu.memory_space<vmem>>, vector<16xf32>,
        %mul3A_1473 = vector.broadcast %squeeze3A_1430 : f32 to vector<16xf32>
        %mul3A_1474 = arith.mulf %mul3A_1473, %get3A_21 : vector<16xf32>
        %add3A_1475 = arith.addf %get3A_45, %mul3A_1474 : vector<16xf32>
        %mul3A_1476 = vector.broadcast %squeeze3A_1432 : f32 to vector<16xf32>
        %mul3A_1477 = arith.mulf %mul3A_1476, %get3A_29 : vector<16xf32>
        %add3A_1478 = arith.addf %add3A_1475, %mul3A_1477 : vector<16xf32>
        %mul3A_1479 = vector.broadcast %squeeze3A_1434 : f32 to vector<16xf32>
        %mul3A_1480 = arith.mulf %mul3A_1479, %get3A_37 : vector<16xf32>
        %add3A_1481 = arith.addf %add3A_1478, %mul3A_1480 : vector<16xf32>
        %max3A_1482 = arith.constant 0.000000e+00 : f32
        %max3A_1483 = vector.broadcast %max3A_1482 : f32 to vector<16xf32>
        %max3A_1484 = arith.maximumf %add3A_1481, %max3A_1483 : vector<16xf32>
        %mul3A_1485 = arith.constant 16 : i32
        %mul3A_1486 = arith.muli %scan3A_102, %mul3A_1485 : i32
        %add3A_1487 = arith.constant 15 : i32
        %add3A_1488 = arith.addi %mul3A_1486, %add3A_1487 : i32
        %swap3A_1489 = arith.index_cast %add3A_1488 : i32 to index
        %swap3A_1490 = arith.constant 32 : index
        %swap3A_1491 = tpu.vector_load %arg10[%swap3A_1489, %swap3A_1490] {strides = array<i32>} : memref<128x80xf32, #tpu.memory_space<vmem>>, vector<16xf32>,
        tpu.vector_store %arg10[%swap3A_1489, %swap3A_1490], %max3A_1484 {strides = array<i32>} : memref<128x80xf32, #tpu.memory_space<vmem>>, vector<16xf32>,
        %mul3A_1492 = vector.broadcast %squeeze3A_1430 : f32 to vector<16xf32>
        %mul3A_1493 = arith.mulf %mul3A_1492, %get3A_23 : vector<16xf32>
        %add3A_1494 = arith.addf %get3A_47, %mul3A_1493 : vector<16xf32>
        %mul3A_1495 = vector.broadcast %squeeze3A_1432 : f32 to vector<16xf32>
        %mul3A_1496 = arith.mulf %mul3A_1495, %get3A_31 : vector<16xf32>
        %add3A_1497 = arith.addf %add3A_1494, %mul3A_1496 : vector<16xf32>
        %mul3A_1498 = vector.broadcast %squeeze3A_1434 : f32 to vector<16xf32>
        %mul3A_1499 = arith.mulf %mul3A_1498, %get3A_39 : vector<16xf32>
        %add3A_1500 = arith.addf %add3A_1497, %mul3A_1499 : vector<16xf32>
        %max3A_1501 = arith.constant 0.000000e+00 : f32
        %max3A_1502 = vector.broadcast %max3A_1501 : f32 to vector<16xf32>
        %max3A_1503 = arith.maximumf %add3A_1500, %max3A_1502 : vector<16xf32>
        %mul3A_1504 = arith.constant 16 : i32
        %mul3A_1505 = arith.muli %scan3A_102, %mul3A_1504 : i32
        %add3A_1506 = arith.constant 15 : i32
        %add3A_1507 = arith.addi %mul3A_1505, %add3A_1506 : i32
        %swap3A_1508 = arith.index_cast %add3A_1507 : i32 to index
        %swap3A_1509 = arith.constant 48 : index
        %swap3A_1510 = tpu.vector_load %arg10[%swap3A_1508, %swap3A_1509] {strides = array<i32>} : memref<128x80xf32, #tpu.memory_space<vmem>>, vector<16xf32>,
        tpu.vector_store %arg10[%swap3A_1508, %swap3A_1509], %max3A_1503 {strides = array<i32>} : memref<128x80xf32, #tpu.memory_space<vmem>>, vector<16xf32>,
      }
      %scan3A_98 = arith.constant 8 : i32
      %dma_start3A_99 = arith.constant 0 : i32
      %dma_start3A_100 = arith.constant 0 : i32
      %dma_start3A_101 = tpu.memref_slice %arg19[%dma_start3A_99, %dma_start3A_100] : memref<4096x80xf32, #tpu.memory_space<vmem_shared>> -> memref<4096x80xf32, #tpu.memory_space<vmem_shared>>
      tpu.enqueue_indirect_dma source(%arg10 : memref<128x80xf32, #tpu.memory_space<vmem>>) target(%dma_start3A_101 : memref<4096x80xf32, #tpu.memory_space<vmem_shared>>) offsets(%arg12 : memref<128xi32, #tpu.memory_space<vmem>>) semaphore(%arg22 : memref<!tpu.dma_semaphore, #tpu.memory_space<semaphore_mem>>) {add = true}
    }
    %scan3A_62 = arith.constant 49 : i32
    %dma_wait3A = arith.constant 0 : i32
    %dma_wait3A_63 = arith.constant 0 : i32
    %dma_wait3A_64 = tpu.memref_slice %arg19[%dma_wait3A, %dma_wait3A_63] : memref<4096x80xf32, #tpu.memory_space<vmem_shared>> -> memref<4096x80xf32, #tpu.memory_space<vmem_shared>>
    tpu.wait_indirect_dma semaphore(%arg21 : memref<!tpu.dma_semaphore, #tpu.memory_space<semaphore_mem>>) src(%arg9 : memref<128x80xf32, #tpu.memory_space<vmem>>) dst(%dma_wait3A_64 : memref<4096x80xf32, #tpu.memory_space<vmem_shared>>)
    %dma_wait3A_65 = arith.constant 0 : i32
    %dma_wait3A_66 = arith.constant 0 : i32
    %dma_wait3A_67 = tpu.memref_slice %arg19[%dma_wait3A_65, %dma_wait3A_66] : memref<4096x80xf32, #tpu.memory_space<vmem_shared>> -> memref<4096x80xf32, #tpu.memory_space<vmem_shared>>
    tpu.wait_indirect_dma semaphore(%arg22 : memref<!tpu.dma_semaphore, #tpu.memory_space<semaphore_mem>>) src(%arg10 : memref<128x80xf32, #tpu.memory_space<vmem>>) dst(%dma_wait3A_67 : memref<4096x80xf32, #tpu.memory_space<vmem_shared>>)
    %barrier3A_68 = arith.constant 0 : index
    tpu.barrier barrier_id(%barrier3A_68)
    "tpu.region"() ({
      %run_scoped3A_69 = tpu.sem_alloc : memref<!tpu.dma_semaphore, #tpu.memory_space<semaphore_mem>>
      %dma_start3A = arith.constant 0 : i32
      %dma_start3A_70 = tpu.memref_slice %arg7[%arg0, %mul3A_2, %dma_start3A] : memref<2x4096x80xf32, #tpu.memory_space<hbm>> -> memref<1x256x80xf32, #tpu.memory_space<hbm>>
      %dma_start3A_71 = tpu.memref_squeeze %dma_start3A_70 : memref<1x256x80xf32, #tpu.memory_space<hbm>> -> memref<256x80xf32, #tpu.memory_space<hbm>>
      %dma_start3A_72 = arith.constant 0 : i32
      %dma_start3A_73 = tpu.memref_slice %arg19[%mul3A_2, %dma_start3A_72] : memref<4096x80xf32, #tpu.memory_space<vmem_shared>> -> memref<256x80xf32, #tpu.memory_space<vmem_shared>>
      tpu.enqueue_dma source(%dma_start3A_73 : memref<256x80xf32, #tpu.memory_space<vmem_shared>>) target(%dma_start3A_71 : memref<256x80xf32, #tpu.memory_space<hbm>>) target_semaphore(%run_scoped3A_69 : memref<!tpu.dma_semaphore, #tpu.memory_space<semaphore_mem>>)
      %dma_wait3A_74 = arith.constant 0 : i32
      %dma_wait3A_75 = tpu.memref_slice %arg7[%arg0, %mul3A_2, %dma_wait3A_74] : memref<2x4096x80xf32, #tpu.memory_space<hbm>> -> memref<1x256x80xf32, #tpu.memory_space<hbm>>
      %dma_wait3A_76 = tpu.memref_squeeze %dma_wait3A_75 : memref<1x256x80xf32, #tpu.memory_space<hbm>> -> memref<256x80xf32, #tpu.memory_space<hbm>>
      %dma_wait3A_77 = arith.constant 0 : i32
      %dma_wait3A_78 = tpu.memref_slice %arg19[%mul3A_2, %dma_wait3A_77] : memref<4096x80xf32, #tpu.memory_space<vmem_shared>> -> memref<256x80xf32, #tpu.memory_space<vmem_shared>>
      tpu.wait_dma2 semaphore(%run_scoped3A_69 : memref<!tpu.dma_semaphore, #tpu.memory_space<semaphore_mem>>) src(%dma_wait3A_78 : memref<256x80xf32, #tpu.memory_space<vmem_shared>>) dst(%dma_wait3A_76 : memref<256x80xf32, #tpu.memory_space<hbm>>)
      tpu.yield
    }) : () -> ()
    return
  }
}

module attributes {stable_mosaic.version = 14 : i64} {
  func.func @_attn_body(%arg0: i32, %arg1: i32, %arg2: memref<4096x16xf32, #tpu.memory_space<vmem>>, %arg3: memref<4096x16xf32, #tpu.memory_space<vmem>>, %arg4: memref<4096x64xf32, #tpu.memory_space<vmem>>, %arg5: memref<4096x64xf32, #tpu.memory_space<vmem>>, %arg6: memref<4096x16xf32, #tpu.memory_space<vmem>>, %arg7: memref<4096x16xf32, #tpu.memory_space<vmem>>, %arg8: memref<64x64xf32, #tpu.memory_space<vmem>>, %arg9: memref<1x64xf32, #tpu.memory_space<vmem>>, %arg10: memref<16x64xf32, #tpu.memory_space<vmem>>, %arg11: memref<1x64x16xf32, #tpu.memory_space<vmem>>, %arg12: memref<1x1x16xf32, #tpu.memory_space<vmem>>, %arg13: memref<1x64x16xf32, #tpu.memory_space<vmem>>, %arg14: memref<1x1x16xf32, #tpu.memory_space<vmem>>, %arg15: memref<1x64x16xf32, #tpu.memory_space<vmem>>, %arg16: memref<1x1x16xf32, #tpu.memory_space<vmem>>, %arg17: memref<1x16x64xf32, #tpu.memory_space<vmem>>, %arg18: memref<1x64xf32, #tpu.memory_space<vmem>>, %arg19: memref<1x1000x64xf32, #tpu.memory_space<vmem>>, %arg20: memref<1x1x1000x1000xf32, #tpu.memory_space<vmem>>, %arg21: memref<4096x64xf32, #tpu.memory_space<vmem>>, %arg22: memref<4096x64xf32, #tpu.memory_space<vmem>>) attributes {dimension_semantics = [#tpu.dimension_semantics<arbitrary>, #tpu.dimension_semantics<arbitrary>], iteration_bounds = array<i64: 4, 4>, scalar_prefetch = 0 : i64, scratch_operands = 2 : i64, tpu.core_type = #tpu.core_type<tc>, window_params = [{pipeline_mode = #tpu.pipeline_mode<synchronous>, transform_indices = @transform_0, window_bounds = array<i64: 4096, 16>}, {pipeline_mode = #tpu.pipeline_mode<synchronous>, transform_indices = @transform_1, window_bounds = array<i64: 4096, 16>}, {pipeline_mode = #tpu.pipeline_mode<synchronous>, transform_indices = @transform_2, window_bounds = array<i64: 4096, 64>}, {pipeline_mode = #tpu.pipeline_mode<synchronous>, transform_indices = @transform_3, window_bounds = array<i64: 4096, 64>}, {pipeline_mode = #tpu.pipeline_mode<synchronous>, transform_indices = @transform_4, window_bounds = array<i64: 4096, 16>}, {pipeline_mode = #tpu.pipeline_mode<synchronous>, transform_indices = @transform_5, window_bounds = array<i64: 4096, 16>}, {pipeline_mode = #tpu.pipeline_mode<synchronous>, transform_indices = @transform_6, window_bounds = array<i64: 64, 64>}, {pipeline_mode = #tpu.pipeline_mode<synchronous>, transform_indices = @transform_7, window_bounds = array<i64: 1, 64>}, {pipeline_mode = #tpu.pipeline_mode<synchronous>, transform_indices = @transform_8, window_bounds = array<i64: 16, 64>}, {transform_indices = @transform_9, window_bounds = array<i64: 1, 64, 16>}, {transform_indices = @transform_10, window_bounds = array<i64: 1, 1, 16>}, {transform_indices = @transform_11, window_bounds = array<i64: 1, 64, 16>}, {transform_indices = @transform_12, window_bounds = array<i64: 1, 1, 16>}, {transform_indices = @transform_13, window_bounds = array<i64: 1, 64, 16>}, {transform_indices = @transform_14, window_bounds = array<i64: 1, 1, 16>}, {transform_indices = @transform_15, window_bounds = array<i64: 1, 16, 64>}, {pipeline_mode = #tpu.pipeline_mode<synchronous>, transform_indices = @transform_16, window_bounds = array<i64: 1, 64>}, {transform_indices = @transform_17, window_bounds = array<i64: 1, 1000, 64>}, {transform_indices = @transform_18, window_bounds = array<i64: 1, 1, 1000, 1000>}]} {
    %eq3A = arith.constant 0 : i32
    %eq3A_0 = arith.cmpi eq, %arg0, %eq3A : i32
    %eq3A_1 = arith.constant 0 : i32
    %eq3A_2 = arith.cmpi eq, %arg1, %eq3A_1 : i32
    %and3A = arith.andi %eq3A_0, %eq3A_2 : i1
    %convert_element_type3A = arith.extui %and3A : i1 to i32
    %cond3A = arith.constant 0 : i32
    %cond3A_3 = arith.cmpi ne, %convert_element_type3A, %cond3A : i32
    scf.if %cond3A_3 {
      %get3A_81 = arith.constant 0 : index
      %get3A_82 = arith.constant 0 : index
      %get3A_83 = vector.load %arg2[%get3A_81, %get3A_82] : memref<4096x16xf32, #tpu.memory_space<vmem>>, vector<4096x1xf32>
      %get3A_84 = arith.constant 0 : index
      %get3A_85 = arith.constant 0 : index
      %get3A_86 = vector.load %arg3[%get3A_84, %get3A_85] : memref<4096x16xf32, #tpu.memory_space<vmem>>, vector<4096x1xf32>
      %add3A_87 = arith.addf %get3A_83, %get3A_86 : vector<4096x1xf32>
      %max3A = arith.constant 1.000000e+00 : f32
      %max3A_88 = vector.broadcast %max3A : f32 to vector<4096x1xf32>
      %max3A_89 = arith.maximumf %add3A_87, %max3A_88 : vector<4096x1xf32>
      %div3A_90 = arith.divf %add3A_87, %max3A_89 : vector<4096x1xf32>
      %get3A_91 = arith.constant 0 : index
      %get3A_92 = arith.constant 0 : index
      %get3A_93 = vector.load %arg4[%get3A_91, %get3A_92] : memref<4096x64xf32, #tpu.memory_space<vmem>>, vector<4096x64xf32>
      %get3A_94 = arith.constant 0 : index
      %get3A_95 = arith.constant 0 : index
      %get3A_96 = vector.load %arg5[%get3A_94, %get3A_95] : memref<4096x64xf32, #tpu.memory_space<vmem>>, vector<4096x64xf32>
      %add3A_97 = arith.addf %get3A_93, %get3A_96 : vector<4096x64xf32>
      %div3A_98 = vector.broadcast %max3A_89 : vector<4096x1xf32> to vector<4096x64xf32>
      %div3A_99 = arith.divf %add3A_97, %div3A_98 : vector<4096x64xf32>
      %get3A_100 = arith.constant 0 : index
      %get3A_101 = arith.constant 0 : index
      %get3A_102 = vector.load %arg6[%get3A_100, %get3A_101] : memref<4096x16xf32, #tpu.memory_space<vmem>>, vector<4096x16xf32>
      %get3A_103 = arith.constant 0 : index
      %get3A_104 = arith.constant 0 : index
      %get3A_105 = vector.load %arg7[%get3A_103, %get3A_104] : memref<4096x16xf32, #tpu.memory_space<vmem>>, vector<4096x16xf32>
      %add3A_106 = arith.addf %get3A_102, %get3A_105 : vector<4096x16xf32>
      %div3A_107 = vector.broadcast %max3A_89 : vector<4096x1xf32> to vector<4096x16xf32>
      %div3A_108 = arith.divf %add3A_106, %div3A_107 : vector<4096x16xf32>
      %get3A_109 = arith.constant 0 : index
      %get3A_110 = arith.constant 0 : index
      %get3A_111 = vector.load %arg8[%get3A_109, %get3A_110] : memref<64x64xf32, #tpu.memory_space<vmem>>, vector<64x64xf32>
      %dot_general3A_112 = arith.constant dense<0.000000e+00> : vector<4096x64xf32>
      %dot_general3A_113 = tpu.matmul %div3A_99, %get3A_111, %dot_general3A_112 {dimension_numbers = #tpu.dot_dimension_numbers<[1], [0], [0], [1], [0, 0, 1, 1], [], []>, transpose_lhs_hint = false} : vector<4096x64xf32>, vector<64x64xf32>, vector<4096x64xf32> -> vector<4096x64xf32>
      %get3A_114 = arith.constant 0 : index
      %get3A_115 = arith.constant 0 : index
      %get3A_116 = vector.load %arg9[%get3A_114, %get3A_115] : memref<1x64xf32, #tpu.memory_space<vmem>>, vector<1x64xf32>
      %mul3A_117 = vector.broadcast %div3A_90 : vector<4096x1xf32> to vector<4096x64xf32>
      %mul3A_118 = vector.broadcast %get3A_116 : vector<1x64xf32> to vector<4096x64xf32>
      %mul3A_119 = arith.mulf %mul3A_117, %mul3A_118 : vector<4096x64xf32>
      %add3A_120 = arith.addf %dot_general3A_113, %mul3A_119 : vector<4096x64xf32>
      %swap3A_121 = arith.constant 0 : index
      %swap3A_122 = arith.constant 0 : index
      %swap3A_123 = vector.load %arg22[%swap3A_121, %swap3A_122] : memref<4096x64xf32, #tpu.memory_space<vmem>>, vector<4096x64xf32>
      tpu.vector_store %arg22[%swap3A_121, %swap3A_122], %add3A_120 {strides = array<i32>} : memref<4096x64xf32, #tpu.memory_space<vmem>>, vector<4096x64xf32>,
      %get3A_124 = arith.constant 0 : index
      %get3A_125 = arith.constant 0 : index
      %get3A_126 = vector.load %arg10[%get3A_124, %get3A_125] : memref<16x64xf32, #tpu.memory_space<vmem>>, vector<16x64xf32>
      %dot_general3A_127 = arith.constant dense<0.000000e+00> : vector<4096x64xf32>
      %dot_general3A_128 = tpu.matmul %div3A_108, %get3A_126, %dot_general3A_127 {dimension_numbers = #tpu.dot_dimension_numbers<[1], [0], [0], [1], [0, 0, 1, 1], [], []>, transpose_lhs_hint = false} : vector<4096x16xf32>, vector<16x64xf32>, vector<4096x64xf32> -> vector<4096x64xf32>
      %add3A_129 = arith.addf %add3A_120, %dot_general3A_128 : vector<4096x64xf32>
      %swap3A_130 = arith.constant 0 : index
      %swap3A_131 = arith.constant 0 : index
      %swap3A_132 = vector.load %arg21[%swap3A_130, %swap3A_131] : memref<4096x64xf32, #tpu.memory_space<vmem>>, vector<4096x64xf32>
      tpu.vector_store %arg21[%swap3A_130, %swap3A_131], %add3A_129 {strides = array<i32>} : memref<4096x64xf32, #tpu.memory_space<vmem>>, vector<4096x64xf32>,
    } else {
    }
    %mul3A = arith.constant 1000 : i32
    %mul3A_4 = arith.muli %arg0, %mul3A : i32
    %get3A = arith.index_cast %mul3A_4 : i32 to index
    %get3A_5 = arith.constant 0 : index
    %get3A_6 = vector.load %arg21[%get3A, %get3A_5] : memref<4096x64xf32, #tpu.memory_space<vmem>>, vector<1000x64xf32>
    %get3A_7 = arith.constant 0 : index
    %get3A_8 = arith.constant 0 : index
    %get3A_9 = arith.constant 0 : index
    %get3A_10 = vector.load %arg11[%get3A_7, %get3A_8, %get3A_9] : memref<1x64x16xf32, #tpu.memory_space<vmem>>, vector<1x64x16xf32>
    %get3A_11 = vector.shape_cast %get3A_10 : vector<1x64x16xf32> to vector<64x16xf32>
    %dot_general3A = arith.constant dense<0.000000e+00> : vector<1000x16xf32>
    %dot_general3A_12 = tpu.matmul %get3A_6, %get3A_11, %dot_general3A {dimension_numbers = #tpu.dot_dimension_numbers<[1], [0], [0], [1], [0, 0, 1, 1], [], []>, transpose_lhs_hint = false} : vector<1000x64xf32>, vector<64x16xf32>, vector<1000x16xf32> -> vector<1000x16xf32>
    %get3A_13 = arith.constant 0 : index
    %get3A_14 = arith.constant 0 : index
    %get3A_15 = arith.constant 0 : index
    %get3A_16 = vector.load %arg12[%get3A_13, %get3A_14, %get3A_15] : memref<1x1x16xf32, #tpu.memory_space<vmem>>, vector<1x1x16xf32>
    %get3A_17 = vector.shape_cast %get3A_16 : vector<1x1x16xf32> to vector<1x16xf32>
    %add3A = vector.broadcast %get3A_17 : vector<1x16xf32> to vector<1000x16xf32>
    %add3A_18 = arith.addf %dot_general3A_12, %add3A : vector<1000x16xf32>
    %get3A_19 = arith.constant 0 : index
    %get3A_20 = arith.constant 0 : index
    %get3A_21 = arith.constant 0 : index
    %get3A_22 = vector.load %arg13[%get3A_19, %get3A_20, %get3A_21] : memref<1x64x16xf32, #tpu.memory_space<vmem>>, vector<1x64x16xf32>
    %get3A_23 = vector.shape_cast %get3A_22 : vector<1x64x16xf32> to vector<64x16xf32>
    %dot_general3A_24 = arith.constant dense<0.000000e+00> : vector<1000x16xf32>
    %dot_general3A_25 = tpu.matmul %get3A_6, %get3A_23, %dot_general3A_24 {dimension_numbers = #tpu.dot_dimension_numbers<[1], [0], [0], [1], [0, 0, 1, 1], [], []>, transpose_lhs_hint = false} : vector<1000x64xf32>, vector<64x16xf32>, vector<1000x16xf32> -> vector<1000x16xf32>
    %get3A_26 = arith.constant 0 : index
    %get3A_27 = arith.constant 0 : index
    %get3A_28 = arith.constant 0 : index
    %get3A_29 = vector.load %arg14[%get3A_26, %get3A_27, %get3A_28] : memref<1x1x16xf32, #tpu.memory_space<vmem>>, vector<1x1x16xf32>
    %get3A_30 = vector.shape_cast %get3A_29 : vector<1x1x16xf32> to vector<1x16xf32>
    %add3A_31 = vector.broadcast %get3A_30 : vector<1x16xf32> to vector<1000x16xf32>
    %add3A_32 = arith.addf %dot_general3A_25, %add3A_31 : vector<1000x16xf32>
    %get3A_33 = arith.constant 0 : index
    %get3A_34 = arith.constant 0 : index
    %get3A_35 = arith.constant 0 : index
    %get3A_36 = vector.load %arg15[%get3A_33, %get3A_34, %get3A_35] : memref<1x64x16xf32, #tpu.memory_space<vmem>>, vector<1x64x16xf32>
    %get3A_37 = vector.shape_cast %get3A_36 : vector<1x64x16xf32> to vector<64x16xf32>
    %dot_general3A_38 = arith.constant dense<0.000000e+00> : vector<1000x16xf32>
    %dot_general3A_39 = tpu.matmul %get3A_6, %get3A_37, %dot_general3A_38 {dimension_numbers = #tpu.dot_dimension_numbers<[1], [0], [0], [1], [0, 0, 1, 1], [], []>, transpose_lhs_hint = false} : vector<1000x64xf32>, vector<64x16xf32>, vector<1000x16xf32> -> vector<1000x16xf32>
    %get3A_40 = arith.constant 0 : index
    %get3A_41 = arith.constant 0 : index
    %get3A_42 = arith.constant 0 : index
    %get3A_43 = vector.load %arg16[%get3A_40, %get3A_41, %get3A_42] : memref<1x1x16xf32, #tpu.memory_space<vmem>>, vector<1x1x16xf32>
    %get3A_44 = vector.shape_cast %get3A_43 : vector<1x1x16xf32> to vector<1x16xf32>
    %add3A_45 = vector.broadcast %get3A_44 : vector<1x16xf32> to vector<1000x16xf32>
    %add3A_46 = arith.addf %dot_general3A_39, %add3A_45 : vector<1000x16xf32>
    %dot_general3A_47 = arith.constant dense<0.000000e+00> : vector<1000x1000xf32>
    %dot_general3A_48 = tpu.matmul %add3A_18, %add3A_32, %dot_general3A_47 {dimension_numbers = #tpu.dot_dimension_numbers<[1], [1], [0], [0], [0, 0, 1, 0], [], []>, transpose_lhs_hint = false} : vector<1000x16xf32>, vector<1000x16xf32>, vector<1000x1000xf32> -> vector<1000x1000xf32>
    %mul3A_49 = arith.constant 2.500000e-01 : f32
    %mul3A_50 = vector.broadcast %mul3A_49 : f32 to vector<1000x1000xf32>
    %mul3A_51 = arith.mulf %dot_general3A_48, %mul3A_50 : vector<1000x1000xf32>
    %reduce_max3A = arith.constant dense<0xFF800000> : vector<1000xf32>
    %reduce_max3A_52 = vector.multi_reduction <maximumf>, %mul3A_51, %reduce_max3A [1] : vector<1000x1000xf32> to vector<1000xf32>
    %broadcast_in_dim3A = vector.shape_cast %reduce_max3A_52 : vector<1000xf32> to vector<1000x1xf32>
    %sub3A = vector.broadcast %broadcast_in_dim3A : vector<1000x1xf32> to vector<1000x1000xf32>
    %sub3A_53 = arith.subf %mul3A_51, %sub3A : vector<1000x1000xf32>
    %exp3A = math.exp %sub3A_53 : vector<1000x1000xf32>
    %reduce_sum3A = arith.constant dense<0.000000e+00> : vector<1000xf32>
    %reduce_sum3A_54 = vector.multi_reduction <add>, %exp3A, %reduce_sum3A [1] : vector<1000x1000xf32> to vector<1000xf32>
    %broadcast_in_dim3A_55 = vector.shape_cast %reduce_sum3A_54 : vector<1000xf32> to vector<1000x1xf32>
    %div3A = vector.broadcast %broadcast_in_dim3A_55 : vector<1000x1xf32> to vector<1000x1000xf32>
    %div3A_56 = arith.divf %exp3A, %div3A : vector<1000x1000xf32>
    %swap3A = arith.constant 0 : index
    %swap3A_57 = arith.constant 0 : index
    %swap3A_58 = arith.constant 0 : index
    %swap3A_59 = arith.constant 0 : index
    %swap3A_60 = vector.load %arg20[%swap3A, %swap3A_57, %swap3A_58, %swap3A_59] : memref<1x1x1000x1000xf32, #tpu.memory_space<vmem>>, vector<1x1x1000x1000xf32>
    %swap3A_61 = vector.shape_cast %swap3A_60 : vector<1x1x1000x1000xf32> to vector<1000x1000xf32>
    %swap3A_62 = vector.shape_cast %div3A_56 : vector<1000x1000xf32> to vector<1x1x1000x1000xf32>
    tpu.vector_store %arg20[%swap3A, %swap3A_57, %swap3A_58, %swap3A_59], %swap3A_62 {strides = array<i32>} : memref<1x1x1000x1000xf32, #tpu.memory_space<vmem>>, vector<1x1x1000x1000xf32>,
    %dot_general3A_63 = arith.constant dense<0.000000e+00> : vector<1000x16xf32>
    %dot_general3A_64 = tpu.matmul %div3A_56, %add3A_46, %dot_general3A_63 {dimension_numbers = #tpu.dot_dimension_numbers<[1], [0], [0], [1], [0, 0, 1, 1], [], []>, transpose_lhs_hint = false} : vector<1000x1000xf32>, vector<1000x16xf32>, vector<1000x16xf32> -> vector<1000x16xf32>
    %get3A_65 = arith.constant 0 : index
    %get3A_66 = arith.constant 0 : index
    %get3A_67 = arith.constant 0 : index
    %get3A_68 = vector.load %arg17[%get3A_65, %get3A_66, %get3A_67] : memref<1x16x64xf32, #tpu.memory_space<vmem>>, vector<1x16x64xf32>
    %get3A_69 = vector.shape_cast %get3A_68 : vector<1x16x64xf32> to vector<16x64xf32>
    %dot_general3A_70 = arith.constant dense<0.000000e+00> : vector<1000x64xf32>
    %dot_general3A_71 = tpu.matmul %dot_general3A_64, %get3A_69, %dot_general3A_70 {dimension_numbers = #tpu.dot_dimension_numbers<[1], [0], [0], [1], [0, 0, 1, 1], [], []>, transpose_lhs_hint = false} : vector<1000x16xf32>, vector<16x64xf32>, vector<1000x64xf32> -> vector<1000x64xf32>
    %eq3A_72 = arith.constant 0 : i32
    %eq3A_73 = arith.cmpi eq, %arg1, %eq3A_72 : i32
    %convert_element_type3A_74 = arith.extui %eq3A_73 : i1 to i32
    %cond3A_75 = arith.constant 0 : i32
    %cond3A_76 = arith.cmpi ne, %convert_element_type3A_74, %cond3A_75 : i32
    scf.if %cond3A_76 {
      %mul3A_81 = arith.constant 1000 : i32
      %mul3A_82 = arith.muli %arg0, %mul3A_81 : i32
      %get3A_83 = arith.index_cast %mul3A_82 : i32 to index
      %get3A_84 = arith.constant 0 : index
      %get3A_85 = vector.load %arg22[%get3A_83, %get3A_84] : memref<4096x64xf32, #tpu.memory_space<vmem>>, vector<1000x64xf32>
      %get3A_86 = arith.constant 0 : index
      %get3A_87 = arith.constant 0 : index
      %get3A_88 = vector.load %arg18[%get3A_86, %get3A_87] : memref<1x64xf32, #tpu.memory_space<vmem>>, vector<1x64xf32>
      %add3A_89 = vector.broadcast %get3A_88 : vector<1x64xf32> to vector<1000x64xf32>
      %add3A_90 = arith.addf %get3A_85, %add3A_89 : vector<1000x64xf32>
      %add3A_91 = arith.addf %add3A_90, %dot_general3A_71 : vector<1000x64xf32>
      %swap3A_92 = arith.constant 0 : index
      %swap3A_93 = arith.constant 0 : index
      %swap3A_94 = arith.constant 0 : index
      %swap3A_95 = vector.load %arg19[%swap3A_92, %swap3A_93, %swap3A_94] : memref<1x1000x64xf32, #tpu.memory_space<vmem>>, vector<1x1000x64xf32>
      %swap3A_96 = vector.shape_cast %swap3A_95 : vector<1x1000x64xf32> to vector<1000x64xf32>
      %swap3A_97 = vector.shape_cast %add3A_91 : vector<1000x64xf32> to vector<1x1000x64xf32>
      tpu.vector_store %arg19[%swap3A_92, %swap3A_93, %swap3A_94], %swap3A_97 {strides = array<i32>} : memref<1x1000x64xf32, #tpu.memory_space<vmem>>, vector<1x1000x64xf32>,
    } else {
    }
    %gt3A = arith.constant 0 : i32
    %gt3A_77 = arith.cmpi sgt, %arg1, %gt3A : i32
    %convert_element_type3A_78 = arith.extui %gt3A_77 : i1 to i32
    %cond3A_79 = arith.constant 0 : i32
    %cond3A_80 = arith.cmpi ne, %convert_element_type3A_78, %cond3A_79 : i32
    scf.if %cond3A_80 {
      %get3A_81 = arith.constant 0 : index
      %get3A_82 = arith.constant 0 : index
      %get3A_83 = arith.constant 0 : index
      %get3A_84 = vector.load %arg19[%get3A_81, %get3A_82, %get3A_83] : memref<1x1000x64xf32, #tpu.memory_space<vmem>>, vector<1x1000x64xf32>
      %get3A_85 = vector.shape_cast %get3A_84 : vector<1x1000x64xf32> to vector<1000x64xf32>
      %add3A_86 = arith.addf %get3A_85, %dot_general3A_71 : vector<1000x64xf32>
      %swap3A_87 = arith.constant 0 : index
      %swap3A_88 = arith.constant 0 : index
      %swap3A_89 = arith.constant 0 : index
      %swap3A_90 = vector.load %arg19[%swap3A_87, %swap3A_88, %swap3A_89] : memref<1x1000x64xf32, #tpu.memory_space<vmem>>, vector<1x1000x64xf32>
      %swap3A_91 = vector.shape_cast %swap3A_90 : vector<1x1000x64xf32> to vector<1000x64xf32>
      %swap3A_92 = vector.shape_cast %add3A_86 : vector<1000x64xf32> to vector<1x1000x64xf32>
      tpu.vector_store %arg19[%swap3A_87, %swap3A_88, %swap3A_89], %swap3A_92 {strides = array<i32>} : memref<1x1000x64xf32, #tpu.memory_space<vmem>>, vector<1x1000x64xf32>,
    } else {
    }
    return
  }
  func.func @transform_0(%arg0: i32, %arg1: i32) -> (i32, i32) {
    %c0_i32 = arith.constant 0 : i32
    %c0_i32_0 = arith.constant 0 : i32
    %c0_i32_1 = arith.constant 0 : i32
    return %c0_i32, %c0_i32_0 : i32, i32
  }
  func.func @transform_1(%arg0: i32, %arg1: i32) -> (i32, i32) {
    %c0_i32 = arith.constant 0 : i32
    %c0_i32_0 = arith.constant 0 : i32
    %c0_i32_1 = arith.constant 0 : i32
    return %c0_i32, %c0_i32_0 : i32, i32
  }
  func.func @transform_2(%arg0: i32, %arg1: i32) -> (i32, i32) {
    %c0_i32 = arith.constant 0 : i32
    %c0_i32_0 = arith.constant 0 : i32
    %c0_i32_1 = arith.constant 0 : i32
    return %c0_i32, %c0_i32_0 : i32, i32
  }
  func.func @transform_3(%arg0: i32, %arg1: i32) -> (i32, i32) {
    %c0_i32 = arith.constant 0 : i32
    %c0_i32_0 = arith.constant 0 : i32
    %c0_i32_1 = arith.constant 0 : i32
    return %c0_i32, %c0_i32_0 : i32, i32
  }
  func.func @transform_4(%arg0: i32, %arg1: i32) -> (i32, i32) {
    %c0_i32 = arith.constant 0 : i32
    %c0_i32_0 = arith.constant 0 : i32
    %c0_i32_1 = arith.constant 0 : i32
    return %c0_i32, %c0_i32_0 : i32, i32
  }
  func.func @transform_5(%arg0: i32, %arg1: i32) -> (i32, i32) {
    %c0_i32 = arith.constant 0 : i32
    %c0_i32_0 = arith.constant 0 : i32
    %c0_i32_1 = arith.constant 0 : i32
    return %c0_i32, %c0_i32_0 : i32, i32
  }
  func.func @transform_6(%arg0: i32, %arg1: i32) -> (i32, i32) {
    %c0_i32 = arith.constant 0 : i32
    %c0_i32_0 = arith.constant 0 : i32
    %c0_i32_1 = arith.constant 0 : i32
    return %c0_i32, %c0_i32_0 : i32, i32
  }
  func.func @transform_7(%arg0: i32, %arg1: i32) -> (i32, i32) {
    %c0_i32 = arith.constant 0 : i32
    %c0_i32_0 = arith.constant 0 : i32
    %c0_i32_1 = arith.constant 0 : i32
    return %c0_i32, %c0_i32_0 : i32, i32
  }
  func.func @transform_8(%arg0: i32, %arg1: i32) -> (i32, i32) {
    %c0_i32 = arith.constant 0 : i32
    %c0_i32_0 = arith.constant 0 : i32
    %c0_i32_1 = arith.constant 0 : i32
    return %c0_i32, %c0_i32_0 : i32, i32
  }
  func.func @transform_9(%arg0: i32, %arg1: i32) -> (i32, i32, i32) {
    %c0_i32 = arith.constant 0 : i32
    %c0_i32_0 = arith.constant 0 : i32
    %c0_i32_1 = arith.constant 0 : i32
    return %arg1, %c0_i32, %c0_i32_0 : i32, i32, i32
  }
  func.func @transform_10(%arg0: i32, %arg1: i32) -> (i32, i32, i32) {
    %c0_i32 = arith.constant 0 : i32
    %c0_i32_0 = arith.constant 0 : i32
    %c0_i32_1 = arith.constant 0 : i32
    return %arg1, %c0_i32, %c0_i32_0 : i32, i32, i32
  }
  func.func @transform_11(%arg0: i32, %arg1: i32) -> (i32, i32, i32) {
    %c0_i32 = arith.constant 0 : i32
    %c0_i32_0 = arith.constant 0 : i32
    %c0_i32_1 = arith.constant 0 : i32
    return %arg1, %c0_i32, %c0_i32_0 : i32, i32, i32
  }
  func.func @transform_12(%arg0: i32, %arg1: i32) -> (i32, i32, i32) {
    %c0_i32 = arith.constant 0 : i32
    %c0_i32_0 = arith.constant 0 : i32
    %c0_i32_1 = arith.constant 0 : i32
    return %arg1, %c0_i32, %c0_i32_0 : i32, i32, i32
  }
  func.func @transform_13(%arg0: i32, %arg1: i32) -> (i32, i32, i32) {
    %c0_i32 = arith.constant 0 : i32
    %c0_i32_0 = arith.constant 0 : i32
    %c0_i32_1 = arith.constant 0 : i32
    return %arg1, %c0_i32, %c0_i32_0 : i32, i32, i32
  }
  func.func @transform_14(%arg0: i32, %arg1: i32) -> (i32, i32, i32) {
    %c0_i32 = arith.constant 0 : i32
    %c0_i32_0 = arith.constant 0 : i32
    %c0_i32_1 = arith.constant 0 : i32
    return %arg1, %c0_i32, %c0_i32_0 : i32, i32, i32
  }
  func.func @transform_15(%arg0: i32, %arg1: i32) -> (i32, i32, i32) {
    %c0_i32 = arith.constant 0 : i32
    %c0_i32_0 = arith.constant 0 : i32
    %c0_i32_1 = arith.constant 0 : i32
    return %arg1, %c0_i32, %c0_i32_0 : i32, i32, i32
  }
  func.func @transform_16(%arg0: i32, %arg1: i32) -> (i32, i32) {
    %c0_i32 = arith.constant 0 : i32
    %c0_i32_0 = arith.constant 0 : i32
    %c0_i32_1 = arith.constant 0 : i32
    return %c0_i32, %c0_i32_0 : i32, i32
  }
  func.func @transform_17(%arg0: i32, %arg1: i32) -> (i32, i32, i32) {
    %c0_i32 = arith.constant 0 : i32
    %c0_i32_0 = arith.constant 0 : i32
    %c0_i32_1 = arith.constant 0 : i32
    return %arg0, %c0_i32, %c0_i32_0 : i32, i32, i32
  }
  func.func @transform_18(%arg0: i32, %arg1: i32) -> (i32, i32, i32, i32) {
    %c0_i32 = arith.constant 0 : i32
    %c0_i32_0 = arith.constant 0 : i32
    %c0_i32_1 = arith.constant 0 : i32
    return %arg0, %arg1, %c0_i32, %c0_i32_0 : i32, i32, i32, i32
  }
}

</mosaic_0001>

<sc_bundles>
// kernel: kernel.5.cloned.1.call-start
scs
__scs_entry_jumppad:
0x0: {  	(pc) =	sbr.rel $0x88, $3  }
0x1: {  	(tag) =	ssettag $0x0;
	lr =	simm.s32 $0x1  }
0x2: {  	[smem:$0x3F93] =	sst lr;
	_ =	strace $0xD0000000  }
0x3: {  	_ = 	snop  }
0x4: {  	_ = 	snop  }
0x5: {  	_ = 	snop  }
0x6: {  	_ = 	snop  }
0x7: {  	_ = 	snop  }
__scs_overlays_trampoline_lowered:
0x8: {  	[smem:$0x3FA2] =	sst s0  }
0x9: {  	[smem:$0x3FA3] =	sst s1  }
0xa: {  	[smem:$0x3FA4] =	sst s2  }
0xb: {  	[smem:$0x3FA5] =	sst s3  }
0xc: {  	[smem:$0x3FA6] =	sst s4  }
0xd: {  	[smem:$0x3FA7] =	sst s5  }
0xe: {  	[smem:$0x3FA8] =	sst s6  }
0xf: {  	[smem:$0x3FA9] =	sst s7  }
0x10: {  	[smem:$0x3FAA] =	sst s8  }
0x11: {  	[smem:$0x3FAB] =	sst s9;
	s0 =	simm.s32 @!p0 $0x0  }
0x12: {  	s1 =	sld [smem:$0x3F91];
	s0 =	simm.s32 @p0 $0x1  }
0x13: {  	[smem:$0x3FAC] =	sst s0;
	s0 =	simm.s32 @!p1 $0x0  }
0x14: {  	s2 =	sld [smem:$0x3F90];
	s0 =	simm.s32 @p1 $0x1  }
0x15: {  	[smem:$0x3FAD] =	sst s0;
	s0 =	simm.s32 @!p2 $0x0  }
0x16: {  	s3 =	sld [smem:$0x3FDB];
	s0 =	simm.s32 @p2 $0x1  }
0x17: {  	s4 =	simm.s32 $0x1BF5;
	[smem:$0x3FAF] =	sst s0  }
0x18: {  	s0 =	sld [smem:$0x3F92];
	_ =	swait.ge [sflag:s4], $0x0  }
0x19: {  	s7 =	sld [smem:$0x3F93]  }
0x1a: {  	s8 =	sadd.s32 $0xFFFFE003, lr  }
0x1b: {  	s9 =	sadd.s32 $0xFFFFFEF7, lr;
	s5 =	simm.s32 $0xFFFFFFFF;
	p2 =	slt.u32 s8, $0xFFFFF086  }
0x1c: {  	p1 =	slt.u32 s9, $0xF7A;
	s5 =	simm.s32 @!p2 $0x0  }
0x1d: {  	s5 =	simm.s32 @p1 $0x1;
	p0 =	seq.s32 s7, s2  }
0x1e: {  	s7 =	smul.u32 @!p0 $0xF7A, s2;
	p2 =	seq.s32 @!p0 s5, $0x0  }
0x1f: {  	s9 =	smul.u32 $0xF7A, s1;
	s8 =	simm.s32 @!p0 $0x1BF5;
	p2 =	por !p2, p0  }
0x20: {  	[sflag:s8] =	ssyncset.s32 @!p0 $0xFFFFF086;
	s6 =	sadd.s32 @!p0 s3, s7;
	s7 =	simm.s32 @!p0 $0x108  }
0x21: {  	s3 =	sadd.s32 s3, s9;
	s6 =	sadd.s32 @!p0 $0x88, s6;
	s7 =	simm.s32 @p2 $0x1082  }
0x22: {  	[simem:s7], [sflag:s8] =	dma.local @!p0 [hbm:s6], $0xF7A  }
0x23: {  	s9 =	sor.u32 $0xD0000000, s2;
	s6 =	simm.s32 $0x108;
	_ =	swait.ge @!p0 [sflag:s8], $0x0  }
0x24: {  	s3 =	sadd.s32 $0x88, s3;
	s6 =	simm.s32 @!p1 $0x1082;
	[sflag:s4] =	ssyncset.s32 $0xFFFFF086  }
0x25: {  	[simem:s6], [sflag:s4] =	dma.local [hbm:s3], $0xF7A  }
0x26: {  	[smem:$0x3F93] =	sst s1;
	(tag) =	ssettag s2;
	_ =	strace s9  }
0x27: {  	s1 =	sld [smem:$0x3FA3]  }
0x28: {  	s2 =	sld [smem:$0x3FA4]  }
0x29: {  	s4 =	sld [smem:$0x3FA6]  }
0x2a: {  	p0 =	seq.s32 s5, $0x0;
	s5 =	sld [smem:$0x3FA7]  }
0x2b: {  	s6 =	sld [smem:$0x3FA8]  }
0x2c: {  	s7 =	sld [smem:$0x3FA9]  }
0x2d: {  	s3 =	simm.s32 $0x108;
	s8 =	sld [smem:$0x3FAA]  }
0x2e: {  	s3 =	simm.s32 @!p0 $0x1082;
	s9 =	sld [smem:$0x3FAB]  }
0x2f: {  	lr =	sadd.s32 s0, s3;
	s0 =	sld [smem:$0x3FA2]  }
0x30: {  	s3 =	sld [smem:$0x3FA5]  }
0x31: {  	[smem:$0x3FAE] =	sst s10  }
0x32: {  	s10 =	sld [smem:$0x3FAC];
	_ =	sdelay $0x3  }
0x33: {  	p0 =	seq.s32 s10, $0x1;
	s10 =	sld [smem:$0x3FAE];
	_ =	sdelay $0x3  }
0x34: {  	[smem:$0x3FAE] =	sst s10  }
0x35: {  	s10 =	sld [smem:$0x3FAD];
	_ =	sdelay $0x3  }
0x36: {  	p1 =	seq.s32 s10, $0x1;
	s10 =	sld [smem:$0x3FAE];
	_ =	sdelay $0x3  }
0x37: {  	[smem:$0x3FAE] =	sst s10  }
0x38: {  	s10 =	sld [smem:$0x3FAF]  }
0x39: {  	_ = 	snop;
	(pc) =	sbr.ind lr, $3  }
0x3a: {  	_ = 	snop  }
0x3b: {  	_ = 	snop  }
0x3c: {  	p2 =	seq.s32 s10, $0x1;
	s10 =	sld [smem:$0x3FAE]  }
0x3d: {  	_ =	shalt  }
0x3e: {  	_ =	shalt  }
0x3f: {  	_ =	shalt  }
0x40: {  	_ =	shalt  }
0x41: {  	_ =	shalt  }
0x42: {  	_ =	shalt  }
0x43: {  	_ =	shalt  }
0x44: {  	_ =	shalt  }
0x45: {  	_ =	shalt  }
0x46: {  	_ =	shalt  }
0x47: {  	_ =	shalt  }
0x48: {  	_ =	shalt  }
0x49: {  	_ =	shalt  }
0x4a: {  	_ =	shalt  }
0x4b: {  	_ =	shalt  }
0x4c: {  	_ =	shalt  }
0x4d: {  	_ =	shalt  }
0x4e: {  	_ =	shalt  }
0x4f: {  	_ =	shalt  }
0x50: {  	_ =	shalt  }
0x51: {  	_ =	shalt  }
0x52: {  	_ =	shalt  }
0x53: {  	_ =	shalt  }
0x54: {  	_ =	shalt  }
0x55: {  	_ =	shalt  }
0x56: {  	_ =	shalt  }
0x57: {  	_ =	shalt  }
0x58: {  	_ =	shalt  }
0x59: {  	_ =	shalt  }
0x5a: {  	_ =	shalt  }
0x5b: {  	_ =	shalt  }
0x5c: {  	_ =	shalt  }
0x5d: {  	_ =	shalt  }
0x5e: {  	_ =	shalt  }
0x5f: {  	_ =	shalt  }
0x60: {  	_ =	shalt  }
0x61: {  	_ =	shalt  }
0x62: {  	_ =	shalt  }
0x63: {  	_ =	shalt  }
0x64: {  	_ =	shalt  }
0x65: {  	_ =	shalt  }
0x66: {  	_ =	shalt  }
0x67: {  	_ =	shalt  }
0x68: {  	_ =	shalt  }
0x69: {  	_ =	shalt  }
0x6a: {  	_ =	shalt  }
0x6b: {  	_ =	shalt  }
0x6c: {  	_ =	shalt  }
0x6d: {  	_ =	shalt  }
0x6e: {  	_ =	shalt  }
0x6f: {  	_ =	shalt  }
0x70: {  	_ =	shalt  }
0x71: {  	_ =	shalt  }
0x72: {  	_ =	shalt  }
0x73: {  	_ =	shalt  }
0x74: {  	_ =	shalt  }
0x75: {  	_ =	shalt  }
0x76: {  	_ =	shalt  }
0x77: {  	_ =	shalt  }
0x78: {  	_ =	shalt  }
0x79: {  	_ =	shalt  }
0x7a: {  	_ =	shalt  }
0x7b: {  	_ =	shalt  }
0x7c: {  	_ =	shalt  }
0x7d: {  	_ =	shalt  }
0x7e: {  	_ =	shalt  }
0x7f: {  	_ =	shalt  }
0x80: {  	_ =	shalt  }
0x81: {  	_ =	shalt  }
0x82: {  	_ =	shalt  }
0x83: {  	_ =	shalt  }
0x84: {  	_ =	shalt  }
0x85: {  	_ =	shalt  }
0x86: {  	_ =	shalt  }
0x87: {  	_ =	shalt  }
.Lfunc_end0:
.L_simem_size_0:
called_computation_lowered:
.L_overlay_start_0:
0x88: {  	s2 =	sld [smem:$0x3FD9]  }
0x89: {  	s3 =	sld [smem:$0x3FFE];
	_ =	sdelay $0x1  }
0x8a: {  	s1 =	srdreg.scid  }
0x8b: {  	s0 =	sand.u32 $0x1, s1  }
0x8c: {  	s14 =	sshll.u32 s0, $0xA;
	s2 =	sadd.s32 s3, s2  }
0x8d: {  	s2 =	sadd.s32 s2, s14  }
0x8e: {  	[smem:$0x3FBA] =	sst s2  }
0x8f: {  	_ = 	snop  }
0x90: {  	s2 =	sld [smem:$0x3FD0];
	_ =	sdelay $0x2  }
0x91: {  	s15 =	simm.s32 $0xA;
	s4 =	simm.s32 $0x10  }
0x92: {  	[smem:s4], [sflag:s15] =	dma.local [hbm:s2], $0x1  }
0x93: {  	_ =	swait.eq [sflag:s15], $0x1  }
0x94: {  	[sflag:s15] =	ssyncset.done $0x0  }
0x95: {  	s16 =	sld [smem:$0x10];
	[sflag:s15] =	ssyncadd.s32 $0xFFFFFFFF  }
0x96: {  	s17 =	sld [smem:$0x11];
	(tm) =	ssettm $0x1  }
0x97: {  	s18 =	sld [smem:$0x3FFB];
	_ =	sdelay $0x3  }
0x98: {  	_ =	strace s18  }
0x99: {  	s4 =	sld [smem:$0x3FFC];
	_ =	sdelay $0x3  }
0x9a: {  	_ =	strace s4  }
0x9b: {  	s4 =	sld [smem:$0x3FFD];
	_ =	sdelay $0x3  }
0x9c: {  	_ =	strace s4  }
0x9d: {  	_ =	strace $0x8FFFFFFF  }
0x9e: {  	s19 =	sld [smem:$0x3FDB];
	_ =	sdelay $0x1  }
0x9f: {  	s5 =	simm.s32 $_scs_section_size  }
0xa0: {  	s6 =	simm.s32 $_size__tile_overlayer_lowered;
	s7 =	simm.s32 $_tile_overlayer_lowered  }
0xa1: {  	s22 =	simm.s32 $0x1BFF;
	s21 =	sshll.u32 s7, $0x1;
	s4 =	sadd.s32 s5, s19  }
0xa2: {  	s8 =	simm.s32 $0x0;
	s20 =	sshll.u32 s6, $0x1;
	s6 =	sadd.s32 s21, s4  }
0xa3: {  	[timem:s8], [sflag:s22] =	dma.local [hbm:s6], s20  }
0xa4: {  	_ =	swait.ge [sflag:s22], s20  }
0xa5: {  	s5 =	ssub.s32 $0x0, s20;
	[sflag:s22] =	ssyncset.done $0x0  }
0xa6: {  	[sflag:s22] =	ssyncadd.s32 s5;
	_ =	sdelay $0x1  }
0xa7: {  	s23 =	simm.s32 $0x1B8B  }
0xa8: {  	_ =	swait.ge [sflag:s23], $0x1  }
0xa9: {  	[sflag:s23] =	ssyncset.done $0x0  }
0xaa: {  	s25 =	simm.s32 $0x1B8E;
	s24 =	sld [smem:$0x3FFE];
	[sflag:s23] =	ssyncadd.s32 $0xFFFFFFFF  }
0xab: {  	s26 =	simm.s32 $execute0_lowered;
	[smem:$0x3FD2] =	sst s25  }
0xac: {  	s6 =	sshll.u32 s26, $0x1;
	_ =	strace $0x80000046;
	[dreg:$0x1] =	wrdreg $0xFFFFFFFF  }
0xad: {  	s28 =	simm.s32 $_size_execute0_lowered;
	s4 =	sadd.s32 s4, s6;
	[dreg:$0x0] =	wrdreg $0x0  }
0xae: {  	s6 =	sshll.u32 s28, $0x1;
	[dreg:$0x2] =	wrdreg s4  }
0xaf: {  	[dreg:$0x3] =	wrdreg s6  }
0xb0: {  	[dreg:$0x4] =	wrdreg $0xC0  }
0xb1: {  	_ =	task [dreg:s8], $0x5FFFF  }
0xb2: {  	[dreg:$0x1] =	wrdreg $0xFFFFFFFF  }
0xb3: {  	[dreg:$0x0] =	wrdreg $0x60  }
0xb4: {  	[dreg:$0x2] =	wrdreg s17  }
0xb5: {  	[dreg:$0x3] =	wrdreg s24  }
0xb6: {  	[dreg:$0x4] =	wrdreg s16  }
0xb7: {  	[dreg:$0x5] =	wrdreg $0xA4000  }
0xb8: {  	[dreg:$0x6] =	wrdreg $0x9  }
0xb9: {  	_ =	task.clear_ibuf [dreg:s8], $0x7FFFF;
	_ =	strace $0x90000046  }
0xba: {  	s29 =	simm.s32 $0x9;
	_ =	strace $0x80000048  }
0xbb: {  	_ =	swait.ge [sflag:s29], $0x1  }
0xbc: {  	[sflag:s29] =	ssyncadd.s32 $0xFFFFFFFF  }
0xbd: {  	_ =	strace $0x90000048  }
0xbe: {  	_ =	sfence  }
0xbf: {  	s30 =	sld [smem:$0x0];
	_ =	sdelay $0x2  }
0xc0: {  	s31 =	sshll.u32 s1, $0xD;
	s1 =	sshrl.u32 s1, $0x2  }
0xc1: {  	s3 =	sand.u32 $0x4000, s31;
	s1 =	sadd.s32 s1, s30  }
0xc2: {  	s0 =	sor.u32 s3, s0;
	s1 =	sshll.u32 s1, $0x11  }
0xc3: {  	s0 =	sor.u32 s1, s0  }
0xc4: {  	s0 =	sadd.s32 $0x8F2B, s0  }
0xc5: {  	[sflag:s0] =	ssyncadd.remote.s32 $0x1  }
0xc6: {  	_ =	sfence.sel $0xFFFF  }
0xc7: {  	[dreg:$0x0] =	wrdreg $0xFFFFFFFF;
	(pc) =	sbr.abs _section_cstart, $3  }
0xc8: {  	[dreg:$0x1] =	wrdreg $0xFFFFFFFF  }
0xc9: {  	_ =	task.clear_ibuf [dreg:s8], $0x2FFFF;
	_ =	strace $0x9FFFFFFF  }
0xca: {  	(tm) =	ssettm $0x7FFFFFFF  }
0xcb: {  	_ =	shalt  }
tec
execute0_lowered:
.L_overlay_start_1:
0x0: {  	(tag) =	ssettag $0x1  }
0x1: {  	s0 =	rddreg [dreg:$0x0]  }
0x2: {  	s2 =	rddreg [dreg:$0x1]  }
0x3: {  	s8 =	rddreg [dreg:$0x2]  }
0x4: {  	s1 =	rddreg [dreg:$0x3];
	s3 =	simm.s32 $0x0;
	s4 =	srdreg.scid  }
0x5: {  	s24 =	stileid.u32;
	s14 =	simm.s32 $0x62000;
	s15 =	simm.s32 $0x9300  }
0x6: {  	s16 =	simm.s32 $0x80;
	s17 =	simm.s32 $0xA300;
	s18 =	simm.s32 $0x9B00  }
0x7: {  	s19 =	simm.s32 $0xA380;
	s20 =	simm.s32 $0x1;
	s21 =	simm.s32 $0x2  }
0x8: {  	s22 =	simm.s32 $0x0;
	[smem:$0x7FF] =	sst s3;
	s5 =	sand.u32 $0x1, s4  }
0x9: {  	s25 =	sshll.u32 s24, $0x9;
	s28 =	sshll.u32 s24, $0xC;
	s10 =	sshll.u32 s24, $0x6  }
0xa: {  	s13 =	smul.u32 $0x3100, s24;
	_ =	strace $0x80000047;
	s6 =	ssub.s32 $0x2, s5  }
0xb: {  	s7 =	sshll.u32 s5, $0x4;
	s2 =	sadd.s32 s25, s2;
	s11 =	sadd.s32 s28, s1  }
0xc: {  	s29 =	smul.u32 $0x31000, s5;
	s12 =	sshll.u32 s5, $0x10;
	s7 =	sor.u32 s24, s7  }
0xd: {  	s5 =	sor.u32 $0x1C03, s10;
	s26 =	sshrl.u32 s6, $0x1;
	s7 =	smul.u32 $0x3100, s7  }
0xe: {  	s4 =	sadd.s32 $0x2800, s2;
	s30 =	sor.u32 s28, s12;
	s11 =	sshrl.u32 s11, $0x3  }
0xf: {  	s12 =	simm.s32 $0x3;
	s9 =	ssub.s32 s6, s26;
	s7 =	sshrl.u32 s7, $0x3  }
0x10: {  	v0 =	vlaneseq.u32;
	s31 =	sshrl.u32 s30, $0x3;
	s6 =	sadd.s32 s0, s7;
	s7 =	sadd.s32 s13, s29  }
0x11: {  	v1 =	vimm.f32 $0.0e+00;
	v3 =	vimm.f32 $1.000000000e+00;
	v2 =	vmul.u32 $0x10, v0;
	s8 =	sadd.s32 s8, s31;
	s9 =	smax.u32 s9, $0x1;
	s10 =	sor.u32 $0x80, s7  }
.LBB2_1:
0x12: {  	[spmem:s11], [sflag:s5] =	dma.local [hbm:s4], $0x200  }
0x13: {  	_ =	swait.ge [sflag:s12], $0x200  }
0x14: {  	[sflag:s12] =	ssyncset.done $0x0  }
0x15: {  	s0 =	simm.s32 $0x0;
	s2 =	simm.s32 $0x3100;
	[sflag:s12] =	ssyncadd.s32 $0xFFFFFE00  }
0x16: {  	[tilespmem:s0], [sflag:$0x3] =	stream.strided.gather [hbm4b:s6+s2], $0x9300, s14, s2, $0x38;
	[tilespmem:$0xB400] =	vst v63  }
0x17: {  	_ =	swait.ge [sflag:s12], $0x9300  }
0x18: {  	[sflag:s12] =	ssyncset.done $0x0  }
0x19: {  	s0 =	simm.s32 $0x40;
	s2 =	simm.s32 $0x0;
	[sflag:s12] =	ssyncadd.s32 $0xFFFF6D00  }
.LBB2_2:
0x1a: {  	p0 =	sne.s32 s0, $0x1FC0;
	[tilespmem:s2+$0x9300] =	vst v1;
	s23 =	smov.u32 s0;
	s0 =	sadd.s32 $0x40, s0  }
.Ltmp0:
0x1b: {  	[tilespmem:s2+$0x9B00] =	vst v1;
	(pc) =	sbr.rel @p0 .LBB2_2-.Ltmp0, $2  }
0x1c: {  	_ =	sdelay $0x2  }
0x1d: {  	s2 =	sshra.s32 s23, $0x2  }
0x1e: {  	[tilespmem:s2+$0x9300] =	vst v1;
	s23 =	simm.s32 $0x0  }
0x1f: {  	[tilespmem:s2+$0x9B00] =	vst v1;
	s2 =	simm.s32 $0x6200;
	s25 =	simm.s32 $0x6280;
	s26 =	smov.u32 s10  }
0x20: {  	s28 =	smov.u32 s7;
	s29 =	simm.s32 $0x0;
	[bflag:$0x0] =	sbarrier.arrive $0xFFFF  }
.LBB2_4:
0x21: {  	p0 =	seq.s32 s29, $0x0  }
0x22: {  	s0 =	simm.s32 @!p0 $0x1  }
0x23: {  	_ =	swait.ge @!p0 [sflag:s0], $0x800  }
0x24: {  	[sflag:s0] =	ssyncset.done @!p0 $0x0  }
0x25: {  	[sflag:s0] =	ssyncadd.s32 @!p0 $0xFFFFF800  }
0x26: {  	s24 =	sadd.s32 $0x0, s28;
	v4 =	vld [tilespmem:s2+$0xFFFF9E00]  }
0x27: {  	v6 =	vor.u32 s24, v0;
	v5 =	vld [tilespmem:s2+$0xFFFFCF00]  }
0x28: {  	v6 =	vcvt.s32.f32 v6;
	_ =	sdelay $0x1  }
0x29: {  	v7 =	vmul.f32 $9.999999740e-06, v6;
	v6 =	vld [tilespmem:s2+$0x0]  }
0x2a: {  	v8 =	vmul.f32 $1.000000000e+01, v4  }
0x2b: {  	v7 =	vtrunc.f32 v7;
	v9 =	vmul.f32 $1.000000000e+01, v5  }
0x2c: {  	v7 =	vcvt.f32.s32 v7;
	v8 =	vtrunc.f32 v8  }
0x2d: {  	v10 =	vmov s23;
	v9 =	vtrunc.f32 v9;
	v8 =	vcvt.f32.s32 v8  }
0x2e: {  	v10 =	vshll.u32 v10, $0x4;
	v11 =	vmul.f32 $1.000000000e+01, v6;
	v12 =	vcvt.f32.s32 v9  }
0x2f: {  	v9 =	vmul.u32 $0x3E8, v7;
	v7 =	vor.u32 v2, v10;
	vm0 =	vgt.s32 v8, $0x0  }
0x30: {  	v10 =	vtrunc.f32 v11;
	v8 =	vnsel vm0, $0x0, v8;
	vm0 =	vgt.s32 v12, $0x0  }
0x31: {  	v11 =	vcvt.f32.s32 v10;
	v10 =	vmin.u32 v8, $0x9;
	v12 =	vnsel vm0, $0x0, v12  }
0x32: {  	s31 =	simm.s32 $0xA300;
	v8 =	vor.u32 $0x2, v7;
	v13 =	vmin.u32 v12, $0x9;
	v12 =	vmul.u32 $0x64, v10  }
0x33: {  	s30 =	simm.s32 $0xA300;
	s24 =	smov.u32 s2;
	s0 =	simm.s32 $0x10;
	vm0 =	vgt.s32 v11, $0x0;
	v10 =	vor.u32 $0x1, v7;
	v13 =	vmul.u32 $0xA, v13  }
.LBB2_5:
0x34: {  	p1 =	sne.s32 s0, $0x70;
	v11 =	vnsel vm0, $0x0, v11;
	v9 =	vadd.s32 v9, v12;
	s24 =	sadd.s32 $0x10, s24;
	s31 =	sadd.s32 $0x10, s31  }
0x35: {  	v12 =	vor.u32 $0x3, v7;
	s3 =	smov.u32 s0;
	s0 =	sadd.s32 $0x10, s0;
	v11 =	vmin.u32 v11, $0x9;
	v9 =	vadd.s32 v13, v9  }
0x36: {  	v9 =	vadd.s32 v11, v9  }
0x37: {  	[tilespmem:s30+$0x0] =	vst v9;
	s30 =	smov.u32 s31  }
0x38: {  	[tilespmem:v7+s15+$0x0] =	vst.idx.msk $0xffff, v3  }
0x39: {  	s13 =	sadd.s32 s3, s28;
	[tilespmem:v10+s15+$0x0] =	vst.idx.msk $0xffff, v4  }
0x3a: {  	v4 =	vor.u32 s13, v0;
	[tilespmem:v8+s15+$0x0] =	vst.idx.msk $0xffff, v5  }
0x3b: {  	v7 =	vcvt.s32.f32 v4;
	[tilespmem:v12+s15+$0x0] =	vst.idx.msk $0xffff, v6  }
0x3c: {  	v4 =	vld [tilespmem:s24+$0xFFFF9E00]  }
0x3d: {  	v5 =	vld [tilespmem:s24+$0xFFFFCF00]  }
0x3e: {  	v7 =	vmul.f32 $9.999999740e-06, v7;
	_ =	sdelay $0x1  }
0x3f: {  	v7 =	vtrunc.f32 v7;
	v6 =	vld [tilespmem:s24+$0x0]  }
0x40: {  	v7 =	vcvt.f32.s32 v7;
	v8 =	vmul.f32 $1.000000000e+01, v4  }
0x41: {  	v11 =	vmov s3;
	v10 =	vmul.f32 $1.000000000e+01, v5  }
0x42: {  	v9 =	vmul.u32 $0x3E8, v7;
	v8 =	vtrunc.f32 v8  }
0x43: {  	v12 =	vcvt.f32.s32 v8;
	v7 =	vtrunc.f32 v10;
	v8 =	vshll.u32 v11, $0x4  }
0x44: {  	v10 =	vcvt.f32.s32 v7;
	v11 =	vmul.f32 $1.000000000e+01, v6;
	v7 =	vor.u32 v2, v8  }
.Ltmp1:
0x45: {  	vm0 =	vgt.s32 v12, $0x0;
	v8 =	vor.u32 $0x2, v7;
	(pc) =	sbr.rel @p1 .LBB2_5-.Ltmp1, $4  }
0x46: {  	v11 =	vtrunc.f32 v11;
	v12 =	vnsel vm0, $0x0, v12;
	vm0 =	vgt.s32 v10, $0x0  }
0x47: {  	v11 =	vcvt.f32.s32 v11;
	v12 =	vmin.u32 v12, $0x9;
	v10 =	vnsel vm0, $0x0, v10  }
0x48: {  	v10 =	vmin.u32 v10, $0x9;
	v12 =	vmul.u32 $0x64, v12  }
0x49: {  	vm0 =	vgt.s32 v11, $0x0;
	v13 =	vmul.u32 $0xA, v10;
	v10 =	vor.u32 $0x1, v7  }
0x4a: {  	v11 =	vnsel vm0, $0x0, v11;
	v9 =	vadd.s32 v9, v12  }
0x4b: {  	v11 =	vmin.u32 v11, $0x9;
	v9 =	vadd.s32 v13, v9  }
0x4c: {  	v12 =	vor.u32 $0x3, v7;
	v9 =	vadd.s32 v11, v9  }
0x4d: {  	[tilespmem:s30+$0x0] =	vst v9  }
0x4e: {  	[tilespmem:v7+s15+$0x0] =	vst.idx.msk $0xffff, v3  }
0x4f: {  	[tilespmem:v10+s15+$0x0] =	vst.idx.msk $0xffff, v4  }
0x50: {  	[tilespmem:v8+s15+$0x0] =	vst.idx.msk $0xffff, v5  }
0x51: {  	s0 =	simm.s32 @!p0 $0x2;
	[tilespmem:v12+s15+$0x0] =	vst.idx.msk $0xffff, v6  }
0x52: {  	[spmem:s1] =	stream.indirect.scatter.add.f32 [tilespmem:s15], [sflag:$0x1], $0x10, s17, s16, $0xb8;
	[tilespmem:$0xB400] =	vst v63  }
0x53: {  	_ =	swait.ge @!p0 [sflag:s0], $0x800  }
0x54: {  	[sflag:s0] =	ssyncset.done @!p0 $0x0  }
0x55: {  	[sflag:s0] =	ssyncadd.s32 @!p0 $0xFFFFF800  }
0x56: {  	s13 =	sadd.s32 $0x0, s26;
	v4 =	vld [tilespmem:s25+$0xFFFF9E00]  }
0x57: {  	v6 =	vor.u32 s13, v0;
	v5 =	vld [tilespmem:s25+$0xFFFFCF00]  }
0x58: {  	v6 =	vcvt.s32.f32 v6;
	_ =	sdelay $0x1  }
0x59: {  	v7 =	vmul.f32 $9.999999740e-06, v6;
	v6 =	vld [tilespmem:s25+$0x0]  }
0x5a: {  	v8 =	vmul.f32 $1.000000000e+01, v4  }
0x5b: {  	v7 =	vtrunc.f32 v7;
	v9 =	vmul.f32 $1.000000000e+01, v5  }
0x5c: {  	s24 =	simm.s32 $0x0;
	v7 =	vcvt.f32.s32 v7;
	v8 =	vtrunc.f32 v8  }
0x5d: {  	v10 =	vmov s24;
	v9 =	vtrunc.f32 v9;
	v8 =	vcvt.f32.s32 v8  }
0x5e: {  	v10 =	vshll.u32 v10, $0x4;
	v11 =	vmul.f32 $1.000000000e+01, v6;
	v12 =	vcvt.f32.s32 v9  }
0x5f: {  	v9 =	vmul.u32 $0x3E8, v7;
	v7 =	vor.u32 v2, v10;
	vm0 =	vgt.s32 v8, $0x0  }
0x60: {  	v10 =	vtrunc.f32 v11;
	v8 =	vnsel vm0, $0x0, v8;
	vm0 =	vgt.s32 v12, $0x0  }
0x61: {  	v11 =	vcvt.f32.s32 v10;
	v10 =	vmin.u32 v8, $0x9;
	v12 =	vnsel vm0, $0x0, v12  }
0x62: {  	s31 =	simm.s32 $0xA380;
	v8 =	vor.u32 $0x2, v7;
	v13 =	vmin.u32 v12, $0x9;
	v12 =	vmul.u32 $0x64, v10  }
0x63: {  	s30 =	simm.s32 $0xA380;
	s24 =	smov.u32 s25;
	s0 =	simm.s32 $0x10;
	vm0 =	vgt.s32 v11, $0x0;
	v10 =	vor.u32 $0x1, v7;
	v13 =	vmul.u32 $0xA, v13  }
.LBB2_7:
0x64: {  	p0 =	sne.s32 s0, $0x70;
	v11 =	vnsel vm0, $0x0, v11;
	v9 =	vadd.s32 v9, v12;
	s24 =	sadd.s32 $0x10, s24;
	s31 =	sadd.s32 $0x10, s31  }
0x65: {  	v12 =	vor.u32 $0x3, v7;
	s3 =	smov.u32 s0;
	s0 =	sadd.s32 $0x10, s0;
	v11 =	vmin.u32 v11, $0x9;
	v9 =	vadd.s32 v13, v9  }
0x66: {  	v9 =	vadd.s32 v11, v9  }
0x67: {  	[tilespmem:s30+$0x0] =	vst v9;
	s30 =	smov.u32 s31  }
0x68: {  	[tilespmem:v7+s18+$0x0] =	vst.idx.msk $0xffff, v3  }
0x69: {  	s13 =	sadd.s32 s3, s26;
	[tilespmem:v10+s18+$0x0] =	vst.idx.msk $0xffff, v4  }
0x6a: {  	v4 =	vor.u32 s13, v0;
	[tilespmem:v8+s18+$0x0] =	vst.idx.msk $0xffff, v5  }
0x6b: {  	v7 =	vcvt.s32.f32 v4;
	[tilespmem:v12+s18+$0x0] =	vst.idx.msk $0xffff, v6  }
0x6c: {  	v4 =	vld [tilespmem:s24+$0xFFFF9E00]  }
0x6d: {  	v5 =	vld [tilespmem:s24+$0xFFFFCF00]  }
0x6e: {  	v7 =	vmul.f32 $9.999999740e-06, v7;
	_ =	sdelay $0x1  }
0x6f: {  	v7 =	vtrunc.f32 v7;
	v6 =	vld [tilespmem:s24+$0x0]  }
0x70: {  	v7 =	vcvt.f32.s32 v7;
	v8 =	vmul.f32 $1.000000000e+01, v4  }
0x71: {  	v11 =	vmov s3;
	v10 =	vmul.f32 $1.000000000e+01, v5  }
0x72: {  	v9 =	vmul.u32 $0x3E8, v7;
	v8 =	vtrunc.f32 v8  }
0x73: {  	v12 =	vcvt.f32.s32 v8;
	v7 =	vtrunc.f32 v10;
	v8 =	vshll.u32 v11, $0x4  }
0x74: {  	v10 =	vcvt.f32.s32 v7;
	v11 =	vmul.f32 $1.000000000e+01, v6;
	v7 =	vor.u32 v2, v8  }
.Ltmp2:
0x75: {  	vm0 =	vgt.s32 v12, $0x0;
	v8 =	vor.u32 $0x2, v7;
	(pc) =	sbr.rel @p0 .LBB2_7-.Ltmp2, $4  }
0x76: {  	v11 =	vtrunc.f32 v11;
	v12 =	vnsel vm0, $0x0, v12;
	vm0 =	vgt.s32 v10, $0x0  }
0x77: {  	v11 =	vcvt.f32.s32 v11;
	v12 =	vmin.u32 v12, $0x9;
	v10 =	vnsel vm0, $0x0, v10  }
0x78: {  	v10 =	vmin.u32 v10, $0x9;
	v12 =	vmul.u32 $0x64, v12  }
0x79: {  	vm0 =	vgt.s32 v11, $0x0;
	v13 =	vmul.u32 $0xA, v10;
	v10 =	vor.u32 $0x1, v7  }
0x7a: {  	v11 =	vnsel vm0, $0x0, v11;
	v9 =	vadd.s32 v9, v12  }
0x7b: {  	v11 =	vmin.u32 v11, $0x9;
	v9 =	vadd.s32 v13, v9  }
0x7c: {  	v63 =	vor.u32 $0x3, v7;
	s29 =	sadd.s32 $0x1, s29;
	v9 =	vadd.s32 v11, v9  }
0x7d: {  	p0 =	sne.s32 s29, $0x31;
	[tilespmem:s30+$0x0] =	vst v9  }
.Ltmp3:
0x7e: {  	[tilespmem:v7+s18+$0x0] =	vst.idx.msk $0xffff, v3;
	(pc) =	sbr.rel @p0 .LBB2_4-.Ltmp3, $4  }
0x7f: {  	[tilespmem:v10+s18+$0x0] =	vst.idx.msk $0xffff, v4  }
0x80: {  	s2 =	sadd.s32 $0x100, s2;
	[tilespmem:v8+s18+$0x0] =	vst.idx.msk $0xffff, v5  }
0x81: {  	s28 =	sadd.s32 $0x100, s28;
	s25 =	sadd.s32 $0x100, s25;
	s26 =	sadd.s32 $0x100, s26;
	[tilespmem:v63+s18+$0x0] =	vst.idx.msk $0xffff, v6  }
0x82: {  	[spmem:s1] =	stream.indirect.scatter.add.f32 [tilespmem:s18], [sflag:$0x2], $0x10, s19, s16, $0xb8;
	[tilespmem:$0xB400] =	vst v63  }
0x83: {  	_ =	swait.ge [sflag:s20], $0x800  }
0x84: {  	[sflag:s20] =	ssyncset.done $0x0  }
0x85: {  	[sflag:s20] =	ssyncadd.s32 $0xFFFFF800  }
0x86: {  	_ =	swait.ge [sflag:s21], $0x800  }
0x87: {  	s22 =	sadd.s32 $0x1, s22;
	[sflag:s21] =	ssyncset.done $0x0  }
0x88: {  	p0 =	sne.s32 s22, s9;
	[sflag:s21] =	ssyncadd.s32 $0xFFFFF800  }
.Ltmp4:
0x89: {  	[bflag:$0x0] =	sbarrier.arrive $0xFFFF;
	(pc) =	sbr.rel @p0 .LBB2_1-.Ltmp4, $4  }
0x8a: {  	[hbm:s8], [sflag:s5] =	dma.local [spmem:s11], $0x200  }
0x8b: {  	_ =	swait.ge [sflag:s12], $0x200  }
0x8c: {  	[sflag:s12] =	ssyncset.done $0x0  }
0x8d: {  	[sflag:s12] =	ssyncadd.s32 $0xFFFFFE00  }
0x8e: {  	_ =	sfence.sel $0x180000  }
0x8f: {  	[bflag:$0x0] =	sbarrier.arrive $0xFFFF  }
0x90: {  	_ =	strace $0x90000047  }
0x91: {  	s0 =	stileid.u32;
	[bflag:$0x2] =	sbarrier.arrive $0xFFFF  }
0x92: {  	p0 =	sne.s32 s0, $0x0;
	s0 =	rddreg [dreg:$0x4]  }
0x93: {  	s0 =	sadd.s32 @!p0 $0x100000, s0  }
0x94: {  	[sflag:s0] =	ssyncadd.tile.s32 @!p0 $0x1;
	_ =	shalt  }
.Lfunc_end2:
_tile_overlayer_lowered:
.L_overlay_start_2:
0x95: {  	(tag) =	ssettag $0x2  }
0x96: {  	s0 =	rddreg [dreg:$0x0];
	s2 =	stileid.u32  }
0x97: {  	s1 =	rddreg [dreg:$0x1];
	p0 =	sne.s32 s2, $0x0  }
0x98: {  	s3 =	rddreg [dreg:$0x2];
	[bflag:$0x3] =	sbarrier.arrive $0xFFFF;
	s2 =	simm.s32 @!p0 $0x1C03  }
0x99: {  	[timem:s3], [sflag:s2] =	dma.local @!p0 [hbm:s0], s1  }
0x9a: {  	s0 =	simm.s32 @!p0 $0x3  }
0x9b: {  	_ =	swait.ge @!p0 [sflag:s0], s1  }
0x9c: {  	s1 =	ssub.s32 @!p0 $0x0, s1;
	[sflag:s0] =	ssyncset.done @!p0 $0x0  }
0x9d: {  	[sflag:s0] =	ssyncadd.s32 @!p0 s1  }
0x9e: {  	[bflag:$0x3] =	sbarrier.arrive $0xFFFF  }
0x9f: {  	_ =	shalt  }

// kernel: kernel.8.cloned.1.call-start
scs
__scs_entry_jumppad:
0x0: {  	(pc) =	sbr.rel $0x88, $3  }
0x1: {  	(tag) =	ssettag $0x0;
	lr =	simm.s32 $0x1  }
0x2: {  	[smem:$0x3F93] =	sst lr;
	_ =	strace $0xD0000000  }
0x3: {  	_ = 	snop  }
0x4: {  	_ = 	snop  }
0x5: {  	_ = 	snop  }
0x6: {  	_ = 	snop  }
0x7: {  	_ = 	snop  }
__scs_overlays_trampoline_lowered:
0x8: {  	[smem:$0x3FA2] =	sst s0  }
0x9: {  	[smem:$0x3FA3] =	sst s1  }
0xa: {  	[smem:$0x3FA4] =	sst s2  }
0xb: {  	[smem:$0x3FA5] =	sst s3  }
0xc: {  	[smem:$0x3FA6] =	sst s4  }
0xd: {  	[smem:$0x3FA7] =	sst s5  }
0xe: {  	[smem:$0x3FA8] =	sst s6  }
0xf: {  	[smem:$0x3FA9] =	sst s7  }
0x10: {  	[smem:$0x3FAA] =	sst s8  }
0x11: {  	[smem:$0x3FAB] =	sst s9;
	s0 =	simm.s32 @!p0 $0x0  }
0x12: {  	s1 =	sld [smem:$0x3F91];
	s0 =	simm.s32 @p0 $0x1  }
0x13: {  	[smem:$0x3FAC] =	sst s0;
	s0 =	simm.s32 @!p1 $0x0  }
0x14: {  	s2 =	sld [smem:$0x3F90];
	s0 =	simm.s32 @p1 $0x1  }
0x15: {  	[smem:$0x3FAD] =	sst s0;
	s0 =	simm.s32 @!p2 $0x0  }
0x16: {  	s3 =	sld [smem:$0x3FDB];
	s0 =	simm.s32 @p2 $0x1  }
0x17: {  	s4 =	simm.s32 $0x1BF5;
	[smem:$0x3FAF] =	sst s0  }
0x18: {  	s0 =	sld [smem:$0x3F92];
	_ =	swait.ge [sflag:s4], $0x0  }
0x19: {  	s7 =	sld [smem:$0x3F93]  }
0x1a: {  	s8 =	sadd.s32 $0xFFFFE003, lr  }
0x1b: {  	s9 =	sadd.s32 $0xFFFFFEF7, lr;
	s5 =	simm.s32 $0xFFFFFFFF;
	p2 =	slt.u32 s8, $0xFFFFF086  }
0x1c: {  	p1 =	slt.u32 s9, $0xF7A;
	s5 =	simm.s32 @!p2 $0x0  }
0x1d: {  	s5 =	simm.s32 @p1 $0x1;
	p0 =	seq.s32 s7, s2  }
0x1e: {  	s7 =	smul.u32 @!p0 $0xF7A, s2;
	p2 =	seq.s32 @!p0 s5, $0x0  }
0x1f: {  	s9 =	smul.u32 $0xF7A, s1;
	s8 =	simm.s32 @!p0 $0x1BF5;
	p2 =	por !p2, p0  }
0x20: {  	[sflag:s8] =	ssyncset.s32 @!p0 $0xFFFFF086;
	s6 =	sadd.s32 @!p0 s3, s7;
	s7 =	simm.s32 @!p0 $0x108  }
0x21: {  	s3 =	sadd.s32 s3, s9;
	s6 =	sadd.s32 @!p0 $0x88, s6;
	s7 =	simm.s32 @p2 $0x1082  }
0x22: {  	[simem:s7], [sflag:s8] =	dma.local @!p0 [hbm:s6], $0xF7A  }
0x23: {  	s9 =	sor.u32 $0xD0000000, s2;
	s6 =	simm.s32 $0x108;
	_ =	swait.ge @!p0 [sflag:s8], $0x0  }
0x24: {  	s3 =	sadd.s32 $0x88, s3;
	s6 =	simm.s32 @!p1 $0x1082;
	[sflag:s4] =	ssyncset.s32 $0xFFFFF086  }
0x25: {  	[simem:s6], [sflag:s4] =	dma.local [hbm:s3], $0xF7A  }
0x26: {  	[smem:$0x3F93] =	sst s1;
	(tag) =	ssettag s2;
	_ =	strace s9  }
0x27: {  	s1 =	sld [smem:$0x3FA3]  }
0x28: {  	s2 =	sld [smem:$0x3FA4]  }
0x29: {  	s4 =	sld [smem:$0x3FA6]  }
0x2a: {  	p0 =	seq.s32 s5, $0x0;
	s5 =	sld [smem:$0x3FA7]  }
0x2b: {  	s6 =	sld [smem:$0x3FA8]  }
0x2c: {  	s7 =	sld [smem:$0x3FA9]  }
0x2d: {  	s3 =	simm.s32 $0x108;
	s8 =	sld [smem:$0x3FAA]  }
0x2e: {  	s3 =	simm.s32 @!p0 $0x1082;
	s9 =	sld [smem:$0x3FAB]  }
0x2f: {  	lr =	sadd.s32 s0, s3;
	s0 =	sld [smem:$0x3FA2]  }
0x30: {  	s3 =	sld [smem:$0x3FA5]  }
0x31: {  	[smem:$0x3FAE] =	sst s10  }
0x32: {  	s10 =	sld [smem:$0x3FAC];
	_ =	sdelay $0x3  }
0x33: {  	p0 =	seq.s32 s10, $0x1;
	s10 =	sld [smem:$0x3FAE];
	_ =	sdelay $0x3  }
0x34: {  	[smem:$0x3FAE] =	sst s10  }
0x35: {  	s10 =	sld [smem:$0x3FAD];
	_ =	sdelay $0x3  }
0x36: {  	p1 =	seq.s32 s10, $0x1;
	s10 =	sld [smem:$0x3FAE];
	_ =	sdelay $0x3  }
0x37: {  	[smem:$0x3FAE] =	sst s10  }
0x38: {  	s10 =	sld [smem:$0x3FAF]  }
0x39: {  	_ = 	snop;
	(pc) =	sbr.ind lr, $3  }
0x3a: {  	_ = 	snop  }
0x3b: {  	_ = 	snop  }
0x3c: {  	p2 =	seq.s32 s10, $0x1;
	s10 =	sld [smem:$0x3FAE]  }
0x3d: {  	_ =	shalt  }
0x3e: {  	_ =	shalt  }
0x3f: {  	_ =	shalt  }
0x40: {  	_ =	shalt  }
0x41: {  	_ =	shalt  }
0x42: {  	_ =	shalt  }
0x43: {  	_ =	shalt  }
0x44: {  	_ =	shalt  }
0x45: {  	_ =	shalt  }
0x46: {  	_ =	shalt  }
0x47: {  	_ =	shalt  }
0x48: {  	_ =	shalt  }
0x49: {  	_ =	shalt  }
0x4a: {  	_ =	shalt  }
0x4b: {  	_ =	shalt  }
0x4c: {  	_ =	shalt  }
0x4d: {  	_ =	shalt  }
0x4e: {  	_ =	shalt  }
0x4f: {  	_ =	shalt  }
0x50: {  	_ =	shalt  }
0x51: {  	_ =	shalt  }
0x52: {  	_ =	shalt  }
0x53: {  	_ =	shalt  }
0x54: {  	_ =	shalt  }
0x55: {  	_ =	shalt  }
0x56: {  	_ =	shalt  }
0x57: {  	_ =	shalt  }
0x58: {  	_ =	shalt  }
0x59: {  	_ =	shalt  }
0x5a: {  	_ =	shalt  }
0x5b: {  	_ =	shalt  }
0x5c: {  	_ =	shalt  }
0x5d: {  	_ =	shalt  }
0x5e: {  	_ =	shalt  }
0x5f: {  	_ =	shalt  }
0x60: {  	_ =	shalt  }
0x61: {  	_ =	shalt  }
0x62: {  	_ =	shalt  }
0x63: {  	_ =	shalt  }
0x64: {  	_ =	shalt  }
0x65: {  	_ =	shalt  }
0x66: {  	_ =	shalt  }
0x67: {  	_ =	shalt  }
0x68: {  	_ =	shalt  }
0x69: {  	_ =	shalt  }
0x6a: {  	_ =	shalt  }
0x6b: {  	_ =	shalt  }
0x6c: {  	_ =	shalt  }
0x6d: {  	_ =	shalt  }
0x6e: {  	_ =	shalt  }
0x6f: {  	_ =	shalt  }
0x70: {  	_ =	shalt  }
0x71: {  	_ =	shalt  }
0x72: {  	_ =	shalt  }
0x73: {  	_ =	shalt  }
0x74: {  	_ =	shalt  }
0x75: {  	_ =	shalt  }
0x76: {  	_ =	shalt  }
0x77: {  	_ =	shalt  }
0x78: {  	_ =	shalt  }
0x79: {  	_ =	shalt  }
0x7a: {  	_ =	shalt  }
0x7b: {  	_ =	shalt  }
0x7c: {  	_ =	shalt  }
0x7d: {  	_ =	shalt  }
0x7e: {  	_ =	shalt  }
0x7f: {  	_ =	shalt  }
0x80: {  	_ =	shalt  }
0x81: {  	_ =	shalt  }
0x82: {  	_ =	shalt  }
0x83: {  	_ =	shalt  }
0x84: {  	_ =	shalt  }
0x85: {  	_ =	shalt  }
0x86: {  	_ =	shalt  }
0x87: {  	_ =	shalt  }
.Lfunc_end0:
.L_simem_size_0:
called_computation.1_lowered:
.L_overlay_start_0:
0x88: {  	s2 =	sld [smem:$0x3FD9]  }
0x89: {  	s3 =	sld [smem:$0x3FFE];
	_ =	sdelay $0x1  }
0x8a: {  	s1 =	srdreg.scid  }
0x8b: {  	s0 =	sand.u32 $0x1, s1  }
0x8c: {  	s14 =	sshll.u32 s0, $0xA;
	s2 =	sadd.s32 s3, s2  }
0x8d: {  	s2 =	sadd.s32 s2, s14  }
0x8e: {  	[smem:$0x3FBA] =	sst s2  }
0x8f: {  	_ = 	snop  }
0x90: {  	s2 =	sld [smem:$0x3FD0];
	_ =	sdelay $0x2  }
0x91: {  	s4 =	simm.s32 $0xA;
	s5 =	simm.s32 $0x10;
	s15 =	sld [smem:$0x3FC7]  }
0x92: {  	[smem:s5], [sflag:s4] =	dma.local [hbm:s2], $0x1  }
0x93: {  	_ =	swait.eq [sflag:s4], $0x1  }
0x94: {  	[sflag:s4] =	ssyncset.done $0x0  }
0x95: {  	s16 =	sld [smem:$0x10];
	[sflag:s4] =	ssyncadd.s32 $0xFFFFFFFF  }
0x96: {  	s17 =	sld [smem:$0x11];
	(tm) =	ssettm $0x1  }
0x97: {  	s18 =	sld [smem:$0x3FFB];
	_ =	sdelay $0x3  }
0x98: {  	_ =	strace s18  }
0x99: {  	s5 =	sld [smem:$0x3FFC];
	_ =	sdelay $0x3  }
0x9a: {  	_ =	strace s5  }
0x9b: {  	s5 =	sld [smem:$0x3FFD];
	_ =	sdelay $0x3  }
0x9c: {  	_ =	strace s5  }
0x9d: {  	_ =	strace $0x8FFFFFFF  }
0x9e: {  	s19 =	sld [smem:$0x3FDB];
	_ =	sdelay $0x1  }
0x9f: {  	s6 =	simm.s32 $_scs_section_size  }
0xa0: {  	s7 =	simm.s32 $_size__tile_overlayer_lowered;
	s8 =	simm.s32 $_tile_overlayer_lowered  }
0xa1: {  	s22 =	simm.s32 $0x1BFF;
	s21 =	sshll.u32 s8, $0x1;
	s5 =	sadd.s32 s6, s19  }
0xa2: {  	s9 =	simm.s32 $0x0;
	s20 =	sshll.u32 s7, $0x1;
	s7 =	sadd.s32 s21, s5  }
0xa3: {  	[timem:s9], [sflag:s22] =	dma.local [hbm:s7], s20  }
0xa4: {  	_ =	swait.ge [sflag:s22], s20  }
0xa5: {  	s6 =	ssub.s32 $0x0, s20;
	[sflag:s22] =	ssyncset.done $0x0  }
0xa6: {  	[sflag:s22] =	ssyncadd.s32 s6;
	_ =	sdelay $0x1  }
0xa7: {  	s23 =	simm.s32 $0x1B8B  }
0xa8: {  	_ =	swait.ge [sflag:s23], $0x1  }
0xa9: {  	[sflag:s23] =	ssyncset.done $0x0  }
0xaa: {  	s25 =	simm.s32 $0x1B8E;
	s24 =	sld [smem:$0x3FFE];
	[sflag:s23] =	ssyncadd.s32 $0xFFFFFFFF  }
0xab: {  	s26 =	simm.s32 $execute0_lowered;
	[smem:$0x3FD2] =	sst s25  }
0xac: {  	s7 =	sshll.u32 s26, $0x1;
	_ =	strace $0x80000049;
	[dreg:$0x1] =	wrdreg $0xFFFFFFFF  }
0xad: {  	s28 =	simm.s32 $_size_execute0_lowered;
	s5 =	sadd.s32 s5, s7;
	[dreg:$0x0] =	wrdreg $0x0  }
0xae: {  	s7 =	sshll.u32 s28, $0x1;
	[dreg:$0x2] =	wrdreg s5  }
0xaf: {  	[dreg:$0x3] =	wrdreg s7  }
0xb0: {  	[dreg:$0x4] =	wrdreg $0xC0  }
0xb1: {  	_ =	task [dreg:s9], $0x5FFFF  }
0xb2: {  	[dreg:$0x1] =	wrdreg $0xFFFFFFFF  }
0xb3: {  	[dreg:$0x0] =	wrdreg $0x60  }
0xb4: {  	[dreg:$0x2] =	wrdreg s17  }
0xb5: {  	[dreg:$0x3] =	wrdreg s16  }
0xb6: {  	[dreg:$0x4] =	wrdreg s24  }
0xb7: {  	[dreg:$0x5] =	wrdreg s15  }
0xb8: {  	[dreg:$0x6] =	wrdreg $0x149000  }
0xb9: {  	[dreg:$0x7] =	wrdreg $0x199000  }
0xba: {  	[dreg:$0x8] =	wrdreg $0x9  }
0xbb: {  	_ =	task.clear_ibuf [dreg:s9], $0x9FFFF;
	_ =	strace $0x90000049  }
0xbc: {  	s29 =	simm.s32 $0x9;
	_ =	strace $0x8000004B  }
0xbd: {  	_ =	swait.ge [sflag:s29], $0x1  }
0xbe: {  	[sflag:s29] =	ssyncadd.s32 $0xFFFFFFFF  }
0xbf: {  	_ =	strace $0x9000004B  }
0xc0: {  	_ =	sfence  }
0xc1: {  	s30 =	sld [smem:$0x0];
	_ =	sdelay $0x2  }
0xc2: {  	s31 =	sshll.u32 s1, $0xD;
	s1 =	sshrl.u32 s1, $0x2  }
0xc3: {  	s3 =	sand.u32 $0x4000, s31;
	s1 =	sadd.s32 s1, s30  }
0xc4: {  	s0 =	sor.u32 s3, s0;
	s1 =	sshll.u32 s1, $0x11  }
0xc5: {  	s0 =	sor.u32 s1, s0  }
0xc6: {  	s0 =	sadd.s32 $0x8F2B, s0  }
0xc7: {  	[sflag:s0] =	ssyncadd.remote.s32 $0x1  }
0xc8: {  	_ =	sfence.sel $0xFFFF  }
0xc9: {  	[dreg:$0x0] =	wrdreg $0xFFFFFFFF;
	(pc) =	sbr.abs _section_cstart, $3  }
0xca: {  	[dreg:$0x1] =	wrdreg $0xFFFFFFFF  }
0xcb: {  	_ =	task.clear_ibuf [dreg:s9], $0x2FFFF;
	_ =	strace $0x9FFFFFFF  }
0xcc: {  	(tm) =	ssettm $0x7FFFFFFF  }
0xcd: {  	_ =	shalt  }
tec
execute0_lowered:
.L_overlay_start_1:
0x0: {  	(tag) =	ssettag $0x1  }
0x1: {  	s0 =	rddreg [dreg:$0x0]  }
0x2: {  	s1 =	rddreg [dreg:$0x1]  }
0x3: {  	s2 =	rddreg [dreg:$0x2]  }
0x4: {  	s3 =	rddreg [dreg:$0x4]  }
0x5: {  	s14 =	rddreg [dreg:$0x5]  }
0x6: {  	s13 =	stileid.u32;
	s6 =	srdreg.scid;
	s5 =	simm.s32 $0x0  }
0x7: {  	s28 =	simm.s32 $0x9300;
	s29 =	simm.s32 $0x80;
	s30 =	simm.s32 $0xE300  }
0x8: {  	s31 =	simm.s32 $0xBB00;
	s4 =	smul.u32 $0x5000, s13;
	s6 =	sand.u32 $0x1, s6  }
0x9: {  	[smem:$0x7FF] =	sst s5;
	s9 =	sadd.s32 $0x4800, s2;
	s20 =	sshll.u32 s13, $0x6  }
0xa: {  	s24 =	sshll.u32 s13, $0x9;
	s12 =	smul.u32 $0x3100, s13;
	s25 =	sshll.u32 s13, $0xA  }
0xb: {  	s8 =	smul.u32 $0x50000, s6;
	_ =	strace $0x8000004A;
	[dreg:$0x7] =	wrdreg s9  }
0xc: {  	s17 =	ssub.s32 $0x2, s6;
	s11 =	sshll.u32 s6, $0x4;
	s22 =	smul.u32 $0x31000, s6  }
0xd: {  	s7 =	sshrl.u32 s4, $0x3;
	s10 =	sshrl.u32 s17, $0x1;
	s18 =	sor.u32 s13, s11  }
0xe: {  	s19 =	sadd.s32 s4, s3;
	s7 =	sadd.s32 s7, s2;
	s8 =	sadd.s32 s4, s8  }
0xf: {  	s9 =	ssub.s32 s17, s10;
	s21 =	smul.u32 $0x3100, s18;
	s10 =	sadd.s32 s1, s24  }
0x10: {  	s4 =	sadd.s32 s12, s22;
	s17 =	sshrl.u32 s19, $0x3;
	s18 =	simm.s32 $0x3  }
0x11: {  	s24 =	simm.s32 $0xF400;
	s19 =	simm.s32 $0x0;
	s8 =	sshrl.u32 s8, $0x3  }
0x12: {  	v7 =	vlaneseq.u32;
	s7 =	sadd.s32 $0x4A00, s7;
	s1 =	sadd.s32 $0x2000, s10;
	s15 =	smax.u32 s9, $0x1  }
0x13: {  	v0 =	vmul.u32 $0x50, v7;
	s22 =	sor.u32 $0x80, s4;
	s2 =	sadd.s32 s8, s2;
	[dreg:$0x8] =	wrdreg s7  }
0x14: {  	s8 =	sor.u32 $0x1C03, s20;
	s23 =	sshrl.u32 s21, $0x3;
	[dreg:$0xa] =	wrdreg s1  }
0x15: {  	v25 =	vadd.s32 $0x40, v0;
	s1 =	simm.s32 $0xE380;
	s0 =	sadd.s32 s0, s23;
	s26 =	sadd.s32 $0xEA00, s2  }
0x16: {  	v28 =	vadd.s32 $0x41, v0;
	[tilespmem:$0x1FFD0] =	vst v25;
	s23 =	simm.s32 $0xE400;
	s2 =	simm.s32 $0x2;
	[dreg:$0x9] =	wrdreg s0  }
0x17: {  	v36 =	vadd.s32 $0x42, v0;
	[tilespmem:$0x1FFE0] =	vst v28;
	s0 =	sadd.s32 s25, s14;
	[dreg:$0xc] =	wrdreg s26;
	s25 =	simm.s32 $0x10400  }
0x18: {  	v21 =	vimm.f32 $0.0e+00;
	[tilespmem:$0x1FFF0] =	vst v36;
	s26 =	simm.s32 $0x10800;
	[dreg:$0xb] =	wrdreg s0;
	s0 =	simm.s32 $0x1  }
.LBB2_1:
0x19: {  	s6 =	rddreg [dreg:$0x8]  }
0x1a: {  	[spmem:s17], [sflag:s8] =	dma.local [hbm:s6], $0xA00  }
0x1b: {  	_ =	swait.ge [sflag:s18], $0xA00  }
0x1c: {  	s7 =	simm.s32 $0x3100;
	[sflag:s18] =	ssyncset.done $0x0  }
0x1d: {  	s9 =	simm.s32 $0x62000;
	s11 =	rddreg [dreg:$0x9];
	[sflag:s18] =	ssyncadd.s32 $0xFFFFF600  }
0x1e: {  	[tilespmem:s5], [sflag:$0x3] =	stream.strided.gather [hbm4b:s11+s7], $0x9300, s9, s7, $0x38;
	[tilespmem:$0x19D00] =	vst v63  }
0x1f: {  	_ =	swait.ge [sflag:s18], $0x9300  }
0x20: {  	[sflag:s18] =	ssyncset.done $0x0  }
0x21: {  	s13 =	simm.s32 $0x14800;
	s12 =	rddreg [dreg:$0x7];
	[sflag:s18] =	ssyncadd.s32 $0xFFFF6D00  }
0x22: {  	[tilespmem:s13], [sflag:$0x3] =	stream.linear.gather [hbm4b:s12+s5], $0xC0, $0x38;
	[tilespmem:$0x19D00] =	vst v63  }
0x23: {  	_ =	swait.ge [sflag:s18], $0xC0  }
0x24: {  	[sflag:s18] =	ssyncset.done $0x0  }
0x25: {  	[sflag:s18] =	ssyncadd.s32 $0xFFFFFF40  }
0x26: {  	s16 =	simm.s32 $0x148C0;
	s14 =	rddreg [dreg:$0x3]  }
0x27: {  	[tilespmem:s16], [sflag:$0x3] =	stream.linear.gather [hbm4b:s14+s5], $0x40, $0x38;
	[tilespmem:$0x19D00] =	vst v63  }
0x28: {  	_ =	swait.ge [sflag:s18], $0x40  }
0x29: {  	[sflag:s18] =	ssyncset.done $0x0  }
0x2a: {  	[sflag:s18] =	ssyncadd.s32 $0xFFFFFFC0  }
0x2b: {  	[tilespmem:s23], [sflag:$0x3] =	stream.linear.gather [hbm4b:s10+s5], $0x1000, $0x38;
	[tilespmem:$0x19D00] =	vst v63  }
0x2c: {  	_ =	swait.ge [sflag:s18], $0x1000  }
0x2d: {  	v2 =	vor.u32 s5, v7;
	[sflag:s18] =	ssyncset.done $0x0  }
0x2e: {  	v4 =	vshll.u32 v2, $0x4;
	s20 =	rddreg [dreg:$0xa];
	[sflag:s18] =	ssyncadd.s32 $0xFFFFF000  }
0x2f: {  	[tilespmem:s24], [sflag:$0x3] =	stream.linear.gather [hbm4b:s20+s5], $0x1000, $0x38;
	[tilespmem:$0x19D00] =	vst v63  }
0x30: {  	_ =	swait.ge [sflag:s18], $0x1000  }
0x31: {  	[sflag:s18] =	ssyncset.done $0x0  }
0x32: {  	[sflag:s18] =	ssyncadd.s32 $0xFFFFF000  }
0x33: {  	v0 =	vld.idx.msk [tilespmem:v4+s23+$0x0], $0xffff  }
0x34: {  	v3 =	vld.idx.msk [tilespmem:v4+s24+$0x0], $0xffff;
	_ =	sdelay $0x4  }
0x35: {  	v5 =	vor.u32 $0x1, v4;
	v0 =	vadd.f32 v3, v0;
	_ =	sdelay $0x1  }
0x36: {  	v3 =	vmax.f32 v0, $1.000000000e+00  }
0x37: {  	(erf) = vrcp.f32 v3;
	_ =	sdelay $0x1  }
0x38: {  	v3 =	vld.idx.msk [tilespmem:v5+s23+$0x0], $0xffff  }
0x39: {  	v5 =	vld.idx.msk [tilespmem:v5+s24+$0x0], $0xffff;
	_ =	sdelay $0x3  }
0x3a: {  	v2 =	vshll.u32 v2, $0x2  }
0x3b: {  	v6 =	vor.u32 $0x2, v4;
	v5 =	vadd.f32 v5, v3  }
0x3c: {  	v3 =	vpop (erf)  }
0x3d: {  	v5 =	vmul.f32 v3, v5;
	_ =	sdelay $0x1  }
0x3e: {  	[tilespmem:v2+s25+$0x0] =	vst.idx.msk $0xffff, v5  }
0x3f: {  	v5 =	vld.idx.msk [tilespmem:v6+s23+$0x0], $0xffff  }
0x40: {  	v6 =	vld.idx.msk [tilespmem:v6+s24+$0x0], $0xffff;
	_ =	sdelay $0x3  }
0x41: {  	v7 =	vor.u32 $0x1, v2  }
0x42: {  	v4 =	vor.u32 $0x3, v4;
	v5 =	vadd.f32 v6, v5;
	_ =	sdelay $0x1  }
0x43: {  	v5 =	vmul.f32 v5, v3;
	_ =	sdelay $0x1  }
0x44: {  	[tilespmem:v7+s25+$0x0] =	vst.idx.msk $0xffff, v5  }
0x45: {  	v6 =	vld.idx.msk [tilespmem:v4+s23+$0x0], $0xffff  }
0x46: {  	v7 =	vld.idx.msk [tilespmem:v4+s24+$0x0], $0xffff;
	_ =	sdelay $0x3  }
0x47: {  	v1 =	vlaneseq.u32;
	s21 =	simm.s32 $0x10;
	v5 =	vor.u32 $0x2, v2  }
0x48: {  	v4 =	vor.u32 s21, v1;
	v7 =	vadd.f32 v7, v6;
	v6 =	vor.u32 $0x3, v2  }
0x49: {  	s6 =	simm.s32 $0x20;
	v2 =	vshll.u32 v4, $0x4  }
.LBB2_2:
0x4a: {  	p0 =	sne.s32 s6, $0xF0;
	v3 =	vmul.f32 v7, v3;
	s7 =	smov.u32 s6;
	s6 =	sadd.s32 $0x10, s6  }
0x4b: {  	_ = 	snop  }
0x4c: {  	[tilespmem:v5+s25+$0x0] =	vst.idx.msk $0xffff, v3  }
0x4d: {  	[tilespmem:v6+s25+$0x0] =	vst.idx.msk $0xffff, v0  }
0x4e: {  	v0 =	vld.idx.msk [tilespmem:v2+s23+$0x0], $0xffff  }
0x4f: {  	v3 =	vld.idx.msk [tilespmem:v2+s24+$0x0], $0xffff;
	_ =	sdelay $0x4  }
0x50: {  	v5 =	vor.u32 $0x1, v2  }
0x51: {  	v0 =	vadd.f32 v3, v0;
	_ =	sdelay $0x1  }
0x52: {  	v3 =	vmax.f32 v0, $1.000000000e+00  }
0x53: {  	(erf) = vrcp.f32 v3  }
0x54: {  	v3 =	vld.idx.msk [tilespmem:v5+s23+$0x0], $0xffff  }
0x55: {  	v5 =	vld.idx.msk [tilespmem:v5+s24+$0x0], $0xffff;
	_ =	sdelay $0x4  }
0x56: {  	v6 =	vshll.u32 v4, $0x2  }
0x57: {  	v4 =	vadd.f32 v5, v3;
	v5 =	vor.u32 $0x2, v2  }
0x58: {  	v3 =	vpop (erf)  }
0x59: {  	v4 =	vmul.f32 v3, v4;
	_ =	sdelay $0x1  }
0x5a: {  	[tilespmem:v6+s25+$0x0] =	vst.idx.msk $0xffff, v4  }
0x5b: {  	v4 =	vld.idx.msk [tilespmem:v5+s23+$0x0], $0xffff  }
0x5c: {  	v5 =	vld.idx.msk [tilespmem:v5+s24+$0x0], $0xffff;
	_ =	sdelay $0x4  }
0x5d: {  	v7 =	vor.u32 $0x1, v6  }
0x5e: {  	v2 =	vor.u32 $0x3, v2;
	v4 =	vadd.f32 v5, v4;
	_ =	sdelay $0x1  }
0x5f: {  	v4 =	vmul.f32 v4, v3;
	_ =	sdelay $0x1  }
0x60: {  	[tilespmem:v7+s25+$0x0] =	vst.idx.msk $0xffff, v4  }
0x61: {  	v7 =	vld.idx.msk [tilespmem:v2+s23+$0x0], $0xffff  }
0x62: {  	v2 =	vld.idx.msk [tilespmem:v2+s24+$0x0], $0xffff;
	_ =	sdelay $0x2  }
.Ltmp0:
0x63: {  	(pc) =	sbr.rel @p0 .LBB2_2-.Ltmp0, $4  }
0x64: {  	_ = 	snop  }
0x65: {  	v5 =	vor.u32 $0x2, v6  }
0x66: {  	v6 =	vor.u32 $0x3, v6;
	v4 =	vor.u32 s7, v1;
	v7 =	vadd.f32 v2, v7  }
0x67: {  	v2 =	vshll.u32 v4, $0x4  }
0x68: {  	_ =	sdelay $0x1  }
0x69: {  	v3 =	vmul.f32 v7, v3;
	_ =	sdelay $0x1  }
0x6a: {  	[tilespmem:v5+s25+$0x0] =	vst.idx.msk $0xffff, v3  }
0x6b: {  	[tilespmem:v6+s25+$0x0] =	vst.idx.msk $0xffff, v0  }
0x6c: {  	v0 =	vld.idx.msk [tilespmem:v2+s23+$0x0], $0xffff  }
0x6d: {  	v3 =	vld.idx.msk [tilespmem:v2+s24+$0x0], $0xffff;
	_ =	sdelay $0x4  }
0x6e: {  	v56 =	vor.u32 $0x1, v2;
	v0 =	vadd.f32 v3, v0;
	_ =	sdelay $0x1  }
0x6f: {  	v3 =	vmax.f32 v0, $1.000000000e+00  }
0x70: {  	(erf) = vrcp.f32 v3;
	_ =	sdelay $0x1  }
0x71: {  	v57 =	vld.idx.msk [tilespmem:v56+s23+$0x0], $0xffff  }
0x72: {  	v5 =	vld.idx.msk [tilespmem:v56+s24+$0x0], $0xffff;
	_ =	sdelay $0x3  }
0x73: {  	v4 =	vshll.u32 v4, $0x2  }
0x74: {  	v58 =	vor.u32 $0x2, v2;
	v3 =	vadd.f32 v5, v57  }
0x75: {  	v59 =	vpop (erf)  }
0x76: {  	v3 =	vmul.f32 v59, v3;
	_ =	sdelay $0x1  }
0x77: {  	[tilespmem:v4+s25+$0x0] =	vst.idx.msk $0xffff, v3  }
0x78: {  	v3 =	vld.idx.msk [tilespmem:v58+s23+$0x0], $0xffff  }
0x79: {  	v5 =	vld.idx.msk [tilespmem:v58+s24+$0x0], $0xffff;
	_ =	sdelay $0x3  }
0x7a: {  	v60 =	vor.u32 $0x1, v4  }
0x7b: {  	v61 =	vor.u32 $0x3, v2;
	v3 =	vadd.f32 v5, v3;
	_ =	sdelay $0x1  }
0x7c: {  	v3 =	vmul.f32 v3, v59;
	_ =	sdelay $0x1  }
0x7d: {  	[tilespmem:v60+s25+$0x0] =	vst.idx.msk $0xffff, v3  }
0x7e: {  	v3 =	vld.idx.msk [tilespmem:v61+s23+$0x0], $0xffff  }
0x7f: {  	v2 =	vld.idx.msk [tilespmem:v61+s24+$0x0], $0xffff;
	_ =	sdelay $0x3  }
0x80: {  	v62 =	vor.u32 $0x2, v4  }
0x81: {  	v63 =	vor.u32 $0x3, v4;
	v2 =	vadd.f32 v2, v3;
	_ =	sdelay $0x1  }
0x82: {  	v2 =	vmul.f32 v2, v59;
	_ =	sdelay $0x1  }
0x83: {  	[tilespmem:v62+s25+$0x0] =	vst.idx.msk $0xffff, v2  }
0x84: {  	s6 =	rddreg [dreg:$0xb];
	[tilespmem:v63+s25+$0x0] =	vst.idx.msk $0xffff, v0  }
0x85: {  	[spmem:s6] =	stream.linear.scatter [tilespmem:s25], [sflag:$0x3], $0x400, $0x38;
	[tilespmem:$0x19D00] =	vst v63  }
0x86: {  	_ =	swait.ge [sflag:s18], $0x400  }
0x87: {  	[sflag:s18] =	ssyncset.done $0x0  }
0x88: {  	[sflag:s18] =	ssyncadd.s32 $0xFFFFFC00  }
0x89: {  	[bflag:$0x0] =	sbarrier.arrive $0xFFFF  }
0x8a: {  	s21 =	rddreg [dreg:$0x5]  }
0x8b: {  	[tilespmem:s26], [sflag:$0x3] =	stream.linear.gather [spmem:s21], $0x4000, $0x38;
	[tilespmem:$0x19D00] =	vst v63  }
0x8c: {  	_ =	swait.ge [sflag:s18], $0x4000  }
0x8d: {  	[sflag:s18] =	ssyncset.done $0x0  }
0x8e: {  	[sflag:s18] =	ssyncadd.s32 $0xFFFFC000  }
0x8f: {  	v29 =	vld [tilespmem:$0x14800]  }
0x90: {  	v30 =	vld [tilespmem:$0x14810]  }
0x91: {  	v33 =	vld [tilespmem:$0x14820]  }
0x92: {  	v37 =	vld [tilespmem:$0x14830]  }
0x93: {  	v31 =	vld [tilespmem:$0x14840]  }
0x94: {  	v10 =	vld [tilespmem:$0x14850]  }
0x95: {  	v11 =	vld [tilespmem:$0x14860]  }
0x96: {  	v12 =	vld [tilespmem:$0x14870]  }
0x97: {  	v13 =	vld [tilespmem:$0x14880]  }
0x98: {  	v14 =	vld [tilespmem:$0x14890]  }
0x99: {  	v15 =	vld [tilespmem:$0x148A0]  }
0x9a: {  	v16 =	vld [tilespmem:$0x148B0]  }
0x9b: {  	v17 =	vld [tilespmem:$0x148C0]  }
0x9c: {  	v18 =	vld [tilespmem:$0x148D0]  }
0x9d: {  	v19 =	vld [tilespmem:$0x148E0]  }
0x9e: {  	s20 =	simm.s32 $0x0;
	s7 =	simm.s32 $0x140;
	s6 =	simm.s32 $0x0;
	v20 =	vld [tilespmem:$0x148F0]  }
.LBB2_4:
0x9f: {  	p0 =	sne.s32 s7, $0x9EC0;
	[tilespmem:s6+$0xBB40] =	vst v21  }
0xa0: {  	[tilespmem:s6+$0x9300] =	vst v21  }
0xa1: {  	[tilespmem:s6+$0xBB00] =	vst v21  }
0xa2: {  	[tilespmem:s6+$0x9310] =	vst v21  }
0xa3: {  	[tilespmem:s6+$0xBB10] =	vst v21  }
.Ltmp1:
0xa4: {  	[tilespmem:s6+$0x9320] =	vst v21;
	(pc) =	sbr.rel @p0 .LBB2_4-.Ltmp1, $4  }
0xa5: {  	[tilespmem:s6+$0xBB20] =	vst v21  }
0xa6: {  	[tilespmem:s6+$0x9330] =	vst v21  }
0xa7: {  	[tilespmem:s6+$0xBB30] =	vst v21  }
0xa8: {  	[tilespmem:s6+$0x9340] =	vst v21;
	s6 =	sshra.s32 s7, $0x2;
	s7 =	sadd.s32 $0x140, s7  }
0xa9: {  	[tilespmem:s6+$0xBB40] =	vst v21  }
0xaa: {  	[tilespmem:s6+$0x9300] =	vst v21  }
0xab: {  	[tilespmem:s6+$0xBB00] =	vst v21  }
0xac: {  	[tilespmem:s6+$0x9310] =	vst v21  }
0xad: {  	[tilespmem:s6+$0xBB10] =	vst v21  }
0xae: {  	[tilespmem:s6+$0x9320] =	vst v21  }
0xaf: {  	[tilespmem:s6+$0xBB20] =	vst v21  }
0xb0: {  	[tilespmem:s6+$0x9330] =	vst v21  }
0xb1: {  	[tilespmem:s6+$0xBB30] =	vst v21;
	s12 =	simm.s32 $0x6200  }
0xb2: {  	[tilespmem:s6+$0x9340] =	vst v21;
	s16 =	smov.u32 s22;
	s13 =	smov.u32 s4;
	s6 =	simm.s32 $0x0;
	v7 =	vlaneseq.u32  }
.LBB2_6:
0xb3: {  	p0 =	seq.s32 s6, $0x0  }
0xb4: {  	s7 =	simm.s32 @!p0 $0x1  }
0xb5: {  	_ =	swait.ge @!p0 [sflag:s7], $0x2800  }
0xb6: {  	s9 =	simm.s32 $0x9580;
	s11 =	simm.s32 $0xE300;
	[sflag:s7] =	ssyncset.done @!p0 $0x0  }
0xb7: {  	s21 =	smov.u32 s12;
	[sflag:s7] =	ssyncadd.s32 @!p0 $0xFFFFD800;
	s7 =	simm.s32 $0x0  }
.LBB2_7:
0xb8: {  	v0 =	vld [tilespmem:s21+$0xFFFF9E00]  }
0xb9: {  	v2 =	vld [tilespmem:s21+$0xFFFFCF00]  }
0xba: {  	v3 =	vld [tilespmem:s21+$0x0];
	s14 =	sadd.s32 s7, s13  }
0xbb: {  	v21 =	vor.u32 s14, v7  }
0xbc: {  	v21 =	vcvt.s32.f32 v21  }
0xbd: {  	v4 =	vmul.f32 $1.000000000e+01, v0  }
0xbe: {  	v21 =	vmul.f32 $9.999999740e-06, v21;
	v22 =	vmul.f32 $1.000000000e+01, v2  }
0xbf: {  	v23 =	vmul.f32 $1.000000000e+01, v3;
	v4 =	vtrunc.f32 v4  }
0xc0: {  	v22 =	vtrunc.f32 v22;
	v4 =	vcvt.f32.s32 v4  }
0xc1: {  	v22 =	vcvt.f32.s32 v22  }
0xc2: {  	v21 =	vtrunc.f32 v21;
	v23 =	vtrunc.f32 v23;
	vm0 =	vgt.s32 v4, $0x0  }
0xc3: {  	v21 =	vcvt.f32.s32 v21;
	vm14 =	vgt.s32 v22, $0x0;
	v4 =	vnsel vm0, $0x0, v4  }
0xc4: {  	v23 =	vcvt.f32.s32 v23;
	v22 =	vnsel vm14, $0x0, v22;
	v4 =	vmin.u32 v4, $0x9  }
0xc5: {  	v21 =	vmul.u32 $0x3E8, v21;
	v22 =	vmin.u32 v22, $0x9;
	v4 =	vmul.u32 $0x64, v4  }
0xc6: {  	vm15 =	vgt.s32 v23, $0x0;
	v22 =	vmul.u32 $0xA, v22  }
0xc7: {  	v23 =	vnsel vm15, $0x0, v23;
	v4 =	vadd.s32 v21, v4  }
0xc8: {  	v21 =	vmin.u32 v23, $0x9;
	v4 =	vadd.s32 v22, v4  }
0xc9: {  	v4 =	vadd.s32 v21, v4  }
0xca: {  	v21 =	vshll.u32 v4, $0x2  }
0xcb: {  	v22 =	vor.u32 $0x1, v21;
	_ =	sdelay $0x2  }
0xcc: {  	[tilespmem:s11+$0x0] =	vst v4  }
0xcd: {  	v4 =	vld.idx.msk [tilespmem:v21+s26+$0x0], $0xffff  }
0xce: {  	v22 =	vld.idx.msk [tilespmem:v22+s26+$0x0], $0xffff  }
0xcf: {  	v21 =	vor.u32 $0x2, v21;
	_ =	sdelay $0x2  }
0xd0: {  	v23 =	vsub.f32 v0, v4;
	v4 =	vmov s7  }
0xd1: {  	v22 =	vsub.f32 v2, v22;
	v4 =	vmul.u32 $0x50, v4  }
0xd2: {  	v44 =	vld.idx.msk [tilespmem:v21+s26+$0x0], $0xffff;
	v45 =	vbroadcast v23, $0x0;
	v39 =	vbroadcast v23, $0x2  }
0xd3: {  	v27 =	vbroadcast v22, $0x0;
	v46 =	vbroadcast v4, $0x0  }
0xd4: {  	v1 =	vand.u32 $0x7FFFFFFF, v23;
	v59 =	vbroadcast v22, $0x1;
	v40 =	vbroadcast v22, $0x2  }
0xd5: {  	[tilespmem:$0x1FF40] =	vst v1;
	v1 =	vbroadcast v23, $0x8;
	v24 =	vmul.f32 v45, v29  }
0xd6: {  	v49 =	vand.u32 $0x7FFFFFFF, v22;
	v50 =	vmul.f32 v45, v33;
	v52 =	vmul.f32 v45, v37  }
0xd7: {  	v21 =	vsub.f32 v3, v44;
	v4 =	vmul.f32 v27, v31;
	v26 =	vmul.f32 v27, v10  }
0xd8: {  	v48 =	vadd.s32 v25, v46;
	v35 =	vmul.f32 v27, v11;
	v56 =	vmul.f32 v27, v12  }
0xd9: {  	v8 =	vmovc v33;
	v0 =	vadd.s32 v36, v46;
	v62 =	vmul.f32 v59, v31;
	v38 =	vmul.f32 v59, v10  }
0xda: {  	[tilespmem:$0x1FF60] =	vst v49;
	v49 =	vmul.f32 v59, v11;
	v47 =	vadd.f32 v24, v17;
	v24 =	vmul.f32 v45, v30  }
0xdb: {  	[tilespmem:$0x1FF50] =	vst v48;
	v33 =	vadd.f32 v50, v19;
	v48 =	vmul.f32 v39, v29;
	v50 =	vmul.f32 v40, v31  }
0xdc: {  	[tilespmem:$0x1FF70] =	vst v0;
	v0 =	vadd.f32 v52, v20;
	v32 =	vbroadcast v21, $0x0;
	v63 =	vbroadcast v21, $0x1  }
0xdd: {  	v41 =	vbroadcast v21, $0x2;
	v5 =	vbroadcast v21, $0x8;
	v3 =	vadd.f32 v4, v47  }
0xde: {  	v25 =	vadd.f32 v24, v18;
	v54 =	vadd.f32 v35, v33;
	v35 =	vmul.f32 v59, v12  }
0xdf: {  	v24 =	vadd.s32 v28, v46;
	v4 =	vmul.f32 v32, v13;
	v34 =	vmul.f32 v32, v14  }
0xe0: {  	v0 =	vadd.f32 v56, v0;
	v55 =	vmul.f32 v32, v15;
	v61 =	vmul.f32 v32, v16  }
0xe1: {  	v43 =	vmul.f32 v63, v13;
	v45 =	vmul.f32 v63, v14;
	v3 =	vadd.f32 v4, v3  }
0xe2: {  	v52 =	vmul.f32 v63, v16;
	v42 =	vmul.f32 v41, v13;
	v4 =	vadd.f32 v26, v25  }
0xe3: {  	v0 =	vadd.f32 v61, v0;
	v61 =	vmul.f32 v41, v14;
	v51 =	vmax.f32 v3, $0.0e+00  }
0xe4: {  	v53 =	vadd.f32 v34, v4;
	v4 =	vbroadcast v23, $0x1;
	v3 =	vadd.f32 v55, v54  }
0xe5: {  	v26 =	vmax.f32 v0, $0.0e+00;
	v54 =	vmul.f32 v39, v30;
	[tilespmem:$0x1FF80] =	vst v51;
	v51 =	vmul.f32 v63, v15  }
0xe6: {  	v34 =	vadd.f32 v48, v17;
	v63 =	vbroadcast v23, $0x3;
	v58 =	vmul.f32 v4, v29  }
0xe7: {  	v9 =	vmovc v37;
	v57 =	vmax.f32 v53, $0.0e+00;
	v60 =	vmul.f32 v4, v30;
	v46 =	vmul.f32 v4, v8  }
0xe8: {  	v4 =	vmul.f32 v4, v9;
	v34 =	vadd.f32 v50, v34;
	v56 =	vadd.f32 v54, v18  }
0xe9: {  	v25 =	vmax.f32 v3, $0.0e+00;
	v2 =	vadd.f32 v58, v17;
	v33 =	vadd.f32 v60, v18  }
0xea: {  	[tilespmem:$0x1FF90] =	vst v57;
	v57 =	vmul.f32 v40, v10;
	v0 =	vadd.f32 v46, v19;
	v4 =	vadd.f32 v4, v20  }
0xeb: {  	v60 =	vmul.f32 v39, v8;
	v2 =	vadd.f32 v62, v2;
	v44 =	vadd.f32 v38, v33  }
0xec: {  	v50 =	vmul.f32 v63, v30;
	v0 =	vadd.f32 v49, v0;
	v4 =	vadd.f32 v35, v4  }
0xed: {  	v46 =	vbroadcast v23, $0x4;
	v3 =	vadd.f32 v60, v19;
	v2 =	vadd.f32 v43, v2  }
0xee: {  	v62 =	vmul.f32 v40, v11;
	v47 =	vadd.f32 v45, v44;
	v0 =	vadd.f32 v51, v0  }
0xef: {  	v33 =	vmul.f32 v63, v29;
	v55 =	vadd.f32 v52, v4;
	v4 =	vadd.f32 v42, v34  }
0xf0: {  	v3 =	vadd.f32 v62, v3;
	v43 =	vbroadcast v22, $0x3;
	v34 =	vmul.f32 v41, v15  }
0xf1: {  	v48 =	vadd.f32 v33, v17;
	v45 =	vbroadcast v21, $0x3;
	v42 =	vmul.f32 v63, v9  }
0xf2: {  	v53 =	vmax.f32 v2, $0.0e+00;
	v36 =	vmax.f32 v47, $0.0e+00;
	v35 =	vmax.f32 v0, $0.0e+00  }
0xf3: {  	v59 =	vmax.f32 v4, $0.0e+00;
	v4 =	vmul.f32 v39, v9;
	v44 =	vmul.f32 v43, v31  }
0xf4: {  	v58 =	vmax.f32 v55, $0.0e+00;
	v51 =	vmul.f32 v45, v13;
	v55 =	vmul.f32 v45, v14  }
0xf5: {  	v0 =	vadd.f32 v57, v56;
	v56 =	vmul.f32 v43, v11;
	v47 =	vbroadcast v22, $0x4;
	[tilespmem:$0x1FFA0] =	vst v53  }
0xf6: {  	v49 =	vadd.f32 v34, v3;
	v60 =	vmul.f32 v45, v15;
	[tilespmem:$0x1FFB0] =	vst v58;
	v53 =	vmul.f32 v43, v10  }
0xf7: {  	v57 =	vadd.f32 v42, v20;
	[tilespmem:$0x1FFC0] =	vst v59;
	v58 =	vmul.f32 v43, v12;
	v59 =	vmul.f32 v46, v29  }
0xf8: {  	v0 =	vadd.f32 v61, v0;
	v32 =	vadd.f32 v4, v20;
	v4 =	vmul.f32 v40, v12  }
0xf9: {  	v37 =	vmax.f32 v49, $0.0e+00;
	v61 =	vmul.f32 v45, v16;
	v49 =	vbroadcast v21, $0x4  }
0xfa: {  	v52 =	vadd.f32 v50, v18;
	v33 =	vmul.f32 v47, v10;
	v50 =	vmul.f32 v47, v11  }
0xfb: {  	v3 =	vadd.f32 v58, v57;
	v2 =	vadd.f32 v4, v32;
	v4 =	vmul.f32 v41, v16  }
0xfc: {  	v43 =	vadd.f32 v59, v17;
	v39 =	vmax.f32 v0, $0.0e+00;
	v32 =	vmul.f32 v46, v30  }
0xfd: {  	v34 =	vmul.f32 v49, v14;
	v2 =	vadd.f32 v4, v2;
	v4 =	vadd.f32 v44, v48  }
0xfe: {  	v0 =	vadd.f32 v53, v52;
	v52 =	vbroadcast v22, $0x5;
	v53 =	vbroadcast v21, $0x5  }
0xff: {  	v57 =	vmul.f32 v49, v16;
	v54 =	vadd.f32 v51, v4;
	v4 =	vmul.f32 v63, v8  }
0x100: {  	v3 =	vadd.f32 v61, v3;
	v0 =	vadd.f32 v55, v0;
	v48 =	vmul.f32 v47, v31  }
0x101: {  	v47 =	vmul.f32 v47, v12;
	v58 =	vmul.f32 v53, v13;
	v4 =	vadd.f32 v4, v19  }
0x102: {  	v55 =	vbroadcast v23, $0x6;
	v42 =	vmax.f32 v3, $0.0e+00;
	v40 =	vmax.f32 v2, $0.0e+00  }
0x103: {  	v44 =	vmax.f32 v0, $0.0e+00;
	v63 =	vadd.f32 v48, v43;
	v4 =	vadd.f32 v56, v4  }
0x104: {  	v2 =	vadd.f32 v32, v18;
	v51 =	vbroadcast v23, $0x5;
	v43 =	vmul.f32 v52, v31  }
0x105: {  	v32 =	vmul.f32 v52, v10;
	v62 =	vadd.f32 v60, v4;
	v4 =	vmul.f32 v49, v13  }
0x106: {  	v45 =	vmax.f32 v54, $0.0e+00;
	v2 =	vadd.f32 v33, v2;
	v41 =	vmul.f32 v51, v29  }
0x107: {  	v0 =	vadd.f32 v4, v63;
	v4 =	vmul.f32 v46, v8;
	v46 =	vmul.f32 v46, v9  }
0x108: {  	v54 =	vmul.f32 v49, v15;
	v3 =	vadd.f32 v41, v17;
	v2 =	vadd.f32 v34, v2  }
0x109: {  	v61 =	vmul.f32 v51, v30;
	v4 =	vadd.f32 v4, v19;
	v46 =	vadd.f32 v46, v20  }
0x10a: {  	v33 =	vmul.f32 v53, v14;
	v34 =	vmul.f32 v53, v15;
	v3 =	vadd.f32 v43, v3  }
0x10b: {  	v49 =	vmax.f32 v2, $0.0e+00;
	v4 =	vadd.f32 v50, v4;
	v46 =	vadd.f32 v47, v46  }
0x10c: {  	v38 =	vmax.f32 v62, $0.0e+00;
	v60 =	vadd.f32 v58, v3;
	v63 =	vadd.f32 v61, v18  }
0x10d: {  	v62 =	vmul.f32 v51, v8;
	v59 =	vadd.f32 v54, v4;
	v4 =	vadd.f32 v57, v46  }
0x10e: {  	v51 =	vmul.f32 v51, v9;
	v58 =	vbroadcast v21, $0x6;
	v50 =	vmax.f32 v0, $0.0e+00  }
0x10f: {  	v0 =	vadd.f32 v62, v19;
	v47 =	vmax.f32 v4, $0.0e+00;
	v4 =	vmul.f32 v52, v11  }
0x110: {  	v61 =	vmul.f32 v55, v30;
	v3 =	vbroadcast v22, $0x7;
	v2 =	vadd.f32 v32, v63  }
0x111: {  	v57 =	vbroadcast v22, $0x6;
	v0 =	vadd.f32 v4, v0;
	v4 =	vmul.f32 v55, v29  }
0x112: {  	v41 =	vmax.f32 v60, $0.0e+00;
	v51 =	vadd.f32 v51, v20;
	v63 =	vadd.f32 v61, v18  }
0x113: {  	v61 =	vbroadcast v21, $0x7;
	v56 =	vmul.f32 v57, v31;
	v4 =	vadd.f32 v4, v17  }
0x114: {  	v2 =	vadd.f32 v33, v2;
	v48 =	vmax.f32 v59, $0.0e+00;
	v52 =	vmul.f32 v52, v12  }
0x115: {  	v59 =	vmul.f32 v58, v13;
	v32 =	vmul.f32 v57, v10;
	v4 =	vadd.f32 v56, v4  }
0x116: {  	v46 =	vmul.f32 v53, v16;
	v54 =	vmax.f32 v2, $0.0e+00;
	v43 =	vadd.f32 v52, v51  }
0x117: {  	v2 =	vadd.f32 v32, v63;
	v62 =	vadd.f32 v59, v4;
	v4 =	vmul.f32 v55, v8  }
0x118: {  	v32 =	vmul.f32 v3, v31;
	v0 =	vadd.f32 v34, v0;
	v60 =	vadd.f32 v46, v43  }
0x119: {  	v34 =	vmul.f32 v58, v14;
	v33 =	vadd.f32 v4, v19;
	v4 =	vmul.f32 v57, v11  }
0x11a: {  	v53 =	vmax.f32 v0, $0.0e+00;
	v52 =	vmax.f32 v60, $0.0e+00;
	v59 =	vbroadcast v23, $0x7  }
0x11b: {  	v60 =	vmul.f32 v55, v9;
	v0 =	vadd.f32 v4, v33;
	v4 =	vmul.f32 v58, v15  }
0x11c: {  	v63 =	vmul.f32 v1, v8;
	v7 =	vadd.f32 v34, v2;
	v46 =	vmul.f32 v59, v29  }
0x11d: {  	v51 =	vadd.f32 v60, v20;
	v55 =	vadd.f32 v4, v0;
	v4 =	vmul.f32 v57, v12  }
0x11e: {  	v34 =	vmul.f32 v61, v13;
	v56 =	vmul.f32 v3, v11;
	v2 =	vadd.f32 v46, v17  }
0x11f: {  	v33 =	vmul.f32 v59, v30;
	v0 =	vadd.f32 v4, v51;
	v4 =	vmul.f32 v58, v16  }
0x120: {  	v43 =	vmax.f32 v62, $0.0e+00;
	v62 =	vmul.f32 v59, v8;
	v2 =	vadd.f32 v32, v2  }
0x121: {  	v46 =	vadd.f32 v33, v18;
	v58 =	vadd.f32 v4, v0;
	v4 =	vmul.f32 v3, v10  }
0x122: {  	v32 =	vmul.f32 v61, v15;
	v33 =	vmul.f32 v59, v9;
	v51 =	vadd.f32 v62, v19  }
0x123: {  	v57 =	vadd.f32 v34, v2;
	v0 =	vadd.f32 v4, v46;
	v4 =	vmul.f32 v61, v14  }
0x124: {  	v2 =	vadd.f32 v56, v51;
	v3 =	vmul.f32 v3, v12;
	v46 =	vadd.f32 v33, v20  }
0x125: {  	v34 =	vmul.f32 v1, v29;
	v59 =	vadd.f32 v4, v0;
	v4 =	vbroadcast v22, $0x8  }
0x126: {  	v60 =	vadd.f32 v32, v2;
	v33 =	vmul.f32 v61, v16;
	v2 =	vadd.f32 v3, v46  }
0x127: {  	v56 =	vmovc v31;
	v0 =	vadd.f32 v34, v17;
	v51 =	vmul.f32 v4, v31;
	v31 =	vmul.f32 v1, v30  }
0x128: {  	v32 =	vadd.f32 v63, v19;
	v62 =	vadd.f32 v33, v2;
	v33 =	vmul.f32 v4, v11  }
0x129: {  	v0 =	vadd.f32 v51, v0;
	v46 =	vadd.f32 v31, v18;
	v51 =	vmul.f32 v4, v10;
	_ =	sdelay $0x1  }
0x12a: {  	v61 =	vadd.f32 v33, v32;
	v2 =	vadd.f32 v51, v46;
	v51 =	vmul.f32 v5, v15  }
0x12b: {  	v63 =	vbroadcast v23, $0x9  }
0x12c: {  	v1 =	vmul.f32 v1, v9;
	v61 =	vadd.f32 v51, v61;
	v51 =	vmul.f32 v4, v12  }
0x12d: {  	v27 =	vld [tilespmem:$0x1FF50];
	v34 =	vmul.f32 v5, v13;
	v46 =	vmul.f32 v5, v14  }
0x12e: {  	v28 =	vmul.f32 v63, v9;
	v32 =	vadd.f32 v1, v20;
	v1 =	vmul.f32 v5, v16  }
0x12f: {  	v34 =	vadd.f32 v34, v0;
	v33 =	vadd.f32 v46, v2;
	v46 =	vmul.f32 v63, v29  }
0x130: {  	v5 =	vmul.f32 v63, v30;
	v0 =	vadd.f32 v51, v32;
	v51 =	vmovc v30;
	v30 =	vmul.f32 v63, v8;
	v63 =	vld [tilespmem:$0x1FF40]  }
0x131: {  	v3 =	vbroadcast v22, $0x9;
	_ =	sdelay $0x1  }
0x132: {  	v4 =	vmul.f32 v3, v56;
	v2 =	vadd.f32 v46, v17;
	v46 =	vmovc v29;
	v29 =	vbroadcast v21, $0x9;
	_ =	sdelay $0x1  }
0x133: {  	v2 =	vadd.f32 v4, v2;
	v4 =	vmul.f32 v29, v13;
	[tilespmem:v27+s28+$0x0] =	vst.idx.msk $0xffff, v63;
	v27 =	vld [tilespmem:$0x1FF70];
	_ =	sdelay $0x1  }
0x134: {  	v32 =	vadd.f32 v4, v2;
	v2 =	vld [tilespmem:$0x1FF60];
	_ =	sdelay $0x2  }
0x135: {  	v31 =	vadd.f32 v1, v0;
	v1 =	vadd.f32 v5, v18;
	v5 =	vmul.f32 v3, v10  }
0x136: {  	v6 =	vand.u32 $0x7FFFFFFF, v21  }
0x137: {  	v0 =	vbroadcast v23, $0xA;
	v1 =	vadd.f32 v5, v1;
	v5 =	vmul.f32 v29, v14;
	[tilespmem:v24+s28+$0x0] =	vst.idx.msk $0xffff, v2  }
0x138: {  	v4 =	vadd.f32 v30, v19;
	v30 =	vmul.f32 v3, v11;
	[tilespmem:v27+s28+$0x0] =	vst.idx.msk $0xffff, v6;
	v27 =	vld [tilespmem:$0x1FF80]  }
0x139: {  	v63 =	vadd.f32 v5, v1;
	v5 =	vmul.f32 v0, v46  }
0x13a: {  	v1 =	vbroadcast v22, $0xA;
	v30 =	vadd.f32 v30, v4;
	v4 =	vmul.f32 v29, v15  }
0x13b: {  	v5 =	vadd.f32 v5, v17  }
0x13c: {  	v4 =	vadd.f32 v4, v30;
	v30 =	vbroadcast v21, $0xA;
	v24 =	vmul.f32 v1, v56  }
0x13d: {  	v2 =	vmul.f32 v0, v8;
	[tilespmem:s9+$0xFFFFFD80] =	vst v27;
	v27 =	vld [tilespmem:$0x1FF90]  }
0x13e: {  	v5 =	vadd.f32 v24, v5;
	v24 =	vmul.f32 v30, v13  }
0x13f: {  	v28 =	vadd.f32 v28, v20;
	v3 =	vmul.f32 v3, v12;
	v2 =	vadd.f32 v2, v19  }
0x140: {  	v5 =	vadd.f32 v24, v5;
	v24 =	vmul.f32 v1, v11;
	v6 =	vbroadcast v23, $0xB  }
0x141: {  	v3 =	vadd.f32 v3, v28;
	v28 =	vmul.f32 v29, v16;
	v29 =	vmul.f32 v0, v51  }
0x142: {  	v2 =	vadd.f32 v24, v2;
	v24 =	vmul.f32 v30, v15;
	[tilespmem:s9+$0xFFFFFD90] =	vst v27;
	v27 =	vmul.f32 v6, v46  }
0x143: {  	v3 =	vadd.f32 v28, v3;
	v28 =	vadd.f32 v29, v18  }
0x144: {  	v29 =	vmul.f32 v1, v10;
	[tilespmem:s9+$0xFFFFFDA0] =	vst v25;
	v25 =	vadd.f32 v24, v2;
	v2 =	vadd.f32 v27, v17;
	v27 =	vld [tilespmem:$0x1FFA0]  }
0x145: {  	v0 =	vmul.f32 v0, v9  }
0x146: {  	v28 =	vadd.f32 v29, v28;
	v29 =	vmul.f32 v30, v14  }
0x147: {  	v60 =	vmax.f32 v60, $0.0e+00;
	v0 =	vadd.f32 v0, v20;
	v1 =	vmul.f32 v1, v12;
	[tilespmem:s9+$0xFFFFFDB0] =	vst v26  }
0x148: {  	v59 =	vmax.f32 v59, $0.0e+00;
	v28 =	vadd.f32 v29, v28;
	v29 =	vbroadcast v22, $0xB;
	[tilespmem:s9+$0xFFFFFDE0] =	vst v36  }
0x149: {  	v0 =	vadd.f32 v1, v0;
	v1 =	vmul.f32 v30, v16;
	[tilespmem:s9+$0xFFFFFDD0] =	vst v27;
	v27 =	vmul.f32 v6, v51  }
0x14a: {  	v34 =	vmax.f32 v34, $0.0e+00;
	v33 =	vmax.f32 v33, $0.0e+00;
	v26 =	vbroadcast v21, $0xB;
	[tilespmem:s9+$0xFFFFFDF0] =	vst v35  }
0x14b: {  	v35 =	vmul.f32 v29, v10;
	[tilespmem:s9+$0xFFFFFE30] =	vst v39;
	v0 =	vadd.f32 v1, v0;
	v1 =	vadd.f32 v27, v18;
	v27 =	vld [tilespmem:$0x1FFB0]  }
0x14c: {  	v31 =	vmax.f32 v31, $0.0e+00;
	[tilespmem:s9+$0xFFFFFE40] =	vst v37;
	v36 =	vbroadcast v22, $0xC;
	v24 =	vmul.f32 v29, v56  }
0x14d: {  	v4 =	vmax.f32 v4, $0.0e+00;
	[tilespmem:s9+$0xFFFFFE50] =	vst v40;
	v37 =	vbroadcast v21, $0xC;
	v39 =	vbroadcast v23, $0xD  }
0x14e: {  	[tilespmem:s9+$0xFFFFFEF0] =	vst v47;
	v30 =	vmul.f32 v6, v8;
	v2 =	vadd.f32 v24, v2;
	v24 =	vmul.f32 v26, v13  }
0x14f: {  	v3 =	vmax.f32 v3, $0.0e+00;
	v40 =	vbroadcast v22, $0xD;
	[tilespmem:s9+$0xFFFFFF10] =	vst v41;
	v41 =	vbroadcast v21, $0xD  }
0x150: {  	[tilespmem:s9+$0xFFFFFE00] =	vst v27;
	v27 =	vadd.f32 v24, v2;
	v2 =	vadd.f32 v30, v19;
	v24 =	vmul.f32 v29, v11;
	v30 =	vld [tilespmem:$0x1FFC0]  }
0x151: {  	[tilespmem:s9+$0xFFFFFF40] =	vst v52;
	v47 =	vmax.f32 v7, $0.0e+00;
	v52 =	vmax.f32 v55, $0.0e+00;
	v6 =	vmul.f32 v6, v9  }
0x152: {  	[tilespmem:s9+$0xFFFFFF30] =	vst v53;
	v53 =	vmax.f32 v58, $0.0e+00;
	v2 =	vadd.f32 v24, v2;
	v24 =	vmul.f32 v26, v15  }
0x153: {  	v58 =	vmax.f32 v57, $0.0e+00;
	v6 =	vadd.f32 v6, v20;
	v1 =	vadd.f32 v35, v1  }
0x154: {  	[tilespmem:s9+$0xFFFFFFD0] =	vst v60;
	v35 =	vbroadcast v23, $0xC;
	v2 =	vadd.f32 v24, v2;
	v24 =	vmul.f32 v29, v12  }
0x155: {  	v57 =	vmax.f32 v61, $0.0e+00;
	v60 =	vbroadcast v21, $0xE;
	[tilespmem:s9+$0xFFFFFE20] =	vst v30;
	v30 =	vmul.f32 v26, v14  }
0x156: {  	[tilespmem:s9+$0xFFFFFE70] =	vst v45;
	v6 =	vadd.f32 v24, v6;
	v24 =	vmul.f32 v26, v16;
	v26 =	vmul.f32 v35, v51  }
0x157: {  	[tilespmem:s9+$0x30] =	vst v31;
	v31 =	vmax.f32 v32, $0.0e+00;
	v1 =	vadd.f32 v30, v1;
	v30 =	vmul.f32 v35, v46  }
0x158: {  	[tilespmem:s9+$0xFFFFFE80] =	vst v44;
	v6 =	vadd.f32 v24, v6;
	v24 =	vadd.f32 v26, v18;
	v26 =	vmul.f32 v36, v10  }
0x159: {  	[tilespmem:s9+$0xFFFFFF90] =	vst v53;
	v53 =	vbroadcast v23, $0xE;
	v29 =	vadd.f32 v30, v17;
	v30 =	vmul.f32 v36, v56  }
0x15a: {  	[tilespmem:s9+$0xFFFFFE90] =	vst v38;
	v45 =	vmul.f32 v36, v11;
	v24 =	vadd.f32 v26, v24;
	v26 =	vmul.f32 v37, v14  }
0x15b: {  	[tilespmem:s9+$0xFFFFFEA0] =	vst v42;
	v44 =	vmul.f32 v35, v8;
	v29 =	vadd.f32 v30, v29;
	v30 =	vmul.f32 v37, v13  }
0x15c: {  	[tilespmem:s9+$0xFFFFFEC0] =	vst v50;
	v35 =	vmul.f32 v35, v9;
	v24 =	vadd.f32 v26, v24;
	v26 =	vmul.f32 v39, v46  }
0x15d: {  	[tilespmem:s9+$0xFFFFFED0] =	vst v49;
	v50 =	vmul.f32 v40, v56;
	v29 =	vadd.f32 v30, v29;
	v30 =	vadd.f32 v44, v19  }
0x15e: {  	[tilespmem:s9+$0xFFFFFEE0] =	vst v48;
	v35 =	vadd.f32 v35, v20;
	v36 =	vmul.f32 v36, v12;
	v26 =	vadd.f32 v26, v17  }
0x15f: {  	[tilespmem:s9+$0xFFFFFF20] =	vst v54;
	v49 =	vmul.f32 v37, v15;
	v30 =	vadd.f32 v45, v30;
	v45 =	vmul.f32 v39, v51  }
0x160: {  	[tilespmem:s9+$0xFFFFFF60] =	vst v43;
	v54 =	vmul.f32 v37, v16;
	v35 =	vadd.f32 v36, v35;
	v26 =	vadd.f32 v50, v26  }
0x161: {  	[tilespmem:s9+$0xFFFFFFC0] =	vst v59;
	v50 =	vmul.f32 v40, v10;
	v30 =	vadd.f32 v49, v30;
	v49 =	vadd.f32 v45, v18  }
0x162: {  	[tilespmem:s9+$0x0] =	vst v34;
	v61 =	vmax.f32 v63, $0.0e+00;
	v48 =	vmul.f32 v41, v13;
	v55 =	vmul.f32 v39, v8  }
0x163: {  	[tilespmem:s9+$0x10] =	vst v33;
	v35 =	vadd.f32 v54, v35;
	v54 =	vmul.f32 v41, v14;
	v36 =	vadd.f32 v50, v49  }
0x164: {  	[tilespmem:s9+$0x70] =	vst v4;
	v21 =	vbroadcast v21, $0xF;
	v26 =	vadd.f32 v48, v26;
	v48 =	vadd.f32 v55, v19  }
0x165: {  	[tilespmem:s9+$0x80] =	vst v3;
	v55 =	vbroadcast v22, $0xE;
	v36 =	vadd.f32 v54, v36;
	v54 =	vmul.f32 v53, v46  }
0x166: {  	[tilespmem:s9+$0xFFFFFF80] =	vst v52;
	v52 =	vmul.f32 v41, v15;
	v63 =	vmul.f32 v53, v51;
	v25 =	vmax.f32 v25, $0.0e+00  }
0x167: {  	[tilespmem:s9+$0xFFFFFFB0] =	vst v58;
	v0 =	vmax.f32 v0, $0.0e+00;
	v59 =	vmul.f32 v55, v56;
	v58 =	vadd.f32 v54, v17  }
0x168: {  	[tilespmem:s9+$0xFFFFFF70] =	vst v47;
	v23 =	vbroadcast v23, $0xF;
	v1 =	vmax.f32 v1, $0.0e+00;
	v39 =	vmul.f32 v39, v9  }
0x169: {  	[tilespmem:s9+$0x50] =	vst v31;
	v50 =	vmax.f32 v62, $0.0e+00;
	v62 =	vmul.f32 v60, v13;
	v31 =	vadd.f32 v59, v58  }
0x16a: {  	[tilespmem:s9+$0x20] =	vst v57;
	v41 =	vmul.f32 v41, v16;
	v39 =	vadd.f32 v39, v20;
	v45 =	vmax.f32 v5, $0.0e+00  }
0x16b: {  	[tilespmem:s9+$0x60] =	vst v61;
	v44 =	vmul.f32 v55, v10;
	v4 =	vadd.f32 v62, v31;
	v31 =	vadd.f32 v63, v18  }
0x16c: {  	[tilespmem:s9+$0xC0] =	vst v25;
	v5 =	vmax.f32 v28, $0.0e+00;
	v28 =	vmul.f32 v60, v14;
	v22 =	vbroadcast v22, $0xF  }
0x16d: {  	[tilespmem:s9+$0xD0] =	vst v0;
	v49 =	vmul.f32 v40, v11;
	v47 =	vadd.f32 v44, v31;
	v31 =	vmul.f32 v53, v8  }
0x16e: {  	[tilespmem:s9+$0xB0] =	vst v5;
	v5 =	vmax.f32 v27, $0.0e+00;
	v40 =	vmul.f32 v40, v12;
	v27 =	vmul.f32 v55, v11  }
0x16f: {  	[tilespmem:s9+$0xFFFFFFE0] =	vst v50;
	v50 =	vmax.f32 v24, $0.0e+00;
	v24 =	vmax.f32 v30, $0.0e+00;
	v25 =	vadd.f32 v31, v19  }
0x170: {  	[tilespmem:s9+$0x100] =	vst v1;
	v37 =	vadd.f32 v49, v48;
	v39 =	vadd.f32 v40, v39;
	v48 =	vmax.f32 v2, $0.0e+00  }
0x171: {  	[tilespmem:s9+$0xF0] =	vst v5;
	v49 =	vmax.f32 v6, $0.0e+00;
	v5 =	vadd.f32 v27, v25;
	v25 =	vmul.f32 v60, v15  }
0x172: {  	v6 =	vmax.f32 v29, $0.0e+00;
	[tilespmem:s9+$0x160] =	vst v24;
	v24 =	vmax.f32 v26, $0.0e+00;
	v27 =	vmul.f32 v53, v9  }
0x173: {  	[tilespmem:s9+$0xA0] =	vst v45;
	v34 =	vadd.f32 v52, v37;
	v52 =	vadd.f32 v25, v5;
	v5 =	vmul.f32 v23, v46  }
0x174: {  	[tilespmem:s9+$0x140] =	vst v6;
	v6 =	vmul.f32 v22, v56;
	v25 =	vadd.f32 v27, v20;
	v27 =	vmul.f32 v55, v12  }
0x175: {  	[tilespmem:s9+$0x190] =	vst v24;
	v42 =	vadd.f32 v41, v39;
	v24 =	vmax.f32 v34, $0.0e+00;
	v5 =	vadd.f32 v5, v17  }
0x176: {  	[tilespmem:s9+$0x150] =	vst v50;
	v54 =	vadd.f32 v27, v25;
	v25 =	vmul.f32 v60, v16;
	v27 =	vmul.f32 v23, v51  }
0x177: {  	[tilespmem:s9+$0x1B0] =	vst v24;
	v24 =	vmax.f32 v42, $0.0e+00;
	v5 =	vadd.f32 v6, v5;
	v6 =	vmul.f32 v21, v13  }
0x178: {  	[tilespmem:s9+$0x110] =	vst v48;
	v1 =	vadd.f32 v25, v54;
	v55 =	vadd.f32 v27, v18;
	v25 =	vmul.f32 v22, v10  }
0x179: {  	[tilespmem:s9+$0x1C0] =	vst v24;
	v24 =	vmul.f32 v22, v11;
	v5 =	vadd.f32 v6, v5;
	v6 =	vmax.f32 v36, $0.0e+00  }
0x17a: {  	[tilespmem:s9+$0x120] =	vst v49;
	v2 =	vadd.f32 v25, v55;
	v25 =	vmul.f32 v23, v8;
	v23 =	vmul.f32 v23, v9  }
0x17b: {  	v4 =	vmax.f32 v4, $0.0e+00;
	v3 =	vadd.f32 v28, v47;
	[tilespmem:s9+$0x1A0] =	vst v6;
	v6 =	vmul.f32 v21, v14  }
0x17c: {  	[tilespmem:s9+$0x1E0] =	vst v4;
	v53 =	vmax.f32 v35, $0.0e+00;
	v22 =	vmul.f32 v22, v12;
	v4 =	vadd.f32 v23, v20  }
0x17d: {  	v3 =	vmax.f32 v3, $0.0e+00;
	[tilespmem:s9+$0x170] =	vst v53;
	v2 =	vadd.f32 v6, v2;
	v6 =	vadd.f32 v25, v19  }
0x17e: {  	[tilespmem:s9+$0x1F0] =	vst v3;
	v0 =	vmax.f32 v52, $0.0e+00;
	v59 =	vadd.f32 v22, v4;
	v4 =	vmul.f32 v21, v16  }
0x17f: {  	p1 =	sne.s32 s7, $0x70;
	[tilespmem:s9+$0x200] =	vst v0;
	v58 =	vmax.f32 v1, $0.0e+00;
	v57 =	vadd.f32 v24, v6;
	v6 =	vmul.f32 v21, v15  }
.Ltmp2:
0x180: {  	[tilespmem:s9+$0x210] =	vst v58;
	v60 =	vmax.f32 v5, $0.0e+00;
	v1 =	vadd.f32 v4, v59;
	(pc) =	sbr.rel @p1 .LBB2_7-.Ltmp2, $4  }
0x181: {  	[tilespmem:s9+$0x230] =	vst v60;
	v61 =	vmax.f32 v2, $0.0e+00;
	v3 =	vadd.f32 v6, v57  }
0x182: {  	v28 =	vld [tilespmem:$0x1FFE0];
	[tilespmem:s9+$0x240] =	vst v61;
	v63 =	vmax.f32 v1, $0.0e+00  }
0x183: {  	s21 =	sadd.s32 $0x10, s21;
	v7 =	vlaneseq.u32;
	v36 =	vld [tilespmem:$0x1FFF0];
	v62 =	vmax.f32 v3, $0.0e+00;
	[tilespmem:s9+$0x260] =	vst v63  }
0x184: {  	s11 =	sadd.s32 $0x10, s11;
	s7 =	sadd.s32 $0x10, s7;
	v33 =	vmovc v8;
	v29 =	vmovc v46;
	v30 =	vmov v51;
	v37 =	vmov v9;
	v31 =	vmov v56;
	v25 =	vld [tilespmem:$0x1FFD0];
	[tilespmem:s9+$0x250] =	vst v62;
	s9 =	sadd.s32 $0x500, s9  }
0x185: {  	[spmem:s3] =	stream.indirect.scatter.add.f32 [tilespmem:s28], [sflag:$0x1], $0x50, s30, s29, $0xb8;
	[tilespmem:$0x19D00] =	vst v63  }
0x186: {  	s7 =	simm.s32 @!p0 $0x2  }
0x187: {  	_ =	swait.ge @!p0 [sflag:s7], $0x2800  }
0x188: {  	s9 =	simm.s32 $0x0;
	v0 =	vmov s20;
	[sflag:s7] =	ssyncset.done @!p0 $0x0  }
0x189: {  	s11 =	simm.s32 $0x0;
	[tilespmem:$0x1FF30] =	vst v0;
	[sflag:s7] =	ssyncadd.s32 @!p0 $0xFFFFD800;
	s7 =	simm.s32 $0xBD80  }
.LBB2_9:
0x18a: {  	v2 =	vld [tilespmem:$0x1FF30];
	_ =	sdelay $0x6  }
0x18b: {  	s14 =	sshra.s32 s11, $0x2  }
0x18c: {  	v0 =	vld.idx.msk [tilespmem:v2+s14+$0x80 ss:$0x1], $0xffff  }
0x18d: {  	s21 =	sadd.s32 s9, s16;
	v1 =	vld.idx.msk [tilespmem:v2+s14+$0x3180 ss:$0x1], $0xffff  }
0x18e: {  	v4 =	vor.u32 s21, v7  }
0x18f: {  	v4 =	vcvt.s32.f32 v4  }
0x190: {  	v2 =	vld.idx.msk [tilespmem:v2+s14+$0x6280 ss:$0x1], $0xffff  }
0x191: {  	v4 =	vmul.f32 $9.999999740e-06, v4;
	v3 =	vmul.f32 $1.000000000e+01, v0  }
0x192: {  	v5 =	vmul.f32 $1.000000000e+01, v1  }
0x193: {  	v4 =	vtrunc.f32 v4;
	v3 =	vtrunc.f32 v3  }
0x194: {  	v5 =	vtrunc.f32 v5;
	v3 =	vcvt.f32.s32 v3  }
0x195: {  	v6 =	vmul.f32 $1.000000000e+01, v2;
	v5 =	vcvt.f32.s32 v5  }
0x196: {  	v4 =	vcvt.f32.s32 v4;
	vm0 =	vgt.s32 v3, $0x0  }
0x197: {  	v6 =	vtrunc.f32 v6;
	vm14 =	vgt.s32 v5, $0x0;
	v3 =	vnsel vm0, $0x0, v3  }
0x198: {  	v6 =	vcvt.f32.s32 v6;
	v5 =	vnsel vm14, $0x0, v5;
	v3 =	vmin.u32 v3, $0x9  }
0x199: {  	v4 =	vmul.u32 $0x3E8, v4;
	v5 =	vmin.u32 v5, $0x9;
	v3 =	vmul.u32 $0x64, v3  }
0x19a: {  	vm15 =	vgt.s32 v6, $0x0;
	v5 =	vmul.u32 $0xA, v5  }
0x19b: {  	v6 =	vnsel vm15, $0x0, v6;
	v3 =	vadd.s32 v4, v3  }
0x19c: {  	v4 =	vmin.u32 v6, $0x9;
	v3 =	vadd.s32 v5, v3  }
0x19d: {  	v3 =	vadd.s32 v4, v3  }
0x19e: {  	v4 =	vshll.u32 v3, $0x2;
	_ =	sdelay $0x1  }
0x19f: {  	v5 =	vor.u32 $0x1, v4;
	_ =	sdelay $0x1  }
0x1a0: {  	[tilespmem:s14+$0xE380] =	vst v3  }
0x1a1: {  	v3 =	vld.idx.msk [tilespmem:v4+s26+$0x0], $0xffff;
	_ =	sdelay $0x1  }
0x1a2: {  	v5 =	vld.idx.msk [tilespmem:v5+s26+$0x0], $0xffff  }
0x1a3: {  	v4 =	vor.u32 $0x2, v4;
	_ =	sdelay $0x1  }
0x1a4: {  	v40 =	vmov s9;
	v24 =	vsub.f32 v0, v3  }
0x1a5: {  	v3 =	vmul.u32 $0x50, v40  }
0x1a6: {  	v23 =	vsub.f32 v1, v5;
	v39 =	vbroadcast v24, $0x0  }
0x1a7: {  	v38 =	vld.idx.msk [tilespmem:v4+s26+$0x0], $0xffff;
	v41 =	vbroadcast v3, $0x0;
	v53 =	vbroadcast v24, $0x1  }
0x1a8: {  	v6 =	vbroadcast v23, $0x0;
	v35 =	vbroadcast v23, $0x1  }
0x1a9: {  	v4 =	vmul.f32 v39, v29;
	v5 =	vmul.f32 v39, v30  }
0x1aa: {  	v32 =	vadd.s32 v25, v41;
	v49 =	vmul.f32 v39, v37;
	v54 =	vmul.f32 v53, v46  }
0x1ab: {  	v25 =	vadd.s32 v36, v41;
	v58 =	vmul.f32 v53, v8;
	v3 =	vmul.f32 v53, v37  }
0x1ac: {  	v22 =	vsub.f32 v2, v38;
	v43 =	vmul.f32 v6, v31;
	v27 =	vmul.f32 v6, v10  }
0x1ad: {  	v31 =	vadd.s32 v28, v41;
	v28 =	vmul.f32 v39, v33;
	v47 =	vmul.f32 v6, v11  }
0x1ae: {  	v6 =	vmul.f32 v6, v12;
	v34 =	vmul.f32 v35, v10;
	v42 =	vadd.f32 v4, v17  }
0x1af: {  	v60 =	vmul.f32 v35, v11;
	v26 =	vadd.f32 v5, v18;
	v0 =	vadd.f32 v49, v20  }
0x1b0: {  	v3 =	vadd.f32 v3, v20;
	v4 =	vbroadcast v22, $0x0;
	v28 =	vadd.f32 v28, v19  }
0x1b1: {  	v55 =	vbroadcast v22, $0x1;
	v40 =	vbroadcast v22, $0x2;
	v2 =	vadd.f32 v43, v42  }
0x1b2: {  	v0 =	vadd.f32 v6, v0;
	v6 =	vmul.f32 v53, v51;
	v44 =	vmul.f32 v4, v13  }
0x1b3: {  	v30 =	vmul.f32 v4, v14;
	v52 =	vadd.f32 v47, v28;
	v28 =	vmul.f32 v4, v15  }
0x1b4: {  	v45 =	vadd.f32 v27, v26;
	v4 =	vmul.f32 v4, v16;
	v57 =	vmul.f32 v55, v13  }
0x1b5: {  	v61 =	vmul.f32 v55, v15;
	v62 =	vmul.f32 v55, v16;
	v6 =	vadd.f32 v6, v18  }
0x1b6: {  	v63 =	vmul.f32 v40, v13;
	v2 =	vadd.f32 v44, v2;
	v50 =	vadd.f32 v30, v45  }
0x1b7: {  	v0 =	vadd.f32 v4, v0;
	v45 =	vmul.f32 v40, v14;
	v4 =	vadd.f32 v34, v6  }
0x1b8: {  	v6 =	vmul.f32 v55, v14;
	v48 =	vmax.f32 v2, $0.0e+00;
	v1 =	vmax.f32 v50, $0.0e+00  }
0x1b9: {  	v2 =	vadd.f32 v28, v52;
	v28 =	vmul.f32 v35, v56;
	v0 =	vmax.f32 v0, $0.0e+00  }
0x1ba: {  	v35 =	vmul.f32 v35, v12;
	v50 =	vmul.f32 v40, v16;
	[tilespmem:$0x1FEF0] =	vst v1;
	v1 =	vadd.f32 v54, v17  }
0x1bb: {  	[tilespmem:$0x1FF00] =	vst v0;
	v59 =	vadd.f32 v6, v4;
	v0 =	vadd.f32 v58, v19;
	v6 =	vbroadcast v23, $0x2  }
0x1bc: {  	v26 =	vmax.f32 v2, $0.0e+00;
	v3 =	vadd.f32 v35, v3;
	v1 =	vadd.f32 v28, v1  }
0x1bd: {  	v28 =	vbroadcast v24, $0x2;
	v38 =	vmul.f32 v6, v56;
	v0 =	vadd.f32 v60, v0  }
0x1be: {  	v42 =	vmul.f32 v6, v10;
	v49 =	vmul.f32 v6, v12;
	v34 =	vadd.f32 v62, v3  }
0x1bf: {  	v1 =	vadd.f32 v57, v1;
	v4 =	vmul.f32 v28, v46;
	v33 =	vmul.f32 v28, v51  }
0x1c0: {  	v0 =	vadd.f32 v61, v0;
	v44 =	vmul.f32 v28, v8;
	v47 =	vmul.f32 v28, v9  }
0x1c1: {  	v28 =	vbroadcast v24, $0x3;
	v30 =	vmax.f32 v34, $0.0e+00;
	v4 =	vadd.f32 v4, v17  }
0x1c2: {  	v27 =	vmax.f32 v1, $0.0e+00;
	v37 =	vmax.f32 v0, $0.0e+00;
	v41 =	vadd.f32 v33, v18  }
0x1c3: {  	[tilespmem:$0x1FEE0] =	vst v48;
	v2 =	vadd.f32 v44, v19;
	v48 =	vadd.f32 v47, v20;
	v53 =	vmul.f32 v28, v51  }
0x1c4: {  	v47 =	vbroadcast v24, $0x4;
	v4 =	vadd.f32 v38, v4;
	v38 =	vmax.f32 v59, $0.0e+00  }
0x1c5: {  	v0 =	vadd.f32 v42, v41;
	v41 =	vmul.f32 v40, v15;
	v1 =	vadd.f32 v49, v48  }
0x1c6: {  	v55 =	vadd.f32 v53, v18;
	v59 =	vmul.f32 v28, v8;
	v48 =	vbroadcast v22, $0x4  }
0x1c7: {  	v49 =	vmul.f32 v47, v8;
	v53 =	vbroadcast v22, $0x5;
	v35 =	vadd.f32 v63, v4  }
0x1c8: {  	v4 =	vmul.f32 v6, v11;
	v0 =	vadd.f32 v45, v0;
	v6 =	vbroadcast v23, $0x3  }
0x1c9: {  	v1 =	vadd.f32 v50, v1;
	v3 =	vadd.f32 v59, v19;
	v34 =	vmul.f32 v48, v13  }
0x1ca: {  	v43 =	vmax.f32 v35, $0.0e+00;
	v2 =	vadd.f32 v4, v2;
	v4 =	vmul.f32 v28, v46  }
0x1cb: {  	v42 =	vmul.f32 v6, v56;
	v36 =	vmax.f32 v0, $0.0e+00;
	v57 =	vmul.f32 v6, v10  }
0x1cc: {  	v1 =	vmax.f32 v1, $0.0e+00;
	[tilespmem:$0x1FF10] =	vst v43;
	v43 =	vbroadcast v22, $0x3;
	v4 =	vadd.f32 v4, v17  }
0x1cd: {  	v35 =	vmul.f32 v47, v51;
	v52 =	vadd.f32 v41, v2;
	v0 =	vadd.f32 v57, v55  }
0x1ce: {  	v60 =	vmul.f32 v43, v14;
	v54 =	vadd.f32 v42, v4;
	v4 =	vmul.f32 v43, v13  }
0x1cf: {  	v44 =	vmul.f32 v43, v15;
	v42 =	vmax.f32 v52, $0.0e+00;
	v52 =	vbroadcast v23, $0x5  }
0x1d0: {  	v0 =	vadd.f32 v60, v0;
	v58 =	vadd.f32 v4, v54;
	v4 =	vmul.f32 v28, v9  }
0x1d1: {  	[tilespmem:$0x1FF20] =	vst v1;
	v1 =	vadd.f32 v35, v18;
	v28 =	vmul.f32 v6, v11;
	v57 =	vmul.f32 v52, v56  }
0x1d2: {  	v35 =	vmul.f32 v52, v11;
	v54 =	vmul.f32 v53, v15;
	v45 =	vmax.f32 v0, $0.0e+00  }
0x1d3: {  	v61 =	vadd.f32 v4, v20;
	v4 =	vmul.f32 v6, v12;
	v3 =	vadd.f32 v28, v3  }
0x1d4: {  	v6 =	vmul.f32 v47, v46;
	v28 =	vbroadcast v23, $0x4;
	v39 =	vmax.f32 v58, $0.0e+00  }
0x1d5: {  	v47 =	vmul.f32 v47, v9;
	v58 =	vmul.f32 v48, v16;
	v2 =	vadd.f32 v4, v61  }
0x1d6: {  	v4 =	vmul.f32 v43, v16;
	v6 =	vadd.f32 v6, v17;
	v62 =	vmul.f32 v28, v56  }
0x1d7: {  	v63 =	vadd.f32 v44, v3;
	v40 =	vmul.f32 v28, v10;
	v3 =	vadd.f32 v49, v19  }
0x1d8: {  	v49 =	vmul.f32 v28, v11;
	v47 =	vadd.f32 v47, v20;
	v28 =	vmul.f32 v28, v12  }
0x1d9: {  	v44 =	vmul.f32 v53, v14;
	v2 =	vadd.f32 v4, v2;
	v33 =	vadd.f32 v62, v6  }
0x1da: {  	v4 =	vmul.f32 v48, v14;
	v6 =	vbroadcast v24, $0x5;
	v1 =	vadd.f32 v40, v1  }
0x1db: {  	v41 =	vmax.f32 v63, $0.0e+00;
	v3 =	vadd.f32 v49, v3;
	v28 =	vadd.f32 v28, v47  }
0x1dc: {  	v50 =	vmul.f32 v6, v46;
	v1 =	vadd.f32 v4, v1;
	v4 =	vmul.f32 v53, v13  }
0x1dd: {  	v43 =	vmax.f32 v2, $0.0e+00;
	v62 =	vmul.f32 v6, v51;
	v63 =	vmul.f32 v6, v8  }
0x1de: {  	v0 =	vadd.f32 v34, v33;
	v34 =	vmul.f32 v52, v10;
	v6 =	vmul.f32 v6, v9  }
0x1df: {  	v60 =	vadd.f32 v58, v28;
	v28 =	vbroadcast v23, $0x6;
	v52 =	vmul.f32 v52, v12  }
0x1e0: {  	v58 =	vbroadcast v22, $0x6;
	v2 =	vadd.f32 v50, v17;
	v50 =	vmul.f32 v48, v15  }
0x1e1: {  	v40 =	vmax.f32 v0, $0.0e+00;
	v33 =	vadd.f32 v62, v18;
	v0 =	vadd.f32 v63, v19  }
0x1e2: {  	v48 =	vmax.f32 v60, $0.0e+00;
	v6 =	vadd.f32 v6, v20;
	v2 =	vadd.f32 v57, v2  }
0x1e3: {  	v59 =	vadd.f32 v50, v3;
	v50 =	vmax.f32 v1, $0.0e+00;
	v1 =	vadd.f32 v34, v33  }
0x1e4: {  	v55 =	vmul.f32 v28, v56;
	v0 =	vadd.f32 v35, v0;
	v60 =	vadd.f32 v52, v6  }
0x1e5: {  	v6 =	vmul.f32 v53, v16;
	v61 =	vadd.f32 v4, v2;
	v49 =	vmax.f32 v59, $0.0e+00  }
0x1e6: {  	v4 =	vbroadcast v24, $0x6;
	v1 =	vadd.f32 v44, v1;
	v44 =	vmul.f32 v28, v10  }
0x1e7: {  	v62 =	vadd.f32 v6, v60;
	v60 =	vmul.f32 v58, v14;
	v6 =	vbroadcast v24, $0x7  }
0x1e8: {  	v0 =	vadd.f32 v54, v0;
	v2 =	vbroadcast v23, $0x7;
	v59 =	vmul.f32 v4, v46  }
0x1e9: {  	v47 =	vmax.f32 v61, $0.0e+00;
	v61 =	vmul.f32 v58, v13;
	v63 =	vmul.f32 v4, v51  }
0x1ea: {  	v54 =	vmax.f32 v0, $0.0e+00;
	v34 =	vmul.f32 v4, v8;
	v53 =	vmax.f32 v62, $0.0e+00  }
0x1eb: {  	v4 =	vmul.f32 v4, v9;
	v62 =	vmul.f32 v6, v46;
	v3 =	vadd.f32 v59, v17  }
0x1ec: {  	v35 =	vadd.f32 v63, v18;
	v57 =	vadd.f32 v34, v19;
	v59 =	vmul.f32 v28, v11  }
0x1ed: {  	v63 =	vadd.f32 v4, v20;
	v4 =	vmul.f32 v2, v56;
	v3 =	vadd.f32 v55, v3  }
0x1ee: {  	v34 =	vmul.f32 v58, v16;
	v55 =	vmax.f32 v1, $0.0e+00;
	v1 =	vadd.f32 v44, v35  }
0x1ef: {  	v0 =	vadd.f32 v59, v57;
	v35 =	vmul.f32 v6, v51;
	v33 =	vadd.f32 v61, v3  }
0x1f0: {  	v61 =	vmul.f32 v58, v15;
	v57 =	vadd.f32 v60, v1;
	v1 =	vadd.f32 v62, v17  }
0x1f1: {  	v52 =	vmax.f32 v33, $0.0e+00;
	v33 =	vmul.f32 v28, v12;
	v28 =	vbroadcast v22, $0x7  }
0x1f2: {  	v60 =	vmul.f32 v6, v8;
	v62 =	vbroadcast v24, $0x8;
	v44 =	vadd.f32 v61, v0  }
0x1f3: {  	v1 =	vadd.f32 v4, v1;
	v0 =	vadd.f32 v33, v63;
	v4 =	vmul.f32 v28, v13  }
0x1f4: {  	v6 =	vmul.f32 v6, v9;
	v63 =	vadd.f32 v35, v18;
	v33 =	vmul.f32 v2, v10  }
0x1f5: {  	v35 =	vmul.f32 v28, v14;
	v59 =	vadd.f32 v34, v0;
	v58 =	vadd.f32 v4, v1  }
0x1f6: {  	v34 =	vadd.f32 v60, v19;
	v4 =	vmul.f32 v2, v11;
	v0 =	vadd.f32 v33, v63  }
0x1f7: {  	v3 =	vbroadcast v23, $0x8;
	v33 =	vmul.f32 v62, v46  }
0x1f8: {  	v1 =	vadd.f32 v4, v34;
	v4 =	vmul.f32 v28, v15;
	v60 =	vadd.f32 v35, v0  }
0x1f9: {  	v2 =	vmul.f32 v2, v12;
	v34 =	vadd.f32 v6, v20;
	v0 =	vadd.f32 v33, v17  }
0x1fa: {  	v6 =	vbroadcast v22, $0x8;
	v61 =	vadd.f32 v4, v1;
	v4 =	vmul.f32 v3, v56  }
0x1fb: {  	v35 =	vmul.f32 v28, v16;
	v28 =	vmul.f32 v62, v51  }
0x1fc: {  	v63 =	vmul.f32 v62, v8;
	v0 =	vadd.f32 v4, v0;
	v4 =	vmul.f32 v6, v13  }
0x1fd: {  	v1 =	vadd.f32 v2, v34;
	v2 =	vadd.f32 v28, v18;
	v28 =	vmul.f32 v3, v10  }
0x1fe: {  	v33 =	vmul.f32 v3, v11;
	v34 =	vadd.f32 v4, v0;
	v4 =	vadd.f32 v63, v19  }
0x1ff: {  	v21 =	vbroadcast v24, $0x9;
	v2 =	vadd.f32 v28, v2;
	v28 =	vmul.f32 v6, v14  }
0x200: {  	v62 =	vmul.f32 v62, v9;
	v63 =	vmul.f32 v6, v15;
	v4 =	vadd.f32 v33, v4  }
0x201: {  	v0 =	vbroadcast v23, $0x9;
	v33 =	vadd.f32 v28, v2;
	v28 =	vmul.f32 v21, v46  }
0x202: {  	v35 =	vadd.f32 v35, v1;
	v1 =	vbroadcast v22, $0x9;
	v63 =	vadd.f32 v63, v4  }
0x203: {  	v4 =	vadd.f32 v62, v20;
	v28 =	vadd.f32 v28, v17;
	v62 =	vmul.f32 v0, v56  }
0x204: {  	v29 =	vand.u32 $0x7FFFFFFF, v24  }
0x205: {  	v2 =	vmul.f32 v21, v8;
	v28 =	vadd.f32 v62, v28;
	v62 =	vmul.f32 v1, v13  }
0x206: {  	v7 =	vand.u32 $0x7FFFFFFF, v22;
	[tilespmem:v32+s31+$0x0] =	vst.idx.msk $0xffff, v29;
	v3 =	vmul.f32 v3, v12  }
0x207: {  	v2 =	vadd.f32 v2, v19;
	v28 =	vadd.f32 v62, v28;
	v62 =	vmul.f32 v0, v11  }
0x208: {  	v3 =	vadd.f32 v3, v4;
	v4 =	vmul.f32 v6, v16;
	v6 =	vmul.f32 v21, v51  }
0x209: {  	v21 =	vmul.f32 v21, v9;
	v2 =	vadd.f32 v62, v2;
	v62 =	vmul.f32 v1, v15  }
0x20a: {  	v4 =	vadd.f32 v4, v3;
	v6 =	vadd.f32 v6, v18;
	v3 =	vmul.f32 v0, v10  }
0x20b: {  	v0 =	vmul.f32 v0, v12;
	v29 =	vadd.f32 v62, v2;
	v62 =	vadd.f32 v21, v20  }
0x20c: {  	[tilespmem:$0x1FED0] =	vst v7;
	v7 =	vbroadcast v24, $0xA;
	v3 =	vadd.f32 v3, v6  }
0x20d: {  	v6 =	vmul.f32 v1, v14;
	v1 =	vmul.f32 v1, v16;
	v0 =	vadd.f32 v0, v62  }
0x20e: {  	v5 =	vand.u32 $0x7FFFFFFF, v23;
	v2 =	vmul.f32 v7, v51;
	v62 =	vmul.f32 v7, v8  }
0x20f: {  	[tilespmem:v31+s31+$0x0] =	vst.idx.msk $0xffff, v5;
	v31 =	vadd.f32 v1, v0  }
0x210: {  	v0 =	vadd.f32 v2, v18;
	v2 =	vadd.f32 v62, v19;
	v62 =	vld [tilespmem:$0x1FED0];
	_ =	sdelay $0x3  }
0x211: {  	v32 =	vadd.f32 v6, v3;
	v3 =	vmul.f32 v7, v46;
	v6 =	vbroadcast v23, $0xA  }
0x212: {  	[tilespmem:v25+s31+$0x0] =	vst.idx.msk $0xffff, v62  }
0x213: {  	v21 =	vbroadcast v22, $0xA;
	v3 =	vadd.f32 v3, v17;
	v5 =	vmul.f32 v6, v56;
	[tilespmem:s7+$0xFFFFFDA0] =	vst v26  }
0x214: {  	[tilespmem:s7+$0xFFFFFDD0] =	vst v27  }
0x215: {  	v3 =	vadd.f32 v5, v3;
	v5 =	vmul.f32 v21, v13;
	[tilespmem:s7+$0xFFFFFDE0] =	vst v38  }
0x216: {  	v35 =	vmax.f32 v35, $0.0e+00;
	v34 =	vmax.f32 v34, $0.0e+00;
	v33 =	vmax.f32 v33, $0.0e+00;
	[tilespmem:s7+$0xFFFFFDF0] =	vst v37  }
0x217: {  	v1 =	vmul.f32 v6, v10;
	v5 =	vadd.f32 v5, v3;
	v3 =	vmul.f32 v6, v11;
	[tilespmem:s7+$0xFFFFFE30] =	vst v36  }
0x218: {  	v4 =	vmax.f32 v4, $0.0e+00;
	v7 =	vmul.f32 v7, v9;
	v29 =	vmax.f32 v29, $0.0e+00;
	[tilespmem:s7+$0xFFFFFE90] =	vst v41  }
0x219: {  	v0 =	vadd.f32 v1, v0;
	v2 =	vadd.f32 v3, v2;
	v3 =	vmul.f32 v21, v15;
	[tilespmem:s7+$0xFFFFFEC0] =	vst v40  }
0x21a: {  	v1 =	vmul.f32 v21, v14;
	v31 =	vmax.f32 v31, $0.0e+00;
	v5 =	vmax.f32 v5, $0.0e+00;
	[tilespmem:s7+$0xFFFFFEF0] =	vst v48  }
0x21b: {  	v62 =	vbroadcast v24, $0xB;
	v25 =	vld [tilespmem:$0x1FEE0];
	v26 =	vadd.f32 v3, v2;
	v3 =	vmul.f32 v6, v12;
	[tilespmem:s7+$0xFFFFFF10] =	vst v47  }
0x21c: {  	v2 =	vadd.f32 v7, v20;
	v7 =	vbroadcast v22, $0xB;
	v40 =	vbroadcast v24, $0xD;
	[tilespmem:s7+$0xFFFFFF30] =	vst v54  }
0x21d: {  	v41 =	vbroadcast v23, $0xD;
	[tilespmem:s7+$0xFFFFFF40] =	vst v53;
	v48 =	vmax.f32 v57, $0.0e+00;
	v53 =	vmax.f32 v44, $0.0e+00  }
0x21e: {  	v54 =	vmax.f32 v59, $0.0e+00;
	v59 =	vmax.f32 v58, $0.0e+00;
	[tilespmem:s7+$0x30] =	vst v4;
	v4 =	vmax.f32 v28, $0.0e+00  }
0x21f: {  	[tilespmem:s7+$0xFFFFFF70] =	vst v48;
	v2 =	vadd.f32 v3, v2;
	v3 =	vmul.f32 v21, v16;
	v21 =	vmul.f32 v62, v51  }
0x220: {  	v28 =	vmax.f32 v32, $0.0e+00;
	v38 =	vmul.f32 v62, v8;
	v36 =	vmul.f32 v62, v9;
	[tilespmem:s7+$0xFFFFFD80] =	vst v25;
	v25 =	vld [tilespmem:$0x1FEF0]  }
0x221: {  	[tilespmem:s7+$0xFFFFFF80] =	vst v53;
	v53 =	vbroadcast v24, $0xE;
	v27 =	vadd.f32 v3, v2;
	v2 =	vadd.f32 v21, v18;
	v21 =	vld [tilespmem:$0x1FF10]  }
0x222: {  	v6 =	vld [tilespmem:$0x1FF00];
	v48 =	vmax.f32 v61, $0.0e+00;
	[tilespmem:s7+$0xFFFFFFB0] =	vst v59;
	v59 =	vbroadcast v23, $0xE;
	v47 =	vmul.f32 v40, v51  }
0x223: {  	[tilespmem:s7+$0xFFFFFF60] =	vst v52;
	v52 =	vmul.f32 v41, v10;
	v57 =	vmul.f32 v40, v8;
	v26 =	vmax.f32 v26, $0.0e+00  }
0x224: {  	[tilespmem:s7+$0x80] =	vst v31;
	v38 =	vadd.f32 v38, v19;
	v58 =	vmul.f32 v53, v46;
	v31 =	vmul.f32 v53, v8  }
0x225: {  	[tilespmem:s7+$0xFFFFFD90] =	vst v25;
	v25 =	vadd.f32 v1, v0;
	v0 =	vmul.f32 v62, v46;
	v1 =	vbroadcast v23, $0xB  }
0x226: {  	v3 =	vmul.f32 v7, v14;
	v61 =	vadd.f32 v58, v17;
	[tilespmem:s7+$0xFFFFFE20] =	vst v21;
	v21 =	vbroadcast v24, $0xC  }
0x227: {  	[tilespmem:s7+$0xFFFFFDB0] =	vst v6;
	v24 =	vbroadcast v24, $0xF;
	v0 =	vadd.f32 v0, v17;
	v6 =	vmul.f32 v1, v56  }
0x228: {  	[tilespmem:s7+$0xC0] =	vst v26;
	v26 =	vadd.f32 v31, v19;
	v37 =	vmul.f32 v1, v10;
	v62 =	vmul.f32 v21, v46  }
0x229: {  	[tilespmem:s7+$0xFFFFFE80] =	vst v45;
	v45 =	vmul.f32 v21, v8;
	v0 =	vadd.f32 v6, v0;
	v6 =	vmul.f32 v7, v13  }
0x22a: {  	[tilespmem:s7+$0xFFFFFE00] =	vst v30;
	v25 =	vmax.f32 v25, $0.0e+00;
	v2 =	vadd.f32 v37, v2;
	v37 =	vbroadcast v23, $0xC  }
0x22b: {  	[tilespmem:s7+$0xB0] =	vst v25;
	v25 =	vmax.f32 v27, $0.0e+00;
	v30 =	vadd.f32 v6, v0;
	v6 =	vmul.f32 v1, v11  }
0x22c: {  	[tilespmem:s7+$0xFFFFFE40] =	vst v42;
	v42 =	vld [tilespmem:$0x1FF20];
	v2 =	vadd.f32 v3, v2;
	v3 =	vadd.f32 v62, v17;
	v62 =	vmul.f32 v37, v56  }
0x22d: {  	v23 =	vbroadcast v23, $0xF;
	v1 =	vmul.f32 v1, v12;
	v0 =	vadd.f32 v6, v38  }
0x22e: {  	v6 =	vmul.f32 v7, v15;
	v38 =	vbroadcast v22, $0xC;
	v3 =	vadd.f32 v62, v3  }
0x22f: {  	[tilespmem:s7+$0xFFFFFED0] =	vst v50;
	v62 =	vadd.f32 v45, v19;
	v45 =	vmul.f32 v37, v11;
	v27 =	vmax.f32 v30, $0.0e+00  }
0x230: {  	v2 =	vmax.f32 v2, $0.0e+00;
	[tilespmem:s7+$0xF0] =	vst v27;
	v27 =	vmul.f32 v53, v9;
	v0 =	vadd.f32 v6, v0  }
0x231: {  	[tilespmem:s7+$0xFFFFFE50] =	vst v42;
	v6 =	vadd.f32 v36, v20;
	v42 =	vmul.f32 v38, v13;
	v50 =	vmul.f32 v38, v15  }
0x232: {  	v36 =	vadd.f32 v45, v62;
	v62 =	vmul.f32 v41, v56;
	v45 =	vmul.f32 v38, v16  }
0x233: {  	v1 =	vadd.f32 v1, v6;
	v6 =	vmul.f32 v7, v16;
	v7 =	vmul.f32 v21, v51  }
0x234: {  	v3 =	vadd.f32 v42, v3;
	v21 =	vmul.f32 v21, v9;
	v36 =	vadd.f32 v50, v36  }
0x235: {  	[tilespmem:s7+$0xFFFFFE70] =	vst v39;
	v1 =	vadd.f32 v6, v1;
	v6 =	vadd.f32 v7, v18;
	v7 =	vmul.f32 v37, v10  }
0x236: {  	[tilespmem:s7+$0xFFFFFEA0] =	vst v43;
	v42 =	vbroadcast v22, $0xD;
	v50 =	vadd.f32 v47, v18;
	v21 =	vadd.f32 v21, v20  }
0x237: {  	[tilespmem:s7+$0xFFFFFEE0] =	vst v49;
	v37 =	vmul.f32 v37, v12;
	v6 =	vadd.f32 v7, v6;
	v7 =	vmul.f32 v38, v14  }
0x238: {  	[tilespmem:s7+$0xFFFFFF20] =	vst v55;
	v47 =	vmul.f32 v59, v10;
	v0 =	vmax.f32 v0, $0.0e+00;
	v49 =	vmul.f32 v42, v13  }
0x239: {  	[tilespmem:s7+$0xFFFFFFE0] =	vst v35;
	v21 =	vadd.f32 v37, v21;
	v6 =	vadd.f32 v7, v6;
	v7 =	vmul.f32 v40, v46  }
0x23a: {  	[tilespmem:s7+$0x0] =	vst v34;
	v55 =	vmul.f32 v42, v14;
	v37 =	vadd.f32 v52, v50;
	v50 =	vmul.f32 v41, v11  }
0x23b: {  	[tilespmem:s7+$0x10] =	vst v33;
	v21 =	vadd.f32 v45, v21;
	v45 =	vmul.f32 v53, v51;
	v7 =	vadd.f32 v7, v17  }
0x23c: {  	[tilespmem:s7+$0x70] =	vst v29;
	v3 =	vmax.f32 v3, $0.0e+00;
	v52 =	vmul.f32 v42, v15;
	v42 =	vmul.f32 v42, v16  }
0x23d: {  	[tilespmem:s7+$0xA0] =	vst v5;
	v40 =	vmul.f32 v40, v9;
	v29 =	vadd.f32 v45, v18;
	v7 =	vadd.f32 v62, v7  }
0x23e: {  	[tilespmem:s7+$0xFFFFFF90] =	vst v54;
	v62 =	vmax.f32 v60, $0.0e+00;
	v60 =	vmax.f32 v63, $0.0e+00;
	v63 =	vbroadcast v22, $0xE  }
0x23f: {  	[tilespmem:s7+$0x50] =	vst v4;
	v37 =	vadd.f32 v55, v37;
	v55 =	vmul.f32 v41, v12;
	v54 =	vadd.f32 v40, v20  }
0x240: {  	[tilespmem:s7+$0x60] =	vst v28;
	v1 =	vmax.f32 v1, $0.0e+00;
	v5 =	vadd.f32 v47, v29;
	v29 =	vmul.f32 v63, v14  }
0x241: {  	[tilespmem:s7+$0xFFFFFFD0] =	vst v48;
	v48 =	vmax.f32 v6, $0.0e+00;
	v6 =	vmax.f32 v36, $0.0e+00;
	v35 =	vadd.f32 v55, v54  }
0x242: {  	[tilespmem:s7+$0xD0] =	vst v25;
	v22 =	vbroadcast v22, $0xF;
	v5 =	vadd.f32 v29, v5;
	v29 =	vmul.f32 v59, v11  }
0x243: {  	[tilespmem:s7+$0xFFFFFFC0] =	vst v62;
	v62 =	vmul.f32 v59, v56;
	v7 =	vadd.f32 v49, v7;
	v49 =	vadd.f32 v57, v19  }
0x244: {  	[tilespmem:s7+$0x100] =	vst v2;
	v28 =	vadd.f32 v42, v35;
	v25 =	vadd.f32 v29, v26;
	v26 =	vmul.f32 v63, v15  }
0x245: {  	[tilespmem:s7+$0x110] =	vst v0;
	v44 =	vmul.f32 v63, v13;
	v4 =	vadd.f32 v62, v61;
	v38 =	vadd.f32 v50, v49  }
0x246: {  	[tilespmem:s7+$0x140] =	vst v3;
	v50 =	vmax.f32 v21, $0.0e+00;
	v49 =	vadd.f32 v26, v25;
	v25 =	vmul.f32 v24, v46  }
0x247: {  	[tilespmem:s7+$0x160] =	vst v6;
	v21 =	vadd.f32 v27, v20;
	v6 =	vmax.f32 v7, $0.0e+00;
	v26 =	vmul.f32 v59, v12  }
0x248: {  	[tilespmem:s7+$0x120] =	vst v1;
	v57 =	vadd.f32 v52, v38;
	v52 =	vadd.f32 v25, v17;
	v25 =	vmul.f32 v23, v56  }
0x249: {  	[tilespmem:s7+$0x150] =	vst v48;
	v53 =	vadd.f32 v26, v21;
	v21 =	vmul.f32 v63, v16;
	v26 =	vmul.f32 v24, v51  }
0x24a: {  	v7 =	vmul.f32 v22, v13;
	[tilespmem:s7+$0x190] =	vst v6;
	v6 =	vmax.f32 v37, $0.0e+00;
	v3 =	vadd.f32 v25, v52  }
0x24b: {  	[tilespmem:s7+$0x20] =	vst v60;
	v54 =	vadd.f32 v21, v53;
	v55 =	vadd.f32 v26, v18;
	v21 =	vmul.f32 v23, v10  }
0x24c: {  	v4 =	vadd.f32 v44, v4;
	[tilespmem:s7+$0x1A0] =	vst v6;
	v6 =	vmul.f32 v22, v14;
	v3 =	vadd.f32 v7, v3  }
0x24d: {  	[tilespmem:s7+$0x170] =	vst v50;
	v7 =	vmax.f32 v57, $0.0e+00;
	v2 =	vadd.f32 v21, v55;
	v21 =	vmul.f32 v24, v8  }
0x24e: {  	v4 =	vmax.f32 v4, $0.0e+00;
	v24 =	vmul.f32 v24, v9;
	[tilespmem:s7+$0x1B0] =	vst v7;
	v7 =	vmax.f32 v28, $0.0e+00  }
0x24f: {  	[tilespmem:s7+$0x1C0] =	vst v7;
	v2 =	vadd.f32 v6, v2;
	v6 =	vadd.f32 v21, v19;
	v7 =	vmul.f32 v23, v11  }
0x250: {  	[tilespmem:s7+$0x1E0] =	vst v4;
	v4 =	vmax.f32 v5, $0.0e+00;
	v5 =	vadd.f32 v24, v20;
	v21 =	vmul.f32 v23, v12  }
0x251: {  	[tilespmem:s7+$0x1F0] =	vst v4;
	v0 =	vmax.f32 v49, $0.0e+00;
	v4 =	vadd.f32 v7, v6;
	v6 =	vmul.f32 v22, v15  }
0x252: {  	p0 =	sne.s32 s11, $0x1C0;
	[tilespmem:s7+$0x200] =	vst v0;
	v57 =	vmax.f32 v54, $0.0e+00;
	v58 =	vadd.f32 v21, v5;
	v5 =	vmul.f32 v22, v16  }
.Ltmp3:
0x253: {  	[tilespmem:s7+$0x210] =	vst v57;
	v59 =	vmax.f32 v3, $0.0e+00;
	v60 =	vadd.f32 v6, v4;
	(pc) =	sbr.rel @p0 .LBB2_9-.Ltmp3, $4  }
0x254: {  	[tilespmem:s7+$0x230] =	vst v59;
	v61 =	vmax.f32 v2, $0.0e+00;
	v1 =	vadd.f32 v5, v58  }
0x255: {  	v36 =	vld [tilespmem:$0x1FFF0];
	[tilespmem:s7+$0x240] =	vst v61;
	v62 =	vmax.f32 v60, $0.0e+00  }
0x256: {  	v33 =	vmov v8;
	v25 =	vld [tilespmem:$0x1FFD0];
	v63 =	vmax.f32 v1, $0.0e+00;
	[tilespmem:s7+$0x250] =	vst v62  }
0x257: {  	s9 =	sadd.s32 $0x10, s9;
	s11 =	sadd.s32 $0x40, s11;
	v31 =	vmovc v56;
	v30 =	vmovc v51;
	v37 =	vmov v9;
	v29 =	vmov v46;
	v28 =	vld [tilespmem:$0x1FFE0];
	v7 =	vlaneseq.u32;
	[tilespmem:s7+$0x260] =	vst v63;
	s7 =	sadd.s32 $0x500, s7  }
0x258: {  	s6 =	sadd.s32 $0x1, s6  }
0x259: {  	p0 =	sne.s32 s6, $0x31  }
.Ltmp4:
0x25a: {  	_ = 	snop;
	(pc) =	sbr.rel @p0 .LBB2_6-.Ltmp4, $4  }
0x25b: {  	_ = 	snop  }
0x25c: {  	[spmem:s3] =	stream.indirect.scatter.add.f32 [tilespmem:s31], [sflag:$0x2], $0x50, s1, s29, $0xb8;
	[tilespmem:$0x19D00] =	vst v63  }
0x25d: {  	s12 =	sadd.s32 $0x100, s12  }
0x25e: {  	s13 =	sadd.s32 $0x100, s13;
	s20 =	sadd.s32 $0x100, s20;
	s16 =	sadd.s32 $0x100, s16  }
0x25f: {  	_ =	swait.ge [sflag:s0], $0x2800  }
0x260: {  	[sflag:s0] =	ssyncset.done $0x0  }
0x261: {  	[sflag:s0] =	ssyncadd.s32 $0xFFFFD800  }
0x262: {  	_ =	swait.ge [sflag:s2], $0x2800  }
0x263: {  	[sflag:s2] =	ssyncset.done $0x0  }
0x264: {  	s19 =	sadd.s32 $0x1, s19;
	[sflag:s2] =	ssyncadd.s32 $0xFFFFD800  }
0x265: {  	p0 =	sne.s32 s19, s15;
	[bflag:$0x0] =	sbarrier.arrive $0xFFFF  }
.Ltmp5:
0x266: {  	s6 =	rddreg [dreg:$0xc];
	(pc) =	sbr.rel @p0 .LBB2_1-.Ltmp5, $4  }
0x267: {  	[hbm:s6], [sflag:s8] =	dma.local [spmem:s17], $0xA00  }
0x268: {  	_ =	swait.ge [sflag:s18], $0xA00  }
0x269: {  	[sflag:s18] =	ssyncset.done $0x0  }
0x26a: {  	v21 =	vimm.f32 $0.0e+00;
	[sflag:s18] =	ssyncadd.s32 $0xFFFFF600  }
0x26b: {  	_ =	sfence.sel $0x180000  }
0x26c: {  	[bflag:$0x0] =	sbarrier.arrive $0xFFFF  }
0x26d: {  	_ =	strace $0x9000004A  }
0x26e: {  	s0 =	stileid.u32;
	[bflag:$0x2] =	sbarrier.arrive $0xFFFF  }
0x26f: {  	p0 =	sne.s32 s0, $0x0;
	s0 =	rddreg [dreg:$0x6]  }
0x270: {  	s0 =	sadd.s32 @!p0 $0x100000, s0  }
0x271: {  	[sflag:s0] =	ssyncadd.tile.s32 @!p0 $0x1;
	_ =	shalt  }
.Lfunc_end2:
_tile_overlayer_lowered:
.L_overlay_start_2:
0x272: {  	(tag) =	ssettag $0x2  }
0x273: {  	s0 =	rddreg [dreg:$0x0];
	s2 =	stileid.u32  }
0x274: {  	s1 =	rddreg [dreg:$0x1];
	p0 =	sne.s32 s2, $0x0  }
0x275: {  	s3 =	rddreg [dreg:$0x2];
	[bflag:$0x3] =	sbarrier.arrive $0xFFFF;
	s2 =	simm.s32 @!p0 $0x1C03  }
0x276: {  	[timem:s3], [sflag:s2] =	dma.local @!p0 [hbm:s0], s1  }
0x277: {  	s0 =	simm.s32 @!p0 $0x3  }
0x278: {  	_ =	swait.ge @!p0 [sflag:s0], s1  }
0x279: {  	s1 =	ssub.s32 @!p0 $0x0, s1;
	[sflag:s0] =	ssyncset.done @!p0 $0x0  }
0x27a: {  	[sflag:s0] =	ssyncadd.s32 @!p0 s1  }
0x27b: {  	[bflag:$0x3] =	sbarrier.arrive $0xFFFF  }
0x27c: {  	_ =	shalt  }

</sc_bundles>
